<compile_context>
chip_gen: v7x
topology: tpu7x:2x2x1
jax: 0.10.2.dev20260603
libtpu: 0.0.44.dev20260713+nightly
codegen_flags: <defaults>
</compile_context>

<pallas_src>
import functools

import jax
import jax.numpy as jnp
from jax import lax
from jax.experimental import pallas as pl
from jax.experimental.pallas import tpu as pltpu
from jax.experimental.pallas import tpu_sc as plsc

N = 10000
D = 128
E = 320000

NC = 2
NS = 16
NW = NC * NS
L = 16

CH = 128
EPW = 10240
NCH = EPW // CH
EPAD = EPW * NW
NACC = 10240
RPT = NACC // NS

BLK = 1000

_mesh = plsc.VectorSubcoreMesh(core_axis_name="c", subcore_axis_name="s")


def _build_sc(with_cnt):
    if with_cnt:
        out_type = (
            jax.ShapeDtypeStruct((NC, NACC, D), jnp.float32),
            jax.ShapeDtypeStruct((NC, NACC), jnp.float32),
        )
    else:
        out_type = jax.ShapeDtypeStruct((NC, NACC, D), jnp.float32)
    scratch = [
        pltpu.VMEM((NCH // 2, CH), jnp.int32),
        pltpu.VMEM((NCH // 2, CH), jnp.int32),
        pltpu.VMEM((CH, D), jnp.float32),
        pltpu.VMEM((CH, D), jnp.float32),
        pltpu.VMEM((L, D), jnp.float32),
        pltpu.VMEM_SHARED((NACC, D), jnp.float32),
        pltpu.SemaphoreType.DMA,
        pltpu.SemaphoreType.DMA,
    ]
    if with_cnt:
        scratch += [
            pltpu.VMEM((RPT,), jnp.float32),
            pltpu.VMEM((CH,), jnp.float32),
            pltpu.VMEM_SHARED((NACC,), jnp.float32),
        ]

    def body(p_hbm, src_hbm, dst_hbm, *rest):
        if with_cnt:
            (acc_out, cnt_out, src_v, dst_v, rows_a, rows_b, zb, acc_sh,
             sem_a, sem_b, czb, ones_v, cnt_sh) = rest
        else:
            (acc_out, src_v, dst_v, rows_a, rows_b, zb, acc_sh,
             sem_a, sem_b) = rest
        cid = lax.axis_index("c")
        sid = lax.axis_index("s")
        wid = sid * NC + cid
        base = sid * RPT

        zero16 = jnp.zeros((L,), jnp.float32)
        for i in range(L):
            for c in range(D // L):
                zb[i, pl.ds(c * L, L)] = zero16
        if with_cnt:
            one16 = jnp.ones((L,), jnp.float32)
            for c in range(CH // L):
                ones_v[pl.ds(c * L, L)] = one16

            def czfill(k, carry):
                czb[pl.ds(k * L, L)] = zero16
                return carry
            lax.fori_loop(0, RPT // L, czfill, 0)

        def zfill(k, carry):
            pltpu.sync_copy(zb, acc_sh.at[pl.ds(base + k * L, L)])
            return carry
        lax.fori_loop(0, RPT // L, zfill, 0)
        if with_cnt:
            pltpu.sync_copy(czb, cnt_sh.at[pl.ds(base, RPT)])

        plsc.subcore_barrier()

        def gather(j, buf, sem):
            return pltpu.async_copy(p_hbm.at[src_v.at[j]], buf, sem)

        def scatter(j, buf):
            pltpu.sync_copy(buf, acc_sh.at[dst_v.at[j]], add=True)
            if with_cnt:
                pltpu.sync_copy(ones_v, cnt_sh.at[dst_v.at[j]], add=True)

        def wait(j, buf, sem):
            pltpu.make_async_copy(p_hbm.at[src_v.at[j]], buf, sem).wait()

        HP = NCH // 2
        for ph in range(2):
            pltpu.sync_copy(src_hbm.at[wid, pl.ds(ph * HP, HP)], src_v)
            pltpu.sync_copy(dst_hbm.at[wid, pl.ds(ph * HP, HP)], dst_v)
            gather(0, rows_a, sem_a)

            def loop(jj, carry):
                j = 2 * jj
                gather(j + 1, rows_b, sem_b)
                wait(j, rows_a, sem_a)
                scatter(j, rows_a)
                gather(j + 2, rows_a, sem_a)
                wait(j + 1, rows_b, sem_b)
                scatter(j + 1, rows_b)
                return carry
            lax.fori_loop(0, HP // 2 - 1, loop, 0)

            gather(HP - 1, rows_b, sem_b)
            wait(HP - 2, rows_a, sem_a)
            scatter(HP - 2, rows_a)
            wait(HP - 1, rows_b, sem_b)
            scatter(HP - 1, rows_b)
        plsc.subcore_barrier()

        pltpu.sync_copy(acc_sh.at[pl.ds(base, RPT)],
                        acc_out.at[cid, pl.ds(base, RPT)])
        if with_cnt:
            pltpu.sync_copy(cnt_sh.at[pl.ds(base, RPT)],
                            cnt_out.at[cid, pl.ds(base, RPT)])

    return pl.kernel(body, out_type=out_type, mesh=_mesh,
                     scratch_types=scratch)


_sc_scatter_cnt = _build_sc(True)
_sc_scatter_nocnt = _build_sc(False)


def _pre_body(x_ref, wl_ref, wr_ref, b_ref, p_ref, r_ref):
    xb = x_ref[...]
    p_ref[...] = jnp.dot(xb, wl_ref[...], preferred_element_type=jnp.float32)
    r_ref[...] = (jnp.dot(xb, wr_ref[...], preferred_element_type=jnp.float32)
                  + b_ref[...])


def _pre(x, wl, wr, b):
    return pl.pallas_call(
        _pre_body,
        grid=(N // BLK,),
        in_specs=[
            pl.BlockSpec((BLK, D), lambda i: (i, 0)),
            pl.BlockSpec((D, D), lambda i: (0, 0)),
            pl.BlockSpec((D, D), lambda i: (0, 0)),
            pl.BlockSpec((1, D), lambda i: (0, 0)),
        ],
        out_specs=[
            pl.BlockSpec((BLK, D), lambda i: (i, 0)),
            pl.BlockSpec((BLK, D), lambda i: (i, 0)),
        ],
        out_shape=[jax.ShapeDtypeStruct((N, D), jnp.float32)] * 2,
    )(x, wl, wr, b)


def _mid_body(acc_ref, cnt_ref, r_ref, wl_ref, wr_ref, b_ref, p_ref, q_ref):
    s = acc_ref[0] + acc_ref[1]
    c = cnt_ref[0] + cnt_ref[1]
    mean = s / jnp.maximum(c, 1.0)
    h = jnp.maximum(mean + r_ref[...], 0.0)
    p_ref[...] = jnp.dot(h, wl_ref[...], preferred_element_type=jnp.float32)
    q_ref[...] = (jnp.dot(h, wr_ref[...], preferred_element_type=jnp.float32)
                  + b_ref[...])


def _mid(acc, cnt3, r1, wl, wr, b):
    return pl.pallas_call(
        _mid_body,
        grid=(N // BLK,),
        in_specs=[
            pl.BlockSpec((2, BLK, D), lambda i: (0, i, 0)),
            pl.BlockSpec((2, BLK, 1), lambda i: (0, i, 0)),
            pl.BlockSpec((BLK, D), lambda i: (i, 0)),
            pl.BlockSpec((D, D), lambda i: (0, 0)),
            pl.BlockSpec((D, D), lambda i: (0, 0)),
            pl.BlockSpec((1, D), lambda i: (0, 0)),
        ],
        out_specs=[
            pl.BlockSpec((BLK, D), lambda i: (i, 0)),
            pl.BlockSpec((BLK, D), lambda i: (i, 0)),
        ],
        out_shape=[jax.ShapeDtypeStruct((N, D), jnp.float32)] * 2,
    )(acc, cnt3, r1, wl, wr, b)


def _post_body(acc_ref, cnt_ref, q_ref, o_ref):
    s = acc_ref[0] + acc_ref[1]
    c = cnt_ref[0] + cnt_ref[1]
    o_ref[...] = s / jnp.maximum(c, 1.0) + q_ref[...]


def _post(acc, cnt3, q):
    return pl.pallas_call(
        _post_body,
        grid=(N // BLK,),
        in_specs=[
            pl.BlockSpec((2, BLK, D), lambda i: (0, i, 0)),
            pl.BlockSpec((2, BLK, 1), lambda i: (0, i, 0)),
            pl.BlockSpec((BLK, D), lambda i: (i, 0)),
        ],
        out_specs=pl.BlockSpec((BLK, D), lambda i: (i, 0)),
        out_shape=jax.ShapeDtypeStruct((N, D), jnp.float32),
    )(acc, cnt3, q)


def kernel(x, edge_index, W1l, b1, W1r, W2l, b2, W2r):
    ei = edge_index.astype(jnp.int32)
    pad = EPAD - E
    src = jnp.concatenate([ei[0], jnp.zeros((pad,), jnp.int32)])
    dst = jnp.concatenate([ei[1], jnp.full((pad,), N, jnp.int32)])
    srcw = src.reshape(NW, NCH, CH)
    dstw = dst.reshape(NW, NCH, CH)
    b1r = b1.reshape(1, D)
    b2r = b2.reshape(1, D)

    p1, r1 = _pre(x, W1l, W1r, b1r)
    acc1, cnt = _sc_scatter_cnt(p1, srcw, dstw)
    cnt3 = cnt.reshape(NC, NACC, 1)
    p2, r2 = _mid(acc1, cnt3, r1, W2l, W2r, b2r)
    acc2 = _sc_scatter_nocnt(p2, srcw, dstw)
    return _post(acc2, cnt3, r2)

# --- scband reference (transcript-rebuilt; emitter-appended) ---
"""Pipeline reference for scband-gnnencoder-26018911879756 (READ-ONLY COPY).

The authoritative reference and input builder live on the scoring server;
editing this copy changes nothing except your own understanding.
"""

import jax, jax.numpy as jnp
import numpy as np

N = 10000
E = 320000
D = 128
H = 128
O = 128


def setup_inputs(seed: int = 0) -> dict:
    key = jax.random.key(seed)
    ks = jax.random.split(key, 8)
    x = jax.random.normal(ks[0], (N, D), dtype=jnp.float32)
    edge_index = jax.random.randint(ks[1], (2, E), 0, N, dtype=jnp.int64)
    s1 = 1.0 / np.sqrt(D)
    s2 = 1.0 / np.sqrt(H)
    W1l = jax.random.uniform(ks[2], (D, H), minval=-s1, maxval=s1, dtype=jnp.float32)
    b1 = jnp.zeros((H,), dtype=jnp.float32)
    W1r = jax.random.uniform(ks[3], (D, H), minval=-s1, maxval=s1, dtype=jnp.float32)
    W2l = jax.random.uniform(ks[4], (H, O), minval=-s2, maxval=s2, dtype=jnp.float32)
    b2 = jnp.zeros((O,), dtype=jnp.float32)
    W2r = jax.random.uniform(ks[5], (H, O), minval=-s2, maxval=s2, dtype=jnp.float32)
    return {"x": x, "edge_index": edge_index, "W1l": W1l, "b1": b1, "W1r": W1r, "W2l": W2l, "b2": b2, "W2r": W2r}


def _sage_conv(x, edge_index, Wl, bl, Wr):
    # PyG SAGEConv with mean aggregation:
    # out = lin_l(mean_{j in N(i)} x_j) + lin_r(x_i)
    src = edge_index[0]
    dst = edge_index[1]
    msg = jnp.take(x, src, axis=0)                      # gather  [E, d]
    agg = jax.ops.segment_sum(msg, dst, num_segments=N) # scatter-add [N, d]
    cnt = jax.ops.segment_sum(jnp.ones((msg.shape[0],), dtype=x.dtype), dst, num_segments=N)
    mean = agg / jnp.clip(cnt, 1.0)[:, None]
    return mean @ Wl + bl + x @ Wr


def reference(x, edge_index, W1l, b1, W1r, W2l, b2, W2r):
    h = _sage_conv(x, edge_index, W1l, b1, W1r)
    h = jax.nn.relu(h)
    out = _sage_conv(h, edge_index, W2l, b2, W2r)
    return out

if __name__ == "__main__":
    import jax
    _d = setup_inputs()
    print(jax.jit(kernel)(*tuple(_d.values())))

</pallas_src>

<mosaic_0001>
#map = affine_map<(d0, d1) -> (0, 0)>
#map1 = affine_map<(d0, d1) -> (0, 0, 0)>
module attributes {stable_mosaic.version = 14 : i64} {
  func.func @body(%arg0: i32, %arg1: i32, %arg2: memref<10000x128xf32, #tpu.memory_space<hbm>>, %arg3: memref<32x80x128xi32, #tpu.memory_space<hbm>>, %arg4: memref<32x80x128xi32, #tpu.memory_space<hbm>>, %arg5: memref<2x10240x128xf32, #tpu.memory_space<hbm>>, %arg6: memref<2x10240xf32, #tpu.memory_space<hbm>>, %arg7: memref<40x128xi32, #tpu.memory_space<vmem>>, %arg8: memref<40x128xi32, #tpu.memory_space<vmem>>, %arg9: memref<128x128xf32, #tpu.memory_space<vmem>>, %arg10: memref<128x128xf32, #tpu.memory_space<vmem>>, %arg11: memref<16x128xf32, #tpu.memory_space<vmem>>, %arg12: memref<10240x128xf32, #tpu.memory_space<vmem_shared>>, %arg13: memref<!tpu.dma_semaphore, #tpu.memory_space<semaphore_mem>>, %arg14: memref<!tpu.dma_semaphore, #tpu.memory_space<semaphore_mem>>, %arg15: memref<640xf32, #tpu.memory_space<vmem>>, %arg16: memref<128xf32, #tpu.memory_space<vmem>>, %arg17: memref<10240xf32, #tpu.memory_space<vmem_shared>>) attributes {dimension_semantics = [#tpu.dimension_semantics<core_parallel>, #tpu.dimension_semantics<subcore_parallel>], iteration_bounds = array<i64: 2, 16>, scalar_prefetch = 0 : i64, scratch_operands = 11 : i64, tpu.core_type = #tpu.core_type<sc_vector_subcore>, window_params = [{transform_indices = #map}, {transform_indices = #map1}, {transform_indices = #map1}, {transform_indices = #map1}, {transform_indices = #map}]} {
    %mul3A = arith.constant 2 : i32
    %mul3A_0 = arith.muli %arg1, %mul3A : i32
    %add3A = arith.addi %mul3A_0, %arg0 : i32
    %mul3A_1 = arith.constant 640 : i32
    %mul3A_2 = arith.muli %arg1, %mul3A_1 : i32
    %broadcast_in_dim3A = arith.constant 0.000000e+00 : f32
    %broadcast_in_dim3A_3 = vector.broadcast %broadcast_in_dim3A : f32 to vector<16xf32>
    %swap3A = arith.constant 0 : i32
    %swap3A_4 = arith.index_cast %swap3A : i32 to index
    %swap3A_5 = arith.constant 0 : index
    %swap3A_6 = tpu.vector_load %arg11[%swap3A_4, %swap3A_5] {strides = array<i32>} : memref<16x128xf32, #tpu.memory_space<vmem>>, vector<1x16xf32>,
    %swap3A_7 = vector.shape_cast %swap3A_6 : vector<1x16xf32> to vector<16xf32>
    %swap3A_8 = vector.shape_cast %broadcast_in_dim3A_3 : vector<16xf32> to vector<1x16xf32>
    tpu.vector_store %arg11[%swap3A_4, %swap3A_5], %swap3A_8 {strides = array<i32>} : memref<16x128xf32, #tpu.memory_space<vmem>>, vector<1x16xf32>,
    %swap3A_9 = arith.constant 0 : i32
    %swap3A_10 = arith.index_cast %swap3A_9 : i32 to index
    %swap3A_11 = arith.constant 16 : index
    %swap3A_12 = tpu.vector_load %arg11[%swap3A_10, %swap3A_11] {strides = array<i32>} : memref<16x128xf32, #tpu.memory_space<vmem>>, vector<1x16xf32>,
    %swap3A_13 = vector.shape_cast %swap3A_12 : vector<1x16xf32> to vector<16xf32>
    %swap3A_14 = vector.shape_cast %broadcast_in_dim3A_3 : vector<16xf32> to vector<1x16xf32>
    tpu.vector_store %arg11[%swap3A_10, %swap3A_11], %swap3A_14 {strides = array<i32>} : memref<16x128xf32, #tpu.memory_space<vmem>>, vector<1x16xf32>,
    %swap3A_15 = arith.constant 0 : i32
    %swap3A_16 = arith.index_cast %swap3A_15 : i32 to index
    %swap3A_17 = arith.constant 32 : index
    %swap3A_18 = tpu.vector_load %arg11[%swap3A_16, %swap3A_17] {strides = array<i32>} : memref<16x128xf32, #tpu.memory_space<vmem>>, vector<1x16xf32>,
    %swap3A_19 = vector.shape_cast %swap3A_18 : vector<1x16xf32> to vector<16xf32>
    %swap3A_20 = vector.shape_cast %broadcast_in_dim3A_3 : vector<16xf32> to vector<1x16xf32>
    tpu.vector_store %arg11[%swap3A_16, %swap3A_17], %swap3A_20 {strides = array<i32>} : memref<16x128xf32, #tpu.memory_space<vmem>>, vector<1x16xf32>,
    %swap3A_21 = arith.constant 0 : i32
    %swap3A_22 = arith.index_cast %swap3A_21 : i32 to index
    %swap3A_23 = arith.constant 48 : index
    %swap3A_24 = tpu.vector_load %arg11[%swap3A_22, %swap3A_23] {strides = array<i32>} : memref<16x128xf32, #tpu.memory_space<vmem>>, vector<1x16xf32>,
    %swap3A_25 = vector.shape_cast %swap3A_24 : vector<1x16xf32> to vector<16xf32>
    %swap3A_26 = vector.shape_cast %broadcast_in_dim3A_3 : vector<16xf32> to vector<1x16xf32>
    tpu.vector_store %arg11[%swap3A_22, %swap3A_23], %swap3A_26 {strides = array<i32>} : memref<16x128xf32, #tpu.memory_space<vmem>>, vector<1x16xf32>,
    %swap3A_27 = arith.constant 0 : i32
    %swap3A_28 = arith.index_cast %swap3A_27 : i32 to index
    %swap3A_29 = arith.constant 64 : index
    %swap3A_30 = tpu.vector_load %arg11[%swap3A_28, %swap3A_29] {strides = array<i32>} : memref<16x128xf32, #tpu.memory_space<vmem>>, vector<1x16xf32>,
    %swap3A_31 = vector.shape_cast %swap3A_30 : vector<1x16xf32> to vector<16xf32>
    %swap3A_32 = vector.shape_cast %broadcast_in_dim3A_3 : vector<16xf32> to vector<1x16xf32>
    tpu.vector_store %arg11[%swap3A_28, %swap3A_29], %swap3A_32 {strides = array<i32>} : memref<16x128xf32, #tpu.memory_space<vmem>>, vector<1x16xf32>,
    %swap3A_33 = arith.constant 0 : i32
    %swap3A_34 = arith.index_cast %swap3A_33 : i32 to index
    %swap3A_35 = arith.constant 80 : index
    %swap3A_36 = tpu.vector_load %arg11[%swap3A_34, %swap3A_35] {strides = array<i32>} : memref<16x128xf32, #tpu.memory_space<vmem>>, vector<1x16xf32>,
    %swap3A_37 = vector.shape_cast %swap3A_36 : vector<1x16xf32> to vector<16xf32>
    %swap3A_38 = vector.shape_cast %broadcast_in_dim3A_3 : vector<16xf32> to vector<1x16xf32>
    tpu.vector_store %arg11[%swap3A_34, %swap3A_35], %swap3A_38 {strides = array<i32>} : memref<16x128xf32, #tpu.memory_space<vmem>>, vector<1x16xf32>,
    %swap3A_39 = arith.constant 0 : i32
    %swap3A_40 = arith.index_cast %swap3A_39 : i32 to index
    %swap3A_41 = arith.constant 96 : index
    %swap3A_42 = tpu.vector_load %arg11[%swap3A_40, %swap3A_41] {strides = array<i32>} : memref<16x128xf32, #tpu.memory_space<vmem>>, vector<1x16xf32>,
    %swap3A_43 = vector.shape_cast %swap3A_42 : vector<1x16xf32> to vector<16xf32>
    %swap3A_44 = vector.shape_cast %broadcast_in_dim3A_3 : vector<16xf32> to vector<1x16xf32>
    tpu.vector_store %arg11[%swap3A_40, %swap3A_41], %swap3A_44 {strides = array<i32>} : memref<16x128xf32, #tpu.memory_space<vmem>>, vector<1x16xf32>,
    %swap3A_45 = arith.constant 0 : i32
    %swap3A_46 = arith.index_cast %swap3A_45 : i32 to index
    %swap3A_47 = arith.constant 112 : index
    %swap3A_48 = tpu.vector_load %arg11[%swap3A_46, %swap3A_47] {strides = array<i32>} : memref<16x128xf32, #tpu.memory_space<vmem>>, vector<1x16xf32>,
    %swap3A_49 = vector.shape_cast %swap3A_48 : vector<1x16xf32> to vector<16xf32>
    %swap3A_50 = vector.shape_cast %broadcast_in_dim3A_3 : vector<16xf32> to vector<1x16xf32>
    tpu.vector_store %arg11[%swap3A_46, %swap3A_47], %swap3A_50 {strides = array<i32>} : memref<16x128xf32, #tpu.memory_space<vmem>>, vector<1x16xf32>,
    %swap3A_51 = arith.constant 1 : i32
    %swap3A_52 = arith.index_cast %swap3A_51 : i32 to index
    %swap3A_53 = arith.constant 0 : index
    %swap3A_54 = tpu.vector_load %arg11[%swap3A_52, %swap3A_53] {strides = array<i32>} : memref<16x128xf32, #tpu.memory_space<vmem>>, vector<1x16xf32>,
    %swap3A_55 = vector.shape_cast %swap3A_54 : vector<1x16xf32> to vector<16xf32>
    %swap3A_56 = vector.shape_cast %broadcast_in_dim3A_3 : vector<16xf32> to vector<1x16xf32>
    tpu.vector_store %arg11[%swap3A_52, %swap3A_53], %swap3A_56 {strides = array<i32>} : memref<16x128xf32, #tpu.memory_space<vmem>>, vector<1x16xf32>,
    %swap3A_57 = arith.constant 1 : i32
    %swap3A_58 = arith.index_cast %swap3A_57 : i32 to index
    %swap3A_59 = arith.constant 16 : index
    %swap3A_60 = tpu.vector_load %arg11[%swap3A_58, %swap3A_59] {strides = array<i32>} : memref<16x128xf32, #tpu.memory_space<vmem>>, vector<1x16xf32>,
    %swap3A_61 = vector.shape_cast %swap3A_60 : vector<1x16xf32> to vector<16xf32>
    %swap3A_62 = vector.shape_cast %broadcast_in_dim3A_3 : vector<16xf32> to vector<1x16xf32>
    tpu.vector_store %arg11[%swap3A_58, %swap3A_59], %swap3A_62 {strides = array<i32>} : memref<16x128xf32, #tpu.memory_space<vmem>>, vector<1x16xf32>,
    %swap3A_63 = arith.constant 1 : i32
    %swap3A_64 = arith.index_cast %swap3A_63 : i32 to index
    %swap3A_65 = arith.constant 32 : index
    %swap3A_66 = tpu.vector_load %arg11[%swap3A_64, %swap3A_65] {strides = array<i32>} : memref<16x128xf32, #tpu.memory_space<vmem>>, vector<1x16xf32>,
    %swap3A_67 = vector.shape_cast %swap3A_66 : vector<1x16xf32> to vector<16xf32>
    %swap3A_68 = vector.shape_cast %broadcast_in_dim3A_3 : vector<16xf32> to vector<1x16xf32>
    tpu.vector_store %arg11[%swap3A_64, %swap3A_65], %swap3A_68 {strides = array<i32>} : memref<16x128xf32, #tpu.memory_space<vmem>>, vector<1x16xf32>,
    %swap3A_69 = arith.constant 1 : i32
    %swap3A_70 = arith.index_cast %swap3A_69 : i32 to index
    %swap3A_71 = arith.constant 48 : index
    %swap3A_72 = tpu.vector_load %arg11[%swap3A_70, %swap3A_71] {strides = array<i32>} : memref<16x128xf32, #tpu.memory_space<vmem>>, vector<1x16xf32>,
    %swap3A_73 = vector.shape_cast %swap3A_72 : vector<1x16xf32> to vector<16xf32>
    %swap3A_74 = vector.shape_cast %broadcast_in_dim3A_3 : vector<16xf32> to vector<1x16xf32>
    tpu.vector_store %arg11[%swap3A_70, %swap3A_71], %swap3A_74 {strides = array<i32>} : memref<16x128xf32, #tpu.memory_space<vmem>>, vector<1x16xf32>,
    %swap3A_75 = arith.constant 1 : i32
    %swap3A_76 = arith.index_cast %swap3A_75 : i32 to index
    %swap3A_77 = arith.constant 64 : index
    %swap3A_78 = tpu.vector_load %arg11[%swap3A_76, %swap3A_77] {strides = array<i32>} : memref<16x128xf32, #tpu.memory_space<vmem>>, vector<1x16xf32>,
    %swap3A_79 = vector.shape_cast %swap3A_78 : vector<1x16xf32> to vector<16xf32>
    %swap3A_80 = vector.shape_cast %broadcast_in_dim3A_3 : vector<16xf32> to vector<1x16xf32>
    tpu.vector_store %arg11[%swap3A_76, %swap3A_77], %swap3A_80 {strides = array<i32>} : memref<16x128xf32, #tpu.memory_space<vmem>>, vector<1x16xf32>,
    %swap3A_81 = arith.constant 1 : i32
    %swap3A_82 = arith.index_cast %swap3A_81 : i32 to index
    %swap3A_83 = arith.constant 80 : index
    %swap3A_84 = tpu.vector_load %arg11[%swap3A_82, %swap3A_83] {strides = array<i32>} : memref<16x128xf32, #tpu.memory_space<vmem>>, vector<1x16xf32>,
    %swap3A_85 = vector.shape_cast %swap3A_84 : vector<1x16xf32> to vector<16xf32>
    %swap3A_86 = vector.shape_cast %broadcast_in_dim3A_3 : vector<16xf32> to vector<1x16xf32>
    tpu.vector_store %arg11[%swap3A_82, %swap3A_83], %swap3A_86 {strides = array<i32>} : memref<16x128xf32, #tpu.memory_space<vmem>>, vector<1x16xf32>,
    %swap3A_87 = arith.constant 1 : i32
    %swap3A_88 = arith.index_cast %swap3A_87 : i32 to index
    %swap3A_89 = arith.constant 96 : index
    %swap3A_90 = tpu.vector_load %arg11[%swap3A_88, %swap3A_89] {strides = array<i32>} : memref<16x128xf32, #tpu.memory_space<vmem>>, vector<1x16xf32>,
    %swap3A_91 = vector.shape_cast %swap3A_90 : vector<1x16xf32> to vector<16xf32>
    %swap3A_92 = vector.shape_cast %broadcast_in_dim3A_3 : vector<16xf32> to vector<1x16xf32>
    tpu.vector_store %arg11[%swap3A_88, %swap3A_89], %swap3A_92 {strides = array<i32>} : memref<16x128xf32, #tpu.memory_space<vmem>>, vector<1x16xf32>,
    %swap3A_93 = arith.constant 1 : i32
    %swap3A_94 = arith.index_cast %swap3A_93 : i32 to index
    %swap3A_95 = arith.constant 112 : index
    %swap3A_96 = tpu.vector_load %arg11[%swap3A_94, %swap3A_95] {strides = array<i32>} : memref<16x128xf32, #tpu.memory_space<vmem>>, vector<1x16xf32>,
    %swap3A_97 = vector.shape_cast %swap3A_96 : vector<1x16xf32> to vector<16xf32>
    %swap3A_98 = vector.shape_cast %broadcast_in_dim3A_3 : vector<16xf32> to vector<1x16xf32>
    tpu.vector_store %arg11[%swap3A_94, %swap3A_95], %swap3A_98 {strides = array<i32>} : memref<16x128xf32, #tpu.memory_space<vmem>>, vector<1x16xf32>,
    %swap3A_99 = arith.constant 2 : i32
    %swap3A_100 = arith.index_cast %swap3A_99 : i32 to index
    %swap3A_101 = arith.constant 0 : index
    %swap3A_102 = tpu.vector_load %arg11[%swap3A_100, %swap3A_101] {strides = array<i32>} : memref<16x128xf32, #tpu.memory_space<vmem>>, vector<1x16xf32>,
    %swap3A_103 = vector.shape_cast %swap3A_102 : vector<1x16xf32> to vector<16xf32>
    %swap3A_104 = vector.shape_cast %broadcast_in_dim3A_3 : vector<16xf32> to vector<1x16xf32>
    tpu.vector_store %arg11[%swap3A_100, %swap3A_101], %swap3A_104 {strides = array<i32>} : memref<16x128xf32, #tpu.memory_space<vmem>>, vector<1x16xf32>,
    %swap3A_105 = arith.constant 2 : i32
    %swap3A_106 = arith.index_cast %swap3A_105 : i32 to index
    %swap3A_107 = arith.constant 16 : index
    %swap3A_108 = tpu.vector_load %arg11[%swap3A_106, %swap3A_107] {strides = array<i32>} : memref<16x128xf32, #tpu.memory_space<vmem>>, vector<1x16xf32>,
    %swap3A_109 = vector.shape_cast %swap3A_108 : vector<1x16xf32> to vector<16xf32>
    %swap3A_110 = vector.shape_cast %broadcast_in_dim3A_3 : vector<16xf32> to vector<1x16xf32>
    tpu.vector_store %arg11[%swap3A_106, %swap3A_107], %swap3A_110 {strides = array<i32>} : memref<16x128xf32, #tpu.memory_space<vmem>>, vector<1x16xf32>,
    %swap3A_111 = arith.constant 2 : i32
    %swap3A_112 = arith.index_cast %swap3A_111 : i32 to index
    %swap3A_113 = arith.constant 32 : index
    %swap3A_114 = tpu.vector_load %arg11[%swap3A_112, %swap3A_113] {strides = array<i32>} : memref<16x128xf32, #tpu.memory_space<vmem>>, vector<1x16xf32>,
    %swap3A_115 = vector.shape_cast %swap3A_114 : vector<1x16xf32> to vector<16xf32>
    %swap3A_116 = vector.shape_cast %broadcast_in_dim3A_3 : vector<16xf32> to vector<1x16xf32>
    tpu.vector_store %arg11[%swap3A_112, %swap3A_113], %swap3A_116 {strides = array<i32>} : memref<16x128xf32, #tpu.memory_space<vmem>>, vector<1x16xf32>,
    %swap3A_117 = arith.constant 2 : i32
    %swap3A_118 = arith.index_cast %swap3A_117 : i32 to index
    %swap3A_119 = arith.constant 48 : index
    %swap3A_120 = tpu.vector_load %arg11[%swap3A_118, %swap3A_119] {strides = array<i32>} : memref<16x128xf32, #tpu.memory_space<vmem>>, vector<1x16xf32>,
    %swap3A_121 = vector.shape_cast %swap3A_120 : vector<1x16xf32> to vector<16xf32>
    %swap3A_122 = vector.shape_cast %broadcast_in_dim3A_3 : vector<16xf32> to vector<1x16xf32>
    tpu.vector_store %arg11[%swap3A_118, %swap3A_119], %swap3A_122 {strides = array<i32>} : memref<16x128xf32, #tpu.memory_space<vmem>>, vector<1x16xf32>,
    %swap3A_123 = arith.constant 2 : i32
    %swap3A_124 = arith.index_cast %swap3A_123 : i32 to index
    %swap3A_125 = arith.constant 64 : index
    %swap3A_126 = tpu.vector_load %arg11[%swap3A_124, %swap3A_125] {strides = array<i32>} : memref<16x128xf32, #tpu.memory_space<vmem>>, vector<1x16xf32>,
    %swap3A_127 = vector.shape_cast %swap3A_126 : vector<1x16xf32> to vector<16xf32>
    %swap3A_128 = vector.shape_cast %broadcast_in_dim3A_3 : vector<16xf32> to vector<1x16xf32>
    tpu.vector_store %arg11[%swap3A_124, %swap3A_125], %swap3A_128 {strides = array<i32>} : memref<16x128xf32, #tpu.memory_space<vmem>>, vector<1x16xf32>,
    %swap3A_129 = arith.constant 2 : i32
    %swap3A_130 = arith.index_cast %swap3A_129 : i32 to index
    %swap3A_131 = arith.constant 80 : index
    %swap3A_132 = tpu.vector_load %arg11[%swap3A_130, %swap3A_131] {strides = array<i32>} : memref<16x128xf32, #tpu.memory_space<vmem>>, vector<1x16xf32>,
    %swap3A_133 = vector.shape_cast %swap3A_132 : vector<1x16xf32> to vector<16xf32>
    %swap3A_134 = vector.shape_cast %broadcast_in_dim3A_3 : vector<16xf32> to vector<1x16xf32>
    tpu.vector_store %arg11[%swap3A_130, %swap3A_131], %swap3A_134 {strides = array<i32>} : memref<16x128xf32, #tpu.memory_space<vmem>>, vector<1x16xf32>,
    %swap3A_135 = arith.constant 2 : i32
    %swap3A_136 = arith.index_cast %swap3A_135 : i32 to index
    %swap3A_137 = arith.constant 96 : index
    %swap3A_138 = tpu.vector_load %arg11[%swap3A_136, %swap3A_137] {strides = array<i32>} : memref<16x128xf32, #tpu.memory_space<vmem>>, vector<1x16xf32>,
    %swap3A_139 = vector.shape_cast %swap3A_138 : vector<1x16xf32> to vector<16xf32>
    %swap3A_140 = vector.shape_cast %broadcast_in_dim3A_3 : vector<16xf32> to vector<1x16xf32>
    tpu.vector_store %arg11[%swap3A_136, %swap3A_137], %swap3A_140 {strides = array<i32>} : memref<16x128xf32, #tpu.memory_space<vmem>>, vector<1x16xf32>,
    %swap3A_141 = arith.constant 2 : i32
    %swap3A_142 = arith.index_cast %swap3A_141 : i32 to index
    %swap3A_143 = arith.constant 112 : index
    %swap3A_144 = tpu.vector_load %arg11[%swap3A_142, %swap3A_143] {strides = array<i32>} : memref<16x128xf32, #tpu.memory_space<vmem>>, vector<1x16xf32>,
    %swap3A_145 = vector.shape_cast %swap3A_144 : vector<1x16xf32> to vector<16xf32>
    %swap3A_146 = vector.shape_cast %broadcast_in_dim3A_3 : vector<16xf32> to vector<1x16xf32>
    tpu.vector_store %arg11[%swap3A_142, %swap3A_143], %swap3A_146 {strides = array<i32>} : memref<16x128xf32, #tpu.memory_space<vmem>>, vector<1x16xf32>,
    %swap3A_147 = arith.constant 3 : i32
    %swap3A_148 = arith.index_cast %swap3A_147 : i32 to index
    %swap3A_149 = arith.constant 0 : index
    %swap3A_150 = tpu.vector_load %arg11[%swap3A_148, %swap3A_149] {strides = array<i32>} : memref<16x128xf32, #tpu.memory_space<vmem>>, vector<1x16xf32>,
    %swap3A_151 = vector.shape_cast %swap3A_150 : vector<1x16xf32> to vector<16xf32>
    %swap3A_152 = vector.shape_cast %broadcast_in_dim3A_3 : vector<16xf32> to vector<1x16xf32>
    tpu.vector_store %arg11[%swap3A_148, %swap3A_149], %swap3A_152 {strides = array<i32>} : memref<16x128xf32, #tpu.memory_space<vmem>>, vector<1x16xf32>,
    %swap3A_153 = arith.constant 3 : i32
    %swap3A_154 = arith.index_cast %swap3A_153 : i32 to index
    %swap3A_155 = arith.constant 16 : index
    %swap3A_156 = tpu.vector_load %arg11[%swap3A_154, %swap3A_155] {strides = array<i32>} : memref<16x128xf32, #tpu.memory_space<vmem>>, vector<1x16xf32>,
    %swap3A_157 = vector.shape_cast %swap3A_156 : vector<1x16xf32> to vector<16xf32>
    %swap3A_158 = vector.shape_cast %broadcast_in_dim3A_3 : vector<16xf32> to vector<1x16xf32>
    tpu.vector_store %arg11[%swap3A_154, %swap3A_155], %swap3A_158 {strides = array<i32>} : memref<16x128xf32, #tpu.memory_space<vmem>>, vector<1x16xf32>,
    %swap3A_159 = arith.constant 3 : i32
    %swap3A_160 = arith.index_cast %swap3A_159 : i32 to index
    %swap3A_161 = arith.constant 32 : index
    %swap3A_162 = tpu.vector_load %arg11[%swap3A_160, %swap3A_161] {strides = array<i32>} : memref<16x128xf32, #tpu.memory_space<vmem>>, vector<1x16xf32>,
    %swap3A_163 = vector.shape_cast %swap3A_162 : vector<1x16xf32> to vector<16xf32>
    %swap3A_164 = vector.shape_cast %broadcast_in_dim3A_3 : vector<16xf32> to vector<1x16xf32>
    tpu.vector_store %arg11[%swap3A_160, %swap3A_161], %swap3A_164 {strides = array<i32>} : memref<16x128xf32, #tpu.memory_space<vmem>>, vector<1x16xf32>,
    %swap3A_165 = arith.constant 3 : i32
    %swap3A_166 = arith.index_cast %swap3A_165 : i32 to index
    %swap3A_167 = arith.constant 48 : index
    %swap3A_168 = tpu.vector_load %arg11[%swap3A_166, %swap3A_167] {strides = array<i32>} : memref<16x128xf32, #tpu.memory_space<vmem>>, vector<1x16xf32>,
    %swap3A_169 = vector.shape_cast %swap3A_168 : vector<1x16xf32> to vector<16xf32>
    %swap3A_170 = vector.shape_cast %broadcast_in_dim3A_3 : vector<16xf32> to vector<1x16xf32>
    tpu.vector_store %arg11[%swap3A_166, %swap3A_167], %swap3A_170 {strides = array<i32>} : memref<16x128xf32, #tpu.memory_space<vmem>>, vector<1x16xf32>,
    %swap3A_171 = arith.constant 3 : i32
    %swap3A_172 = arith.index_cast %swap3A_171 : i32 to index
    %swap3A_173 = arith.constant 64 : index
    %swap3A_174 = tpu.vector_load %arg11[%swap3A_172, %swap3A_173] {strides = array<i32>} : memref<16x128xf32, #tpu.memory_space<vmem>>, vector<1x16xf32>,
    %swap3A_175 = vector.shape_cast %swap3A_174 : vector<1x16xf32> to vector<16xf32>
    %swap3A_176 = vector.shape_cast %broadcast_in_dim3A_3 : vector<16xf32> to vector<1x16xf32>
    tpu.vector_store %arg11[%swap3A_172, %swap3A_173], %swap3A_176 {strides = array<i32>} : memref<16x128xf32, #tpu.memory_space<vmem>>, vector<1x16xf32>,
    %swap3A_177 = arith.constant 3 : i32
    %swap3A_178 = arith.index_cast %swap3A_177 : i32 to index
    %swap3A_179 = arith.constant 80 : index
    %swap3A_180 = tpu.vector_load %arg11[%swap3A_178, %swap3A_179] {strides = array<i32>} : memref<16x128xf32, #tpu.memory_space<vmem>>, vector<1x16xf32>,
    %swap3A_181 = vector.shape_cast %swap3A_180 : vector<1x16xf32> to vector<16xf32>
    %swap3A_182 = vector.shape_cast %broadcast_in_dim3A_3 : vector<16xf32> to vector<1x16xf32>
    tpu.vector_store %arg11[%swap3A_178, %swap3A_179], %swap3A_182 {strides = array<i32>} : memref<16x128xf32, #tpu.memory_space<vmem>>, vector<1x16xf32>,
    %swap3A_183 = arith.constant 3 : i32
    %swap3A_184 = arith.index_cast %swap3A_183 : i32 to index
    %swap3A_185 = arith.constant 96 : index
    %swap3A_186 = tpu.vector_load %arg11[%swap3A_184, %swap3A_185] {strides = array<i32>} : memref<16x128xf32, #tpu.memory_space<vmem>>, vector<1x16xf32>,
    %swap3A_187 = vector.shape_cast %swap3A_186 : vector<1x16xf32> to vector<16xf32>
    %swap3A_188 = vector.shape_cast %broadcast_in_dim3A_3 : vector<16xf32> to vector<1x16xf32>
    tpu.vector_store %arg11[%swap3A_184, %swap3A_185], %swap3A_188 {strides = array<i32>} : memref<16x128xf32, #tpu.memory_space<vmem>>, vector<1x16xf32>,
    %swap3A_189 = arith.constant 3 : i32
    %swap3A_190 = arith.index_cast %swap3A_189 : i32 to index
    %swap3A_191 = arith.constant 112 : index
    %swap3A_192 = tpu.vector_load %arg11[%swap3A_190, %swap3A_191] {strides = array<i32>} : memref<16x128xf32, #tpu.memory_space<vmem>>, vector<1x16xf32>,
    %swap3A_193 = vector.shape_cast %swap3A_192 : vector<1x16xf32> to vector<16xf32>
    %swap3A_194 = vector.shape_cast %broadcast_in_dim3A_3 : vector<16xf32> to vector<1x16xf32>
    tpu.vector_store %arg11[%swap3A_190, %swap3A_191], %swap3A_194 {strides = array<i32>} : memref<16x128xf32, #tpu.memory_space<vmem>>, vector<1x16xf32>,
    %swap3A_195 = arith.constant 4 : i32
    %swap3A_196 = arith.index_cast %swap3A_195 : i32 to index
    %swap3A_197 = arith.constant 0 : index
    %swap3A_198 = tpu.vector_load %arg11[%swap3A_196, %swap3A_197] {strides = array<i32>} : memref<16x128xf32, #tpu.memory_space<vmem>>, vector<1x16xf32>,
    %swap3A_199 = vector.shape_cast %swap3A_198 : vector<1x16xf32> to vector<16xf32>
    %swap3A_200 = vector.shape_cast %broadcast_in_dim3A_3 : vector<16xf32> to vector<1x16xf32>
    tpu.vector_store %arg11[%swap3A_196, %swap3A_197], %swap3A_200 {strides = array<i32>} : memref<16x128xf32, #tpu.memory_space<vmem>>, vector<1x16xf32>,
    %swap3A_201 = arith.constant 4 : i32
    %swap3A_202 = arith.index_cast %swap3A_201 : i32 to index
    %swap3A_203 = arith.constant 16 : index
    %swap3A_204 = tpu.vector_load %arg11[%swap3A_202, %swap3A_203] {strides = array<i32>} : memref<16x128xf32, #tpu.memory_space<vmem>>, vector<1x16xf32>,
    %swap3A_205 = vector.shape_cast %swap3A_204 : vector<1x16xf32> to vector<16xf32>
    %swap3A_206 = vector.shape_cast %broadcast_in_dim3A_3 : vector<16xf32> to vector<1x16xf32>
    tpu.vector_store %arg11[%swap3A_202, %swap3A_203], %swap3A_206 {strides = array<i32>} : memref<16x128xf32, #tpu.memory_space<vmem>>, vector<1x16xf32>,
    %swap3A_207 = arith.constant 4 : i32
    %swap3A_208 = arith.index_cast %swap3A_207 : i32 to index
    %swap3A_209 = arith.constant 32 : index
    %swap3A_210 = tpu.vector_load %arg11[%swap3A_208, %swap3A_209] {strides = array<i32>} : memref<16x128xf32, #tpu.memory_space<vmem>>, vector<1x16xf32>,
    %swap3A_211 = vector.shape_cast %swap3A_210 : vector<1x16xf32> to vector<16xf32>
    %swap3A_212 = vector.shape_cast %broadcast_in_dim3A_3 : vector<16xf32> to vector<1x16xf32>
    tpu.vector_store %arg11[%swap3A_208, %swap3A_209], %swap3A_212 {strides = array<i32>} : memref<16x128xf32, #tpu.memory_space<vmem>>, vector<1x16xf32>,
    %swap3A_213 = arith.constant 4 : i32
    %swap3A_214 = arith.index_cast %swap3A_213 : i32 to index
    %swap3A_215 = arith.constant 48 : index
    %swap3A_216 = tpu.vector_load %arg11[%swap3A_214, %swap3A_215] {strides = array<i32>} : memref<16x128xf32, #tpu.memory_space<vmem>>, vector<1x16xf32>,
    %swap3A_217 = vector.shape_cast %swap3A_216 : vector<1x16xf32> to vector<16xf32>
    %swap3A_218 = vector.shape_cast %broadcast_in_dim3A_3 : vector<16xf32> to vector<1x16xf32>
    tpu.vector_store %arg11[%swap3A_214, %swap3A_215], %swap3A_218 {strides = array<i32>} : memref<16x128xf32, #tpu.memory_space<vmem>>, vector<1x16xf32>,
    %swap3A_219 = arith.constant 4 : i32
    %swap3A_220 = arith.index_cast %swap3A_219 : i32 to index
    %swap3A_221 = arith.constant 64 : index
    %swap3A_222 = tpu.vector_load %arg11[%swap3A_220, %swap3A_221] {strides = array<i32>} : memref<16x128xf32, #tpu.memory_space<vmem>>, vector<1x16xf32>,
    %swap3A_223 = vector.shape_cast %swap3A_222 : vector<1x16xf32> to vector<16xf32>
    %swap3A_224 = vector.shape_cast %broadcast_in_dim3A_3 : vector<16xf32> to vector<1x16xf32>
    tpu.vector_store %arg11[%swap3A_220, %swap3A_221], %swap3A_224 {strides = array<i32>} : memref<16x128xf32, #tpu.memory_space<vmem>>, vector<1x16xf32>,
    %swap3A_225 = arith.constant 4 : i32
    %swap3A_226 = arith.index_cast %swap3A_225 : i32 to index
    %swap3A_227 = arith.constant 80 : index
    %swap3A_228 = tpu.vector_load %arg11[%swap3A_226, %swap3A_227] {strides = array<i32>} : memref<16x128xf32, #tpu.memory_space<vmem>>, vector<1x16xf32>,
    %swap3A_229 = vector.shape_cast %swap3A_228 : vector<1x16xf32> to vector<16xf32>
    %swap3A_230 = vector.shape_cast %broadcast_in_dim3A_3 : vector<16xf32> to vector<1x16xf32>
    tpu.vector_store %arg11[%swap3A_226, %swap3A_227], %swap3A_230 {strides = array<i32>} : memref<16x128xf32, #tpu.memory_space<vmem>>, vector<1x16xf32>,
    %swap3A_231 = arith.constant 4 : i32
    %swap3A_232 = arith.index_cast %swap3A_231 : i32 to index
    %swap3A_233 = arith.constant 96 : index
    %swap3A_234 = tpu.vector_load %arg11[%swap3A_232, %swap3A_233] {strides = array<i32>} : memref<16x128xf32, #tpu.memory_space<vmem>>, vector<1x16xf32>,
    %swap3A_235 = vector.shape_cast %swap3A_234 : vector<1x16xf32> to vector<16xf32>
    %swap3A_236 = vector.shape_cast %broadcast_in_dim3A_3 : vector<16xf32> to vector<1x16xf32>
    tpu.vector_store %arg11[%swap3A_232, %swap3A_233], %swap3A_236 {strides = array<i32>} : memref<16x128xf32, #tpu.memory_space<vmem>>, vector<1x16xf32>,
    %swap3A_237 = arith.constant 4 : i32
    %swap3A_238 = arith.index_cast %swap3A_237 : i32 to index
    %swap3A_239 = arith.constant 112 : index
    %swap3A_240 = tpu.vector_load %arg11[%swap3A_238, %swap3A_239] {strides = array<i32>} : memref<16x128xf32, #tpu.memory_space<vmem>>, vector<1x16xf32>,
    %swap3A_241 = vector.shape_cast %swap3A_240 : vector<1x16xf32> to vector<16xf32>
    %swap3A_242 = vector.shape_cast %broadcast_in_dim3A_3 : vector<16xf32> to vector<1x16xf32>
    tpu.vector_store %arg11[%swap3A_238, %swap3A_239], %swap3A_242 {strides = array<i32>} : memref<16x128xf32, #tpu.memory_space<vmem>>, vector<1x16xf32>,
    %swap3A_243 = arith.constant 5 : i32
    %swap3A_244 = arith.index_cast %swap3A_243 : i32 to index
    %swap3A_245 = arith.constant 0 : index
    %swap3A_246 = tpu.vector_load %arg11[%swap3A_244, %swap3A_245] {strides = array<i32>} : memref<16x128xf32, #tpu.memory_space<vmem>>, vector<1x16xf32>,
    %swap3A_247 = vector.shape_cast %swap3A_246 : vector<1x16xf32> to vector<16xf32>
    %swap3A_248 = vector.shape_cast %broadcast_in_dim3A_3 : vector<16xf32> to vector<1x16xf32>
    tpu.vector_store %arg11[%swap3A_244, %swap3A_245], %swap3A_248 {strides = array<i32>} : memref<16x128xf32, #tpu.memory_space<vmem>>, vector<1x16xf32>,
    %swap3A_249 = arith.constant 5 : i32
    %swap3A_250 = arith.index_cast %swap3A_249 : i32 to index
    %swap3A_251 = arith.constant 16 : index
    %swap3A_252 = tpu.vector_load %arg11[%swap3A_250, %swap3A_251] {strides = array<i32>} : memref<16x128xf32, #tpu.memory_space<vmem>>, vector<1x16xf32>,
    %swap3A_253 = vector.shape_cast %swap3A_252 : vector<1x16xf32> to vector<16xf32>
    %swap3A_254 = vector.shape_cast %broadcast_in_dim3A_3 : vector<16xf32> to vector<1x16xf32>
    tpu.vector_store %arg11[%swap3A_250, %swap3A_251], %swap3A_254 {strides = array<i32>} : memref<16x128xf32, #tpu.memory_space<vmem>>, vector<1x16xf32>,
    %swap3A_255 = arith.constant 5 : i32
    %swap3A_256 = arith.index_cast %swap3A_255 : i32 to index
    %swap3A_257 = arith.constant 32 : index
    %swap3A_258 = tpu.vector_load %arg11[%swap3A_256, %swap3A_257] {strides = array<i32>} : memref<16x128xf32, #tpu.memory_space<vmem>>, vector<1x16xf32>,
    %swap3A_259 = vector.shape_cast %swap3A_258 : vector<1x16xf32> to vector<16xf32>
    %swap3A_260 = vector.shape_cast %broadcast_in_dim3A_3 : vector<16xf32> to vector<1x16xf32>
    tpu.vector_store %arg11[%swap3A_256, %swap3A_257], %swap3A_260 {strides = array<i32>} : memref<16x128xf32, #tpu.memory_space<vmem>>, vector<1x16xf32>,
    %swap3A_261 = arith.constant 5 : i32
    %swap3A_262 = arith.index_cast %swap3A_261 : i32 to index
    %swap3A_263 = arith.constant 48 : index
    %swap3A_264 = tpu.vector_load %arg11[%swap3A_262, %swap3A_263] {strides = array<i32>} : memref<16x128xf32, #tpu.memory_space<vmem>>, vector<1x16xf32>,
    %swap3A_265 = vector.shape_cast %swap3A_264 : vector<1x16xf32> to vector<16xf32>
    %swap3A_266 = vector.shape_cast %broadcast_in_dim3A_3 : vector<16xf32> to vector<1x16xf32>
    tpu.vector_store %arg11[%swap3A_262, %swap3A_263], %swap3A_266 {strides = array<i32>} : memref<16x128xf32, #tpu.memory_space<vmem>>, vector<1x16xf32>,
    %swap3A_267 = arith.constant 5 : i32
    %swap3A_268 = arith.index_cast %swap3A_267 : i32 to index
    %swap3A_269 = arith.constant 64 : index
    %swap3A_270 = tpu.vector_load %arg11[%swap3A_268, %swap3A_269] {strides = array<i32>} : memref<16x128xf32, #tpu.memory_space<vmem>>, vector<1x16xf32>,
    %swap3A_271 = vector.shape_cast %swap3A_270 : vector<1x16xf32> to vector<16xf32>
    %swap3A_272 = vector.shape_cast %broadcast_in_dim3A_3 : vector<16xf32> to vector<1x16xf32>
    tpu.vector_store %arg11[%swap3A_268, %swap3A_269], %swap3A_272 {strides = array<i32>} : memref<16x128xf32, #tpu.memory_space<vmem>>, vector<1x16xf32>,
    %swap3A_273 = arith.constant 5 : i32
    %swap3A_274 = arith.index_cast %swap3A_273 : i32 to index
    %swap3A_275 = arith.constant 80 : index
    %swap3A_276 = tpu.vector_load %arg11[%swap3A_274, %swap3A_275] {strides = array<i32>} : memref<16x128xf32, #tpu.memory_space<vmem>>, vector<1x16xf32>,
    %swap3A_277 = vector.shape_cast %swap3A_276 : vector<1x16xf32> to vector<16xf32>
    %swap3A_278 = vector.shape_cast %broadcast_in_dim3A_3 : vector<16xf32> to vector<1x16xf32>
    tpu.vector_store %arg11[%swap3A_274, %swap3A_275], %swap3A_278 {strides = array<i32>} : memref<16x128xf32, #tpu.memory_space<vmem>>, vector<1x16xf32>,
    %swap3A_279 = arith.constant 5 : i32
    %swap3A_280 = arith.index_cast %swap3A_279 : i32 to index
    %swap3A_281 = arith.constant 96 : index
    %swap3A_282 = tpu.vector_load %arg11[%swap3A_280, %swap3A_281] {strides = array<i32>} : memref<16x128xf32, #tpu.memory_space<vmem>>, vector<1x16xf32>,
    %swap3A_283 = vector.shape_cast %swap3A_282 : vector<1x16xf32> to vector<16xf32>
    %swap3A_284 = vector.shape_cast %broadcast_in_dim3A_3 : vector<16xf32> to vector<1x16xf32>
    tpu.vector_store %arg11[%swap3A_280, %swap3A_281], %swap3A_284 {strides = array<i32>} : memref<16x128xf32, #tpu.memory_space<vmem>>, vector<1x16xf32>,
    %swap3A_285 = arith.constant 5 : i32
    %swap3A_286 = arith.index_cast %swap3A_285 : i32 to index
    %swap3A_287 = arith.constant 112 : index
    %swap3A_288 = tpu.vector_load %arg11[%swap3A_286, %swap3A_287] {strides = array<i32>} : memref<16x128xf32, #tpu.memory_space<vmem>>, vector<1x16xf32>,
    %swap3A_289 = vector.shape_cast %swap3A_288 : vector<1x16xf32> to vector<16xf32>
    %swap3A_290 = vector.shape_cast %broadcast_in_dim3A_3 : vector<16xf32> to vector<1x16xf32>
    tpu.vector_store %arg11[%swap3A_286, %swap3A_287], %swap3A_290 {strides = array<i32>} : memref<16x128xf32, #tpu.memory_space<vmem>>, vector<1x16xf32>,
    %swap3A_291 = arith.constant 6 : i32
    %swap3A_292 = arith.index_cast %swap3A_291 : i32 to index
    %swap3A_293 = arith.constant 0 : index
    %swap3A_294 = tpu.vector_load %arg11[%swap3A_292, %swap3A_293] {strides = array<i32>} : memref<16x128xf32, #tpu.memory_space<vmem>>, vector<1x16xf32>,
    %swap3A_295 = vector.shape_cast %swap3A_294 : vector<1x16xf32> to vector<16xf32>
    %swap3A_296 = vector.shape_cast %broadcast_in_dim3A_3 : vector<16xf32> to vector<1x16xf32>
    tpu.vector_store %arg11[%swap3A_292, %swap3A_293], %swap3A_296 {strides = array<i32>} : memref<16x128xf32, #tpu.memory_space<vmem>>, vector<1x16xf32>,
    %swap3A_297 = arith.constant 6 : i32
    %swap3A_298 = arith.index_cast %swap3A_297 : i32 to index
    %swap3A_299 = arith.constant 16 : index
    %swap3A_300 = tpu.vector_load %arg11[%swap3A_298, %swap3A_299] {strides = array<i32>} : memref<16x128xf32, #tpu.memory_space<vmem>>, vector<1x16xf32>,
    %swap3A_301 = vector.shape_cast %swap3A_300 : vector<1x16xf32> to vector<16xf32>
    %swap3A_302 = vector.shape_cast %broadcast_in_dim3A_3 : vector<16xf32> to vector<1x16xf32>
    tpu.vector_store %arg11[%swap3A_298, %swap3A_299], %swap3A_302 {strides = array<i32>} : memref<16x128xf32, #tpu.memory_space<vmem>>, vector<1x16xf32>,
    %swap3A_303 = arith.constant 6 : i32
    %swap3A_304 = arith.index_cast %swap3A_303 : i32 to index
    %swap3A_305 = arith.constant 32 : index
    %swap3A_306 = tpu.vector_load %arg11[%swap3A_304, %swap3A_305] {strides = array<i32>} : memref<16x128xf32, #tpu.memory_space<vmem>>, vector<1x16xf32>,
    %swap3A_307 = vector.shape_cast %swap3A_306 : vector<1x16xf32> to vector<16xf32>
    %swap3A_308 = vector.shape_cast %broadcast_in_dim3A_3 : vector<16xf32> to vector<1x16xf32>
    tpu.vector_store %arg11[%swap3A_304, %swap3A_305], %swap3A_308 {strides = array<i32>} : memref<16x128xf32, #tpu.memory_space<vmem>>, vector<1x16xf32>,
    %swap3A_309 = arith.constant 6 : i32
    %swap3A_310 = arith.index_cast %swap3A_309 : i32 to index
    %swap3A_311 = arith.constant 48 : index
    %swap3A_312 = tpu.vector_load %arg11[%swap3A_310, %swap3A_311] {strides = array<i32>} : memref<16x128xf32, #tpu.memory_space<vmem>>, vector<1x16xf32>,
    %swap3A_313 = vector.shape_cast %swap3A_312 : vector<1x16xf32> to vector<16xf32>
    %swap3A_314 = vector.shape_cast %broadcast_in_dim3A_3 : vector<16xf32> to vector<1x16xf32>
    tpu.vector_store %arg11[%swap3A_310, %swap3A_311], %swap3A_314 {strides = array<i32>} : memref<16x128xf32, #tpu.memory_space<vmem>>, vector<1x16xf32>,
    %swap3A_315 = arith.constant 6 : i32
    %swap3A_316 = arith.index_cast %swap3A_315 : i32 to index
    %swap3A_317 = arith.constant 64 : index
    %swap3A_318 = tpu.vector_load %arg11[%swap3A_316, %swap3A_317] {strides = array<i32>} : memref<16x128xf32, #tpu.memory_space<vmem>>, vector<1x16xf32>,
    %swap3A_319 = vector.shape_cast %swap3A_318 : vector<1x16xf32> to vector<16xf32>
    %swap3A_320 = vector.shape_cast %broadcast_in_dim3A_3 : vector<16xf32> to vector<1x16xf32>
    tpu.vector_store %arg11[%swap3A_316, %swap3A_317], %swap3A_320 {strides = array<i32>} : memref<16x128xf32, #tpu.memory_space<vmem>>, vector<1x16xf32>,
    %swap3A_321 = arith.constant 6 : i32
    %swap3A_322 = arith.index_cast %swap3A_321 : i32 to index
    %swap3A_323 = arith.constant 80 : index
    %swap3A_324 = tpu.vector_load %arg11[%swap3A_322, %swap3A_323] {strides = array<i32>} : memref<16x128xf32, #tpu.memory_space<vmem>>, vector<1x16xf32>,
    %swap3A_325 = vector.shape_cast %swap3A_324 : vector<1x16xf32> to vector<16xf32>
    %swap3A_326 = vector.shape_cast %broadcast_in_dim3A_3 : vector<16xf32> to vector<1x16xf32>
    tpu.vector_store %arg11[%swap3A_322, %swap3A_323], %swap3A_326 {strides = array<i32>} : memref<16x128xf32, #tpu.memory_space<vmem>>, vector<1x16xf32>,
    %swap3A_327 = arith.constant 6 : i32
    %swap3A_328 = arith.index_cast %swap3A_327 : i32 to index
    %swap3A_329 = arith.constant 96 : index
    %swap3A_330 = tpu.vector_load %arg11[%swap3A_328, %swap3A_329] {strides = array<i32>} : memref<16x128xf32, #tpu.memory_space<vmem>>, vector<1x16xf32>,
    %swap3A_331 = vector.shape_cast %swap3A_330 : vector<1x16xf32> to vector<16xf32>
    %swap3A_332 = vector.shape_cast %broadcast_in_dim3A_3 : vector<16xf32> to vector<1x16xf32>
    tpu.vector_store %arg11[%swap3A_328, %swap3A_329], %swap3A_332 {strides = array<i32>} : memref<16x128xf32, #tpu.memory_space<vmem>>, vector<1x16xf32>,
    %swap3A_333 = arith.constant 6 : i32
    %swap3A_334 = arith.index_cast %swap3A_333 : i32 to index
    %swap3A_335 = arith.constant 112 : index
    %swap3A_336 = tpu.vector_load %arg11[%swap3A_334, %swap3A_335] {strides = array<i32>} : memref<16x128xf32, #tpu.memory_space<vmem>>, vector<1x16xf32>,
    %swap3A_337 = vector.shape_cast %swap3A_336 : vector<1x16xf32> to vector<16xf32>
    %swap3A_338 = vector.shape_cast %broadcast_in_dim3A_3 : vector<16xf32> to vector<1x16xf32>
    tpu.vector_store %arg11[%swap3A_334, %swap3A_335], %swap3A_338 {strides = array<i32>} : memref<16x128xf32, #tpu.memory_space<vmem>>, vector<1x16xf32>,
    %swap3A_339 = arith.constant 7 : i32
    %swap3A_340 = arith.index_cast %swap3A_339 : i32 to index
    %swap3A_341 = arith.constant 0 : index
    %swap3A_342 = tpu.vector_load %arg11[%swap3A_340, %swap3A_341] {strides = array<i32>} : memref<16x128xf32, #tpu.memory_space<vmem>>, vector<1x16xf32>,
    %swap3A_343 = vector.shape_cast %swap3A_342 : vector<1x16xf32> to vector<16xf32>
    %swap3A_344 = vector.shape_cast %broadcast_in_dim3A_3 : vector<16xf32> to vector<1x16xf32>
    tpu.vector_store %arg11[%swap3A_340, %swap3A_341], %swap3A_344 {strides = array<i32>} : memref<16x128xf32, #tpu.memory_space<vmem>>, vector<1x16xf32>,
    %swap3A_345 = arith.constant 7 : i32
    %swap3A_346 = arith.index_cast %swap3A_345 : i32 to index
    %swap3A_347 = arith.constant 16 : index
    %swap3A_348 = tpu.vector_load %arg11[%swap3A_346, %swap3A_347] {strides = array<i32>} : memref<16x128xf32, #tpu.memory_space<vmem>>, vector<1x16xf32>,
    %swap3A_349 = vector.shape_cast %swap3A_348 : vector<1x16xf32> to vector<16xf32>
    %swap3A_350 = vector.shape_cast %broadcast_in_dim3A_3 : vector<16xf32> to vector<1x16xf32>
    tpu.vector_store %arg11[%swap3A_346, %swap3A_347], %swap3A_350 {strides = array<i32>} : memref<16x128xf32, #tpu.memory_space<vmem>>, vector<1x16xf32>,
    %swap3A_351 = arith.constant 7 : i32
    %swap3A_352 = arith.index_cast %swap3A_351 : i32 to index
    %swap3A_353 = arith.constant 32 : index
    %swap3A_354 = tpu.vector_load %arg11[%swap3A_352, %swap3A_353] {strides = array<i32>} : memref<16x128xf32, #tpu.memory_space<vmem>>, vector<1x16xf32>,
    %swap3A_355 = vector.shape_cast %swap3A_354 : vector<1x16xf32> to vector<16xf32>
    %swap3A_356 = vector.shape_cast %broadcast_in_dim3A_3 : vector<16xf32> to vector<1x16xf32>
    tpu.vector_store %arg11[%swap3A_352, %swap3A_353], %swap3A_356 {strides = array<i32>} : memref<16x128xf32, #tpu.memory_space<vmem>>, vector<1x16xf32>,
    %swap3A_357 = arith.constant 7 : i32
    %swap3A_358 = arith.index_cast %swap3A_357 : i32 to index
    %swap3A_359 = arith.constant 48 : index
    %swap3A_360 = tpu.vector_load %arg11[%swap3A_358, %swap3A_359] {strides = array<i32>} : memref<16x128xf32, #tpu.memory_space<vmem>>, vector<1x16xf32>,
    %swap3A_361 = vector.shape_cast %swap3A_360 : vector<1x16xf32> to vector<16xf32>
    %swap3A_362 = vector.shape_cast %broadcast_in_dim3A_3 : vector<16xf32> to vector<1x16xf32>
    tpu.vector_store %arg11[%swap3A_358, %swap3A_359], %swap3A_362 {strides = array<i32>} : memref<16x128xf32, #tpu.memory_space<vmem>>, vector<1x16xf32>,
    %swap3A_363 = arith.constant 7 : i32
    %swap3A_364 = arith.index_cast %swap3A_363 : i32 to index
    %swap3A_365 = arith.constant 64 : index
    %swap3A_366 = tpu.vector_load %arg11[%swap3A_364, %swap3A_365] {strides = array<i32>} : memref<16x128xf32, #tpu.memory_space<vmem>>, vector<1x16xf32>,
    %swap3A_367 = vector.shape_cast %swap3A_366 : vector<1x16xf32> to vector<16xf32>
    %swap3A_368 = vector.shape_cast %broadcast_in_dim3A_3 : vector<16xf32> to vector<1x16xf32>
    tpu.vector_store %arg11[%swap3A_364, %swap3A_365], %swap3A_368 {strides = array<i32>} : memref<16x128xf32, #tpu.memory_space<vmem>>, vector<1x16xf32>,
    %swap3A_369 = arith.constant 7 : i32
    %swap3A_370 = arith.index_cast %swap3A_369 : i32 to index
    %swap3A_371 = arith.constant 80 : index
    %swap3A_372 = tpu.vector_load %arg11[%swap3A_370, %swap3A_371] {strides = array<i32>} : memref<16x128xf32, #tpu.memory_space<vmem>>, vector<1x16xf32>,
    %swap3A_373 = vector.shape_cast %swap3A_372 : vector<1x16xf32> to vector<16xf32>
    %swap3A_374 = vector.shape_cast %broadcast_in_dim3A_3 : vector<16xf32> to vector<1x16xf32>
    tpu.vector_store %arg11[%swap3A_370, %swap3A_371], %swap3A_374 {strides = array<i32>} : memref<16x128xf32, #tpu.memory_space<vmem>>, vector<1x16xf32>,
    %swap3A_375 = arith.constant 7 : i32
    %swap3A_376 = arith.index_cast %swap3A_375 : i32 to index
    %swap3A_377 = arith.constant 96 : index
    %swap3A_378 = tpu.vector_load %arg11[%swap3A_376, %swap3A_377] {strides = array<i32>} : memref<16x128xf32, #tpu.memory_space<vmem>>, vector<1x16xf32>,
    %swap3A_379 = vector.shape_cast %swap3A_378 : vector<1x16xf32> to vector<16xf32>
    %swap3A_380 = vector.shape_cast %broadcast_in_dim3A_3 : vector<16xf32> to vector<1x16xf32>
    tpu.vector_store %arg11[%swap3A_376, %swap3A_377], %swap3A_380 {strides = array<i32>} : memref<16x128xf32, #tpu.memory_space<vmem>>, vector<1x16xf32>,
    %swap3A_381 = arith.constant 7 : i32
    %swap3A_382 = arith.index_cast %swap3A_381 : i32 to index
    %swap3A_383 = arith.constant 112 : index
    %swap3A_384 = tpu.vector_load %arg11[%swap3A_382, %swap3A_383] {strides = array<i32>} : memref<16x128xf32, #tpu.memory_space<vmem>>, vector<1x16xf32>,
    %swap3A_385 = vector.shape_cast %swap3A_384 : vector<1x16xf32> to vector<16xf32>
    %swap3A_386 = vector.shape_cast %broadcast_in_dim3A_3 : vector<16xf32> to vector<1x16xf32>
    tpu.vector_store %arg11[%swap3A_382, %swap3A_383], %swap3A_386 {strides = array<i32>} : memref<16x128xf32, #tpu.memory_space<vmem>>, vector<1x16xf32>,
    %swap3A_387 = arith.constant 8 : i32
    %swap3A_388 = arith.index_cast %swap3A_387 : i32 to index
    %swap3A_389 = arith.constant 0 : index
    %swap3A_390 = tpu.vector_load %arg11[%swap3A_388, %swap3A_389] {strides = array<i32>} : memref<16x128xf32, #tpu.memory_space<vmem>>, vector<1x16xf32>,
    %swap3A_391 = vector.shape_cast %swap3A_390 : vector<1x16xf32> to vector<16xf32>
    %swap3A_392 = vector.shape_cast %broadcast_in_dim3A_3 : vector<16xf32> to vector<1x16xf32>
    tpu.vector_store %arg11[%swap3A_388, %swap3A_389], %swap3A_392 {strides = array<i32>} : memref<16x128xf32, #tpu.memory_space<vmem>>, vector<1x16xf32>,
    %swap3A_393 = arith.constant 8 : i32
    %swap3A_394 = arith.index_cast %swap3A_393 : i32 to index
    %swap3A_395 = arith.constant 16 : index
    %swap3A_396 = tpu.vector_load %arg11[%swap3A_394, %swap3A_395] {strides = array<i32>} : memref<16x128xf32, #tpu.memory_space<vmem>>, vector<1x16xf32>,
    %swap3A_397 = vector.shape_cast %swap3A_396 : vector<1x16xf32> to vector<16xf32>
    %swap3A_398 = vector.shape_cast %broadcast_in_dim3A_3 : vector<16xf32> to vector<1x16xf32>
    tpu.vector_store %arg11[%swap3A_394, %swap3A_395], %swap3A_398 {strides = array<i32>} : memref<16x128xf32, #tpu.memory_space<vmem>>, vector<1x16xf32>,
    %swap3A_399 = arith.constant 8 : i32
    %swap3A_400 = arith.index_cast %swap3A_399 : i32 to index
    %swap3A_401 = arith.constant 32 : index
    %swap3A_402 = tpu.vector_load %arg11[%swap3A_400, %swap3A_401] {strides = array<i32>} : memref<16x128xf32, #tpu.memory_space<vmem>>, vector<1x16xf32>,
    %swap3A_403 = vector.shape_cast %swap3A_402 : vector<1x16xf32> to vector<16xf32>
    %swap3A_404 = vector.shape_cast %broadcast_in_dim3A_3 : vector<16xf32> to vector<1x16xf32>
    tpu.vector_store %arg11[%swap3A_400, %swap3A_401], %swap3A_404 {strides = array<i32>} : memref<16x128xf32, #tpu.memory_space<vmem>>, vector<1x16xf32>,
    %swap3A_405 = arith.constant 8 : i32
    %swap3A_406 = arith.index_cast %swap3A_405 : i32 to index
    %swap3A_407 = arith.constant 48 : index
    %swap3A_408 = tpu.vector_load %arg11[%swap3A_406, %swap3A_407] {strides = array<i32>} : memref<16x128xf32, #tpu.memory_space<vmem>>, vector<1x16xf32>,
    %swap3A_409 = vector.shape_cast %swap3A_408 : vector<1x16xf32> to vector<16xf32>
    %swap3A_410 = vector.shape_cast %broadcast_in_dim3A_3 : vector<16xf32> to vector<1x16xf32>
    tpu.vector_store %arg11[%swap3A_406, %swap3A_407], %swap3A_410 {strides = array<i32>} : memref<16x128xf32, #tpu.memory_space<vmem>>, vector<1x16xf32>,
    %swap3A_411 = arith.constant 8 : i32
    %swap3A_412 = arith.index_cast %swap3A_411 : i32 to index
    %swap3A_413 = arith.constant 64 : index
    %swap3A_414 = tpu.vector_load %arg11[%swap3A_412, %swap3A_413] {strides = array<i32>} : memref<16x128xf32, #tpu.memory_space<vmem>>, vector<1x16xf32>,
    %swap3A_415 = vector.shape_cast %swap3A_414 : vector<1x16xf32> to vector<16xf32>
    %swap3A_416 = vector.shape_cast %broadcast_in_dim3A_3 : vector<16xf32> to vector<1x16xf32>
    tpu.vector_store %arg11[%swap3A_412, %swap3A_413], %swap3A_416 {strides = array<i32>} : memref<16x128xf32, #tpu.memory_space<vmem>>, vector<1x16xf32>,
    %swap3A_417 = arith.constant 8 : i32
    %swap3A_418 = arith.index_cast %swap3A_417 : i32 to index
    %swap3A_419 = arith.constant 80 : index
    %swap3A_420 = tpu.vector_load %arg11[%swap3A_418, %swap3A_419] {strides = array<i32>} : memref<16x128xf32, #tpu.memory_space<vmem>>, vector<1x16xf32>,
    %swap3A_421 = vector.shape_cast %swap3A_420 : vector<1x16xf32> to vector<16xf32>
    %swap3A_422 = vector.shape_cast %broadcast_in_dim3A_3 : vector<16xf32> to vector<1x16xf32>
    tpu.vector_store %arg11[%swap3A_418, %swap3A_419], %swap3A_422 {strides = array<i32>} : memref<16x128xf32, #tpu.memory_space<vmem>>, vector<1x16xf32>,
    %swap3A_423 = arith.constant 8 : i32
    %swap3A_424 = arith.index_cast %swap3A_423 : i32 to index
    %swap3A_425 = arith.constant 96 : index
    %swap3A_426 = tpu.vector_load %arg11[%swap3A_424, %swap3A_425] {strides = array<i32>} : memref<16x128xf32, #tpu.memory_space<vmem>>, vector<1x16xf32>,
    %swap3A_427 = vector.shape_cast %swap3A_426 : vector<1x16xf32> to vector<16xf32>
    %swap3A_428 = vector.shape_cast %broadcast_in_dim3A_3 : vector<16xf32> to vector<1x16xf32>
    tpu.vector_store %arg11[%swap3A_424, %swap3A_425], %swap3A_428 {strides = array<i32>} : memref<16x128xf32, #tpu.memory_space<vmem>>, vector<1x16xf32>,
    %swap3A_429 = arith.constant 8 : i32
    %swap3A_430 = arith.index_cast %swap3A_429 : i32 to index
    %swap3A_431 = arith.constant 112 : index
    %swap3A_432 = tpu.vector_load %arg11[%swap3A_430, %swap3A_431] {strides = array<i32>} : memref<16x128xf32, #tpu.memory_space<vmem>>, vector<1x16xf32>,
    %swap3A_433 = vector.shape_cast %swap3A_432 : vector<1x16xf32> to vector<16xf32>
    %swap3A_434 = vector.shape_cast %broadcast_in_dim3A_3 : vector<16xf32> to vector<1x16xf32>
    tpu.vector_store %arg11[%swap3A_430, %swap3A_431], %swap3A_434 {strides = array<i32>} : memref<16x128xf32, #tpu.memory_space<vmem>>, vector<1x16xf32>,
    %swap3A_435 = arith.constant 9 : i32
    %swap3A_436 = arith.index_cast %swap3A_435 : i32 to index
    %swap3A_437 = arith.constant 0 : index
    %swap3A_438 = tpu.vector_load %arg11[%swap3A_436, %swap3A_437] {strides = array<i32>} : memref<16x128xf32, #tpu.memory_space<vmem>>, vector<1x16xf32>,
    %swap3A_439 = vector.shape_cast %swap3A_438 : vector<1x16xf32> to vector<16xf32>
    %swap3A_440 = vector.shape_cast %broadcast_in_dim3A_3 : vector<16xf32> to vector<1x16xf32>
    tpu.vector_store %arg11[%swap3A_436, %swap3A_437], %swap3A_440 {strides = array<i32>} : memref<16x128xf32, #tpu.memory_space<vmem>>, vector<1x16xf32>,
    %swap3A_441 = arith.constant 9 : i32
    %swap3A_442 = arith.index_cast %swap3A_441 : i32 to index
    %swap3A_443 = arith.constant 16 : index
    %swap3A_444 = tpu.vector_load %arg11[%swap3A_442, %swap3A_443] {strides = array<i32>} : memref<16x128xf32, #tpu.memory_space<vmem>>, vector<1x16xf32>,
    %swap3A_445 = vector.shape_cast %swap3A_444 : vector<1x16xf32> to vector<16xf32>
    %swap3A_446 = vector.shape_cast %broadcast_in_dim3A_3 : vector<16xf32> to vector<1x16xf32>
    tpu.vector_store %arg11[%swap3A_442, %swap3A_443], %swap3A_446 {strides = array<i32>} : memref<16x128xf32, #tpu.memory_space<vmem>>, vector<1x16xf32>,
    %swap3A_447 = arith.constant 9 : i32
    %swap3A_448 = arith.index_cast %swap3A_447 : i32 to index
    %swap3A_449 = arith.constant 32 : index
    %swap3A_450 = tpu.vector_load %arg11[%swap3A_448, %swap3A_449] {strides = array<i32>} : memref<16x128xf32, #tpu.memory_space<vmem>>, vector<1x16xf32>,
    %swap3A_451 = vector.shape_cast %swap3A_450 : vector<1x16xf32> to vector<16xf32>
    %swap3A_452 = vector.shape_cast %broadcast_in_dim3A_3 : vector<16xf32> to vector<1x16xf32>
    tpu.vector_store %arg11[%swap3A_448, %swap3A_449], %swap3A_452 {strides = array<i32>} : memref<16x128xf32, #tpu.memory_space<vmem>>, vector<1x16xf32>,
    %swap3A_453 = arith.constant 9 : i32
    %swap3A_454 = arith.index_cast %swap3A_453 : i32 to index
    %swap3A_455 = arith.constant 48 : index
    %swap3A_456 = tpu.vector_load %arg11[%swap3A_454, %swap3A_455] {strides = array<i32>} : memref<16x128xf32, #tpu.memory_space<vmem>>, vector<1x16xf32>,
    %swap3A_457 = vector.shape_cast %swap3A_456 : vector<1x16xf32> to vector<16xf32>
    %swap3A_458 = vector.shape_cast %broadcast_in_dim3A_3 : vector<16xf32> to vector<1x16xf32>
    tpu.vector_store %arg11[%swap3A_454, %swap3A_455], %swap3A_458 {strides = array<i32>} : memref<16x128xf32, #tpu.memory_space<vmem>>, vector<1x16xf32>,
    %swap3A_459 = arith.constant 9 : i32
    %swap3A_460 = arith.index_cast %swap3A_459 : i32 to index
    %swap3A_461 = arith.constant 64 : index
    %swap3A_462 = tpu.vector_load %arg11[%swap3A_460, %swap3A_461] {strides = array<i32>} : memref<16x128xf32, #tpu.memory_space<vmem>>, vector<1x16xf32>,
    %swap3A_463 = vector.shape_cast %swap3A_462 : vector<1x16xf32> to vector<16xf32>
    %swap3A_464 = vector.shape_cast %broadcast_in_dim3A_3 : vector<16xf32> to vector<1x16xf32>
    tpu.vector_store %arg11[%swap3A_460, %swap3A_461], %swap3A_464 {strides = array<i32>} : memref<16x128xf32, #tpu.memory_space<vmem>>, vector<1x16xf32>,
    %swap3A_465 = arith.constant 9 : i32
    %swap3A_466 = arith.index_cast %swap3A_465 : i32 to index
    %swap3A_467 = arith.constant 80 : index
    %swap3A_468 = tpu.vector_load %arg11[%swap3A_466, %swap3A_467] {strides = array<i32>} : memref<16x128xf32, #tpu.memory_space<vmem>>, vector<1x16xf32>,
    %swap3A_469 = vector.shape_cast %swap3A_468 : vector<1x16xf32> to vector<16xf32>
    %swap3A_470 = vector.shape_cast %broadcast_in_dim3A_3 : vector<16xf32> to vector<1x16xf32>
    tpu.vector_store %arg11[%swap3A_466, %swap3A_467], %swap3A_470 {strides = array<i32>} : memref<16x128xf32, #tpu.memory_space<vmem>>, vector<1x16xf32>,
    %swap3A_471 = arith.constant 9 : i32
    %swap3A_472 = arith.index_cast %swap3A_471 : i32 to index
    %swap3A_473 = arith.constant 96 : index
    %swap3A_474 = tpu.vector_load %arg11[%swap3A_472, %swap3A_473] {strides = array<i32>} : memref<16x128xf32, #tpu.memory_space<vmem>>, vector<1x16xf32>,
    %swap3A_475 = vector.shape_cast %swap3A_474 : vector<1x16xf32> to vector<16xf32>
    %swap3A_476 = vector.shape_cast %broadcast_in_dim3A_3 : vector<16xf32> to vector<1x16xf32>
    tpu.vector_store %arg11[%swap3A_472, %swap3A_473], %swap3A_476 {strides = array<i32>} : memref<16x128xf32, #tpu.memory_space<vmem>>, vector<1x16xf32>,
    %swap3A_477 = arith.constant 9 : i32
    %swap3A_478 = arith.index_cast %swap3A_477 : i32 to index
    %swap3A_479 = arith.constant 112 : index
    %swap3A_480 = tpu.vector_load %arg11[%swap3A_478, %swap3A_479] {strides = array<i32>} : memref<16x128xf32, #tpu.memory_space<vmem>>, vector<1x16xf32>,
    %swap3A_481 = vector.shape_cast %swap3A_480 : vector<1x16xf32> to vector<16xf32>
    %swap3A_482 = vector.shape_cast %broadcast_in_dim3A_3 : vector<16xf32> to vector<1x16xf32>
    tpu.vector_store %arg11[%swap3A_478, %swap3A_479], %swap3A_482 {strides = array<i32>} : memref<16x128xf32, #tpu.memory_space<vmem>>, vector<1x16xf32>,
    %swap3A_483 = arith.constant 10 : i32
    %swap3A_484 = arith.index_cast %swap3A_483 : i32 to index
    %swap3A_485 = arith.constant 0 : index
    %swap3A_486 = tpu.vector_load %arg11[%swap3A_484, %swap3A_485] {strides = array<i32>} : memref<16x128xf32, #tpu.memory_space<vmem>>, vector<1x16xf32>,
    %swap3A_487 = vector.shape_cast %swap3A_486 : vector<1x16xf32> to vector<16xf32>
    %swap3A_488 = vector.shape_cast %broadcast_in_dim3A_3 : vector<16xf32> to vector<1x16xf32>
    tpu.vector_store %arg11[%swap3A_484, %swap3A_485], %swap3A_488 {strides = array<i32>} : memref<16x128xf32, #tpu.memory_space<vmem>>, vector<1x16xf32>,
    %swap3A_489 = arith.constant 10 : i32
    %swap3A_490 = arith.index_cast %swap3A_489 : i32 to index
    %swap3A_491 = arith.constant 16 : index
    %swap3A_492 = tpu.vector_load %arg11[%swap3A_490, %swap3A_491] {strides = array<i32>} : memref<16x128xf32, #tpu.memory_space<vmem>>, vector<1x16xf32>,
    %swap3A_493 = vector.shape_cast %swap3A_492 : vector<1x16xf32> to vector<16xf32>
    %swap3A_494 = vector.shape_cast %broadcast_in_dim3A_3 : vector<16xf32> to vector<1x16xf32>
    tpu.vector_store %arg11[%swap3A_490, %swap3A_491], %swap3A_494 {strides = array<i32>} : memref<16x128xf32, #tpu.memory_space<vmem>>, vector<1x16xf32>,
    %swap3A_495 = arith.constant 10 : i32
    %swap3A_496 = arith.index_cast %swap3A_495 : i32 to index
    %swap3A_497 = arith.constant 32 : index
    %swap3A_498 = tpu.vector_load %arg11[%swap3A_496, %swap3A_497] {strides = array<i32>} : memref<16x128xf32, #tpu.memory_space<vmem>>, vector<1x16xf32>,
    %swap3A_499 = vector.shape_cast %swap3A_498 : vector<1x16xf32> to vector<16xf32>
    %swap3A_500 = vector.shape_cast %broadcast_in_dim3A_3 : vector<16xf32> to vector<1x16xf32>
    tpu.vector_store %arg11[%swap3A_496, %swap3A_497], %swap3A_500 {strides = array<i32>} : memref<16x128xf32, #tpu.memory_space<vmem>>, vector<1x16xf32>,
    %swap3A_501 = arith.constant 10 : i32
    %swap3A_502 = arith.index_cast %swap3A_501 : i32 to index
    %swap3A_503 = arith.constant 48 : index
    %swap3A_504 = tpu.vector_load %arg11[%swap3A_502, %swap3A_503] {strides = array<i32>} : memref<16x128xf32, #tpu.memory_space<vmem>>, vector<1x16xf32>,
    %swap3A_505 = vector.shape_cast %swap3A_504 : vector<1x16xf32> to vector<16xf32>
    %swap3A_506 = vector.shape_cast %broadcast_in_dim3A_3 : vector<16xf32> to vector<1x16xf32>
    tpu.vector_store %arg11[%swap3A_502, %swap3A_503], %swap3A_506 {strides = array<i32>} : memref<16x128xf32, #tpu.memory_space<vmem>>, vector<1x16xf32>,
    %swap3A_507 = arith.constant 10 : i32
    %swap3A_508 = arith.index_cast %swap3A_507 : i32 to index
    %swap3A_509 = arith.constant 64 : index
    %swap3A_510 = tpu.vector_load %arg11[%swap3A_508, %swap3A_509] {strides = array<i32>} : memref<16x128xf32, #tpu.memory_space<vmem>>, vector<1x16xf32>,
    %swap3A_511 = vector.shape_cast %swap3A_510 : vector<1x16xf32> to vector<16xf32>
    %swap3A_512 = vector.shape_cast %broadcast_in_dim3A_3 : vector<16xf32> to vector<1x16xf32>
    tpu.vector_store %arg11[%swap3A_508, %swap3A_509], %swap3A_512 {strides = array<i32>} : memref<16x128xf32, #tpu.memory_space<vmem>>, vector<1x16xf32>,
    %swap3A_513 = arith.constant 10 : i32
    %swap3A_514 = arith.index_cast %swap3A_513 : i32 to index
    %swap3A_515 = arith.constant 80 : index
    %swap3A_516 = tpu.vector_load %arg11[%swap3A_514, %swap3A_515] {strides = array<i32>} : memref<16x128xf32, #tpu.memory_space<vmem>>, vector<1x16xf32>,
    %swap3A_517 = vector.shape_cast %swap3A_516 : vector<1x16xf32> to vector<16xf32>
    %swap3A_518 = vector.shape_cast %broadcast_in_dim3A_3 : vector<16xf32> to vector<1x16xf32>
    tpu.vector_store %arg11[%swap3A_514, %swap3A_515], %swap3A_518 {strides = array<i32>} : memref<16x128xf32, #tpu.memory_space<vmem>>, vector<1x16xf32>,
    %swap3A_519 = arith.constant 10 : i32
    %swap3A_520 = arith.index_cast %swap3A_519 : i32 to index
    %swap3A_521 = arith.constant 96 : index
    %swap3A_522 = tpu.vector_load %arg11[%swap3A_520, %swap3A_521] {strides = array<i32>} : memref<16x128xf32, #tpu.memory_space<vmem>>, vector<1x16xf32>,
    %swap3A_523 = vector.shape_cast %swap3A_522 : vector<1x16xf32> to vector<16xf32>
    %swap3A_524 = vector.shape_cast %broadcast_in_dim3A_3 : vector<16xf32> to vector<1x16xf32>
    tpu.vector_store %arg11[%swap3A_520, %swap3A_521], %swap3A_524 {strides = array<i32>} : memref<16x128xf32, #tpu.memory_space<vmem>>, vector<1x16xf32>,
    %swap3A_525 = arith.constant 10 : i32
    %swap3A_526 = arith.index_cast %swap3A_525 : i32 to index
    %swap3A_527 = arith.constant 112 : index
    %swap3A_528 = tpu.vector_load %arg11[%swap3A_526, %swap3A_527] {strides = array<i32>} : memref<16x128xf32, #tpu.memory_space<vmem>>, vector<1x16xf32>,
    %swap3A_529 = vector.shape_cast %swap3A_528 : vector<1x16xf32> to vector<16xf32>
    %swap3A_530 = vector.shape_cast %broadcast_in_dim3A_3 : vector<16xf32> to vector<1x16xf32>
    tpu.vector_store %arg11[%swap3A_526, %swap3A_527], %swap3A_530 {strides = array<i32>} : memref<16x128xf32, #tpu.memory_space<vmem>>, vector<1x16xf32>,
    %swap3A_531 = arith.constant 11 : i32
    %swap3A_532 = arith.index_cast %swap3A_531 : i32 to index
    %swap3A_533 = arith.constant 0 : index
    %swap3A_534 = tpu.vector_load %arg11[%swap3A_532, %swap3A_533] {strides = array<i32>} : memref<16x128xf32, #tpu.memory_space<vmem>>, vector<1x16xf32>,
    %swap3A_535 = vector.shape_cast %swap3A_534 : vector<1x16xf32> to vector<16xf32>
    %swap3A_536 = vector.shape_cast %broadcast_in_dim3A_3 : vector<16xf32> to vector<1x16xf32>
    tpu.vector_store %arg11[%swap3A_532, %swap3A_533], %swap3A_536 {strides = array<i32>} : memref<16x128xf32, #tpu.memory_space<vmem>>, vector<1x16xf32>,
    %swap3A_537 = arith.constant 11 : i32
    %swap3A_538 = arith.index_cast %swap3A_537 : i32 to index
    %swap3A_539 = arith.constant 16 : index
    %swap3A_540 = tpu.vector_load %arg11[%swap3A_538, %swap3A_539] {strides = array<i32>} : memref<16x128xf32, #tpu.memory_space<vmem>>, vector<1x16xf32>,
    %swap3A_541 = vector.shape_cast %swap3A_540 : vector<1x16xf32> to vector<16xf32>
    %swap3A_542 = vector.shape_cast %broadcast_in_dim3A_3 : vector<16xf32> to vector<1x16xf32>
    tpu.vector_store %arg11[%swap3A_538, %swap3A_539], %swap3A_542 {strides = array<i32>} : memref<16x128xf32, #tpu.memory_space<vmem>>, vector<1x16xf32>,
    %swap3A_543 = arith.constant 11 : i32
    %swap3A_544 = arith.index_cast %swap3A_543 : i32 to index
    %swap3A_545 = arith.constant 32 : index
    %swap3A_546 = tpu.vector_load %arg11[%swap3A_544, %swap3A_545] {strides = array<i32>} : memref<16x128xf32, #tpu.memory_space<vmem>>, vector<1x16xf32>,
    %swap3A_547 = vector.shape_cast %swap3A_546 : vector<1x16xf32> to vector<16xf32>
    %swap3A_548 = vector.shape_cast %broadcast_in_dim3A_3 : vector<16xf32> to vector<1x16xf32>
    tpu.vector_store %arg11[%swap3A_544, %swap3A_545], %swap3A_548 {strides = array<i32>} : memref<16x128xf32, #tpu.memory_space<vmem>>, vector<1x16xf32>,
    %swap3A_549 = arith.constant 11 : i32
    %swap3A_550 = arith.index_cast %swap3A_549 : i32 to index
    %swap3A_551 = arith.constant 48 : index
    %swap3A_552 = tpu.vector_load %arg11[%swap3A_550, %swap3A_551] {strides = array<i32>} : memref<16x128xf32, #tpu.memory_space<vmem>>, vector<1x16xf32>,
    %swap3A_553 = vector.shape_cast %swap3A_552 : vector<1x16xf32> to vector<16xf32>
    %swap3A_554 = vector.shape_cast %broadcast_in_dim3A_3 : vector<16xf32> to vector<1x16xf32>
    tpu.vector_store %arg11[%swap3A_550, %swap3A_551], %swap3A_554 {strides = array<i32>} : memref<16x128xf32, #tpu.memory_space<vmem>>, vector<1x16xf32>,
    %swap3A_555 = arith.constant 11 : i32
    %swap3A_556 = arith.index_cast %swap3A_555 : i32 to index
    %swap3A_557 = arith.constant 64 : index
    %swap3A_558 = tpu.vector_load %arg11[%swap3A_556, %swap3A_557] {strides = array<i32>} : memref<16x128xf32, #tpu.memory_space<vmem>>, vector<1x16xf32>,
    %swap3A_559 = vector.shape_cast %swap3A_558 : vector<1x16xf32> to vector<16xf32>
    %swap3A_560 = vector.shape_cast %broadcast_in_dim3A_3 : vector<16xf32> to vector<1x16xf32>
    tpu.vector_store %arg11[%swap3A_556, %swap3A_557], %swap3A_560 {strides = array<i32>} : memref<16x128xf32, #tpu.memory_space<vmem>>, vector<1x16xf32>,
    %swap3A_561 = arith.constant 11 : i32
    %swap3A_562 = arith.index_cast %swap3A_561 : i32 to index
    %swap3A_563 = arith.constant 80 : index
    %swap3A_564 = tpu.vector_load %arg11[%swap3A_562, %swap3A_563] {strides = array<i32>} : memref<16x128xf32, #tpu.memory_space<vmem>>, vector<1x16xf32>,
    %swap3A_565 = vector.shape_cast %swap3A_564 : vector<1x16xf32> to vector<16xf32>
    %swap3A_566 = vector.shape_cast %broadcast_in_dim3A_3 : vector<16xf32> to vector<1x16xf32>
    tpu.vector_store %arg11[%swap3A_562, %swap3A_563], %swap3A_566 {strides = array<i32>} : memref<16x128xf32, #tpu.memory_space<vmem>>, vector<1x16xf32>,
    %swap3A_567 = arith.constant 11 : i32
    %swap3A_568 = arith.index_cast %swap3A_567 : i32 to index
    %swap3A_569 = arith.constant 96 : index
    %swap3A_570 = tpu.vector_load %arg11[%swap3A_568, %swap3A_569] {strides = array<i32>} : memref<16x128xf32, #tpu.memory_space<vmem>>, vector<1x16xf32>,
    %swap3A_571 = vector.shape_cast %swap3A_570 : vector<1x16xf32> to vector<16xf32>
    %swap3A_572 = vector.shape_cast %broadcast_in_dim3A_3 : vector<16xf32> to vector<1x16xf32>
    tpu.vector_store %arg11[%swap3A_568, %swap3A_569], %swap3A_572 {strides = array<i32>} : memref<16x128xf32, #tpu.memory_space<vmem>>, vector<1x16xf32>,
    %swap3A_573 = arith.constant 11 : i32
    %swap3A_574 = arith.index_cast %swap3A_573 : i32 to index
    %swap3A_575 = arith.constant 112 : index
    %swap3A_576 = tpu.vector_load %arg11[%swap3A_574, %swap3A_575] {strides = array<i32>} : memref<16x128xf32, #tpu.memory_space<vmem>>, vector<1x16xf32>,
    %swap3A_577 = vector.shape_cast %swap3A_576 : vector<1x16xf32> to vector<16xf32>
    %swap3A_578 = vector.shape_cast %broadcast_in_dim3A_3 : vector<16xf32> to vector<1x16xf32>
    tpu.vector_store %arg11[%swap3A_574, %swap3A_575], %swap3A_578 {strides = array<i32>} : memref<16x128xf32, #tpu.memory_space<vmem>>, vector<1x16xf32>,
    %swap3A_579 = arith.constant 12 : i32
    %swap3A_580 = arith.index_cast %swap3A_579 : i32 to index
    %swap3A_581 = arith.constant 0 : index
    %swap3A_582 = tpu.vector_load %arg11[%swap3A_580, %swap3A_581] {strides = array<i32>} : memref<16x128xf32, #tpu.memory_space<vmem>>, vector<1x16xf32>,
    %swap3A_583 = vector.shape_cast %swap3A_582 : vector<1x16xf32> to vector<16xf32>
    %swap3A_584 = vector.shape_cast %broadcast_in_dim3A_3 : vector<16xf32> to vector<1x16xf32>
    tpu.vector_store %arg11[%swap3A_580, %swap3A_581], %swap3A_584 {strides = array<i32>} : memref<16x128xf32, #tpu.memory_space<vmem>>, vector<1x16xf32>,
    %swap3A_585 = arith.constant 12 : i32
    %swap3A_586 = arith.index_cast %swap3A_585 : i32 to index
    %swap3A_587 = arith.constant 16 : index
    %swap3A_588 = tpu.vector_load %arg11[%swap3A_586, %swap3A_587] {strides = array<i32>} : memref<16x128xf32, #tpu.memory_space<vmem>>, vector<1x16xf32>,
    %swap3A_589 = vector.shape_cast %swap3A_588 : vector<1x16xf32> to vector<16xf32>
    %swap3A_590 = vector.shape_cast %broadcast_in_dim3A_3 : vector<16xf32> to vector<1x16xf32>
    tpu.vector_store %arg11[%swap3A_586, %swap3A_587], %swap3A_590 {strides = array<i32>} : memref<16x128xf32, #tpu.memory_space<vmem>>, vector<1x16xf32>,
    %swap3A_591 = arith.constant 12 : i32
    %swap3A_592 = arith.index_cast %swap3A_591 : i32 to index
    %swap3A_593 = arith.constant 32 : index
    %swap3A_594 = tpu.vector_load %arg11[%swap3A_592, %swap3A_593] {strides = array<i32>} : memref<16x128xf32, #tpu.memory_space<vmem>>, vector<1x16xf32>,
    %swap3A_595 = vector.shape_cast %swap3A_594 : vector<1x16xf32> to vector<16xf32>
    %swap3A_596 = vector.shape_cast %broadcast_in_dim3A_3 : vector<16xf32> to vector<1x16xf32>
    tpu.vector_store %arg11[%swap3A_592, %swap3A_593], %swap3A_596 {strides = array<i32>} : memref<16x128xf32, #tpu.memory_space<vmem>>, vector<1x16xf32>,
    %swap3A_597 = arith.constant 12 : i32
    %swap3A_598 = arith.index_cast %swap3A_597 : i32 to index
    %swap3A_599 = arith.constant 48 : index
    %swap3A_600 = tpu.vector_load %arg11[%swap3A_598, %swap3A_599] {strides = array<i32>} : memref<16x128xf32, #tpu.memory_space<vmem>>, vector<1x16xf32>,
    %swap3A_601 = vector.shape_cast %swap3A_600 : vector<1x16xf32> to vector<16xf32>
    %swap3A_602 = vector.shape_cast %broadcast_in_dim3A_3 : vector<16xf32> to vector<1x16xf32>
    tpu.vector_store %arg11[%swap3A_598, %swap3A_599], %swap3A_602 {strides = array<i32>} : memref<16x128xf32, #tpu.memory_space<vmem>>, vector<1x16xf32>,
    %swap3A_603 = arith.constant 12 : i32
    %swap3A_604 = arith.index_cast %swap3A_603 : i32 to index
    %swap3A_605 = arith.constant 64 : index
    %swap3A_606 = tpu.vector_load %arg11[%swap3A_604, %swap3A_605] {strides = array<i32>} : memref<16x128xf32, #tpu.memory_space<vmem>>, vector<1x16xf32>,
    %swap3A_607 = vector.shape_cast %swap3A_606 : vector<1x16xf32> to vector<16xf32>
    %swap3A_608 = vector.shape_cast %broadcast_in_dim3A_3 : vector<16xf32> to vector<1x16xf32>
    tpu.vector_store %arg11[%swap3A_604, %swap3A_605], %swap3A_608 {strides = array<i32>} : memref<16x128xf32, #tpu.memory_space<vmem>>, vector<1x16xf32>,
    %swap3A_609 = arith.constant 12 : i32
    %swap3A_610 = arith.index_cast %swap3A_609 : i32 to index
    %swap3A_611 = arith.constant 80 : index
    %swap3A_612 = tpu.vector_load %arg11[%swap3A_610, %swap3A_611] {strides = array<i32>} : memref<16x128xf32, #tpu.memory_space<vmem>>, vector<1x16xf32>,
    %swap3A_613 = vector.shape_cast %swap3A_612 : vector<1x16xf32> to vector<16xf32>
    %swap3A_614 = vector.shape_cast %broadcast_in_dim3A_3 : vector<16xf32> to vector<1x16xf32>
    tpu.vector_store %arg11[%swap3A_610, %swap3A_611], %swap3A_614 {strides = array<i32>} : memref<16x128xf32, #tpu.memory_space<vmem>>, vector<1x16xf32>,
    %swap3A_615 = arith.constant 12 : i32
    %swap3A_616 = arith.index_cast %swap3A_615 : i32 to index
    %swap3A_617 = arith.constant 96 : index
    %swap3A_618 = tpu.vector_load %arg11[%swap3A_616, %swap3A_617] {strides = array<i32>} : memref<16x128xf32, #tpu.memory_space<vmem>>, vector<1x16xf32>,
    %swap3A_619 = vector.shape_cast %swap3A_618 : vector<1x16xf32> to vector<16xf32>
    %swap3A_620 = vector.shape_cast %broadcast_in_dim3A_3 : vector<16xf32> to vector<1x16xf32>
    tpu.vector_store %arg11[%swap3A_616, %swap3A_617], %swap3A_620 {strides = array<i32>} : memref<16x128xf32, #tpu.memory_space<vmem>>, vector<1x16xf32>,
    %swap3A_621 = arith.constant 12 : i32
    %swap3A_622 = arith.index_cast %swap3A_621 : i32 to index
    %swap3A_623 = arith.constant 112 : index
    %swap3A_624 = tpu.vector_load %arg11[%swap3A_622, %swap3A_623] {strides = array<i32>} : memref<16x128xf32, #tpu.memory_space<vmem>>, vector<1x16xf32>,
    %swap3A_625 = vector.shape_cast %swap3A_624 : vector<1x16xf32> to vector<16xf32>
    %swap3A_626 = vector.shape_cast %broadcast_in_dim3A_3 : vector<16xf32> to vector<1x16xf32>
    tpu.vector_store %arg11[%swap3A_622, %swap3A_623], %swap3A_626 {strides = array<i32>} : memref<16x128xf32, #tpu.memory_space<vmem>>, vector<1x16xf32>,
    %swap3A_627 = arith.constant 13 : i32
    %swap3A_628 = arith.index_cast %swap3A_627 : i32 to index
    %swap3A_629 = arith.constant 0 : index
    %swap3A_630 = tpu.vector_load %arg11[%swap3A_628, %swap3A_629] {strides = array<i32>} : memref<16x128xf32, #tpu.memory_space<vmem>>, vector<1x16xf32>,
    %swap3A_631 = vector.shape_cast %swap3A_630 : vector<1x16xf32> to vector<16xf32>
    %swap3A_632 = vector.shape_cast %broadcast_in_dim3A_3 : vector<16xf32> to vector<1x16xf32>
    tpu.vector_store %arg11[%swap3A_628, %swap3A_629], %swap3A_632 {strides = array<i32>} : memref<16x128xf32, #tpu.memory_space<vmem>>, vector<1x16xf32>,
    %swap3A_633 = arith.constant 13 : i32
    %swap3A_634 = arith.index_cast %swap3A_633 : i32 to index
    %swap3A_635 = arith.constant 16 : index
    %swap3A_636 = tpu.vector_load %arg11[%swap3A_634, %swap3A_635] {strides = array<i32>} : memref<16x128xf32, #tpu.memory_space<vmem>>, vector<1x16xf32>,
    %swap3A_637 = vector.shape_cast %swap3A_636 : vector<1x16xf32> to vector<16xf32>
    %swap3A_638 = vector.shape_cast %broadcast_in_dim3A_3 : vector<16xf32> to vector<1x16xf32>
    tpu.vector_store %arg11[%swap3A_634, %swap3A_635], %swap3A_638 {strides = array<i32>} : memref<16x128xf32, #tpu.memory_space<vmem>>, vector<1x16xf32>,
    %swap3A_639 = arith.constant 13 : i32
    %swap3A_640 = arith.index_cast %swap3A_639 : i32 to index
    %swap3A_641 = arith.constant 32 : index
    %swap3A_642 = tpu.vector_load %arg11[%swap3A_640, %swap3A_641] {strides = array<i32>} : memref<16x128xf32, #tpu.memory_space<vmem>>, vector<1x16xf32>,
    %swap3A_643 = vector.shape_cast %swap3A_642 : vector<1x16xf32> to vector<16xf32>
    %swap3A_644 = vector.shape_cast %broadcast_in_dim3A_3 : vector<16xf32> to vector<1x16xf32>
    tpu.vector_store %arg11[%swap3A_640, %swap3A_641], %swap3A_644 {strides = array<i32>} : memref<16x128xf32, #tpu.memory_space<vmem>>, vector<1x16xf32>,
    %swap3A_645 = arith.constant 13 : i32
    %swap3A_646 = arith.index_cast %swap3A_645 : i32 to index
    %swap3A_647 = arith.constant 48 : index
    %swap3A_648 = tpu.vector_load %arg11[%swap3A_646, %swap3A_647] {strides = array<i32>} : memref<16x128xf32, #tpu.memory_space<vmem>>, vector<1x16xf32>,
    %swap3A_649 = vector.shape_cast %swap3A_648 : vector<1x16xf32> to vector<16xf32>
    %swap3A_650 = vector.shape_cast %broadcast_in_dim3A_3 : vector<16xf32> to vector<1x16xf32>
    tpu.vector_store %arg11[%swap3A_646, %swap3A_647], %swap3A_650 {strides = array<i32>} : memref<16x128xf32, #tpu.memory_space<vmem>>, vector<1x16xf32>,
    %swap3A_651 = arith.constant 13 : i32
    %swap3A_652 = arith.index_cast %swap3A_651 : i32 to index
    %swap3A_653 = arith.constant 64 : index
    %swap3A_654 = tpu.vector_load %arg11[%swap3A_652, %swap3A_653] {strides = array<i32>} : memref<16x128xf32, #tpu.memory_space<vmem>>, vector<1x16xf32>,
    %swap3A_655 = vector.shape_cast %swap3A_654 : vector<1x16xf32> to vector<16xf32>
    %swap3A_656 = vector.shape_cast %broadcast_in_dim3A_3 : vector<16xf32> to vector<1x16xf32>
    tpu.vector_store %arg11[%swap3A_652, %swap3A_653], %swap3A_656 {strides = array<i32>} : memref<16x128xf32, #tpu.memory_space<vmem>>, vector<1x16xf32>,
    %swap3A_657 = arith.constant 13 : i32
    %swap3A_658 = arith.index_cast %swap3A_657 : i32 to index
    %swap3A_659 = arith.constant 80 : index
    %swap3A_660 = tpu.vector_load %arg11[%swap3A_658, %swap3A_659] {strides = array<i32>} : memref<16x128xf32, #tpu.memory_space<vmem>>, vector<1x16xf32>,
    %swap3A_661 = vector.shape_cast %swap3A_660 : vector<1x16xf32> to vector<16xf32>
    %swap3A_662 = vector.shape_cast %broadcast_in_dim3A_3 : vector<16xf32> to vector<1x16xf32>
    tpu.vector_store %arg11[%swap3A_658, %swap3A_659], %swap3A_662 {strides = array<i32>} : memref<16x128xf32, #tpu.memory_space<vmem>>, vector<1x16xf32>,
    %swap3A_663 = arith.constant 13 : i32
    %swap3A_664 = arith.index_cast %swap3A_663 : i32 to index
    %swap3A_665 = arith.constant 96 : index
    %swap3A_666 = tpu.vector_load %arg11[%swap3A_664, %swap3A_665] {strides = array<i32>} : memref<16x128xf32, #tpu.memory_space<vmem>>, vector<1x16xf32>,
    %swap3A_667 = vector.shape_cast %swap3A_666 : vector<1x16xf32> to vector<16xf32>
    %swap3A_668 = vector.shape_cast %broadcast_in_dim3A_3 : vector<16xf32> to vector<1x16xf32>
    tpu.vector_store %arg11[%swap3A_664, %swap3A_665], %swap3A_668 {strides = array<i32>} : memref<16x128xf32, #tpu.memory_space<vmem>>, vector<1x16xf32>,
    %swap3A_669 = arith.constant 13 : i32
    %swap3A_670 = arith.index_cast %swap3A_669 : i32 to index
    %swap3A_671 = arith.constant 112 : index
    %swap3A_672 = tpu.vector_load %arg11[%swap3A_670, %swap3A_671] {strides = array<i32>} : memref<16x128xf32, #tpu.memory_space<vmem>>, vector<1x16xf32>,
    %swap3A_673 = vector.shape_cast %swap3A_672 : vector<1x16xf32> to vector<16xf32>
    %swap3A_674 = vector.shape_cast %broadcast_in_dim3A_3 : vector<16xf32> to vector<1x16xf32>
    tpu.vector_store %arg11[%swap3A_670, %swap3A_671], %swap3A_674 {strides = array<i32>} : memref<16x128xf32, #tpu.memory_space<vmem>>, vector<1x16xf32>,
    %swap3A_675 = arith.constant 14 : i32
    %swap3A_676 = arith.index_cast %swap3A_675 : i32 to index
    %swap3A_677 = arith.constant 0 : index
    %swap3A_678 = tpu.vector_load %arg11[%swap3A_676, %swap3A_677] {strides = array<i32>} : memref<16x128xf32, #tpu.memory_space<vmem>>, vector<1x16xf32>,
    %swap3A_679 = vector.shape_cast %swap3A_678 : vector<1x16xf32> to vector<16xf32>
    %swap3A_680 = vector.shape_cast %broadcast_in_dim3A_3 : vector<16xf32> to vector<1x16xf32>
    tpu.vector_store %arg11[%swap3A_676, %swap3A_677], %swap3A_680 {strides = array<i32>} : memref<16x128xf32, #tpu.memory_space<vmem>>, vector<1x16xf32>,
    %swap3A_681 = arith.constant 14 : i32
    %swap3A_682 = arith.index_cast %swap3A_681 : i32 to index
    %swap3A_683 = arith.constant 16 : index
    %swap3A_684 = tpu.vector_load %arg11[%swap3A_682, %swap3A_683] {strides = array<i32>} : memref<16x128xf32, #tpu.memory_space<vmem>>, vector<1x16xf32>,
    %swap3A_685 = vector.shape_cast %swap3A_684 : vector<1x16xf32> to vector<16xf32>
    %swap3A_686 = vector.shape_cast %broadcast_in_dim3A_3 : vector<16xf32> to vector<1x16xf32>
    tpu.vector_store %arg11[%swap3A_682, %swap3A_683], %swap3A_686 {strides = array<i32>} : memref<16x128xf32, #tpu.memory_space<vmem>>, vector<1x16xf32>,
    %swap3A_687 = arith.constant 14 : i32
    %swap3A_688 = arith.index_cast %swap3A_687 : i32 to index
    %swap3A_689 = arith.constant 32 : index
    %swap3A_690 = tpu.vector_load %arg11[%swap3A_688, %swap3A_689] {strides = array<i32>} : memref<16x128xf32, #tpu.memory_space<vmem>>, vector<1x16xf32>,
    %swap3A_691 = vector.shape_cast %swap3A_690 : vector<1x16xf32> to vector<16xf32>
    %swap3A_692 = vector.shape_cast %broadcast_in_dim3A_3 : vector<16xf32> to vector<1x16xf32>
    tpu.vector_store %arg11[%swap3A_688, %swap3A_689], %swap3A_692 {strides = array<i32>} : memref<16x128xf32, #tpu.memory_space<vmem>>, vector<1x16xf32>,
    %swap3A_693 = arith.constant 14 : i32
    %swap3A_694 = arith.index_cast %swap3A_693 : i32 to index
    %swap3A_695 = arith.constant 48 : index
    %swap3A_696 = tpu.vector_load %arg11[%swap3A_694, %swap3A_695] {strides = array<i32>} : memref<16x128xf32, #tpu.memory_space<vmem>>, vector<1x16xf32>,
    %swap3A_697 = vector.shape_cast %swap3A_696 : vector<1x16xf32> to vector<16xf32>
    %swap3A_698 = vector.shape_cast %broadcast_in_dim3A_3 : vector<16xf32> to vector<1x16xf32>
    tpu.vector_store %arg11[%swap3A_694, %swap3A_695], %swap3A_698 {strides = array<i32>} : memref<16x128xf32, #tpu.memory_space<vmem>>, vector<1x16xf32>,
    %swap3A_699 = arith.constant 14 : i32
    %swap3A_700 = arith.index_cast %swap3A_699 : i32 to index
    %swap3A_701 = arith.constant 64 : index
    %swap3A_702 = tpu.vector_load %arg11[%swap3A_700, %swap3A_701] {strides = array<i32>} : memref<16x128xf32, #tpu.memory_space<vmem>>, vector<1x16xf32>,
    %swap3A_703 = vector.shape_cast %swap3A_702 : vector<1x16xf32> to vector<16xf32>
    %swap3A_704 = vector.shape_cast %broadcast_in_dim3A_3 : vector<16xf32> to vector<1x16xf32>
    tpu.vector_store %arg11[%swap3A_700, %swap3A_701], %swap3A_704 {strides = array<i32>} : memref<16x128xf32, #tpu.memory_space<vmem>>, vector<1x16xf32>,
    %swap3A_705 = arith.constant 14 : i32
    %swap3A_706 = arith.index_cast %swap3A_705 : i32 to index
    %swap3A_707 = arith.constant 80 : index
    %swap3A_708 = tpu.vector_load %arg11[%swap3A_706, %swap3A_707] {strides = array<i32>} : memref<16x128xf32, #tpu.memory_space<vmem>>, vector<1x16xf32>,
    %swap3A_709 = vector.shape_cast %swap3A_708 : vector<1x16xf32> to vector<16xf32>
    %swap3A_710 = vector.shape_cast %broadcast_in_dim3A_3 : vector<16xf32> to vector<1x16xf32>
    tpu.vector_store %arg11[%swap3A_706, %swap3A_707], %swap3A_710 {strides = array<i32>} : memref<16x128xf32, #tpu.memory_space<vmem>>, vector<1x16xf32>,
    %swap3A_711 = arith.constant 14 : i32
    %swap3A_712 = arith.index_cast %swap3A_711 : i32 to index
    %swap3A_713 = arith.constant 96 : index
    %swap3A_714 = tpu.vector_load %arg11[%swap3A_712, %swap3A_713] {strides = array<i32>} : memref<16x128xf32, #tpu.memory_space<vmem>>, vector<1x16xf32>,
    %swap3A_715 = vector.shape_cast %swap3A_714 : vector<1x16xf32> to vector<16xf32>
    %swap3A_716 = vector.shape_cast %broadcast_in_dim3A_3 : vector<16xf32> to vector<1x16xf32>
    tpu.vector_store %arg11[%swap3A_712, %swap3A_713], %swap3A_716 {strides = array<i32>} : memref<16x128xf32, #tpu.memory_space<vmem>>, vector<1x16xf32>,
    %swap3A_717 = arith.constant 14 : i32
    %swap3A_718 = arith.index_cast %swap3A_717 : i32 to index
    %swap3A_719 = arith.constant 112 : index
    %swap3A_720 = tpu.vector_load %arg11[%swap3A_718, %swap3A_719] {strides = array<i32>} : memref<16x128xf32, #tpu.memory_space<vmem>>, vector<1x16xf32>,
    %swap3A_721 = vector.shape_cast %swap3A_720 : vector<1x16xf32> to vector<16xf32>
    %swap3A_722 = vector.shape_cast %broadcast_in_dim3A_3 : vector<16xf32> to vector<1x16xf32>
    tpu.vector_store %arg11[%swap3A_718, %swap3A_719], %swap3A_722 {strides = array<i32>} : memref<16x128xf32, #tpu.memory_space<vmem>>, vector<1x16xf32>,
    %swap3A_723 = arith.constant 15 : i32
    %swap3A_724 = arith.index_cast %swap3A_723 : i32 to index
    %swap3A_725 = arith.constant 0 : index
    %swap3A_726 = tpu.vector_load %arg11[%swap3A_724, %swap3A_725] {strides = array<i32>} : memref<16x128xf32, #tpu.memory_space<vmem>>, vector<1x16xf32>,
    %swap3A_727 = vector.shape_cast %swap3A_726 : vector<1x16xf32> to vector<16xf32>
    %swap3A_728 = vector.shape_cast %broadcast_in_dim3A_3 : vector<16xf32> to vector<1x16xf32>
    tpu.vector_store %arg11[%swap3A_724, %swap3A_725], %swap3A_728 {strides = array<i32>} : memref<16x128xf32, #tpu.memory_space<vmem>>, vector<1x16xf32>,
    %swap3A_729 = arith.constant 15 : i32
    %swap3A_730 = arith.index_cast %swap3A_729 : i32 to index
    %swap3A_731 = arith.constant 16 : index
    %swap3A_732 = tpu.vector_load %arg11[%swap3A_730, %swap3A_731] {strides = array<i32>} : memref<16x128xf32, #tpu.memory_space<vmem>>, vector<1x16xf32>,
    %swap3A_733 = vector.shape_cast %swap3A_732 : vector<1x16xf32> to vector<16xf32>
    %swap3A_734 = vector.shape_cast %broadcast_in_dim3A_3 : vector<16xf32> to vector<1x16xf32>
    tpu.vector_store %arg11[%swap3A_730, %swap3A_731], %swap3A_734 {strides = array<i32>} : memref<16x128xf32, #tpu.memory_space<vmem>>, vector<1x16xf32>,
    %swap3A_735 = arith.constant 15 : i32
    %swap3A_736 = arith.index_cast %swap3A_735 : i32 to index
    %swap3A_737 = arith.constant 32 : index
    %swap3A_738 = tpu.vector_load %arg11[%swap3A_736, %swap3A_737] {strides = array<i32>} : memref<16x128xf32, #tpu.memory_space<vmem>>, vector<1x16xf32>,
    %swap3A_739 = vector.shape_cast %swap3A_738 : vector<1x16xf32> to vector<16xf32>
    %swap3A_740 = vector.shape_cast %broadcast_in_dim3A_3 : vector<16xf32> to vector<1x16xf32>
    tpu.vector_store %arg11[%swap3A_736, %swap3A_737], %swap3A_740 {strides = array<i32>} : memref<16x128xf32, #tpu.memory_space<vmem>>, vector<1x16xf32>,
    %swap3A_741 = arith.constant 15 : i32
    %swap3A_742 = arith.index_cast %swap3A_741 : i32 to index
    %swap3A_743 = arith.constant 48 : index
    %swap3A_744 = tpu.vector_load %arg11[%swap3A_742, %swap3A_743] {strides = array<i32>} : memref<16x128xf32, #tpu.memory_space<vmem>>, vector<1x16xf32>,
    %swap3A_745 = vector.shape_cast %swap3A_744 : vector<1x16xf32> to vector<16xf32>
    %swap3A_746 = vector.shape_cast %broadcast_in_dim3A_3 : vector<16xf32> to vector<1x16xf32>
    tpu.vector_store %arg11[%swap3A_742, %swap3A_743], %swap3A_746 {strides = array<i32>} : memref<16x128xf32, #tpu.memory_space<vmem>>, vector<1x16xf32>,
    %swap3A_747 = arith.constant 15 : i32
    %swap3A_748 = arith.index_cast %swap3A_747 : i32 to index
    %swap3A_749 = arith.constant 64 : index
    %swap3A_750 = tpu.vector_load %arg11[%swap3A_748, %swap3A_749] {strides = array<i32>} : memref<16x128xf32, #tpu.memory_space<vmem>>, vector<1x16xf32>,
    %swap3A_751 = vector.shape_cast %swap3A_750 : vector<1x16xf32> to vector<16xf32>
    %swap3A_752 = vector.shape_cast %broadcast_in_dim3A_3 : vector<16xf32> to vector<1x16xf32>
    tpu.vector_store %arg11[%swap3A_748, %swap3A_749], %swap3A_752 {strides = array<i32>} : memref<16x128xf32, #tpu.memory_space<vmem>>, vector<1x16xf32>,
    %swap3A_753 = arith.constant 15 : i32
    %swap3A_754 = arith.index_cast %swap3A_753 : i32 to index
    %swap3A_755 = arith.constant 80 : index
    %swap3A_756 = tpu.vector_load %arg11[%swap3A_754, %swap3A_755] {strides = array<i32>} : memref<16x128xf32, #tpu.memory_space<vmem>>, vector<1x16xf32>,
    %swap3A_757 = vector.shape_cast %swap3A_756 : vector<1x16xf32> to vector<16xf32>
    %swap3A_758 = vector.shape_cast %broadcast_in_dim3A_3 : vector<16xf32> to vector<1x16xf32>
    tpu.vector_store %arg11[%swap3A_754, %swap3A_755], %swap3A_758 {strides = array<i32>} : memref<16x128xf32, #tpu.memory_space<vmem>>, vector<1x16xf32>,
    %swap3A_759 = arith.constant 15 : i32
    %swap3A_760 = arith.index_cast %swap3A_759 : i32 to index
    %swap3A_761 = arith.constant 96 : index
    %swap3A_762 = tpu.vector_load %arg11[%swap3A_760, %swap3A_761] {strides = array<i32>} : memref<16x128xf32, #tpu.memory_space<vmem>>, vector<1x16xf32>,
    %swap3A_763 = vector.shape_cast %swap3A_762 : vector<1x16xf32> to vector<16xf32>
    %swap3A_764 = vector.shape_cast %broadcast_in_dim3A_3 : vector<16xf32> to vector<1x16xf32>
    tpu.vector_store %arg11[%swap3A_760, %swap3A_761], %swap3A_764 {strides = array<i32>} : memref<16x128xf32, #tpu.memory_space<vmem>>, vector<1x16xf32>,
    %swap3A_765 = arith.constant 15 : i32
    %swap3A_766 = arith.index_cast %swap3A_765 : i32 to index
    %swap3A_767 = arith.constant 112 : index
    %swap3A_768 = tpu.vector_load %arg11[%swap3A_766, %swap3A_767] {strides = array<i32>} : memref<16x128xf32, #tpu.memory_space<vmem>>, vector<1x16xf32>,
    %swap3A_769 = vector.shape_cast %swap3A_768 : vector<1x16xf32> to vector<16xf32>
    %swap3A_770 = vector.shape_cast %broadcast_in_dim3A_3 : vector<16xf32> to vector<1x16xf32>
    tpu.vector_store %arg11[%swap3A_766, %swap3A_767], %swap3A_770 {strides = array<i32>} : memref<16x128xf32, #tpu.memory_space<vmem>>, vector<1x16xf32>,
    %broadcast_in_dim3A_771 = arith.constant 1.000000e+00 : f32
    %broadcast_in_dim3A_772 = vector.broadcast %broadcast_in_dim3A_771 : f32 to vector<16xf32>
    %swap3A_773 = arith.constant 0 : index
    %swap3A_774 = tpu.vector_load %arg16[%swap3A_773] {strides = array<i32>} : memref<128xf32, #tpu.memory_space<vmem>>, vector<16xf32>,
    %swap3A_775 = vector.shape_cast %swap3A_774 : vector<16xf32> to vector<16xf32>
    %swap3A_776 = vector.shape_cast %broadcast_in_dim3A_772 : vector<16xf32> to vector<16xf32>
    tpu.vector_store %arg16[%swap3A_773], %swap3A_776 {strides = array<i32>} : memref<128xf32, #tpu.memory_space<vmem>>, vector<16xf32>,
    %swap3A_777 = arith.constant 16 : index
    %swap3A_778 = tpu.vector_load %arg16[%swap3A_777] {strides = array<i32>} : memref<128xf32, #tpu.memory_space<vmem>>, vector<16xf32>,
    %swap3A_779 = vector.shape_cast %swap3A_778 : vector<16xf32> to vector<16xf32>
    %swap3A_780 = vector.shape_cast %broadcast_in_dim3A_772 : vector<16xf32> to vector<16xf32>
    tpu.vector_store %arg16[%swap3A_777], %swap3A_780 {strides = array<i32>} : memref<128xf32, #tpu.memory_space<vmem>>, vector<16xf32>,
    %swap3A_781 = arith.constant 32 : index
    %swap3A_782 = tpu.vector_load %arg16[%swap3A_781] {strides = array<i32>} : memref<128xf32, #tpu.memory_space<vmem>>, vector<16xf32>,
    %swap3A_783 = vector.shape_cast %swap3A_782 : vector<16xf32> to vector<16xf32>
    %swap3A_784 = vector.shape_cast %broadcast_in_dim3A_772 : vector<16xf32> to vector<16xf32>
    tpu.vector_store %arg16[%swap3A_781], %swap3A_784 {strides = array<i32>} : memref<128xf32, #tpu.memory_space<vmem>>, vector<16xf32>,
    %swap3A_785 = arith.constant 48 : index
    %swap3A_786 = tpu.vector_load %arg16[%swap3A_785] {strides = array<i32>} : memref<128xf32, #tpu.memory_space<vmem>>, vector<16xf32>,
    %swap3A_787 = vector.shape_cast %swap3A_786 : vector<16xf32> to vector<16xf32>
    %swap3A_788 = vector.shape_cast %broadcast_in_dim3A_772 : vector<16xf32> to vector<16xf32>
    tpu.vector_store %arg16[%swap3A_785], %swap3A_788 {strides = array<i32>} : memref<128xf32, #tpu.memory_space<vmem>>, vector<16xf32>,
    %swap3A_789 = arith.constant 64 : index
    %swap3A_790 = tpu.vector_load %arg16[%swap3A_789] {strides = array<i32>} : memref<128xf32, #tpu.memory_space<vmem>>, vector<16xf32>,
    %swap3A_791 = vector.shape_cast %swap3A_790 : vector<16xf32> to vector<16xf32>
    %swap3A_792 = vector.shape_cast %broadcast_in_dim3A_772 : vector<16xf32> to vector<16xf32>
    tpu.vector_store %arg16[%swap3A_789], %swap3A_792 {strides = array<i32>} : memref<128xf32, #tpu.memory_space<vmem>>, vector<16xf32>,
    %swap3A_793 = arith.constant 80 : index
    %swap3A_794 = tpu.vector_load %arg16[%swap3A_793] {strides = array<i32>} : memref<128xf32, #tpu.memory_space<vmem>>, vector<16xf32>,
    %swap3A_795 = vector.shape_cast %swap3A_794 : vector<16xf32> to vector<16xf32>
    %swap3A_796 = vector.shape_cast %broadcast_in_dim3A_772 : vector<16xf32> to vector<16xf32>
    tpu.vector_store %arg16[%swap3A_793], %swap3A_796 {strides = array<i32>} : memref<128xf32, #tpu.memory_space<vmem>>, vector<16xf32>,
    %swap3A_797 = arith.constant 96 : index
    %swap3A_798 = tpu.vector_load %arg16[%swap3A_797] {strides = array<i32>} : memref<128xf32, #tpu.memory_space<vmem>>, vector<16xf32>,
    %swap3A_799 = vector.shape_cast %swap3A_798 : vector<16xf32> to vector<16xf32>
    %swap3A_800 = vector.shape_cast %broadcast_in_dim3A_772 : vector<16xf32> to vector<16xf32>
    tpu.vector_store %arg16[%swap3A_797], %swap3A_800 {strides = array<i32>} : memref<128xf32, #tpu.memory_space<vmem>>, vector<16xf32>,
    %swap3A_801 = arith.constant 112 : index
    %swap3A_802 = tpu.vector_load %arg16[%swap3A_801] {strides = array<i32>} : memref<128xf32, #tpu.memory_space<vmem>>, vector<16xf32>,
    %swap3A_803 = vector.shape_cast %swap3A_802 : vector<16xf32> to vector<16xf32>
    %swap3A_804 = vector.shape_cast %broadcast_in_dim3A_772 : vector<16xf32> to vector<16xf32>
    tpu.vector_store %arg16[%swap3A_801], %swap3A_804 {strides = array<i32>} : memref<128xf32, #tpu.memory_space<vmem>>, vector<16xf32>,
    %scan3A = arith.constant 0 : i32
    %scan3A_805 = arith.constant 0 : i32
    %scan3A_806 = arith.constant 40 : i32
    %scan3A_807 = arith.addi %scan3A_805, %scan3A_806 : i32
    %scan3A_808 = arith.constant 1 : i32
    scf.for %scan3A_890 = %scan3A_805 to %scan3A_807 step %scan3A_808  : i32 {
      %mul3A_891 = arith.constant 16 : i32
      %mul3A_892 = arith.muli %scan3A_890, %mul3A_891 : i32
      %swap3A_893 = arith.index_cast %mul3A_892 : i32 to index
      %swap3A_894 = tpu.vector_load %arg15[%swap3A_893] {strides = array<i32>} : memref<640xf32, #tpu.memory_space<vmem>>, vector<16xf32>,
      %swap3A_895 = vector.shape_cast %swap3A_894 : vector<16xf32> to vector<16xf32>
      %swap3A_896 = vector.shape_cast %broadcast_in_dim3A_3 : vector<16xf32> to vector<16xf32>
      tpu.vector_store %arg15[%swap3A_893], %swap3A_896 {strides = array<i32>} : memref<640xf32, #tpu.memory_space<vmem>>, vector<16xf32>,
    }
    %scan3A_809 = arith.constant 40 : i32
    %scan3A_810 = arith.constant 0 : i32
    %scan3A_811 = arith.constant 0 : i32
    %scan3A_812 = arith.constant 40 : i32
    %scan3A_813 = arith.addi %scan3A_811, %scan3A_812 : i32
    %scan3A_814 = arith.constant 1 : i32
    scf.for %scan3A_890 = %scan3A_811 to %scan3A_813 step %scan3A_814  : i32 {
      %mul3A_891 = arith.constant 16 : i32
      %mul3A_892 = arith.muli %scan3A_890, %mul3A_891 : i32
      %add3A_893 = arith.addi %mul3A_2, %mul3A_892 : i32
      "tpu.region"() ({
        %run_scoped3A_894 = tpu.sem_alloc : memref<!tpu.dma_semaphore, #tpu.memory_space<semaphore_mem>>
        %dma_start3A_895 = arith.constant 0 : i32
        %dma_start3A_896 = tpu.memref_slice %arg12[%add3A_893, %dma_start3A_895] : memref<10240x128xf32, #tpu.memory_space<vmem_shared>> -> memref<16x128xf32, #tpu.memory_space<vmem_shared>>
        %dma_start3A_897 = arith.constant 0 : i32
        %dma_start3A_898 = tpu.memref_slice %arg12[%add3A_893, %dma_start3A_897] : memref<10240x128xf32, #tpu.memory_space<vmem_shared>> -> memref<16x128xf32, #tpu.memory_space<vmem_shared>>
        tpu.enqueue_dma source(%arg11 : memref<16x128xf32, #tpu.memory_space<vmem>>) target(%dma_start3A_898 : memref<16x128xf32, #tpu.memory_space<vmem_shared>>) target_semaphore(%run_scoped3A_894 : memref<!tpu.dma_semaphore, #tpu.memory_space<semaphore_mem>>)
        %dma_wait3A_899 = arith.constant 0 : i32
        %dma_wait3A_900 = tpu.memref_slice %arg12[%add3A_893, %dma_wait3A_899] : memref<10240x128xf32, #tpu.memory_space<vmem_shared>> -> memref<16x128xf32, #tpu.memory_space<vmem_shared>>
        %dma_wait3A_901 = arith.constant 0 : i32
        %dma_wait3A_902 = tpu.memref_slice %arg12[%add3A_893, %dma_wait3A_901] : memref<10240x128xf32, #tpu.memory_space<vmem_shared>> -> memref<16x128xf32, #tpu.memory_space<vmem_shared>>
        tpu.wait_dma2 semaphore(%run_scoped3A_894 : memref<!tpu.dma_semaphore, #tpu.memory_space<semaphore_mem>>) src(%arg11 : memref<16x128xf32, #tpu.memory_space<vmem>>) dst(%dma_wait3A_902 : memref<16x128xf32, #tpu.memory_space<vmem_shared>>)
        tpu.yield
      }) : () -> ()
    }
    %scan3A_815 = arith.constant 40 : i32
    "tpu.region"() ({
      %run_scoped3A_890 = tpu.sem_alloc : memref<!tpu.dma_semaphore, #tpu.memory_space<semaphore_mem>>
      %dma_start3A_891 = tpu.memref_slice %arg17[%mul3A_2] : memref<10240xf32, #tpu.memory_space<vmem_shared>> -> memref<640xf32, #tpu.memory_space<vmem_shared>>
      %dma_start3A_892 = tpu.memref_slice %arg17[%mul3A_2] : memref<10240xf32, #tpu.memory_space<vmem_shared>> -> memref<640xf32, #tpu.memory_space<vmem_shared>>
      tpu.enqueue_dma source(%arg15 : memref<640xf32, #tpu.memory_space<vmem>>) target(%dma_start3A_892 : memref<640xf32, #tpu.memory_space<vmem_shared>>) target_semaphore(%run_scoped3A_890 : memref<!tpu.dma_semaphore, #tpu.memory_space<semaphore_mem>>)
      %dma_wait3A_893 = tpu.memref_slice %arg17[%mul3A_2] : memref<10240xf32, #tpu.memory_space<vmem_shared>> -> memref<640xf32, #tpu.memory_space<vmem_shared>>
      %dma_wait3A_894 = tpu.memref_slice %arg17[%mul3A_2] : memref<10240xf32, #tpu.memory_space<vmem_shared>> -> memref<640xf32, #tpu.memory_space<vmem_shared>>
      tpu.wait_dma2 semaphore(%run_scoped3A_890 : memref<!tpu.dma_semaphore, #tpu.memory_space<semaphore_mem>>) src(%arg15 : memref<640xf32, #tpu.memory_space<vmem>>) dst(%dma_wait3A_894 : memref<640xf32, #tpu.memory_space<vmem_shared>>)
      tpu.yield
    }) : () -> ()
    %barrier3A = arith.constant 0 : index
    tpu.barrier barrier_id(%barrier3A)
    "tpu.region"() ({
      %run_scoped3A_890 = tpu.sem_alloc : memref<!tpu.dma_semaphore, #tpu.memory_space<semaphore_mem>>
      %dma_start3A_891 = arith.constant 0 : i32
      %dma_start3A_892 = arith.constant 0 : i32
      %dma_start3A_893 = tpu.memref_slice %arg3[%add3A, %dma_start3A_891, %dma_start3A_892] : memref<32x80x128xi32, #tpu.memory_space<hbm>> -> memref<1x40x128xi32, #tpu.memory_space<hbm>>
      %dma_start3A_894 = tpu.memref_squeeze %dma_start3A_893 : memref<1x40x128xi32, #tpu.memory_space<hbm>> -> memref<40x128xi32, #tpu.memory_space<hbm>>
      %dma_start3A_895 = arith.constant 0 : i32
      %dma_start3A_896 = arith.constant 0 : i32
      %dma_start3A_897 = tpu.memref_slice %arg3[%add3A, %dma_start3A_895, %dma_start3A_896] : memref<32x80x128xi32, #tpu.memory_space<hbm>> -> memref<1x40x128xi32, #tpu.memory_space<hbm>>
      %dma_start3A_898 = tpu.memref_squeeze %dma_start3A_897 : memref<1x40x128xi32, #tpu.memory_space<hbm>> -> memref<40x128xi32, #tpu.memory_space<hbm>>
      tpu.enqueue_dma source(%dma_start3A_898 : memref<40x128xi32, #tpu.memory_space<hbm>>) target(%arg7 : memref<40x128xi32, #tpu.memory_space<vmem>>) target_semaphore(%run_scoped3A_890 : memref<!tpu.dma_semaphore, #tpu.memory_space<semaphore_mem>>)
      %dma_wait3A_899 = arith.constant 0 : i32
      %dma_wait3A_900 = arith.constant 0 : i32
      %dma_wait3A_901 = tpu.memref_slice %arg3[%add3A, %dma_wait3A_899, %dma_wait3A_900] : memref<32x80x128xi32, #tpu.memory_space<hbm>> -> memref<1x40x128xi32, #tpu.memory_space<hbm>>
      %dma_wait3A_902 = tpu.memref_squeeze %dma_wait3A_901 : memref<1x40x128xi32, #tpu.memory_space<hbm>> -> memref<40x128xi32, #tpu.memory_space<hbm>>
      %dma_wait3A_903 = arith.constant 0 : i32
      %dma_wait3A_904 = arith.constant 0 : i32
      %dma_wait3A_905 = tpu.memref_slice %arg3[%add3A, %dma_wait3A_903, %dma_wait3A_904] : memref<32x80x128xi32, #tpu.memory_space<hbm>> -> memref<1x40x128xi32, #tpu.memory_space<hbm>>
      %dma_wait3A_906 = tpu.memref_squeeze %dma_wait3A_905 : memref<1x40x128xi32, #tpu.memory_space<hbm>> -> memref<40x128xi32, #tpu.memory_space<hbm>>
      tpu.wait_dma2 semaphore(%run_scoped3A_890 : memref<!tpu.dma_semaphore, #tpu.memory_space<semaphore_mem>>) src(%dma_wait3A_906 : memref<40x128xi32, #tpu.memory_space<hbm>>) dst(%arg7 : memref<40x128xi32, #tpu.memory_space<vmem>>)
      tpu.yield
    }) : () -> ()
    "tpu.region"() ({
      %run_scoped3A_890 = tpu.sem_alloc : memref<!tpu.dma_semaphore, #tpu.memory_space<semaphore_mem>>
      %dma_start3A_891 = arith.constant 0 : i32
      %dma_start3A_892 = arith.constant 0 : i32
      %dma_start3A_893 = tpu.memref_slice %arg4[%add3A, %dma_start3A_891, %dma_start3A_892] : memref<32x80x128xi32, #tpu.memory_space<hbm>> -> memref<1x40x128xi32, #tpu.memory_space<hbm>>
      %dma_start3A_894 = tpu.memref_squeeze %dma_start3A_893 : memref<1x40x128xi32, #tpu.memory_space<hbm>> -> memref<40x128xi32, #tpu.memory_space<hbm>>
      %dma_start3A_895 = arith.constant 0 : i32
      %dma_start3A_896 = arith.constant 0 : i32
      %dma_start3A_897 = tpu.memref_slice %arg4[%add3A, %dma_start3A_895, %dma_start3A_896] : memref<32x80x128xi32, #tpu.memory_space<hbm>> -> memref<1x40x128xi32, #tpu.memory_space<hbm>>
      %dma_start3A_898 = tpu.memref_squeeze %dma_start3A_897 : memref<1x40x128xi32, #tpu.memory_space<hbm>> -> memref<40x128xi32, #tpu.memory_space<hbm>>
      tpu.enqueue_dma source(%dma_start3A_898 : memref<40x128xi32, #tpu.memory_space<hbm>>) target(%arg8 : memref<40x128xi32, #tpu.memory_space<vmem>>) target_semaphore(%run_scoped3A_890 : memref<!tpu.dma_semaphore, #tpu.memory_space<semaphore_mem>>)
      %dma_wait3A_899 = arith.constant 0 : i32
      %dma_wait3A_900 = arith.constant 0 : i32
      %dma_wait3A_901 = tpu.memref_slice %arg4[%add3A, %dma_wait3A_899, %dma_wait3A_900] : memref<32x80x128xi32, #tpu.memory_space<hbm>> -> memref<1x40x128xi32, #tpu.memory_space<hbm>>
      %dma_wait3A_902 = tpu.memref_squeeze %dma_wait3A_901 : memref<1x40x128xi32, #tpu.memory_space<hbm>> -> memref<40x128xi32, #tpu.memory_space<hbm>>
      %dma_wait3A_903 = arith.constant 0 : i32
      %dma_wait3A_904 = arith.constant 0 : i32
      %dma_wait3A_905 = tpu.memref_slice %arg4[%add3A, %dma_wait3A_903, %dma_wait3A_904] : memref<32x80x128xi32, #tpu.memory_space<hbm>> -> memref<1x40x128xi32, #tpu.memory_space<hbm>>
      %dma_wait3A_906 = tpu.memref_squeeze %dma_wait3A_905 : memref<1x40x128xi32, #tpu.memory_space<hbm>> -> memref<40x128xi32, #tpu.memory_space<hbm>>
      tpu.wait_dma2 semaphore(%run_scoped3A_890 : memref<!tpu.dma_semaphore, #tpu.memory_space<semaphore_mem>>) src(%dma_wait3A_906 : memref<40x128xi32, #tpu.memory_space<hbm>>) dst(%arg8 : memref<40x128xi32, #tpu.memory_space<vmem>>)
      tpu.yield
    }) : () -> ()
    %dma_start3A = arith.constant 0 : i32
    %dma_start3A_816 = arith.constant 0 : i32
    %dma_start3A_817 = tpu.memref_slice %arg7[%dma_start3A, %dma_start3A_816] : memref<40x128xi32, #tpu.memory_space<vmem>> -> memref<1x128xi32, #tpu.memory_space<vmem>>
    %dma_start3A_818 = tpu.memref_squeeze %dma_start3A_817 : memref<1x128xi32, #tpu.memory_space<vmem>> -> memref<128xi32, #tpu.memory_space<vmem>>
    %dma_start3A_819 = arith.constant 0 : i32
    %dma_start3A_820 = arith.constant 0 : i32
    %dma_start3A_821 = tpu.memref_slice %arg2[%dma_start3A_819, %dma_start3A_820] : memref<10000x128xf32, #tpu.memory_space<hbm>> -> memref<10000x128xf32, #tpu.memory_space<hbm>>
    tpu.enqueue_indirect_dma source(%dma_start3A_821 : memref<10000x128xf32, #tpu.memory_space<hbm>>) target(%arg9 : memref<128x128xf32, #tpu.memory_space<vmem>>) offsets(%dma_start3A_818 : memref<128xi32, #tpu.memory_space<vmem>>) semaphore(%arg13 : memref<!tpu.dma_semaphore, #tpu.memory_space<semaphore_mem>>)
    %scan3A_822 = arith.constant 0 : i32
    %scan3A_823 = arith.constant 0 : i32
    %scan3A_824 = arith.constant 19 : i32
    %scan3A_825 = arith.addi %scan3A_823, %scan3A_824 : i32
    %scan3A_826 = arith.constant 1 : i32
    scf.for %scan3A_890 = %scan3A_823 to %scan3A_825 step %scan3A_826  : i32 {
      %mul3A_891 = arith.constant 2 : i32
      %mul3A_892 = arith.muli %mul3A_891, %scan3A_890 : i32
      %add3A_893 = arith.constant 1 : i32
      %add3A_894 = arith.addi %mul3A_892, %add3A_893 : i32
      %dma_start3A_895 = arith.constant 0 : i32
      %dma_start3A_896 = tpu.memref_slice %arg7[%add3A_894, %dma_start3A_895] : memref<40x128xi32, #tpu.memory_space<vmem>> -> memref<1x128xi32, #tpu.memory_space<vmem>>
      %dma_start3A_897 = tpu.memref_squeeze %dma_start3A_896 : memref<1x128xi32, #tpu.memory_space<vmem>> -> memref<128xi32, #tpu.memory_space<vmem>>
      %dma_start3A_898 = arith.constant 0 : i32
      %dma_start3A_899 = arith.constant 0 : i32
      %dma_start3A_900 = tpu.memref_slice %arg2[%dma_start3A_898, %dma_start3A_899] : memref<10000x128xf32, #tpu.memory_space<hbm>> -> memref<10000x128xf32, #tpu.memory_space<hbm>>
      tpu.enqueue_indirect_dma source(%dma_start3A_900 : memref<10000x128xf32, #tpu.memory_space<hbm>>) target(%arg10 : memref<128x128xf32, #tpu.memory_space<vmem>>) offsets(%dma_start3A_897 : memref<128xi32, #tpu.memory_space<vmem>>) semaphore(%arg14 : memref<!tpu.dma_semaphore, #tpu.memory_space<semaphore_mem>>)
      %dma_wait3A_901 = arith.constant 0 : i32
      %dma_wait3A_902 = tpu.memref_slice %arg7[%mul3A_892, %dma_wait3A_901] : memref<40x128xi32, #tpu.memory_space<vmem>> -> memref<1x128xi32, #tpu.memory_space<vmem>>
      %dma_wait3A_903 = tpu.memref_squeeze %dma_wait3A_902 : memref<1x128xi32, #tpu.memory_space<vmem>> -> memref<128xi32, #tpu.memory_space<vmem>>
      %dma_wait3A_904 = arith.constant 0 : i32
      %dma_wait3A_905 = arith.constant 0 : i32
      %dma_wait3A_906 = tpu.memref_slice %arg2[%dma_wait3A_904, %dma_wait3A_905] : memref<10000x128xf32, #tpu.memory_space<hbm>> -> memref<10000x128xf32, #tpu.memory_space<hbm>>
      tpu.wait_indirect_dma semaphore(%arg13 : memref<!tpu.dma_semaphore, #tpu.memory_space<semaphore_mem>>) src(%dma_wait3A_906 : memref<10000x128xf32, #tpu.memory_space<hbm>>) dst(%arg9 : memref<128x128xf32, #tpu.memory_space<vmem>>)
      "tpu.region"() ({
        %run_scoped3A_925 = tpu.sem_alloc : memref<!tpu.dma_semaphore, #tpu.memory_space<semaphore_mem>>
        %dma_start3A_926 = arith.constant 0 : i32
        %dma_start3A_927 = tpu.memref_slice %arg8[%mul3A_892, %dma_start3A_926] : memref<40x128xi32, #tpu.memory_space<vmem>> -> memref<1x128xi32, #tpu.memory_space<vmem>>
        %dma_start3A_928 = tpu.memref_squeeze %dma_start3A_927 : memref<1x128xi32, #tpu.memory_space<vmem>> -> memref<128xi32, #tpu.memory_space<vmem>>
        %dma_start3A_929 = arith.constant 0 : i32
        %dma_start3A_930 = arith.constant 0 : i32
        %dma_start3A_931 = tpu.memref_slice %arg12[%dma_start3A_929, %dma_start3A_930] : memref<10240x128xf32, #tpu.memory_space<vmem_shared>> -> memref<10240x128xf32, #tpu.memory_space<vmem_shared>>
        tpu.enqueue_indirect_dma source(%arg9 : memref<128x128xf32, #tpu.memory_space<vmem>>) target(%dma_start3A_931 : memref<10240x128xf32, #tpu.memory_space<vmem_shared>>) offsets(%dma_start3A_928 : memref<128xi32, #tpu.memory_space<vmem>>) semaphore(%run_scoped3A_925 : memref<!tpu.dma_semaphore, #tpu.memory_space<semaphore_mem>>) {add = true}
        %dma_wait3A_932 = arith.constant 0 : i32
        %dma_wait3A_933 = tpu.memref_slice %arg8[%mul3A_892, %dma_wait3A_932] : memref<40x128xi32, #tpu.memory_space<vmem>> -> memref<1x128xi32, #tpu.memory_space<vmem>>
        %dma_wait3A_934 = tpu.memref_squeeze %dma_wait3A_933 : memref<1x128xi32, #tpu.memory_space<vmem>> -> memref<128xi32, #tpu.memory_space<vmem>>
        %dma_wait3A_935 = arith.constant 0 : i32
        %dma_wait3A_936 = arith.constant 0 : i32
        %dma_wait3A_937 = tpu.memref_slice %arg12[%dma_wait3A_935, %dma_wait3A_936] : memref<10240x128xf32, #tpu.memory_space<vmem_shared>> -> memref<10240x128xf32, #tpu.memory_space<vmem_shared>>
        tpu.wait_indirect_dma semaphore(%run_scoped3A_925 : memref<!tpu.dma_semaphore, #tpu.memory_space<semaphore_mem>>) src(%arg9 : memref<128x128xf32, #tpu.memory_space<vmem>>) dst(%dma_wait3A_937 : memref<10240x128xf32, #tpu.memory_space<vmem_shared>>)
        tpu.yield
      }) : () -> ()
      "tpu.region"() ({
        %run_scoped3A_925 = tpu.sem_alloc : memref<!tpu.dma_semaphore, #tpu.memory_space<semaphore_mem>>
        %dma_start3A_926 = arith.constant 0 : i32
        %dma_start3A_927 = tpu.memref_slice %arg8[%mul3A_892, %dma_start3A_926] : memref<40x128xi32, #tpu.memory_space<vmem>> -> memref<1x128xi32, #tpu.memory_space<vmem>>
        %dma_start3A_928 = tpu.memref_squeeze %dma_start3A_927 : memref<1x128xi32, #tpu.memory_space<vmem>> -> memref<128xi32, #tpu.memory_space<vmem>>
        %dma_start3A_929 = arith.constant 0 : i32
        %dma_start3A_930 = tpu.memref_slice %arg17[%dma_start3A_929] : memref<10240xf32, #tpu.memory_space<vmem_shared>> -> memref<10240xf32, #tpu.memory_space<vmem_shared>>
        tpu.enqueue_indirect_dma source(%arg16 : memref<128xf32, #tpu.memory_space<vmem>>) target(%dma_start3A_930 : memref<10240xf32, #tpu.memory_space<vmem_shared>>) offsets(%dma_start3A_928 : memref<128xi32, #tpu.memory_space<vmem>>) semaphore(%run_scoped3A_925 : memref<!tpu.dma_semaphore, #tpu.memory_space<semaphore_mem>>) {add = true}
        %dma_wait3A_931 = arith.constant 0 : i32
        %dma_wait3A_932 = tpu.memref_slice %arg8[%mul3A_892, %dma_wait3A_931] : memref<40x128xi32, #tpu.memory_space<vmem>> -> memref<1x128xi32, #tpu.memory_space<vmem>>
        %dma_wait3A_933 = tpu.memref_squeeze %dma_wait3A_932 : memref<1x128xi32, #tpu.memory_space<vmem>> -> memref<128xi32, #tpu.memory_space<vmem>>
        %dma_wait3A_934 = arith.constant 0 : i32
        %dma_wait3A_935 = tpu.memref_slice %arg17[%dma_wait3A_934] : memref<10240xf32, #tpu.memory_space<vmem_shared>> -> memref<10240xf32, #tpu.memory_space<vmem_shared>>
        tpu.wait_indirect_dma semaphore(%run_scoped3A_925 : memref<!tpu.dma_semaphore, #tpu.memory_space<semaphore_mem>>) src(%arg16 : memref<128xf32, #tpu.memory_space<vmem>>) dst(%dma_wait3A_935 : memref<10240xf32, #tpu.memory_space<vmem_shared>>)
        tpu.yield
      }) : () -> ()
      %add3A_907 = arith.constant 2 : i32
      %add3A_908 = arith.addi %mul3A_892, %add3A_907 : i32
      %dma_start3A_909 = arith.constant 0 : i32
      %dma_start3A_910 = tpu.memref_slice %arg7[%add3A_908, %dma_start3A_909] : memref<40x128xi32, #tpu.memory_space<vmem>> -> memref<1x128xi32, #tpu.memory_space<vmem>>
      %dma_start3A_911 = tpu.memref_squeeze %dma_start3A_910 : memref<1x128xi32, #tpu.memory_space<vmem>> -> memref<128xi32, #tpu.memory_space<vmem>>
      %dma_start3A_912 = arith.constant 0 : i32
      %dma_start3A_913 = arith.constant 0 : i32
      %dma_start3A_914 = tpu.memref_slice %arg2[%dma_start3A_912, %dma_start3A_913] : memref<10000x128xf32, #tpu.memory_space<hbm>> -> memref<10000x128xf32, #tpu.memory_space<hbm>>
      tpu.enqueue_indirect_dma source(%dma_start3A_914 : memref<10000x128xf32, #tpu.memory_space<hbm>>) target(%arg9 : memref<128x128xf32, #tpu.memory_space<vmem>>) offsets(%dma_start3A_911 : memref<128xi32, #tpu.memory_space<vmem>>) semaphore(%arg13 : memref<!tpu.dma_semaphore, #tpu.memory_space<semaphore_mem>>)
      %add3A_915 = arith.constant 1 : i32
      %add3A_916 = arith.addi %mul3A_892, %add3A_915 : i32
      %dma_wait3A_917 = arith.constant 0 : i32
      %dma_wait3A_918 = tpu.memref_slice %arg7[%add3A_916, %dma_wait3A_917] : memref<40x128xi32, #tpu.memory_space<vmem>> -> memref<1x128xi32, #tpu.memory_space<vmem>>
      %dma_wait3A_919 = tpu.memref_squeeze %dma_wait3A_918 : memref<1x128xi32, #tpu.memory_space<vmem>> -> memref<128xi32, #tpu.memory_space<vmem>>
      %dma_wait3A_920 = arith.constant 0 : i32
      %dma_wait3A_921 = arith.constant 0 : i32
      %dma_wait3A_922 = tpu.memref_slice %arg2[%dma_wait3A_920, %dma_wait3A_921] : memref<10000x128xf32, #tpu.memory_space<hbm>> -> memref<10000x128xf32, #tpu.memory_space<hbm>>
      tpu.wait_indirect_dma semaphore(%arg14 : memref<!tpu.dma_semaphore, #tpu.memory_space<semaphore_mem>>) src(%dma_wait3A_922 : memref<10000x128xf32, #tpu.memory_space<hbm>>) dst(%arg10 : memref<128x128xf32, #tpu.memory_space<vmem>>)
      %add3A_923 = arith.constant 1 : i32
      %add3A_924 = arith.addi %mul3A_892, %add3A_923 : i32
      "tpu.region"() ({
        %run_scoped3A_925 = tpu.sem_alloc : memref<!tpu.dma_semaphore, #tpu.memory_space<semaphore_mem>>
        %dma_start3A_926 = arith.constant 0 : i32
        %dma_start3A_927 = tpu.memref_slice %arg8[%add3A_924, %dma_start3A_926] : memref<40x128xi32, #tpu.memory_space<vmem>> -> memref<1x128xi32, #tpu.memory_space<vmem>>
        %dma_start3A_928 = tpu.memref_squeeze %dma_start3A_927 : memref<1x128xi32, #tpu.memory_space<vmem>> -> memref<128xi32, #tpu.memory_space<vmem>>
        %dma_start3A_929 = arith.constant 0 : i32
        %dma_start3A_930 = arith.constant 0 : i32
        %dma_start3A_931 = tpu.memref_slice %arg12[%dma_start3A_929, %dma_start3A_930] : memref<10240x128xf32, #tpu.memory_space<vmem_shared>> -> memref<10240x128xf32, #tpu.memory_space<vmem_shared>>
        tpu.enqueue_indirect_dma source(%arg10 : memref<128x128xf32, #tpu.memory_space<vmem>>) target(%dma_start3A_931 : memref<10240x128xf32, #tpu.memory_space<vmem_shared>>) offsets(%dma_start3A_928 : memref<128xi32, #tpu.memory_space<vmem>>) semaphore(%run_scoped3A_925 : memref<!tpu.dma_semaphore, #tpu.memory_space<semaphore_mem>>) {add = true}
        %dma_wait3A_932 = arith.constant 0 : i32
        %dma_wait3A_933 = tpu.memref_slice %arg8[%add3A_924, %dma_wait3A_932] : memref<40x128xi32, #tpu.memory_space<vmem>> -> memref<1x128xi32, #tpu.memory_space<vmem>>
        %dma_wait3A_934 = tpu.memref_squeeze %dma_wait3A_933 : memref<1x128xi32, #tpu.memory_space<vmem>> -> memref<128xi32, #tpu.memory_space<vmem>>
        %dma_wait3A_935 = arith.constant 0 : i32
        %dma_wait3A_936 = arith.constant 0 : i32
        %dma_wait3A_937 = tpu.memref_slice %arg12[%dma_wait3A_935, %dma_wait3A_936] : memref<10240x128xf32, #tpu.memory_space<vmem_shared>> -> memref<10240x128xf32, #tpu.memory_space<vmem_shared>>
        tpu.wait_indirect_dma semaphore(%run_scoped3A_925 : memref<!tpu.dma_semaphore, #tpu.memory_space<semaphore_mem>>) src(%arg10 : memref<128x128xf32, #tpu.memory_space<vmem>>) dst(%dma_wait3A_937 : memref<10240x128xf32, #tpu.memory_space<vmem_shared>>)
        tpu.yield
      }) : () -> ()
      "tpu.region"() ({
        %run_scoped3A_925 = tpu.sem_alloc : memref<!tpu.dma_semaphore, #tpu.memory_space<semaphore_mem>>
        %dma_start3A_926 = arith.constant 0 : i32
        %dma_start3A_927 = tpu.memref_slice %arg8[%add3A_924, %dma_start3A_926] : memref<40x128xi32, #tpu.memory_space<vmem>> -> memref<1x128xi32, #tpu.memory_space<vmem>>
        %dma_start3A_928 = tpu.memref_squeeze %dma_start3A_927 : memref<1x128xi32, #tpu.memory_space<vmem>> -> memref<128xi32, #tpu.memory_space<vmem>>
        %dma_start3A_929 = arith.constant 0 : i32
        %dma_start3A_930 = tpu.memref_slice %arg17[%dma_start3A_929] : memref<10240xf32, #tpu.memory_space<vmem_shared>> -> memref<10240xf32, #tpu.memory_space<vmem_shared>>
        tpu.enqueue_indirect_dma source(%arg16 : memref<128xf32, #tpu.memory_space<vmem>>) target(%dma_start3A_930 : memref<10240xf32, #tpu.memory_space<vmem_shared>>) offsets(%dma_start3A_928 : memref<128xi32, #tpu.memory_space<vmem>>) semaphore(%run_scoped3A_925 : memref<!tpu.dma_semaphore, #tpu.memory_space<semaphore_mem>>) {add = true}
        %dma_wait3A_931 = arith.constant 0 : i32
        %dma_wait3A_932 = tpu.memref_slice %arg8[%add3A_924, %dma_wait3A_931] : memref<40x128xi32, #tpu.memory_space<vmem>> -> memref<1x128xi32, #tpu.memory_space<vmem>>
        %dma_wait3A_933 = tpu.memref_squeeze %dma_wait3A_932 : memref<1x128xi32, #tpu.memory_space<vmem>> -> memref<128xi32, #tpu.memory_space<vmem>>
        %dma_wait3A_934 = arith.constant 0 : i32
        %dma_wait3A_935 = tpu.memref_slice %arg17[%dma_wait3A_934] : memref<10240xf32, #tpu.memory_space<vmem_shared>> -> memref<10240xf32, #tpu.memory_space<vmem_shared>>
        tpu.wait_indirect_dma semaphore(%run_scoped3A_925 : memref<!tpu.dma_semaphore, #tpu.memory_space<semaphore_mem>>) src(%arg16 : memref<128xf32, #tpu.memory_space<vmem>>) dst(%dma_wait3A_935 : memref<10240xf32, #tpu.memory_space<vmem_shared>>)
        tpu.yield
      }) : () -> ()
    }
    %scan3A_827 = arith.constant 19 : i32
    %dma_start3A_828 = arith.constant 39 : i32
    %dma_start3A_829 = arith.constant 0 : i32
    %dma_start3A_830 = tpu.memref_slice %arg7[%dma_start3A_828, %dma_start3A_829] : memref<40x128xi32, #tpu.memory_space<vmem>> -> memref<1x128xi32, #tpu.memory_space<vmem>>
    %dma_start3A_831 = tpu.memref_squeeze %dma_start3A_830 : memref<1x128xi32, #tpu.memory_space<vmem>> -> memref<128xi32, #tpu.memory_space<vmem>>
    %dma_start3A_832 = arith.constant 0 : i32
    %dma_start3A_833 = arith.constant 0 : i32
    %dma_start3A_834 = tpu.memref_slice %arg2[%dma_start3A_832, %dma_start3A_833] : memref<10000x128xf32, #tpu.memory_space<hbm>> -> memref<10000x128xf32, #tpu.memory_space<hbm>>
    tpu.enqueue_indirect_dma source(%dma_start3A_834 : memref<10000x128xf32, #tpu.memory_space<hbm>>) target(%arg10 : memref<128x128xf32, #tpu.memory_space<vmem>>) offsets(%dma_start3A_831 : memref<128xi32, #tpu.memory_space<vmem>>) semaphore(%arg14 : memref<!tpu.dma_semaphore, #tpu.memory_space<semaphore_mem>>)
    %dma_wait3A = arith.constant 38 : i32
    %dma_wait3A_835 = arith.constant 0 : i32
    %dma_wait3A_836 = tpu.memref_slice %arg7[%dma_wait3A, %dma_wait3A_835] : memref<40x128xi32, #tpu.memory_space<vmem>> -> memref<1x128xi32, #tpu.memory_space<vmem>>
    %dma_wait3A_837 = tpu.memref_squeeze %dma_wait3A_836 : memref<1x128xi32, #tpu.memory_space<vmem>> -> memref<128xi32, #tpu.memory_space<vmem>>
    %dma_wait3A_838 = arith.constant 0 : i32
    %dma_wait3A_839 = arith.constant 0 : i32
    %dma_wait3A_840 = tpu.memref_slice %arg2[%dma_wait3A_838, %dma_wait3A_839] : memref<10000x128xf32, #tpu.memory_space<hbm>> -> memref<10000x128xf32, #tpu.memory_space<hbm>>
    tpu.wait_indirect_dma semaphore(%arg13 : memref<!tpu.dma_semaphore, #tpu.memory_space<semaphore_mem>>) src(%dma_wait3A_840 : memref<10000x128xf32, #tpu.memory_space<hbm>>) dst(%arg9 : memref<128x128xf32, #tpu.memory_space<vmem>>)
    %run_scoped3A = arith.constant 38 : i32
    "tpu.region"() ({
      %run_scoped3A_890 = tpu.sem_alloc : memref<!tpu.dma_semaphore, #tpu.memory_space<semaphore_mem>>
      %dma_start3A_891 = arith.constant 0 : i32
      %dma_start3A_892 = tpu.memref_slice %arg8[%run_scoped3A, %dma_start3A_891] : memref<40x128xi32, #tpu.memory_space<vmem>> -> memref<1x128xi32, #tpu.memory_space<vmem>>
      %dma_start3A_893 = tpu.memref_squeeze %dma_start3A_892 : memref<1x128xi32, #tpu.memory_space<vmem>> -> memref<128xi32, #tpu.memory_space<vmem>>
      %dma_start3A_894 = arith.constant 0 : i32
      %dma_start3A_895 = arith.constant 0 : i32
      %dma_start3A_896 = tpu.memref_slice %arg12[%dma_start3A_894, %dma_start3A_895] : memref<10240x128xf32, #tpu.memory_space<vmem_shared>> -> memref<10240x128xf32, #tpu.memory_space<vmem_shared>>
      tpu.enqueue_indirect_dma source(%arg9 : memref<128x128xf32, #tpu.memory_space<vmem>>) target(%dma_start3A_896 : memref<10240x128xf32, #tpu.memory_space<vmem_shared>>) offsets(%dma_start3A_893 : memref<128xi32, #tpu.memory_space<vmem>>) semaphore(%run_scoped3A_890 : memref<!tpu.dma_semaphore, #tpu.memory_space<semaphore_mem>>) {add = true}
      %dma_wait3A_897 = arith.constant 0 : i32
      %dma_wait3A_898 = tpu.memref_slice %arg8[%run_scoped3A, %dma_wait3A_897] : memref<40x128xi32, #tpu.memory_space<vmem>> -> memref<1x128xi32, #tpu.memory_space<vmem>>
      %dma_wait3A_899 = tpu.memref_squeeze %dma_wait3A_898 : memref<1x128xi32, #tpu.memory_space<vmem>> -> memref<128xi32, #tpu.memory_space<vmem>>
      %dma_wait3A_900 = arith.constant 0 : i32
      %dma_wait3A_901 = arith.constant 0 : i32
      %dma_wait3A_902 = tpu.memref_slice %arg12[%dma_wait3A_900, %dma_wait3A_901] : memref<10240x128xf32, #tpu.memory_space<vmem_shared>> -> memref<10240x128xf32, #tpu.memory_space<vmem_shared>>
      tpu.wait_indirect_dma semaphore(%run_scoped3A_890 : memref<!tpu.dma_semaphore, #tpu.memory_space<semaphore_mem>>) src(%arg9 : memref<128x128xf32, #tpu.memory_space<vmem>>) dst(%dma_wait3A_902 : memref<10240x128xf32, #tpu.memory_space<vmem_shared>>)
      tpu.yield
    }) : () -> ()
    %run_scoped3A_841 = arith.constant 38 : i32
    "tpu.region"() ({
      %run_scoped3A_890 = tpu.sem_alloc : memref<!tpu.dma_semaphore, #tpu.memory_space<semaphore_mem>>
      %dma_start3A_891 = arith.constant 0 : i32
      %dma_start3A_892 = tpu.memref_slice %arg8[%run_scoped3A_841, %dma_start3A_891] : memref<40x128xi32, #tpu.memory_space<vmem>> -> memref<1x128xi32, #tpu.memory_space<vmem>>
      %dma_start3A_893 = tpu.memref_squeeze %dma_start3A_892 : memref<1x128xi32, #tpu.memory_space<vmem>> -> memref<128xi32, #tpu.memory_space<vmem>>
      %dma_start3A_894 = arith.constant 0 : i32
      %dma_start3A_895 = tpu.memref_slice %arg17[%dma_start3A_894] : memref<10240xf32, #tpu.memory_space<vmem_shared>> -> memref<10240xf32, #tpu.memory_space<vmem_shared>>
      tpu.enqueue_indirect_dma source(%arg16 : memref<128xf32, #tpu.memory_space<vmem>>) target(%dma_start3A_895 : memref<10240xf32, #tpu.memory_space<vmem_shared>>) offsets(%dma_start3A_893 : memref<128xi32, #tpu.memory_space<vmem>>) semaphore(%run_scoped3A_890 : memref<!tpu.dma_semaphore, #tpu.memory_space<semaphore_mem>>) {add = true}
      %dma_wait3A_896 = arith.constant 0 : i32
      %dma_wait3A_897 = tpu.memref_slice %arg8[%run_scoped3A_841, %dma_wait3A_896] : memref<40x128xi32, #tpu.memory_space<vmem>> -> memref<1x128xi32, #tpu.memory_space<vmem>>
      %dma_wait3A_898 = tpu.memref_squeeze %dma_wait3A_897 : memref<1x128xi32, #tpu.memory_space<vmem>> -> memref<128xi32, #tpu.memory_space<vmem>>
      %dma_wait3A_899 = arith.constant 0 : i32
      %dma_wait3A_900 = tpu.memref_slice %arg17[%dma_wait3A_899] : memref<10240xf32, #tpu.memory_space<vmem_shared>> -> memref<10240xf32, #tpu.memory_space<vmem_shared>>
      tpu.wait_indirect_dma semaphore(%run_scoped3A_890 : memref<!tpu.dma_semaphore, #tpu.memory_space<semaphore_mem>>) src(%arg16 : memref<128xf32, #tpu.memory_space<vmem>>) dst(%dma_wait3A_900 : memref<10240xf32, #tpu.memory_space<vmem_shared>>)
      tpu.yield
    }) : () -> ()
    %dma_wait3A_842 = arith.constant 39 : i32
    %dma_wait3A_843 = arith.constant 0 : i32
    %dma_wait3A_844 = tpu.memref_slice %arg7[%dma_wait3A_842, %dma_wait3A_843] : memref<40x128xi32, #tpu.memory_space<vmem>> -> memref<1x128xi32, #tpu.memory_space<vmem>>
    %dma_wait3A_845 = tpu.memref_squeeze %dma_wait3A_844 : memref<1x128xi32, #tpu.memory_space<vmem>> -> memref<128xi32, #tpu.memory_space<vmem>>
    %dma_wait3A_846 = arith.constant 0 : i32
    %dma_wait3A_847 = arith.constant 0 : i32
    %dma_wait3A_848 = tpu.memref_slice %arg2[%dma_wait3A_846, %dma_wait3A_847] : memref<10000x128xf32, #tpu.memory_space<hbm>> -> memref<10000x128xf32, #tpu.memory_space<hbm>>
    tpu.wait_indirect_dma semaphore(%arg14 : memref<!tpu.dma_semaphore, #tpu.memory_space<semaphore_mem>>) src(%dma_wait3A_848 : memref<10000x128xf32, #tpu.memory_space<hbm>>) dst(%arg10 : memref<128x128xf32, #tpu.memory_space<vmem>>)
    %run_scoped3A_849 = arith.constant 39 : i32
    "tpu.region"() ({
      %run_scoped3A_890 = tpu.sem_alloc : memref<!tpu.dma_semaphore, #tpu.memory_space<semaphore_mem>>
      %dma_start3A_891 = arith.constant 0 : i32
      %dma_start3A_892 = tpu.memref_slice %arg8[%run_scoped3A_849, %dma_start3A_891] : memref<40x128xi32, #tpu.memory_space<vmem>> -> memref<1x128xi32, #tpu.memory_space<vmem>>
      %dma_start3A_893 = tpu.memref_squeeze %dma_start3A_892 : memref<1x128xi32, #tpu.memory_space<vmem>> -> memref<128xi32, #tpu.memory_space<vmem>>
      %dma_start3A_894 = arith.constant 0 : i32
      %dma_start3A_895 = arith.constant 0 : i32
      %dma_start3A_896 = tpu.memref_slice %arg12[%dma_start3A_894, %dma_start3A_895] : memref<10240x128xf32, #tpu.memory_space<vmem_shared>> -> memref<10240x128xf32, #tpu.memory_space<vmem_shared>>
      tpu.enqueue_indirect_dma source(%arg10 : memref<128x128xf32, #tpu.memory_space<vmem>>) target(%dma_start3A_896 : memref<10240x128xf32, #tpu.memory_space<vmem_shared>>) offsets(%dma_start3A_893 : memref<128xi32, #tpu.memory_space<vmem>>) semaphore(%run_scoped3A_890 : memref<!tpu.dma_semaphore, #tpu.memory_space<semaphore_mem>>) {add = true}
      %dma_wait3A_897 = arith.constant 0 : i32
      %dma_wait3A_898 = tpu.memref_slice %arg8[%run_scoped3A_849, %dma_wait3A_897] : memref<40x128xi32, #tpu.memory_space<vmem>> -> memref<1x128xi32, #tpu.memory_space<vmem>>
      %dma_wait3A_899 = tpu.memref_squeeze %dma_wait3A_898 : memref<1x128xi32, #tpu.memory_space<vmem>> -> memref<128xi32, #tpu.memory_space<vmem>>
      %dma_wait3A_900 = arith.constant 0 : i32
      %dma_wait3A_901 = arith.constant 0 : i32
      %dma_wait3A_902 = tpu.memref_slice %arg12[%dma_wait3A_900, %dma_wait3A_901] : memref<10240x128xf32, #tpu.memory_space<vmem_shared>> -> memref<10240x128xf32, #tpu.memory_space<vmem_shared>>
      tpu.wait_indirect_dma semaphore(%run_scoped3A_890 : memref<!tpu.dma_semaphore, #tpu.memory_space<semaphore_mem>>) src(%arg10 : memref<128x128xf32, #tpu.memory_space<vmem>>) dst(%dma_wait3A_902 : memref<10240x128xf32, #tpu.memory_space<vmem_shared>>)
      tpu.yield
    }) : () -> ()
    %run_scoped3A_850 = arith.constant 39 : i32
    "tpu.region"() ({
      %run_scoped3A_890 = tpu.sem_alloc : memref<!tpu.dma_semaphore, #tpu.memory_space<semaphore_mem>>
      %dma_start3A_891 = arith.constant 0 : i32
      %dma_start3A_892 = tpu.memref_slice %arg8[%run_scoped3A_850, %dma_start3A_891] : memref<40x128xi32, #tpu.memory_space<vmem>> -> memref<1x128xi32, #tpu.memory_space<vmem>>
      %dma_start3A_893 = tpu.memref_squeeze %dma_start3A_892 : memref<1x128xi32, #tpu.memory_space<vmem>> -> memref<128xi32, #tpu.memory_space<vmem>>
      %dma_start3A_894 = arith.constant 0 : i32
      %dma_start3A_895 = tpu.memref_slice %arg17[%dma_start3A_894] : memref<10240xf32, #tpu.memory_space<vmem_shared>> -> memref<10240xf32, #tpu.memory_space<vmem_shared>>
      tpu.enqueue_indirect_dma source(%arg16 : memref<128xf32, #tpu.memory_space<vmem>>) target(%dma_start3A_895 : memref<10240xf32, #tpu.memory_space<vmem_shared>>) offsets(%dma_start3A_893 : memref<128xi32, #tpu.memory_space<vmem>>) semaphore(%run_scoped3A_890 : memref<!tpu.dma_semaphore, #tpu.memory_space<semaphore_mem>>) {add = true}
      %dma_wait3A_896 = arith.constant 0 : i32
      %dma_wait3A_897 = tpu.memref_slice %arg8[%run_scoped3A_850, %dma_wait3A_896] : memref<40x128xi32, #tpu.memory_space<vmem>> -> memref<1x128xi32, #tpu.memory_space<vmem>>
      %dma_wait3A_898 = tpu.memref_squeeze %dma_wait3A_897 : memref<1x128xi32, #tpu.memory_space<vmem>> -> memref<128xi32, #tpu.memory_space<vmem>>
      %dma_wait3A_899 = arith.constant 0 : i32
      %dma_wait3A_900 = tpu.memref_slice %arg17[%dma_wait3A_899] : memref<10240xf32, #tpu.memory_space<vmem_shared>> -> memref<10240xf32, #tpu.memory_space<vmem_shared>>
      tpu.wait_indirect_dma semaphore(%run_scoped3A_890 : memref<!tpu.dma_semaphore, #tpu.memory_space<semaphore_mem>>) src(%arg16 : memref<128xf32, #tpu.memory_space<vmem>>) dst(%dma_wait3A_900 : memref<10240xf32, #tpu.memory_space<vmem_shared>>)
      tpu.yield
    }) : () -> ()
    "tpu.region"() ({
      %run_scoped3A_890 = tpu.sem_alloc : memref<!tpu.dma_semaphore, #tpu.memory_space<semaphore_mem>>
      %dma_start3A_891 = arith.constant 40 : i32
      %dma_start3A_892 = arith.constant 0 : i32
      %dma_start3A_893 = tpu.memref_slice %arg3[%add3A, %dma_start3A_891, %dma_start3A_892] : memref<32x80x128xi32, #tpu.memory_space<hbm>> -> memref<1x40x128xi32, #tpu.memory_space<hbm>>
      %dma_start3A_894 = tpu.memref_squeeze %dma_start3A_893 : memref<1x40x128xi32, #tpu.memory_space<hbm>> -> memref<40x128xi32, #tpu.memory_space<hbm>>
      %dma_start3A_895 = arith.constant 40 : i32
      %dma_start3A_896 = arith.constant 0 : i32
      %dma_start3A_897 = tpu.memref_slice %arg3[%add3A, %dma_start3A_895, %dma_start3A_896] : memref<32x80x128xi32, #tpu.memory_space<hbm>> -> memref<1x40x128xi32, #tpu.memory_space<hbm>>
      %dma_start3A_898 = tpu.memref_squeeze %dma_start3A_897 : memref<1x40x128xi32, #tpu.memory_space<hbm>> -> memref<40x128xi32, #tpu.memory_space<hbm>>
      tpu.enqueue_dma source(%dma_start3A_898 : memref<40x128xi32, #tpu.memory_space<hbm>>) target(%arg7 : memref<40x128xi32, #tpu.memory_space<vmem>>) target_semaphore(%run_scoped3A_890 : memref<!tpu.dma_semaphore, #tpu.memory_space<semaphore_mem>>)
      %dma_wait3A_899 = arith.constant 40 : i32
      %dma_wait3A_900 = arith.constant 0 : i32
      %dma_wait3A_901 = tpu.memref_slice %arg3[%add3A, %dma_wait3A_899, %dma_wait3A_900] : memref<32x80x128xi32, #tpu.memory_space<hbm>> -> memref<1x40x128xi32, #tpu.memory_space<hbm>>
      %dma_wait3A_902 = tpu.memref_squeeze %dma_wait3A_901 : memref<1x40x128xi32, #tpu.memory_space<hbm>> -> memref<40x128xi32, #tpu.memory_space<hbm>>
      %dma_wait3A_903 = arith.constant 40 : i32
      %dma_wait3A_904 = arith.constant 0 : i32
      %dma_wait3A_905 = tpu.memref_slice %arg3[%add3A, %dma_wait3A_903, %dma_wait3A_904] : memref<32x80x128xi32, #tpu.memory_space<hbm>> -> memref<1x40x128xi32, #tpu.memory_space<hbm>>
      %dma_wait3A_906 = tpu.memref_squeeze %dma_wait3A_905 : memref<1x40x128xi32, #tpu.memory_space<hbm>> -> memref<40x128xi32, #tpu.memory_space<hbm>>
      tpu.wait_dma2 semaphore(%run_scoped3A_890 : memref<!tpu.dma_semaphore, #tpu.memory_space<semaphore_mem>>) src(%dma_wait3A_906 : memref<40x128xi32, #tpu.memory_space<hbm>>) dst(%arg7 : memref<40x128xi32, #tpu.memory_space<vmem>>)
      tpu.yield
    }) : () -> ()
    "tpu.region"() ({
      %run_scoped3A_890 = tpu.sem_alloc : memref<!tpu.dma_semaphore, #tpu.memory_space<semaphore_mem>>
      %dma_start3A_891 = arith.constant 40 : i32
      %dma_start3A_892 = arith.constant 0 : i32
      %dma_start3A_893 = tpu.memref_slice %arg4[%add3A, %dma_start3A_891, %dma_start3A_892] : memref<32x80x128xi32, #tpu.memory_space<hbm>> -> memref<1x40x128xi32, #tpu.memory_space<hbm>>
      %dma_start3A_894 = tpu.memref_squeeze %dma_start3A_893 : memref<1x40x128xi32, #tpu.memory_space<hbm>> -> memref<40x128xi32, #tpu.memory_space<hbm>>
      %dma_start3A_895 = arith.constant 40 : i32
      %dma_start3A_896 = arith.constant 0 : i32
      %dma_start3A_897 = tpu.memref_slice %arg4[%add3A, %dma_start3A_895, %dma_start3A_896] : memref<32x80x128xi32, #tpu.memory_space<hbm>> -> memref<1x40x128xi32, #tpu.memory_space<hbm>>
      %dma_start3A_898 = tpu.memref_squeeze %dma_start3A_897 : memref<1x40x128xi32, #tpu.memory_space<hbm>> -> memref<40x128xi32, #tpu.memory_space<hbm>>
      tpu.enqueue_dma source(%dma_start3A_898 : memref<40x128xi32, #tpu.memory_space<hbm>>) target(%arg8 : memref<40x128xi32, #tpu.memory_space<vmem>>) target_semaphore(%run_scoped3A_890 : memref<!tpu.dma_semaphore, #tpu.memory_space<semaphore_mem>>)
      %dma_wait3A_899 = arith.constant 40 : i32
      %dma_wait3A_900 = arith.constant 0 : i32
      %dma_wait3A_901 = tpu.memref_slice %arg4[%add3A, %dma_wait3A_899, %dma_wait3A_900] : memref<32x80x128xi32, #tpu.memory_space<hbm>> -> memref<1x40x128xi32, #tpu.memory_space<hbm>>
      %dma_wait3A_902 = tpu.memref_squeeze %dma_wait3A_901 : memref<1x40x128xi32, #tpu.memory_space<hbm>> -> memref<40x128xi32, #tpu.memory_space<hbm>>
      %dma_wait3A_903 = arith.constant 40 : i32
      %dma_wait3A_904 = arith.constant 0 : i32
      %dma_wait3A_905 = tpu.memref_slice %arg4[%add3A, %dma_wait3A_903, %dma_wait3A_904] : memref<32x80x128xi32, #tpu.memory_space<hbm>> -> memref<1x40x128xi32, #tpu.memory_space<hbm>>
      %dma_wait3A_906 = tpu.memref_squeeze %dma_wait3A_905 : memref<1x40x128xi32, #tpu.memory_space<hbm>> -> memref<40x128xi32, #tpu.memory_space<hbm>>
      tpu.wait_dma2 semaphore(%run_scoped3A_890 : memref<!tpu.dma_semaphore, #tpu.memory_space<semaphore_mem>>) src(%dma_wait3A_906 : memref<40x128xi32, #tpu.memory_space<hbm>>) dst(%arg8 : memref<40x128xi32, #tpu.memory_space<vmem>>)
      tpu.yield
    }) : () -> ()
    %dma_start3A_851 = arith.constant 0 : i32
    %dma_start3A_852 = arith.constant 0 : i32
    %dma_start3A_853 = tpu.memref_slice %arg7[%dma_start3A_851, %dma_start3A_852] : memref<40x128xi32, #tpu.memory_space<vmem>> -> memref<1x128xi32, #tpu.memory_space<vmem>>
    %dma_start3A_854 = tpu.memref_squeeze %dma_start3A_853 : memref<1x128xi32, #tpu.memory_space<vmem>> -> memref<128xi32, #tpu.memory_space<vmem>>
    %dma_start3A_855 = arith.constant 0 : i32
    %dma_start3A_856 = arith.constant 0 : i32
    %dma_start3A_857 = tpu.memref_slice %arg2[%dma_start3A_855, %dma_start3A_856] : memref<10000x128xf32, #tpu.memory_space<hbm>> -> memref<10000x128xf32, #tpu.memory_space<hbm>>
    tpu.enqueue_indirect_dma source(%dma_start3A_857 : memref<10000x128xf32, #tpu.memory_space<hbm>>) target(%arg9 : memref<128x128xf32, #tpu.memory_space<vmem>>) offsets(%dma_start3A_854 : memref<128xi32, #tpu.memory_space<vmem>>) semaphore(%arg13 : memref<!tpu.dma_semaphore, #tpu.memory_space<semaphore_mem>>)
    %scan3A_858 = arith.constant 0 : i32
    %scan3A_859 = arith.constant 0 : i32
    %scan3A_860 = arith.constant 19 : i32
    %scan3A_861 = arith.addi %scan3A_859, %scan3A_860 : i32
    %scan3A_862 = arith.constant 1 : i32
    scf.for %scan3A_890 = %scan3A_859 to %scan3A_861 step %scan3A_862  : i32 {
      %mul3A_891 = arith.constant 2 : i32
      %mul3A_892 = arith.muli %mul3A_891, %scan3A_890 : i32
      %add3A_893 = arith.constant 1 : i32
      %add3A_894 = arith.addi %mul3A_892, %add3A_893 : i32
      %dma_start3A_895 = arith.constant 0 : i32
      %dma_start3A_896 = tpu.memref_slice %arg7[%add3A_894, %dma_start3A_895] : memref<40x128xi32, #tpu.memory_space<vmem>> -> memref<1x128xi32, #tpu.memory_space<vmem>>
      %dma_start3A_897 = tpu.memref_squeeze %dma_start3A_896 : memref<1x128xi32, #tpu.memory_space<vmem>> -> memref<128xi32, #tpu.memory_space<vmem>>
      %dma_start3A_898 = arith.constant 0 : i32
      %dma_start3A_899 = arith.constant 0 : i32
      %dma_start3A_900 = tpu.memref_slice %arg2[%dma_start3A_898, %dma_start3A_899] : memref<10000x128xf32, #tpu.memory_space<hbm>> -> memref<10000x128xf32, #tpu.memory_space<hbm>>
      tpu.enqueue_indirect_dma source(%dma_start3A_900 : memref<10000x128xf32, #tpu.memory_space<hbm>>) target(%arg10 : memref<128x128xf32, #tpu.memory_space<vmem>>) offsets(%dma_start3A_897 : memref<128xi32, #tpu.memory_space<vmem>>) semaphore(%arg14 : memref<!tpu.dma_semaphore, #tpu.memory_space<semaphore_mem>>)
      %dma_wait3A_901 = arith.constant 0 : i32
      %dma_wait3A_902 = tpu.memref_slice %arg7[%mul3A_892, %dma_wait3A_901] : memref<40x128xi32, #tpu.memory_space<vmem>> -> memref<1x128xi32, #tpu.memory_space<vmem>>
      %dma_wait3A_903 = tpu.memref_squeeze %dma_wait3A_902 : memref<1x128xi32, #tpu.memory_space<vmem>> -> memref<128xi32, #tpu.memory_space<vmem>>
      %dma_wait3A_904 = arith.constant 0 : i32
      %dma_wait3A_905 = arith.constant 0 : i32
      %dma_wait3A_906 = tpu.memref_slice %arg2[%dma_wait3A_904, %dma_wait3A_905] : memref<10000x128xf32, #tpu.memory_space<hbm>> -> memref<10000x128xf32, #tpu.memory_space<hbm>>
      tpu.wait_indirect_dma semaphore(%arg13 : memref<!tpu.dma_semaphore, #tpu.memory_space<semaphore_mem>>) src(%dma_wait3A_906 : memref<10000x128xf32, #tpu.memory_space<hbm>>) dst(%arg9 : memref<128x128xf32, #tpu.memory_space<vmem>>)
      "tpu.region"() ({
        %run_scoped3A_925 = tpu.sem_alloc : memref<!tpu.dma_semaphore, #tpu.memory_space<semaphore_mem>>
        %dma_start3A_926 = arith.constant 0 : i32
        %dma_start3A_927 = tpu.memref_slice %arg8[%mul3A_892, %dma_start3A_926] : memref<40x128xi32, #tpu.memory_space<vmem>> -> memref<1x128xi32, #tpu.memory_space<vmem>>
        %dma_start3A_928 = tpu.memref_squeeze %dma_start3A_927 : memref<1x128xi32, #tpu.memory_space<vmem>> -> memref<128xi32, #tpu.memory_space<vmem>>
        %dma_start3A_929 = arith.constant 0 : i32
        %dma_start3A_930 = arith.constant 0 : i32
        %dma_start3A_931 = tpu.memref_slice %arg12[%dma_start3A_929, %dma_start3A_930] : memref<10240x128xf32, #tpu.memory_space<vmem_shared>> -> memref<10240x128xf32, #tpu.memory_space<vmem_shared>>
        tpu.enqueue_indirect_dma source(%arg9 : memref<128x128xf32, #tpu.memory_space<vmem>>) target(%dma_start3A_931 : memref<10240x128xf32, #tpu.memory_space<vmem_shared>>) offsets(%dma_start3A_928 : memref<128xi32, #tpu.memory_space<vmem>>) semaphore(%run_scoped3A_925 : memref<!tpu.dma_semaphore, #tpu.memory_space<semaphore_mem>>) {add = true}
        %dma_wait3A_932 = arith.constant 0 : i32
        %dma_wait3A_933 = tpu.memref_slice %arg8[%mul3A_892, %dma_wait3A_932] : memref<40x128xi32, #tpu.memory_space<vmem>> -> memref<1x128xi32, #tpu.memory_space<vmem>>
        %dma_wait3A_934 = tpu.memref_squeeze %dma_wait3A_933 : memref<1x128xi32, #tpu.memory_space<vmem>> -> memref<128xi32, #tpu.memory_space<vmem>>
        %dma_wait3A_935 = arith.constant 0 : i32
        %dma_wait3A_936 = arith.constant 0 : i32
        %dma_wait3A_937 = tpu.memref_slice %arg12[%dma_wait3A_935, %dma_wait3A_936] : memref<10240x128xf32, #tpu.memory_space<vmem_shared>> -> memref<10240x128xf32, #tpu.memory_space<vmem_shared>>
        tpu.wait_indirect_dma semaphore(%run_scoped3A_925 : memref<!tpu.dma_semaphore, #tpu.memory_space<semaphore_mem>>) src(%arg9 : memref<128x128xf32, #tpu.memory_space<vmem>>) dst(%dma_wait3A_937 : memref<10240x128xf32, #tpu.memory_space<vmem_shared>>)
        tpu.yield
      }) : () -> ()
      "tpu.region"() ({
        %run_scoped3A_925 = tpu.sem_alloc : memref<!tpu.dma_semaphore, #tpu.memory_space<semaphore_mem>>
        %dma_start3A_926 = arith.constant 0 : i32
        %dma_start3A_927 = tpu.memref_slice %arg8[%mul3A_892, %dma_start3A_926] : memref<40x128xi32, #tpu.memory_space<vmem>> -> memref<1x128xi32, #tpu.memory_space<vmem>>
        %dma_start3A_928 = tpu.memref_squeeze %dma_start3A_927 : memref<1x128xi32, #tpu.memory_space<vmem>> -> memref<128xi32, #tpu.memory_space<vmem>>
        %dma_start3A_929 = arith.constant 0 : i32
        %dma_start3A_930 = tpu.memref_slice %arg17[%dma_start3A_929] : memref<10240xf32, #tpu.memory_space<vmem_shared>> -> memref<10240xf32, #tpu.memory_space<vmem_shared>>
        tpu.enqueue_indirect_dma source(%arg16 : memref<128xf32, #tpu.memory_space<vmem>>) target(%dma_start3A_930 : memref<10240xf32, #tpu.memory_space<vmem_shared>>) offsets(%dma_start3A_928 : memref<128xi32, #tpu.memory_space<vmem>>) semaphore(%run_scoped3A_925 : memref<!tpu.dma_semaphore, #tpu.memory_space<semaphore_mem>>) {add = true}
        %dma_wait3A_931 = arith.constant 0 : i32
        %dma_wait3A_932 = tpu.memref_slice %arg8[%mul3A_892, %dma_wait3A_931] : memref<40x128xi32, #tpu.memory_space<vmem>> -> memref<1x128xi32, #tpu.memory_space<vmem>>
        %dma_wait3A_933 = tpu.memref_squeeze %dma_wait3A_932 : memref<1x128xi32, #tpu.memory_space<vmem>> -> memref<128xi32, #tpu.memory_space<vmem>>
        %dma_wait3A_934 = arith.constant 0 : i32
        %dma_wait3A_935 = tpu.memref_slice %arg17[%dma_wait3A_934] : memref<10240xf32, #tpu.memory_space<vmem_shared>> -> memref<10240xf32, #tpu.memory_space<vmem_shared>>
        tpu.wait_indirect_dma semaphore(%run_scoped3A_925 : memref<!tpu.dma_semaphore, #tpu.memory_space<semaphore_mem>>) src(%arg16 : memref<128xf32, #tpu.memory_space<vmem>>) dst(%dma_wait3A_935 : memref<10240xf32, #tpu.memory_space<vmem_shared>>)
        tpu.yield
      }) : () -> ()
      %add3A_907 = arith.constant 2 : i32
      %add3A_908 = arith.addi %mul3A_892, %add3A_907 : i32
      %dma_start3A_909 = arith.constant 0 : i32
      %dma_start3A_910 = tpu.memref_slice %arg7[%add3A_908, %dma_start3A_909] : memref<40x128xi32, #tpu.memory_space<vmem>> -> memref<1x128xi32, #tpu.memory_space<vmem>>
      %dma_start3A_911 = tpu.memref_squeeze %dma_start3A_910 : memref<1x128xi32, #tpu.memory_space<vmem>> -> memref<128xi32, #tpu.memory_space<vmem>>
      %dma_start3A_912 = arith.constant 0 : i32
      %dma_start3A_913 = arith.constant 0 : i32
      %dma_start3A_914 = tpu.memref_slice %arg2[%dma_start3A_912, %dma_start3A_913] : memref<10000x128xf32, #tpu.memory_space<hbm>> -> memref<10000x128xf32, #tpu.memory_space<hbm>>
      tpu.enqueue_indirect_dma source(%dma_start3A_914 : memref<10000x128xf32, #tpu.memory_space<hbm>>) target(%arg9 : memref<128x128xf32, #tpu.memory_space<vmem>>) offsets(%dma_start3A_911 : memref<128xi32, #tpu.memory_space<vmem>>) semaphore(%arg13 : memref<!tpu.dma_semaphore, #tpu.memory_space<semaphore_mem>>)
      %add3A_915 = arith.constant 1 : i32
      %add3A_916 = arith.addi %mul3A_892, %add3A_915 : i32
      %dma_wait3A_917 = arith.constant 0 : i32
      %dma_wait3A_918 = tpu.memref_slice %arg7[%add3A_916, %dma_wait3A_917] : memref<40x128xi32, #tpu.memory_space<vmem>> -> memref<1x128xi32, #tpu.memory_space<vmem>>
      %dma_wait3A_919 = tpu.memref_squeeze %dma_wait3A_918 : memref<1x128xi32, #tpu.memory_space<vmem>> -> memref<128xi32, #tpu.memory_space<vmem>>
      %dma_wait3A_920 = arith.constant 0 : i32
      %dma_wait3A_921 = arith.constant 0 : i32
      %dma_wait3A_922 = tpu.memref_slice %arg2[%dma_wait3A_920, %dma_wait3A_921] : memref<10000x128xf32, #tpu.memory_space<hbm>> -> memref<10000x128xf32, #tpu.memory_space<hbm>>
      tpu.wait_indirect_dma semaphore(%arg14 : memref<!tpu.dma_semaphore, #tpu.memory_space<semaphore_mem>>) src(%dma_wait3A_922 : memref<10000x128xf32, #tpu.memory_space<hbm>>) dst(%arg10 : memref<128x128xf32, #tpu.memory_space<vmem>>)
      %add3A_923 = arith.constant 1 : i32
      %add3A_924 = arith.addi %mul3A_892, %add3A_923 : i32
      "tpu.region"() ({
        %run_scoped3A_925 = tpu.sem_alloc : memref<!tpu.dma_semaphore, #tpu.memory_space<semaphore_mem>>
        %dma_start3A_926 = arith.constant 0 : i32
        %dma_start3A_927 = tpu.memref_slice %arg8[%add3A_924, %dma_start3A_926] : memref<40x128xi32, #tpu.memory_space<vmem>> -> memref<1x128xi32, #tpu.memory_space<vmem>>
        %dma_start3A_928 = tpu.memref_squeeze %dma_start3A_927 : memref<1x128xi32, #tpu.memory_space<vmem>> -> memref<128xi32, #tpu.memory_space<vmem>>
        %dma_start3A_929 = arith.constant 0 : i32
        %dma_start3A_930 = arith.constant 0 : i32
        %dma_start3A_931 = tpu.memref_slice %arg12[%dma_start3A_929, %dma_start3A_930] : memref<10240x128xf32, #tpu.memory_space<vmem_shared>> -> memref<10240x128xf32, #tpu.memory_space<vmem_shared>>
        tpu.enqueue_indirect_dma source(%arg10 : memref<128x128xf32, #tpu.memory_space<vmem>>) target(%dma_start3A_931 : memref<10240x128xf32, #tpu.memory_space<vmem_shared>>) offsets(%dma_start3A_928 : memref<128xi32, #tpu.memory_space<vmem>>) semaphore(%run_scoped3A_925 : memref<!tpu.dma_semaphore, #tpu.memory_space<semaphore_mem>>) {add = true}
        %dma_wait3A_932 = arith.constant 0 : i32
        %dma_wait3A_933 = tpu.memref_slice %arg8[%add3A_924, %dma_wait3A_932] : memref<40x128xi32, #tpu.memory_space<vmem>> -> memref<1x128xi32, #tpu.memory_space<vmem>>
        %dma_wait3A_934 = tpu.memref_squeeze %dma_wait3A_933 : memref<1x128xi32, #tpu.memory_space<vmem>> -> memref<128xi32, #tpu.memory_space<vmem>>
        %dma_wait3A_935 = arith.constant 0 : i32
        %dma_wait3A_936 = arith.constant 0 : i32
        %dma_wait3A_937 = tpu.memref_slice %arg12[%dma_wait3A_935, %dma_wait3A_936] : memref<10240x128xf32, #tpu.memory_space<vmem_shared>> -> memref<10240x128xf32, #tpu.memory_space<vmem_shared>>
        tpu.wait_indirect_dma semaphore(%run_scoped3A_925 : memref<!tpu.dma_semaphore, #tpu.memory_space<semaphore_mem>>) src(%arg10 : memref<128x128xf32, #tpu.memory_space<vmem>>) dst(%dma_wait3A_937 : memref<10240x128xf32, #tpu.memory_space<vmem_shared>>)
        tpu.yield
      }) : () -> ()
      "tpu.region"() ({
        %run_scoped3A_925 = tpu.sem_alloc : memref<!tpu.dma_semaphore, #tpu.memory_space<semaphore_mem>>
        %dma_start3A_926 = arith.constant 0 : i32
        %dma_start3A_927 = tpu.memref_slice %arg8[%add3A_924, %dma_start3A_926] : memref<40x128xi32, #tpu.memory_space<vmem>> -> memref<1x128xi32, #tpu.memory_space<vmem>>
        %dma_start3A_928 = tpu.memref_squeeze %dma_start3A_927 : memref<1x128xi32, #tpu.memory_space<vmem>> -> memref<128xi32, #tpu.memory_space<vmem>>
        %dma_start3A_929 = arith.constant 0 : i32
        %dma_start3A_930 = tpu.memref_slice %arg17[%dma_start3A_929] : memref<10240xf32, #tpu.memory_space<vmem_shared>> -> memref<10240xf32, #tpu.memory_space<vmem_shared>>
        tpu.enqueue_indirect_dma source(%arg16 : memref<128xf32, #tpu.memory_space<vmem>>) target(%dma_start3A_930 : memref<10240xf32, #tpu.memory_space<vmem_shared>>) offsets(%dma_start3A_928 : memref<128xi32, #tpu.memory_space<vmem>>) semaphore(%run_scoped3A_925 : memref<!tpu.dma_semaphore, #tpu.memory_space<semaphore_mem>>) {add = true}
        %dma_wait3A_931 = arith.constant 0 : i32
        %dma_wait3A_932 = tpu.memref_slice %arg8[%add3A_924, %dma_wait3A_931] : memref<40x128xi32, #tpu.memory_space<vmem>> -> memref<1x128xi32, #tpu.memory_space<vmem>>
        %dma_wait3A_933 = tpu.memref_squeeze %dma_wait3A_932 : memref<1x128xi32, #tpu.memory_space<vmem>> -> memref<128xi32, #tpu.memory_space<vmem>>
        %dma_wait3A_934 = arith.constant 0 : i32
        %dma_wait3A_935 = tpu.memref_slice %arg17[%dma_wait3A_934] : memref<10240xf32, #tpu.memory_space<vmem_shared>> -> memref<10240xf32, #tpu.memory_space<vmem_shared>>
        tpu.wait_indirect_dma semaphore(%run_scoped3A_925 : memref<!tpu.dma_semaphore, #tpu.memory_space<semaphore_mem>>) src(%arg16 : memref<128xf32, #tpu.memory_space<vmem>>) dst(%dma_wait3A_935 : memref<10240xf32, #tpu.memory_space<vmem_shared>>)
        tpu.yield
      }) : () -> ()
    }
    %scan3A_863 = arith.constant 19 : i32
    %dma_start3A_864 = arith.constant 39 : i32
    %dma_start3A_865 = arith.constant 0 : i32
    %dma_start3A_866 = tpu.memref_slice %arg7[%dma_start3A_864, %dma_start3A_865] : memref<40x128xi32, #tpu.memory_space<vmem>> -> memref<1x128xi32, #tpu.memory_space<vmem>>
    %dma_start3A_867 = tpu.memref_squeeze %dma_start3A_866 : memref<1x128xi32, #tpu.memory_space<vmem>> -> memref<128xi32, #tpu.memory_space<vmem>>
    %dma_start3A_868 = arith.constant 0 : i32
    %dma_start3A_869 = arith.constant 0 : i32
    %dma_start3A_870 = tpu.memref_slice %arg2[%dma_start3A_868, %dma_start3A_869] : memref<10000x128xf32, #tpu.memory_space<hbm>> -> memref<10000x128xf32, #tpu.memory_space<hbm>>
    tpu.enqueue_indirect_dma source(%dma_start3A_870 : memref<10000x128xf32, #tpu.memory_space<hbm>>) target(%arg10 : memref<128x128xf32, #tpu.memory_space<vmem>>) offsets(%dma_start3A_867 : memref<128xi32, #tpu.memory_space<vmem>>) semaphore(%arg14 : memref<!tpu.dma_semaphore, #tpu.memory_space<semaphore_mem>>)
    %dma_wait3A_871 = arith.constant 38 : i32
    %dma_wait3A_872 = arith.constant 0 : i32
    %dma_wait3A_873 = tpu.memref_slice %arg7[%dma_wait3A_871, %dma_wait3A_872] : memref<40x128xi32, #tpu.memory_space<vmem>> -> memref<1x128xi32, #tpu.memory_space<vmem>>
    %dma_wait3A_874 = tpu.memref_squeeze %dma_wait3A_873 : memref<1x128xi32, #tpu.memory_space<vmem>> -> memref<128xi32, #tpu.memory_space<vmem>>
    %dma_wait3A_875 = arith.constant 0 : i32
    %dma_wait3A_876 = arith.constant 0 : i32
    %dma_wait3A_877 = tpu.memref_slice %arg2[%dma_wait3A_875, %dma_wait3A_876] : memref<10000x128xf32, #tpu.memory_space<hbm>> -> memref<10000x128xf32, #tpu.memory_space<hbm>>
    tpu.wait_indirect_dma semaphore(%arg13 : memref<!tpu.dma_semaphore, #tpu.memory_space<semaphore_mem>>) src(%dma_wait3A_877 : memref<10000x128xf32, #tpu.memory_space<hbm>>) dst(%arg9 : memref<128x128xf32, #tpu.memory_space<vmem>>)
    %run_scoped3A_878 = arith.constant 38 : i32
    "tpu.region"() ({
      %run_scoped3A_890 = tpu.sem_alloc : memref<!tpu.dma_semaphore, #tpu.memory_space<semaphore_mem>>
      %dma_start3A_891 = arith.constant 0 : i32
      %dma_start3A_892 = tpu.memref_slice %arg8[%run_scoped3A_878, %dma_start3A_891] : memref<40x128xi32, #tpu.memory_space<vmem>> -> memref<1x128xi32, #tpu.memory_space<vmem>>
      %dma_start3A_893 = tpu.memref_squeeze %dma_start3A_892 : memref<1x128xi32, #tpu.memory_space<vmem>> -> memref<128xi32, #tpu.memory_space<vmem>>
      %dma_start3A_894 = arith.constant 0 : i32
      %dma_start3A_895 = arith.constant 0 : i32
      %dma_start3A_896 = tpu.memref_slice %arg12[%dma_start3A_894, %dma_start3A_895] : memref<10240x128xf32, #tpu.memory_space<vmem_shared>> -> memref<10240x128xf32, #tpu.memory_space<vmem_shared>>
      tpu.enqueue_indirect_dma source(%arg9 : memref<128x128xf32, #tpu.memory_space<vmem>>) target(%dma_start3A_896 : memref<10240x128xf32, #tpu.memory_space<vmem_shared>>) offsets(%dma_start3A_893 : memref<128xi32, #tpu.memory_space<vmem>>) semaphore(%run_scoped3A_890 : memref<!tpu.dma_semaphore, #tpu.memory_space<semaphore_mem>>) {add = true}
      %dma_wait3A_897 = arith.constant 0 : i32
      %dma_wait3A_898 = tpu.memref_slice %arg8[%run_scoped3A_878, %dma_wait3A_897] : memref<40x128xi32, #tpu.memory_space<vmem>> -> memref<1x128xi32, #tpu.memory_space<vmem>>
      %dma_wait3A_899 = tpu.memref_squeeze %dma_wait3A_898 : memref<1x128xi32, #tpu.memory_space<vmem>> -> memref<128xi32, #tpu.memory_space<vmem>>
      %dma_wait3A_900 = arith.constant 0 : i32
      %dma_wait3A_901 = arith.constant 0 : i32
      %dma_wait3A_902 = tpu.memref_slice %arg12[%dma_wait3A_900, %dma_wait3A_901] : memref<10240x128xf32, #tpu.memory_space<vmem_shared>> -> memref<10240x128xf32, #tpu.memory_space<vmem_shared>>
      tpu.wait_indirect_dma semaphore(%run_scoped3A_890 : memref<!tpu.dma_semaphore, #tpu.memory_space<semaphore_mem>>) src(%arg9 : memref<128x128xf32, #tpu.memory_space<vmem>>) dst(%dma_wait3A_902 : memref<10240x128xf32, #tpu.memory_space<vmem_shared>>)
      tpu.yield
    }) : () -> ()
    %run_scoped3A_879 = arith.constant 38 : i32
    "tpu.region"() ({
      %run_scoped3A_890 = tpu.sem_alloc : memref<!tpu.dma_semaphore, #tpu.memory_space<semaphore_mem>>
      %dma_start3A_891 = arith.constant 0 : i32
      %dma_start3A_892 = tpu.memref_slice %arg8[%run_scoped3A_879, %dma_start3A_891] : memref<40x128xi32, #tpu.memory_space<vmem>> -> memref<1x128xi32, #tpu.memory_space<vmem>>
      %dma_start3A_893 = tpu.memref_squeeze %dma_start3A_892 : memref<1x128xi32, #tpu.memory_space<vmem>> -> memref<128xi32, #tpu.memory_space<vmem>>
      %dma_start3A_894 = arith.constant 0 : i32
      %dma_start3A_895 = tpu.memref_slice %arg17[%dma_start3A_894] : memref<10240xf32, #tpu.memory_space<vmem_shared>> -> memref<10240xf32, #tpu.memory_space<vmem_shared>>
      tpu.enqueue_indirect_dma source(%arg16 : memref<128xf32, #tpu.memory_space<vmem>>) target(%dma_start3A_895 : memref<10240xf32, #tpu.memory_space<vmem_shared>>) offsets(%dma_start3A_893 : memref<128xi32, #tpu.memory_space<vmem>>) semaphore(%run_scoped3A_890 : memref<!tpu.dma_semaphore, #tpu.memory_space<semaphore_mem>>) {add = true}
      %dma_wait3A_896 = arith.constant 0 : i32
      %dma_wait3A_897 = tpu.memref_slice %arg8[%run_scoped3A_879, %dma_wait3A_896] : memref<40x128xi32, #tpu.memory_space<vmem>> -> memref<1x128xi32, #tpu.memory_space<vmem>>
      %dma_wait3A_898 = tpu.memref_squeeze %dma_wait3A_897 : memref<1x128xi32, #tpu.memory_space<vmem>> -> memref<128xi32, #tpu.memory_space<vmem>>
      %dma_wait3A_899 = arith.constant 0 : i32
      %dma_wait3A_900 = tpu.memref_slice %arg17[%dma_wait3A_899] : memref<10240xf32, #tpu.memory_space<vmem_shared>> -> memref<10240xf32, #tpu.memory_space<vmem_shared>>
      tpu.wait_indirect_dma semaphore(%run_scoped3A_890 : memref<!tpu.dma_semaphore, #tpu.memory_space<semaphore_mem>>) src(%arg16 : memref<128xf32, #tpu.memory_space<vmem>>) dst(%dma_wait3A_900 : memref<10240xf32, #tpu.memory_space<vmem_shared>>)
      tpu.yield
    }) : () -> ()
    %dma_wait3A_880 = arith.constant 39 : i32
    %dma_wait3A_881 = arith.constant 0 : i32
    %dma_wait3A_882 = tpu.memref_slice %arg7[%dma_wait3A_880, %dma_wait3A_881] : memref<40x128xi32, #tpu.memory_space<vmem>> -> memref<1x128xi32, #tpu.memory_space<vmem>>
    %dma_wait3A_883 = tpu.memref_squeeze %dma_wait3A_882 : memref<1x128xi32, #tpu.memory_space<vmem>> -> memref<128xi32, #tpu.memory_space<vmem>>
    %dma_wait3A_884 = arith.constant 0 : i32
    %dma_wait3A_885 = arith.constant 0 : i32
    %dma_wait3A_886 = tpu.memref_slice %arg2[%dma_wait3A_884, %dma_wait3A_885] : memref<10000x128xf32, #tpu.memory_space<hbm>> -> memref<10000x128xf32, #tpu.memory_space<hbm>>
    tpu.wait_indirect_dma semaphore(%arg14 : memref<!tpu.dma_semaphore, #tpu.memory_space<semaphore_mem>>) src(%dma_wait3A_886 : memref<10000x128xf32, #tpu.memory_space<hbm>>) dst(%arg10 : memref<128x128xf32, #tpu.memory_space<vmem>>)
    %run_scoped3A_887 = arith.constant 39 : i32
    "tpu.region"() ({
      %run_scoped3A_890 = tpu.sem_alloc : memref<!tpu.dma_semaphore, #tpu.memory_space<semaphore_mem>>
      %dma_start3A_891 = arith.constant 0 : i32
      %dma_start3A_892 = tpu.memref_slice %arg8[%run_scoped3A_887, %dma_start3A_891] : memref<40x128xi32, #tpu.memory_space<vmem>> -> memref<1x128xi32, #tpu.memory_space<vmem>>
      %dma_start3A_893 = tpu.memref_squeeze %dma_start3A_892 : memref<1x128xi32, #tpu.memory_space<vmem>> -> memref<128xi32, #tpu.memory_space<vmem>>
      %dma_start3A_894 = arith.constant 0 : i32
      %dma_start3A_895 = arith.constant 0 : i32
      %dma_start3A_896 = tpu.memref_slice %arg12[%dma_start3A_894, %dma_start3A_895] : memref<10240x128xf32, #tpu.memory_space<vmem_shared>> -> memref<10240x128xf32, #tpu.memory_space<vmem_shared>>
      tpu.enqueue_indirect_dma source(%arg10 : memref<128x128xf32, #tpu.memory_space<vmem>>) target(%dma_start3A_896 : memref<10240x128xf32, #tpu.memory_space<vmem_shared>>) offsets(%dma_start3A_893 : memref<128xi32, #tpu.memory_space<vmem>>) semaphore(%run_scoped3A_890 : memref<!tpu.dma_semaphore, #tpu.memory_space<semaphore_mem>>) {add = true}
      %dma_wait3A_897 = arith.constant 0 : i32
      %dma_wait3A_898 = tpu.memref_slice %arg8[%run_scoped3A_887, %dma_wait3A_897] : memref<40x128xi32, #tpu.memory_space<vmem>> -> memref<1x128xi32, #tpu.memory_space<vmem>>
      %dma_wait3A_899 = tpu.memref_squeeze %dma_wait3A_898 : memref<1x128xi32, #tpu.memory_space<vmem>> -> memref<128xi32, #tpu.memory_space<vmem>>
      %dma_wait3A_900 = arith.constant 0 : i32
      %dma_wait3A_901 = arith.constant 0 : i32
      %dma_wait3A_902 = tpu.memref_slice %arg12[%dma_wait3A_900, %dma_wait3A_901] : memref<10240x128xf32, #tpu.memory_space<vmem_shared>> -> memref<10240x128xf32, #tpu.memory_space<vmem_shared>>
      tpu.wait_indirect_dma semaphore(%run_scoped3A_890 : memref<!tpu.dma_semaphore, #tpu.memory_space<semaphore_mem>>) src(%arg10 : memref<128x128xf32, #tpu.memory_space<vmem>>) dst(%dma_wait3A_902 : memref<10240x128xf32, #tpu.memory_space<vmem_shared>>)
      tpu.yield
    }) : () -> ()
    %run_scoped3A_888 = arith.constant 39 : i32
    "tpu.region"() ({
      %run_scoped3A_890 = tpu.sem_alloc : memref<!tpu.dma_semaphore, #tpu.memory_space<semaphore_mem>>
      %dma_start3A_891 = arith.constant 0 : i32
      %dma_start3A_892 = tpu.memref_slice %arg8[%run_scoped3A_888, %dma_start3A_891] : memref<40x128xi32, #tpu.memory_space<vmem>> -> memref<1x128xi32, #tpu.memory_space<vmem>>
      %dma_start3A_893 = tpu.memref_squeeze %dma_start3A_892 : memref<1x128xi32, #tpu.memory_space<vmem>> -> memref<128xi32, #tpu.memory_space<vmem>>
      %dma_start3A_894 = arith.constant 0 : i32
      %dma_start3A_895 = tpu.memref_slice %arg17[%dma_start3A_894] : memref<10240xf32, #tpu.memory_space<vmem_shared>> -> memref<10240xf32, #tpu.memory_space<vmem_shared>>
      tpu.enqueue_indirect_dma source(%arg16 : memref<128xf32, #tpu.memory_space<vmem>>) target(%dma_start3A_895 : memref<10240xf32, #tpu.memory_space<vmem_shared>>) offsets(%dma_start3A_893 : memref<128xi32, #tpu.memory_space<vmem>>) semaphore(%run_scoped3A_890 : memref<!tpu.dma_semaphore, #tpu.memory_space<semaphore_mem>>) {add = true}
      %dma_wait3A_896 = arith.constant 0 : i32
      %dma_wait3A_897 = tpu.memref_slice %arg8[%run_scoped3A_888, %dma_wait3A_896] : memref<40x128xi32, #tpu.memory_space<vmem>> -> memref<1x128xi32, #tpu.memory_space<vmem>>
      %dma_wait3A_898 = tpu.memref_squeeze %dma_wait3A_897 : memref<1x128xi32, #tpu.memory_space<vmem>> -> memref<128xi32, #tpu.memory_space<vmem>>
      %dma_wait3A_899 = arith.constant 0 : i32
      %dma_wait3A_900 = tpu.memref_slice %arg17[%dma_wait3A_899] : memref<10240xf32, #tpu.memory_space<vmem_shared>> -> memref<10240xf32, #tpu.memory_space<vmem_shared>>
      tpu.wait_indirect_dma semaphore(%run_scoped3A_890 : memref<!tpu.dma_semaphore, #tpu.memory_space<semaphore_mem>>) src(%arg16 : memref<128xf32, #tpu.memory_space<vmem>>) dst(%dma_wait3A_900 : memref<10240xf32, #tpu.memory_space<vmem_shared>>)
      tpu.yield
    }) : () -> ()
    %barrier3A_889 = arith.constant 0 : index
    tpu.barrier barrier_id(%barrier3A_889)
    "tpu.region"() ({
      %run_scoped3A_890 = tpu.sem_alloc : memref<!tpu.dma_semaphore, #tpu.memory_space<semaphore_mem>>
      %dma_start3A_891 = arith.constant 0 : i32
      %dma_start3A_892 = tpu.memref_slice %arg5[%arg0, %mul3A_2, %dma_start3A_891] : memref<2x10240x128xf32, #tpu.memory_space<hbm>> -> memref<1x640x128xf32, #tpu.memory_space<hbm>>
      %dma_start3A_893 = tpu.memref_squeeze %dma_start3A_892 : memref<1x640x128xf32, #tpu.memory_space<hbm>> -> memref<640x128xf32, #tpu.memory_space<hbm>>
      %dma_start3A_894 = arith.constant 0 : i32
      %dma_start3A_895 = tpu.memref_slice %arg12[%mul3A_2, %dma_start3A_894] : memref<10240x128xf32, #tpu.memory_space<vmem_shared>> -> memref<640x128xf32, #tpu.memory_space<vmem_shared>>
      tpu.enqueue_dma source(%dma_start3A_895 : memref<640x128xf32, #tpu.memory_space<vmem_shared>>) target(%dma_start3A_893 : memref<640x128xf32, #tpu.memory_space<hbm>>) target_semaphore(%run_scoped3A_890 : memref<!tpu.dma_semaphore, #tpu.memory_space<semaphore_mem>>)
      %dma_wait3A_896 = arith.constant 0 : i32
      %dma_wait3A_897 = tpu.memref_slice %arg5[%arg0, %mul3A_2, %dma_wait3A_896] : memref<2x10240x128xf32, #tpu.memory_space<hbm>> -> memref<1x640x128xf32, #tpu.memory_space<hbm>>
      %dma_wait3A_898 = tpu.memref_squeeze %dma_wait3A_897 : memref<1x640x128xf32, #tpu.memory_space<hbm>> -> memref<640x128xf32, #tpu.memory_space<hbm>>
      %dma_wait3A_899 = arith.constant 0 : i32
      %dma_wait3A_900 = tpu.memref_slice %arg12[%mul3A_2, %dma_wait3A_899] : memref<10240x128xf32, #tpu.memory_space<vmem_shared>> -> memref<640x128xf32, #tpu.memory_space<vmem_shared>>
      tpu.wait_dma2 semaphore(%run_scoped3A_890 : memref<!tpu.dma_semaphore, #tpu.memory_space<semaphore_mem>>) src(%dma_wait3A_900 : memref<640x128xf32, #tpu.memory_space<vmem_shared>>) dst(%dma_wait3A_898 : memref<640x128xf32, #tpu.memory_space<hbm>>)
      tpu.yield
    }) : () -> ()
    "tpu.region"() ({
      %run_scoped3A_890 = tpu.sem_alloc : memref<!tpu.dma_semaphore, #tpu.memory_space<semaphore_mem>>
      %dma_start3A_891 = tpu.memref_slice %arg6[%arg0, %mul3A_2] : memref<2x10240xf32, #tpu.memory_space<hbm>> -> memref<1x640xf32, #tpu.memory_space<hbm>>
      %dma_start3A_892 = tpu.memref_squeeze %dma_start3A_891 : memref<1x640xf32, #tpu.memory_space<hbm>> -> memref<640xf32, #tpu.memory_space<hbm>>
      %dma_start3A_893 = tpu.memref_slice %arg17[%mul3A_2] : memref<10240xf32, #tpu.memory_space<vmem_shared>> -> memref<640xf32, #tpu.memory_space<vmem_shared>>
      tpu.enqueue_dma source(%dma_start3A_893 : memref<640xf32, #tpu.memory_space<vmem_shared>>) target(%dma_start3A_892 : memref<640xf32, #tpu.memory_space<hbm>>) target_semaphore(%run_scoped3A_890 : memref<!tpu.dma_semaphore, #tpu.memory_space<semaphore_mem>>)
      %dma_wait3A_894 = tpu.memref_slice %arg6[%arg0, %mul3A_2] : memref<2x10240xf32, #tpu.memory_space<hbm>> -> memref<1x640xf32, #tpu.memory_space<hbm>>
      %dma_wait3A_895 = tpu.memref_squeeze %dma_wait3A_894 : memref<1x640xf32, #tpu.memory_space<hbm>> -> memref<640xf32, #tpu.memory_space<hbm>>
      %dma_wait3A_896 = tpu.memref_slice %arg17[%mul3A_2] : memref<10240xf32, #tpu.memory_space<vmem_shared>> -> memref<640xf32, #tpu.memory_space<vmem_shared>>
      tpu.wait_dma2 semaphore(%run_scoped3A_890 : memref<!tpu.dma_semaphore, #tpu.memory_space<semaphore_mem>>) src(%dma_wait3A_896 : memref<640xf32, #tpu.memory_space<vmem_shared>>) dst(%dma_wait3A_895 : memref<640xf32, #tpu.memory_space<hbm>>)
      tpu.yield
    }) : () -> ()
    return
  }
}

#map = affine_map<(d0, d1) -> (0, 0)>
#map1 = affine_map<(d0, d1) -> (0, 0, 0)>
module attributes {stable_mosaic.version = 14 : i64} {
  func.func @body(%arg0: i32, %arg1: i32, %arg2: memref<10000x128xf32, #tpu.memory_space<hbm>>, %arg3: memref<32x80x128xi32, #tpu.memory_space<hbm>>, %arg4: memref<32x80x128xi32, #tpu.memory_space<hbm>>, %arg5: memref<2x10240x128xf32, #tpu.memory_space<hbm>>, %arg6: memref<40x128xi32, #tpu.memory_space<vmem>>, %arg7: memref<40x128xi32, #tpu.memory_space<vmem>>, %arg8: memref<128x128xf32, #tpu.memory_space<vmem>>, %arg9: memref<128x128xf32, #tpu.memory_space<vmem>>, %arg10: memref<16x128xf32, #tpu.memory_space<vmem>>, %arg11: memref<10240x128xf32, #tpu.memory_space<vmem_shared>>, %arg12: memref<!tpu.dma_semaphore, #tpu.memory_space<semaphore_mem>>, %arg13: memref<!tpu.dma_semaphore, #tpu.memory_space<semaphore_mem>>) attributes {dimension_semantics = [#tpu.dimension_semantics<core_parallel>, #tpu.dimension_semantics<subcore_parallel>], iteration_bounds = array<i64: 2, 16>, scalar_prefetch = 0 : i64, scratch_operands = 8 : i64, tpu.core_type = #tpu.core_type<sc_vector_subcore>, window_params = [{transform_indices = #map}, {transform_indices = #map1}, {transform_indices = #map1}, {transform_indices = #map1}]} {
    %mul3A = arith.constant 2 : i32
    %mul3A_0 = arith.muli %arg1, %mul3A : i32
    %add3A = arith.addi %mul3A_0, %arg0 : i32
    %mul3A_1 = arith.constant 640 : i32
    %mul3A_2 = arith.muli %arg1, %mul3A_1 : i32
    %broadcast_in_dim3A = arith.constant 0.000000e+00 : f32
    %broadcast_in_dim3A_3 = vector.broadcast %broadcast_in_dim3A : f32 to vector<16xf32>
    %swap3A = arith.constant 0 : i32
    %swap3A_4 = arith.index_cast %swap3A : i32 to index
    %swap3A_5 = arith.constant 0 : index
    %swap3A_6 = tpu.vector_load %arg10[%swap3A_4, %swap3A_5] {strides = array<i32>} : memref<16x128xf32, #tpu.memory_space<vmem>>, vector<1x16xf32>,
    %swap3A_7 = vector.shape_cast %swap3A_6 : vector<1x16xf32> to vector<16xf32>
    %swap3A_8 = vector.shape_cast %broadcast_in_dim3A_3 : vector<16xf32> to vector<1x16xf32>
    tpu.vector_store %arg10[%swap3A_4, %swap3A_5], %swap3A_8 {strides = array<i32>} : memref<16x128xf32, #tpu.memory_space<vmem>>, vector<1x16xf32>,
    %swap3A_9 = arith.constant 0 : i32
    %swap3A_10 = arith.index_cast %swap3A_9 : i32 to index
    %swap3A_11 = arith.constant 16 : index
    %swap3A_12 = tpu.vector_load %arg10[%swap3A_10, %swap3A_11] {strides = array<i32>} : memref<16x128xf32, #tpu.memory_space<vmem>>, vector<1x16xf32>,
    %swap3A_13 = vector.shape_cast %swap3A_12 : vector<1x16xf32> to vector<16xf32>
    %swap3A_14 = vector.shape_cast %broadcast_in_dim3A_3 : vector<16xf32> to vector<1x16xf32>
    tpu.vector_store %arg10[%swap3A_10, %swap3A_11], %swap3A_14 {strides = array<i32>} : memref<16x128xf32, #tpu.memory_space<vmem>>, vector<1x16xf32>,
    %swap3A_15 = arith.constant 0 : i32
    %swap3A_16 = arith.index_cast %swap3A_15 : i32 to index
    %swap3A_17 = arith.constant 32 : index
    %swap3A_18 = tpu.vector_load %arg10[%swap3A_16, %swap3A_17] {strides = array<i32>} : memref<16x128xf32, #tpu.memory_space<vmem>>, vector<1x16xf32>,
    %swap3A_19 = vector.shape_cast %swap3A_18 : vector<1x16xf32> to vector<16xf32>
    %swap3A_20 = vector.shape_cast %broadcast_in_dim3A_3 : vector<16xf32> to vector<1x16xf32>
    tpu.vector_store %arg10[%swap3A_16, %swap3A_17], %swap3A_20 {strides = array<i32>} : memref<16x128xf32, #tpu.memory_space<vmem>>, vector<1x16xf32>,
    %swap3A_21 = arith.constant 0 : i32
    %swap3A_22 = arith.index_cast %swap3A_21 : i32 to index
    %swap3A_23 = arith.constant 48 : index
    %swap3A_24 = tpu.vector_load %arg10[%swap3A_22, %swap3A_23] {strides = array<i32>} : memref<16x128xf32, #tpu.memory_space<vmem>>, vector<1x16xf32>,
    %swap3A_25 = vector.shape_cast %swap3A_24 : vector<1x16xf32> to vector<16xf32>
    %swap3A_26 = vector.shape_cast %broadcast_in_dim3A_3 : vector<16xf32> to vector<1x16xf32>
    tpu.vector_store %arg10[%swap3A_22, %swap3A_23], %swap3A_26 {strides = array<i32>} : memref<16x128xf32, #tpu.memory_space<vmem>>, vector<1x16xf32>,
    %swap3A_27 = arith.constant 0 : i32
    %swap3A_28 = arith.index_cast %swap3A_27 : i32 to index
    %swap3A_29 = arith.constant 64 : index
    %swap3A_30 = tpu.vector_load %arg10[%swap3A_28, %swap3A_29] {strides = array<i32>} : memref<16x128xf32, #tpu.memory_space<vmem>>, vector<1x16xf32>,
    %swap3A_31 = vector.shape_cast %swap3A_30 : vector<1x16xf32> to vector<16xf32>
    %swap3A_32 = vector.shape_cast %broadcast_in_dim3A_3 : vector<16xf32> to vector<1x16xf32>
    tpu.vector_store %arg10[%swap3A_28, %swap3A_29], %swap3A_32 {strides = array<i32>} : memref<16x128xf32, #tpu.memory_space<vmem>>, vector<1x16xf32>,
    %swap3A_33 = arith.constant 0 : i32
    %swap3A_34 = arith.index_cast %swap3A_33 : i32 to index
    %swap3A_35 = arith.constant 80 : index
    %swap3A_36 = tpu.vector_load %arg10[%swap3A_34, %swap3A_35] {strides = array<i32>} : memref<16x128xf32, #tpu.memory_space<vmem>>, vector<1x16xf32>,
    %swap3A_37 = vector.shape_cast %swap3A_36 : vector<1x16xf32> to vector<16xf32>
    %swap3A_38 = vector.shape_cast %broadcast_in_dim3A_3 : vector<16xf32> to vector<1x16xf32>
    tpu.vector_store %arg10[%swap3A_34, %swap3A_35], %swap3A_38 {strides = array<i32>} : memref<16x128xf32, #tpu.memory_space<vmem>>, vector<1x16xf32>,
    %swap3A_39 = arith.constant 0 : i32
    %swap3A_40 = arith.index_cast %swap3A_39 : i32 to index
    %swap3A_41 = arith.constant 96 : index
    %swap3A_42 = tpu.vector_load %arg10[%swap3A_40, %swap3A_41] {strides = array<i32>} : memref<16x128xf32, #tpu.memory_space<vmem>>, vector<1x16xf32>,
    %swap3A_43 = vector.shape_cast %swap3A_42 : vector<1x16xf32> to vector<16xf32>
    %swap3A_44 = vector.shape_cast %broadcast_in_dim3A_3 : vector<16xf32> to vector<1x16xf32>
    tpu.vector_store %arg10[%swap3A_40, %swap3A_41], %swap3A_44 {strides = array<i32>} : memref<16x128xf32, #tpu.memory_space<vmem>>, vector<1x16xf32>,
    %swap3A_45 = arith.constant 0 : i32
    %swap3A_46 = arith.index_cast %swap3A_45 : i32 to index
    %swap3A_47 = arith.constant 112 : index
    %swap3A_48 = tpu.vector_load %arg10[%swap3A_46, %swap3A_47] {strides = array<i32>} : memref<16x128xf32, #tpu.memory_space<vmem>>, vector<1x16xf32>,
    %swap3A_49 = vector.shape_cast %swap3A_48 : vector<1x16xf32> to vector<16xf32>
    %swap3A_50 = vector.shape_cast %broadcast_in_dim3A_3 : vector<16xf32> to vector<1x16xf32>
    tpu.vector_store %arg10[%swap3A_46, %swap3A_47], %swap3A_50 {strides = array<i32>} : memref<16x128xf32, #tpu.memory_space<vmem>>, vector<1x16xf32>,
    %swap3A_51 = arith.constant 1 : i32
    %swap3A_52 = arith.index_cast %swap3A_51 : i32 to index
    %swap3A_53 = arith.constant 0 : index
    %swap3A_54 = tpu.vector_load %arg10[%swap3A_52, %swap3A_53] {strides = array<i32>} : memref<16x128xf32, #tpu.memory_space<vmem>>, vector<1x16xf32>,
    %swap3A_55 = vector.shape_cast %swap3A_54 : vector<1x16xf32> to vector<16xf32>
    %swap3A_56 = vector.shape_cast %broadcast_in_dim3A_3 : vector<16xf32> to vector<1x16xf32>
    tpu.vector_store %arg10[%swap3A_52, %swap3A_53], %swap3A_56 {strides = array<i32>} : memref<16x128xf32, #tpu.memory_space<vmem>>, vector<1x16xf32>,
    %swap3A_57 = arith.constant 1 : i32
    %swap3A_58 = arith.index_cast %swap3A_57 : i32 to index
    %swap3A_59 = arith.constant 16 : index
    %swap3A_60 = tpu.vector_load %arg10[%swap3A_58, %swap3A_59] {strides = array<i32>} : memref<16x128xf32, #tpu.memory_space<vmem>>, vector<1x16xf32>,
    %swap3A_61 = vector.shape_cast %swap3A_60 : vector<1x16xf32> to vector<16xf32>
    %swap3A_62 = vector.shape_cast %broadcast_in_dim3A_3 : vector<16xf32> to vector<1x16xf32>
    tpu.vector_store %arg10[%swap3A_58, %swap3A_59], %swap3A_62 {strides = array<i32>} : memref<16x128xf32, #tpu.memory_space<vmem>>, vector<1x16xf32>,
    %swap3A_63 = arith.constant 1 : i32
    %swap3A_64 = arith.index_cast %swap3A_63 : i32 to index
    %swap3A_65 = arith.constant 32 : index
    %swap3A_66 = tpu.vector_load %arg10[%swap3A_64, %swap3A_65] {strides = array<i32>} : memref<16x128xf32, #tpu.memory_space<vmem>>, vector<1x16xf32>,
    %swap3A_67 = vector.shape_cast %swap3A_66 : vector<1x16xf32> to vector<16xf32>
    %swap3A_68 = vector.shape_cast %broadcast_in_dim3A_3 : vector<16xf32> to vector<1x16xf32>
    tpu.vector_store %arg10[%swap3A_64, %swap3A_65], %swap3A_68 {strides = array<i32>} : memref<16x128xf32, #tpu.memory_space<vmem>>, vector<1x16xf32>,
    %swap3A_69 = arith.constant 1 : i32
    %swap3A_70 = arith.index_cast %swap3A_69 : i32 to index
    %swap3A_71 = arith.constant 48 : index
    %swap3A_72 = tpu.vector_load %arg10[%swap3A_70, %swap3A_71] {strides = array<i32>} : memref<16x128xf32, #tpu.memory_space<vmem>>, vector<1x16xf32>,
    %swap3A_73 = vector.shape_cast %swap3A_72 : vector<1x16xf32> to vector<16xf32>
    %swap3A_74 = vector.shape_cast %broadcast_in_dim3A_3 : vector<16xf32> to vector<1x16xf32>
    tpu.vector_store %arg10[%swap3A_70, %swap3A_71], %swap3A_74 {strides = array<i32>} : memref<16x128xf32, #tpu.memory_space<vmem>>, vector<1x16xf32>,
    %swap3A_75 = arith.constant 1 : i32
    %swap3A_76 = arith.index_cast %swap3A_75 : i32 to index
    %swap3A_77 = arith.constant 64 : index
    %swap3A_78 = tpu.vector_load %arg10[%swap3A_76, %swap3A_77] {strides = array<i32>} : memref<16x128xf32, #tpu.memory_space<vmem>>, vector<1x16xf32>,
    %swap3A_79 = vector.shape_cast %swap3A_78 : vector<1x16xf32> to vector<16xf32>
    %swap3A_80 = vector.shape_cast %broadcast_in_dim3A_3 : vector<16xf32> to vector<1x16xf32>
    tpu.vector_store %arg10[%swap3A_76, %swap3A_77], %swap3A_80 {strides = array<i32>} : memref<16x128xf32, #tpu.memory_space<vmem>>, vector<1x16xf32>,
    %swap3A_81 = arith.constant 1 : i32
    %swap3A_82 = arith.index_cast %swap3A_81 : i32 to index
    %swap3A_83 = arith.constant 80 : index
    %swap3A_84 = tpu.vector_load %arg10[%swap3A_82, %swap3A_83] {strides = array<i32>} : memref<16x128xf32, #tpu.memory_space<vmem>>, vector<1x16xf32>,
    %swap3A_85 = vector.shape_cast %swap3A_84 : vector<1x16xf32> to vector<16xf32>
    %swap3A_86 = vector.shape_cast %broadcast_in_dim3A_3 : vector<16xf32> to vector<1x16xf32>
    tpu.vector_store %arg10[%swap3A_82, %swap3A_83], %swap3A_86 {strides = array<i32>} : memref<16x128xf32, #tpu.memory_space<vmem>>, vector<1x16xf32>,
    %swap3A_87 = arith.constant 1 : i32
    %swap3A_88 = arith.index_cast %swap3A_87 : i32 to index
    %swap3A_89 = arith.constant 96 : index
    %swap3A_90 = tpu.vector_load %arg10[%swap3A_88, %swap3A_89] {strides = array<i32>} : memref<16x128xf32, #tpu.memory_space<vmem>>, vector<1x16xf32>,
    %swap3A_91 = vector.shape_cast %swap3A_90 : vector<1x16xf32> to vector<16xf32>
    %swap3A_92 = vector.shape_cast %broadcast_in_dim3A_3 : vector<16xf32> to vector<1x16xf32>
    tpu.vector_store %arg10[%swap3A_88, %swap3A_89], %swap3A_92 {strides = array<i32>} : memref<16x128xf32, #tpu.memory_space<vmem>>, vector<1x16xf32>,
    %swap3A_93 = arith.constant 1 : i32
    %swap3A_94 = arith.index_cast %swap3A_93 : i32 to index
    %swap3A_95 = arith.constant 112 : index
    %swap3A_96 = tpu.vector_load %arg10[%swap3A_94, %swap3A_95] {strides = array<i32>} : memref<16x128xf32, #tpu.memory_space<vmem>>, vector<1x16xf32>,
    %swap3A_97 = vector.shape_cast %swap3A_96 : vector<1x16xf32> to vector<16xf32>
    %swap3A_98 = vector.shape_cast %broadcast_in_dim3A_3 : vector<16xf32> to vector<1x16xf32>
    tpu.vector_store %arg10[%swap3A_94, %swap3A_95], %swap3A_98 {strides = array<i32>} : memref<16x128xf32, #tpu.memory_space<vmem>>, vector<1x16xf32>,
    %swap3A_99 = arith.constant 2 : i32
    %swap3A_100 = arith.index_cast %swap3A_99 : i32 to index
    %swap3A_101 = arith.constant 0 : index
    %swap3A_102 = tpu.vector_load %arg10[%swap3A_100, %swap3A_101] {strides = array<i32>} : memref<16x128xf32, #tpu.memory_space<vmem>>, vector<1x16xf32>,
    %swap3A_103 = vector.shape_cast %swap3A_102 : vector<1x16xf32> to vector<16xf32>
    %swap3A_104 = vector.shape_cast %broadcast_in_dim3A_3 : vector<16xf32> to vector<1x16xf32>
    tpu.vector_store %arg10[%swap3A_100, %swap3A_101], %swap3A_104 {strides = array<i32>} : memref<16x128xf32, #tpu.memory_space<vmem>>, vector<1x16xf32>,
    %swap3A_105 = arith.constant 2 : i32
    %swap3A_106 = arith.index_cast %swap3A_105 : i32 to index
    %swap3A_107 = arith.constant 16 : index
    %swap3A_108 = tpu.vector_load %arg10[%swap3A_106, %swap3A_107] {strides = array<i32>} : memref<16x128xf32, #tpu.memory_space<vmem>>, vector<1x16xf32>,
    %swap3A_109 = vector.shape_cast %swap3A_108 : vector<1x16xf32> to vector<16xf32>
    %swap3A_110 = vector.shape_cast %broadcast_in_dim3A_3 : vector<16xf32> to vector<1x16xf32>
    tpu.vector_store %arg10[%swap3A_106, %swap3A_107], %swap3A_110 {strides = array<i32>} : memref<16x128xf32, #tpu.memory_space<vmem>>, vector<1x16xf32>,
    %swap3A_111 = arith.constant 2 : i32
    %swap3A_112 = arith.index_cast %swap3A_111 : i32 to index
    %swap3A_113 = arith.constant 32 : index
    %swap3A_114 = tpu.vector_load %arg10[%swap3A_112, %swap3A_113] {strides = array<i32>} : memref<16x128xf32, #tpu.memory_space<vmem>>, vector<1x16xf32>,
    %swap3A_115 = vector.shape_cast %swap3A_114 : vector<1x16xf32> to vector<16xf32>
    %swap3A_116 = vector.shape_cast %broadcast_in_dim3A_3 : vector<16xf32> to vector<1x16xf32>
    tpu.vector_store %arg10[%swap3A_112, %swap3A_113], %swap3A_116 {strides = array<i32>} : memref<16x128xf32, #tpu.memory_space<vmem>>, vector<1x16xf32>,
    %swap3A_117 = arith.constant 2 : i32
    %swap3A_118 = arith.index_cast %swap3A_117 : i32 to index
    %swap3A_119 = arith.constant 48 : index
    %swap3A_120 = tpu.vector_load %arg10[%swap3A_118, %swap3A_119] {strides = array<i32>} : memref<16x128xf32, #tpu.memory_space<vmem>>, vector<1x16xf32>,
    %swap3A_121 = vector.shape_cast %swap3A_120 : vector<1x16xf32> to vector<16xf32>
    %swap3A_122 = vector.shape_cast %broadcast_in_dim3A_3 : vector<16xf32> to vector<1x16xf32>
    tpu.vector_store %arg10[%swap3A_118, %swap3A_119], %swap3A_122 {strides = array<i32>} : memref<16x128xf32, #tpu.memory_space<vmem>>, vector<1x16xf32>,
    %swap3A_123 = arith.constant 2 : i32
    %swap3A_124 = arith.index_cast %swap3A_123 : i32 to index
    %swap3A_125 = arith.constant 64 : index
    %swap3A_126 = tpu.vector_load %arg10[%swap3A_124, %swap3A_125] {strides = array<i32>} : memref<16x128xf32, #tpu.memory_space<vmem>>, vector<1x16xf32>,
    %swap3A_127 = vector.shape_cast %swap3A_126 : vector<1x16xf32> to vector<16xf32>
    %swap3A_128 = vector.shape_cast %broadcast_in_dim3A_3 : vector<16xf32> to vector<1x16xf32>
    tpu.vector_store %arg10[%swap3A_124, %swap3A_125], %swap3A_128 {strides = array<i32>} : memref<16x128xf32, #tpu.memory_space<vmem>>, vector<1x16xf32>,
    %swap3A_129 = arith.constant 2 : i32
    %swap3A_130 = arith.index_cast %swap3A_129 : i32 to index
    %swap3A_131 = arith.constant 80 : index
    %swap3A_132 = tpu.vector_load %arg10[%swap3A_130, %swap3A_131] {strides = array<i32>} : memref<16x128xf32, #tpu.memory_space<vmem>>, vector<1x16xf32>,
    %swap3A_133 = vector.shape_cast %swap3A_132 : vector<1x16xf32> to vector<16xf32>
    %swap3A_134 = vector.shape_cast %broadcast_in_dim3A_3 : vector<16xf32> to vector<1x16xf32>
    tpu.vector_store %arg10[%swap3A_130, %swap3A_131], %swap3A_134 {strides = array<i32>} : memref<16x128xf32, #tpu.memory_space<vmem>>, vector<1x16xf32>,
    %swap3A_135 = arith.constant 2 : i32
    %swap3A_136 = arith.index_cast %swap3A_135 : i32 to index
    %swap3A_137 = arith.constant 96 : index
    %swap3A_138 = tpu.vector_load %arg10[%swap3A_136, %swap3A_137] {strides = array<i32>} : memref<16x128xf32, #tpu.memory_space<vmem>>, vector<1x16xf32>,
    %swap3A_139 = vector.shape_cast %swap3A_138 : vector<1x16xf32> to vector<16xf32>
    %swap3A_140 = vector.shape_cast %broadcast_in_dim3A_3 : vector<16xf32> to vector<1x16xf32>
    tpu.vector_store %arg10[%swap3A_136, %swap3A_137], %swap3A_140 {strides = array<i32>} : memref<16x128xf32, #tpu.memory_space<vmem>>, vector<1x16xf32>,
    %swap3A_141 = arith.constant 2 : i32
    %swap3A_142 = arith.index_cast %swap3A_141 : i32 to index
    %swap3A_143 = arith.constant 112 : index
    %swap3A_144 = tpu.vector_load %arg10[%swap3A_142, %swap3A_143] {strides = array<i32>} : memref<16x128xf32, #tpu.memory_space<vmem>>, vector<1x16xf32>,
    %swap3A_145 = vector.shape_cast %swap3A_144 : vector<1x16xf32> to vector<16xf32>
    %swap3A_146 = vector.shape_cast %broadcast_in_dim3A_3 : vector<16xf32> to vector<1x16xf32>
    tpu.vector_store %arg10[%swap3A_142, %swap3A_143], %swap3A_146 {strides = array<i32>} : memref<16x128xf32, #tpu.memory_space<vmem>>, vector<1x16xf32>,
    %swap3A_147 = arith.constant 3 : i32
    %swap3A_148 = arith.index_cast %swap3A_147 : i32 to index
    %swap3A_149 = arith.constant 0 : index
    %swap3A_150 = tpu.vector_load %arg10[%swap3A_148, %swap3A_149] {strides = array<i32>} : memref<16x128xf32, #tpu.memory_space<vmem>>, vector<1x16xf32>,
    %swap3A_151 = vector.shape_cast %swap3A_150 : vector<1x16xf32> to vector<16xf32>
    %swap3A_152 = vector.shape_cast %broadcast_in_dim3A_3 : vector<16xf32> to vector<1x16xf32>
    tpu.vector_store %arg10[%swap3A_148, %swap3A_149], %swap3A_152 {strides = array<i32>} : memref<16x128xf32, #tpu.memory_space<vmem>>, vector<1x16xf32>,
    %swap3A_153 = arith.constant 3 : i32
    %swap3A_154 = arith.index_cast %swap3A_153 : i32 to index
    %swap3A_155 = arith.constant 16 : index
    %swap3A_156 = tpu.vector_load %arg10[%swap3A_154, %swap3A_155] {strides = array<i32>} : memref<16x128xf32, #tpu.memory_space<vmem>>, vector<1x16xf32>,
    %swap3A_157 = vector.shape_cast %swap3A_156 : vector<1x16xf32> to vector<16xf32>
    %swap3A_158 = vector.shape_cast %broadcast_in_dim3A_3 : vector<16xf32> to vector<1x16xf32>
    tpu.vector_store %arg10[%swap3A_154, %swap3A_155], %swap3A_158 {strides = array<i32>} : memref<16x128xf32, #tpu.memory_space<vmem>>, vector<1x16xf32>,
    %swap3A_159 = arith.constant 3 : i32
    %swap3A_160 = arith.index_cast %swap3A_159 : i32 to index
    %swap3A_161 = arith.constant 32 : index
    %swap3A_162 = tpu.vector_load %arg10[%swap3A_160, %swap3A_161] {strides = array<i32>} : memref<16x128xf32, #tpu.memory_space<vmem>>, vector<1x16xf32>,
    %swap3A_163 = vector.shape_cast %swap3A_162 : vector<1x16xf32> to vector<16xf32>
    %swap3A_164 = vector.shape_cast %broadcast_in_dim3A_3 : vector<16xf32> to vector<1x16xf32>
    tpu.vector_store %arg10[%swap3A_160, %swap3A_161], %swap3A_164 {strides = array<i32>} : memref<16x128xf32, #tpu.memory_space<vmem>>, vector<1x16xf32>,
    %swap3A_165 = arith.constant 3 : i32
    %swap3A_166 = arith.index_cast %swap3A_165 : i32 to index
    %swap3A_167 = arith.constant 48 : index
    %swap3A_168 = tpu.vector_load %arg10[%swap3A_166, %swap3A_167] {strides = array<i32>} : memref<16x128xf32, #tpu.memory_space<vmem>>, vector<1x16xf32>,
    %swap3A_169 = vector.shape_cast %swap3A_168 : vector<1x16xf32> to vector<16xf32>
    %swap3A_170 = vector.shape_cast %broadcast_in_dim3A_3 : vector<16xf32> to vector<1x16xf32>
    tpu.vector_store %arg10[%swap3A_166, %swap3A_167], %swap3A_170 {strides = array<i32>} : memref<16x128xf32, #tpu.memory_space<vmem>>, vector<1x16xf32>,
    %swap3A_171 = arith.constant 3 : i32
    %swap3A_172 = arith.index_cast %swap3A_171 : i32 to index
    %swap3A_173 = arith.constant 64 : index
    %swap3A_174 = tpu.vector_load %arg10[%swap3A_172, %swap3A_173] {strides = array<i32>} : memref<16x128xf32, #tpu.memory_space<vmem>>, vector<1x16xf32>,
    %swap3A_175 = vector.shape_cast %swap3A_174 : vector<1x16xf32> to vector<16xf32>
    %swap3A_176 = vector.shape_cast %broadcast_in_dim3A_3 : vector<16xf32> to vector<1x16xf32>
    tpu.vector_store %arg10[%swap3A_172, %swap3A_173], %swap3A_176 {strides = array<i32>} : memref<16x128xf32, #tpu.memory_space<vmem>>, vector<1x16xf32>,
    %swap3A_177 = arith.constant 3 : i32
    %swap3A_178 = arith.index_cast %swap3A_177 : i32 to index
    %swap3A_179 = arith.constant 80 : index
    %swap3A_180 = tpu.vector_load %arg10[%swap3A_178, %swap3A_179] {strides = array<i32>} : memref<16x128xf32, #tpu.memory_space<vmem>>, vector<1x16xf32>,
    %swap3A_181 = vector.shape_cast %swap3A_180 : vector<1x16xf32> to vector<16xf32>
    %swap3A_182 = vector.shape_cast %broadcast_in_dim3A_3 : vector<16xf32> to vector<1x16xf32>
    tpu.vector_store %arg10[%swap3A_178, %swap3A_179], %swap3A_182 {strides = array<i32>} : memref<16x128xf32, #tpu.memory_space<vmem>>, vector<1x16xf32>,
    %swap3A_183 = arith.constant 3 : i32
    %swap3A_184 = arith.index_cast %swap3A_183 : i32 to index
    %swap3A_185 = arith.constant 96 : index
    %swap3A_186 = tpu.vector_load %arg10[%swap3A_184, %swap3A_185] {strides = array<i32>} : memref<16x128xf32, #tpu.memory_space<vmem>>, vector<1x16xf32>,
    %swap3A_187 = vector.shape_cast %swap3A_186 : vector<1x16xf32> to vector<16xf32>
    %swap3A_188 = vector.shape_cast %broadcast_in_dim3A_3 : vector<16xf32> to vector<1x16xf32>
    tpu.vector_store %arg10[%swap3A_184, %swap3A_185], %swap3A_188 {strides = array<i32>} : memref<16x128xf32, #tpu.memory_space<vmem>>, vector<1x16xf32>,
    %swap3A_189 = arith.constant 3 : i32
    %swap3A_190 = arith.index_cast %swap3A_189 : i32 to index
    %swap3A_191 = arith.constant 112 : index
    %swap3A_192 = tpu.vector_load %arg10[%swap3A_190, %swap3A_191] {strides = array<i32>} : memref<16x128xf32, #tpu.memory_space<vmem>>, vector<1x16xf32>,
    %swap3A_193 = vector.shape_cast %swap3A_192 : vector<1x16xf32> to vector<16xf32>
    %swap3A_194 = vector.shape_cast %broadcast_in_dim3A_3 : vector<16xf32> to vector<1x16xf32>
    tpu.vector_store %arg10[%swap3A_190, %swap3A_191], %swap3A_194 {strides = array<i32>} : memref<16x128xf32, #tpu.memory_space<vmem>>, vector<1x16xf32>,
    %swap3A_195 = arith.constant 4 : i32
    %swap3A_196 = arith.index_cast %swap3A_195 : i32 to index
    %swap3A_197 = arith.constant 0 : index
    %swap3A_198 = tpu.vector_load %arg10[%swap3A_196, %swap3A_197] {strides = array<i32>} : memref<16x128xf32, #tpu.memory_space<vmem>>, vector<1x16xf32>,
    %swap3A_199 = vector.shape_cast %swap3A_198 : vector<1x16xf32> to vector<16xf32>
    %swap3A_200 = vector.shape_cast %broadcast_in_dim3A_3 : vector<16xf32> to vector<1x16xf32>
    tpu.vector_store %arg10[%swap3A_196, %swap3A_197], %swap3A_200 {strides = array<i32>} : memref<16x128xf32, #tpu.memory_space<vmem>>, vector<1x16xf32>,
    %swap3A_201 = arith.constant 4 : i32
    %swap3A_202 = arith.index_cast %swap3A_201 : i32 to index
    %swap3A_203 = arith.constant 16 : index
    %swap3A_204 = tpu.vector_load %arg10[%swap3A_202, %swap3A_203] {strides = array<i32>} : memref<16x128xf32, #tpu.memory_space<vmem>>, vector<1x16xf32>,
    %swap3A_205 = vector.shape_cast %swap3A_204 : vector<1x16xf32> to vector<16xf32>
    %swap3A_206 = vector.shape_cast %broadcast_in_dim3A_3 : vector<16xf32> to vector<1x16xf32>
    tpu.vector_store %arg10[%swap3A_202, %swap3A_203], %swap3A_206 {strides = array<i32>} : memref<16x128xf32, #tpu.memory_space<vmem>>, vector<1x16xf32>,
    %swap3A_207 = arith.constant 4 : i32
    %swap3A_208 = arith.index_cast %swap3A_207 : i32 to index
    %swap3A_209 = arith.constant 32 : index
    %swap3A_210 = tpu.vector_load %arg10[%swap3A_208, %swap3A_209] {strides = array<i32>} : memref<16x128xf32, #tpu.memory_space<vmem>>, vector<1x16xf32>,
    %swap3A_211 = vector.shape_cast %swap3A_210 : vector<1x16xf32> to vector<16xf32>
    %swap3A_212 = vector.shape_cast %broadcast_in_dim3A_3 : vector<16xf32> to vector<1x16xf32>
    tpu.vector_store %arg10[%swap3A_208, %swap3A_209], %swap3A_212 {strides = array<i32>} : memref<16x128xf32, #tpu.memory_space<vmem>>, vector<1x16xf32>,
    %swap3A_213 = arith.constant 4 : i32
    %swap3A_214 = arith.index_cast %swap3A_213 : i32 to index
    %swap3A_215 = arith.constant 48 : index
    %swap3A_216 = tpu.vector_load %arg10[%swap3A_214, %swap3A_215] {strides = array<i32>} : memref<16x128xf32, #tpu.memory_space<vmem>>, vector<1x16xf32>,
    %swap3A_217 = vector.shape_cast %swap3A_216 : vector<1x16xf32> to vector<16xf32>
    %swap3A_218 = vector.shape_cast %broadcast_in_dim3A_3 : vector<16xf32> to vector<1x16xf32>
    tpu.vector_store %arg10[%swap3A_214, %swap3A_215], %swap3A_218 {strides = array<i32>} : memref<16x128xf32, #tpu.memory_space<vmem>>, vector<1x16xf32>,
    %swap3A_219 = arith.constant 4 : i32
    %swap3A_220 = arith.index_cast %swap3A_219 : i32 to index
    %swap3A_221 = arith.constant 64 : index
    %swap3A_222 = tpu.vector_load %arg10[%swap3A_220, %swap3A_221] {strides = array<i32>} : memref<16x128xf32, #tpu.memory_space<vmem>>, vector<1x16xf32>,
    %swap3A_223 = vector.shape_cast %swap3A_222 : vector<1x16xf32> to vector<16xf32>
    %swap3A_224 = vector.shape_cast %broadcast_in_dim3A_3 : vector<16xf32> to vector<1x16xf32>
    tpu.vector_store %arg10[%swap3A_220, %swap3A_221], %swap3A_224 {strides = array<i32>} : memref<16x128xf32, #tpu.memory_space<vmem>>, vector<1x16xf32>,
    %swap3A_225 = arith.constant 4 : i32
    %swap3A_226 = arith.index_cast %swap3A_225 : i32 to index
    %swap3A_227 = arith.constant 80 : index
    %swap3A_228 = tpu.vector_load %arg10[%swap3A_226, %swap3A_227] {strides = array<i32>} : memref<16x128xf32, #tpu.memory_space<vmem>>, vector<1x16xf32>,
    %swap3A_229 = vector.shape_cast %swap3A_228 : vector<1x16xf32> to vector<16xf32>
    %swap3A_230 = vector.shape_cast %broadcast_in_dim3A_3 : vector<16xf32> to vector<1x16xf32>
    tpu.vector_store %arg10[%swap3A_226, %swap3A_227], %swap3A_230 {strides = array<i32>} : memref<16x128xf32, #tpu.memory_space<vmem>>, vector<1x16xf32>,
    %swap3A_231 = arith.constant 4 : i32
    %swap3A_232 = arith.index_cast %swap3A_231 : i32 to index
    %swap3A_233 = arith.constant 96 : index
    %swap3A_234 = tpu.vector_load %arg10[%swap3A_232, %swap3A_233] {strides = array<i32>} : memref<16x128xf32, #tpu.memory_space<vmem>>, vector<1x16xf32>,
    %swap3A_235 = vector.shape_cast %swap3A_234 : vector<1x16xf32> to vector<16xf32>
    %swap3A_236 = vector.shape_cast %broadcast_in_dim3A_3 : vector<16xf32> to vector<1x16xf32>
    tpu.vector_store %arg10[%swap3A_232, %swap3A_233], %swap3A_236 {strides = array<i32>} : memref<16x128xf32, #tpu.memory_space<vmem>>, vector<1x16xf32>,
    %swap3A_237 = arith.constant 4 : i32
    %swap3A_238 = arith.index_cast %swap3A_237 : i32 to index
    %swap3A_239 = arith.constant 112 : index
    %swap3A_240 = tpu.vector_load %arg10[%swap3A_238, %swap3A_239] {strides = array<i32>} : memref<16x128xf32, #tpu.memory_space<vmem>>, vector<1x16xf32>,
    %swap3A_241 = vector.shape_cast %swap3A_240 : vector<1x16xf32> to vector<16xf32>
    %swap3A_242 = vector.shape_cast %broadcast_in_dim3A_3 : vector<16xf32> to vector<1x16xf32>
    tpu.vector_store %arg10[%swap3A_238, %swap3A_239], %swap3A_242 {strides = array<i32>} : memref<16x128xf32, #tpu.memory_space<vmem>>, vector<1x16xf32>,
    %swap3A_243 = arith.constant 5 : i32
    %swap3A_244 = arith.index_cast %swap3A_243 : i32 to index
    %swap3A_245 = arith.constant 0 : index
    %swap3A_246 = tpu.vector_load %arg10[%swap3A_244, %swap3A_245] {strides = array<i32>} : memref<16x128xf32, #tpu.memory_space<vmem>>, vector<1x16xf32>,
    %swap3A_247 = vector.shape_cast %swap3A_246 : vector<1x16xf32> to vector<16xf32>
    %swap3A_248 = vector.shape_cast %broadcast_in_dim3A_3 : vector<16xf32> to vector<1x16xf32>
    tpu.vector_store %arg10[%swap3A_244, %swap3A_245], %swap3A_248 {strides = array<i32>} : memref<16x128xf32, #tpu.memory_space<vmem>>, vector<1x16xf32>,
    %swap3A_249 = arith.constant 5 : i32
    %swap3A_250 = arith.index_cast %swap3A_249 : i32 to index
    %swap3A_251 = arith.constant 16 : index
    %swap3A_252 = tpu.vector_load %arg10[%swap3A_250, %swap3A_251] {strides = array<i32>} : memref<16x128xf32, #tpu.memory_space<vmem>>, vector<1x16xf32>,
    %swap3A_253 = vector.shape_cast %swap3A_252 : vector<1x16xf32> to vector<16xf32>
    %swap3A_254 = vector.shape_cast %broadcast_in_dim3A_3 : vector<16xf32> to vector<1x16xf32>
    tpu.vector_store %arg10[%swap3A_250, %swap3A_251], %swap3A_254 {strides = array<i32>} : memref<16x128xf32, #tpu.memory_space<vmem>>, vector<1x16xf32>,
    %swap3A_255 = arith.constant 5 : i32
    %swap3A_256 = arith.index_cast %swap3A_255 : i32 to index
    %swap3A_257 = arith.constant 32 : index
    %swap3A_258 = tpu.vector_load %arg10[%swap3A_256, %swap3A_257] {strides = array<i32>} : memref<16x128xf32, #tpu.memory_space<vmem>>, vector<1x16xf32>,
    %swap3A_259 = vector.shape_cast %swap3A_258 : vector<1x16xf32> to vector<16xf32>
    %swap3A_260 = vector.shape_cast %broadcast_in_dim3A_3 : vector<16xf32> to vector<1x16xf32>
    tpu.vector_store %arg10[%swap3A_256, %swap3A_257], %swap3A_260 {strides = array<i32>} : memref<16x128xf32, #tpu.memory_space<vmem>>, vector<1x16xf32>,
    %swap3A_261 = arith.constant 5 : i32
    %swap3A_262 = arith.index_cast %swap3A_261 : i32 to index
    %swap3A_263 = arith.constant 48 : index
    %swap3A_264 = tpu.vector_load %arg10[%swap3A_262, %swap3A_263] {strides = array<i32>} : memref<16x128xf32, #tpu.memory_space<vmem>>, vector<1x16xf32>,
    %swap3A_265 = vector.shape_cast %swap3A_264 : vector<1x16xf32> to vector<16xf32>
    %swap3A_266 = vector.shape_cast %broadcast_in_dim3A_3 : vector<16xf32> to vector<1x16xf32>
    tpu.vector_store %arg10[%swap3A_262, %swap3A_263], %swap3A_266 {strides = array<i32>} : memref<16x128xf32, #tpu.memory_space<vmem>>, vector<1x16xf32>,
    %swap3A_267 = arith.constant 5 : i32
    %swap3A_268 = arith.index_cast %swap3A_267 : i32 to index
    %swap3A_269 = arith.constant 64 : index
    %swap3A_270 = tpu.vector_load %arg10[%swap3A_268, %swap3A_269] {strides = array<i32>} : memref<16x128xf32, #tpu.memory_space<vmem>>, vector<1x16xf32>,
    %swap3A_271 = vector.shape_cast %swap3A_270 : vector<1x16xf32> to vector<16xf32>
    %swap3A_272 = vector.shape_cast %broadcast_in_dim3A_3 : vector<16xf32> to vector<1x16xf32>
    tpu.vector_store %arg10[%swap3A_268, %swap3A_269], %swap3A_272 {strides = array<i32>} : memref<16x128xf32, #tpu.memory_space<vmem>>, vector<1x16xf32>,
    %swap3A_273 = arith.constant 5 : i32
    %swap3A_274 = arith.index_cast %swap3A_273 : i32 to index
    %swap3A_275 = arith.constant 80 : index
    %swap3A_276 = tpu.vector_load %arg10[%swap3A_274, %swap3A_275] {strides = array<i32>} : memref<16x128xf32, #tpu.memory_space<vmem>>, vector<1x16xf32>,
    %swap3A_277 = vector.shape_cast %swap3A_276 : vector<1x16xf32> to vector<16xf32>
    %swap3A_278 = vector.shape_cast %broadcast_in_dim3A_3 : vector<16xf32> to vector<1x16xf32>
    tpu.vector_store %arg10[%swap3A_274, %swap3A_275], %swap3A_278 {strides = array<i32>} : memref<16x128xf32, #tpu.memory_space<vmem>>, vector<1x16xf32>,
    %swap3A_279 = arith.constant 5 : i32
    %swap3A_280 = arith.index_cast %swap3A_279 : i32 to index
    %swap3A_281 = arith.constant 96 : index
    %swap3A_282 = tpu.vector_load %arg10[%swap3A_280, %swap3A_281] {strides = array<i32>} : memref<16x128xf32, #tpu.memory_space<vmem>>, vector<1x16xf32>,
    %swap3A_283 = vector.shape_cast %swap3A_282 : vector<1x16xf32> to vector<16xf32>
    %swap3A_284 = vector.shape_cast %broadcast_in_dim3A_3 : vector<16xf32> to vector<1x16xf32>
    tpu.vector_store %arg10[%swap3A_280, %swap3A_281], %swap3A_284 {strides = array<i32>} : memref<16x128xf32, #tpu.memory_space<vmem>>, vector<1x16xf32>,
    %swap3A_285 = arith.constant 5 : i32
    %swap3A_286 = arith.index_cast %swap3A_285 : i32 to index
    %swap3A_287 = arith.constant 112 : index
    %swap3A_288 = tpu.vector_load %arg10[%swap3A_286, %swap3A_287] {strides = array<i32>} : memref<16x128xf32, #tpu.memory_space<vmem>>, vector<1x16xf32>,
    %swap3A_289 = vector.shape_cast %swap3A_288 : vector<1x16xf32> to vector<16xf32>
    %swap3A_290 = vector.shape_cast %broadcast_in_dim3A_3 : vector<16xf32> to vector<1x16xf32>
    tpu.vector_store %arg10[%swap3A_286, %swap3A_287], %swap3A_290 {strides = array<i32>} : memref<16x128xf32, #tpu.memory_space<vmem>>, vector<1x16xf32>,
    %swap3A_291 = arith.constant 6 : i32
    %swap3A_292 = arith.index_cast %swap3A_291 : i32 to index
    %swap3A_293 = arith.constant 0 : index
    %swap3A_294 = tpu.vector_load %arg10[%swap3A_292, %swap3A_293] {strides = array<i32>} : memref<16x128xf32, #tpu.memory_space<vmem>>, vector<1x16xf32>,
    %swap3A_295 = vector.shape_cast %swap3A_294 : vector<1x16xf32> to vector<16xf32>
    %swap3A_296 = vector.shape_cast %broadcast_in_dim3A_3 : vector<16xf32> to vector<1x16xf32>
    tpu.vector_store %arg10[%swap3A_292, %swap3A_293], %swap3A_296 {strides = array<i32>} : memref<16x128xf32, #tpu.memory_space<vmem>>, vector<1x16xf32>,
    %swap3A_297 = arith.constant 6 : i32
    %swap3A_298 = arith.index_cast %swap3A_297 : i32 to index
    %swap3A_299 = arith.constant 16 : index
    %swap3A_300 = tpu.vector_load %arg10[%swap3A_298, %swap3A_299] {strides = array<i32>} : memref<16x128xf32, #tpu.memory_space<vmem>>, vector<1x16xf32>,
    %swap3A_301 = vector.shape_cast %swap3A_300 : vector<1x16xf32> to vector<16xf32>
    %swap3A_302 = vector.shape_cast %broadcast_in_dim3A_3 : vector<16xf32> to vector<1x16xf32>
    tpu.vector_store %arg10[%swap3A_298, %swap3A_299], %swap3A_302 {strides = array<i32>} : memref<16x128xf32, #tpu.memory_space<vmem>>, vector<1x16xf32>,
    %swap3A_303 = arith.constant 6 : i32
    %swap3A_304 = arith.index_cast %swap3A_303 : i32 to index
    %swap3A_305 = arith.constant 32 : index
    %swap3A_306 = tpu.vector_load %arg10[%swap3A_304, %swap3A_305] {strides = array<i32>} : memref<16x128xf32, #tpu.memory_space<vmem>>, vector<1x16xf32>,
    %swap3A_307 = vector.shape_cast %swap3A_306 : vector<1x16xf32> to vector<16xf32>
    %swap3A_308 = vector.shape_cast %broadcast_in_dim3A_3 : vector<16xf32> to vector<1x16xf32>
    tpu.vector_store %arg10[%swap3A_304, %swap3A_305], %swap3A_308 {strides = array<i32>} : memref<16x128xf32, #tpu.memory_space<vmem>>, vector<1x16xf32>,
    %swap3A_309 = arith.constant 6 : i32
    %swap3A_310 = arith.index_cast %swap3A_309 : i32 to index
    %swap3A_311 = arith.constant 48 : index
    %swap3A_312 = tpu.vector_load %arg10[%swap3A_310, %swap3A_311] {strides = array<i32>} : memref<16x128xf32, #tpu.memory_space<vmem>>, vector<1x16xf32>,
    %swap3A_313 = vector.shape_cast %swap3A_312 : vector<1x16xf32> to vector<16xf32>
    %swap3A_314 = vector.shape_cast %broadcast_in_dim3A_3 : vector<16xf32> to vector<1x16xf32>
    tpu.vector_store %arg10[%swap3A_310, %swap3A_311], %swap3A_314 {strides = array<i32>} : memref<16x128xf32, #tpu.memory_space<vmem>>, vector<1x16xf32>,
    %swap3A_315 = arith.constant 6 : i32
    %swap3A_316 = arith.index_cast %swap3A_315 : i32 to index
    %swap3A_317 = arith.constant 64 : index
    %swap3A_318 = tpu.vector_load %arg10[%swap3A_316, %swap3A_317] {strides = array<i32>} : memref<16x128xf32, #tpu.memory_space<vmem>>, vector<1x16xf32>,
    %swap3A_319 = vector.shape_cast %swap3A_318 : vector<1x16xf32> to vector<16xf32>
    %swap3A_320 = vector.shape_cast %broadcast_in_dim3A_3 : vector<16xf32> to vector<1x16xf32>
    tpu.vector_store %arg10[%swap3A_316, %swap3A_317], %swap3A_320 {strides = array<i32>} : memref<16x128xf32, #tpu.memory_space<vmem>>, vector<1x16xf32>,
    %swap3A_321 = arith.constant 6 : i32
    %swap3A_322 = arith.index_cast %swap3A_321 : i32 to index
    %swap3A_323 = arith.constant 80 : index
    %swap3A_324 = tpu.vector_load %arg10[%swap3A_322, %swap3A_323] {strides = array<i32>} : memref<16x128xf32, #tpu.memory_space<vmem>>, vector<1x16xf32>,
    %swap3A_325 = vector.shape_cast %swap3A_324 : vector<1x16xf32> to vector<16xf32>
    %swap3A_326 = vector.shape_cast %broadcast_in_dim3A_3 : vector<16xf32> to vector<1x16xf32>
    tpu.vector_store %arg10[%swap3A_322, %swap3A_323], %swap3A_326 {strides = array<i32>} : memref<16x128xf32, #tpu.memory_space<vmem>>, vector<1x16xf32>,
    %swap3A_327 = arith.constant 6 : i32
    %swap3A_328 = arith.index_cast %swap3A_327 : i32 to index
    %swap3A_329 = arith.constant 96 : index
    %swap3A_330 = tpu.vector_load %arg10[%swap3A_328, %swap3A_329] {strides = array<i32>} : memref<16x128xf32, #tpu.memory_space<vmem>>, vector<1x16xf32>,
    %swap3A_331 = vector.shape_cast %swap3A_330 : vector<1x16xf32> to vector<16xf32>
    %swap3A_332 = vector.shape_cast %broadcast_in_dim3A_3 : vector<16xf32> to vector<1x16xf32>
    tpu.vector_store %arg10[%swap3A_328, %swap3A_329], %swap3A_332 {strides = array<i32>} : memref<16x128xf32, #tpu.memory_space<vmem>>, vector<1x16xf32>,
    %swap3A_333 = arith.constant 6 : i32
    %swap3A_334 = arith.index_cast %swap3A_333 : i32 to index
    %swap3A_335 = arith.constant 112 : index
    %swap3A_336 = tpu.vector_load %arg10[%swap3A_334, %swap3A_335] {strides = array<i32>} : memref<16x128xf32, #tpu.memory_space<vmem>>, vector<1x16xf32>,
    %swap3A_337 = vector.shape_cast %swap3A_336 : vector<1x16xf32> to vector<16xf32>
    %swap3A_338 = vector.shape_cast %broadcast_in_dim3A_3 : vector<16xf32> to vector<1x16xf32>
    tpu.vector_store %arg10[%swap3A_334, %swap3A_335], %swap3A_338 {strides = array<i32>} : memref<16x128xf32, #tpu.memory_space<vmem>>, vector<1x16xf32>,
    %swap3A_339 = arith.constant 7 : i32
    %swap3A_340 = arith.index_cast %swap3A_339 : i32 to index
    %swap3A_341 = arith.constant 0 : index
    %swap3A_342 = tpu.vector_load %arg10[%swap3A_340, %swap3A_341] {strides = array<i32>} : memref<16x128xf32, #tpu.memory_space<vmem>>, vector<1x16xf32>,
    %swap3A_343 = vector.shape_cast %swap3A_342 : vector<1x16xf32> to vector<16xf32>
    %swap3A_344 = vector.shape_cast %broadcast_in_dim3A_3 : vector<16xf32> to vector<1x16xf32>
    tpu.vector_store %arg10[%swap3A_340, %swap3A_341], %swap3A_344 {strides = array<i32>} : memref<16x128xf32, #tpu.memory_space<vmem>>, vector<1x16xf32>,
    %swap3A_345 = arith.constant 7 : i32
    %swap3A_346 = arith.index_cast %swap3A_345 : i32 to index
    %swap3A_347 = arith.constant 16 : index
    %swap3A_348 = tpu.vector_load %arg10[%swap3A_346, %swap3A_347] {strides = array<i32>} : memref<16x128xf32, #tpu.memory_space<vmem>>, vector<1x16xf32>,
    %swap3A_349 = vector.shape_cast %swap3A_348 : vector<1x16xf32> to vector<16xf32>
    %swap3A_350 = vector.shape_cast %broadcast_in_dim3A_3 : vector<16xf32> to vector<1x16xf32>
    tpu.vector_store %arg10[%swap3A_346, %swap3A_347], %swap3A_350 {strides = array<i32>} : memref<16x128xf32, #tpu.memory_space<vmem>>, vector<1x16xf32>,
    %swap3A_351 = arith.constant 7 : i32
    %swap3A_352 = arith.index_cast %swap3A_351 : i32 to index
    %swap3A_353 = arith.constant 32 : index
    %swap3A_354 = tpu.vector_load %arg10[%swap3A_352, %swap3A_353] {strides = array<i32>} : memref<16x128xf32, #tpu.memory_space<vmem>>, vector<1x16xf32>,
    %swap3A_355 = vector.shape_cast %swap3A_354 : vector<1x16xf32> to vector<16xf32>
    %swap3A_356 = vector.shape_cast %broadcast_in_dim3A_3 : vector<16xf32> to vector<1x16xf32>
    tpu.vector_store %arg10[%swap3A_352, %swap3A_353], %swap3A_356 {strides = array<i32>} : memref<16x128xf32, #tpu.memory_space<vmem>>, vector<1x16xf32>,
    %swap3A_357 = arith.constant 7 : i32
    %swap3A_358 = arith.index_cast %swap3A_357 : i32 to index
    %swap3A_359 = arith.constant 48 : index
    %swap3A_360 = tpu.vector_load %arg10[%swap3A_358, %swap3A_359] {strides = array<i32>} : memref<16x128xf32, #tpu.memory_space<vmem>>, vector<1x16xf32>,
    %swap3A_361 = vector.shape_cast %swap3A_360 : vector<1x16xf32> to vector<16xf32>
    %swap3A_362 = vector.shape_cast %broadcast_in_dim3A_3 : vector<16xf32> to vector<1x16xf32>
    tpu.vector_store %arg10[%swap3A_358, %swap3A_359], %swap3A_362 {strides = array<i32>} : memref<16x128xf32, #tpu.memory_space<vmem>>, vector<1x16xf32>,
    %swap3A_363 = arith.constant 7 : i32
    %swap3A_364 = arith.index_cast %swap3A_363 : i32 to index
    %swap3A_365 = arith.constant 64 : index
    %swap3A_366 = tpu.vector_load %arg10[%swap3A_364, %swap3A_365] {strides = array<i32>} : memref<16x128xf32, #tpu.memory_space<vmem>>, vector<1x16xf32>,
    %swap3A_367 = vector.shape_cast %swap3A_366 : vector<1x16xf32> to vector<16xf32>
    %swap3A_368 = vector.shape_cast %broadcast_in_dim3A_3 : vector<16xf32> to vector<1x16xf32>
    tpu.vector_store %arg10[%swap3A_364, %swap3A_365], %swap3A_368 {strides = array<i32>} : memref<16x128xf32, #tpu.memory_space<vmem>>, vector<1x16xf32>,
    %swap3A_369 = arith.constant 7 : i32
    %swap3A_370 = arith.index_cast %swap3A_369 : i32 to index
    %swap3A_371 = arith.constant 80 : index
    %swap3A_372 = tpu.vector_load %arg10[%swap3A_370, %swap3A_371] {strides = array<i32>} : memref<16x128xf32, #tpu.memory_space<vmem>>, vector<1x16xf32>,
    %swap3A_373 = vector.shape_cast %swap3A_372 : vector<1x16xf32> to vector<16xf32>
    %swap3A_374 = vector.shape_cast %broadcast_in_dim3A_3 : vector<16xf32> to vector<1x16xf32>
    tpu.vector_store %arg10[%swap3A_370, %swap3A_371], %swap3A_374 {strides = array<i32>} : memref<16x128xf32, #tpu.memory_space<vmem>>, vector<1x16xf32>,
    %swap3A_375 = arith.constant 7 : i32
    %swap3A_376 = arith.index_cast %swap3A_375 : i32 to index
    %swap3A_377 = arith.constant 96 : index
    %swap3A_378 = tpu.vector_load %arg10[%swap3A_376, %swap3A_377] {strides = array<i32>} : memref<16x128xf32, #tpu.memory_space<vmem>>, vector<1x16xf32>,
    %swap3A_379 = vector.shape_cast %swap3A_378 : vector<1x16xf32> to vector<16xf32>
    %swap3A_380 = vector.shape_cast %broadcast_in_dim3A_3 : vector<16xf32> to vector<1x16xf32>
    tpu.vector_store %arg10[%swap3A_376, %swap3A_377], %swap3A_380 {strides = array<i32>} : memref<16x128xf32, #tpu.memory_space<vmem>>, vector<1x16xf32>,
    %swap3A_381 = arith.constant 7 : i32
    %swap3A_382 = arith.index_cast %swap3A_381 : i32 to index
    %swap3A_383 = arith.constant 112 : index
    %swap3A_384 = tpu.vector_load %arg10[%swap3A_382, %swap3A_383] {strides = array<i32>} : memref<16x128xf32, #tpu.memory_space<vmem>>, vector<1x16xf32>,
    %swap3A_385 = vector.shape_cast %swap3A_384 : vector<1x16xf32> to vector<16xf32>
    %swap3A_386 = vector.shape_cast %broadcast_in_dim3A_3 : vector<16xf32> to vector<1x16xf32>
    tpu.vector_store %arg10[%swap3A_382, %swap3A_383], %swap3A_386 {strides = array<i32>} : memref<16x128xf32, #tpu.memory_space<vmem>>, vector<1x16xf32>,
    %swap3A_387 = arith.constant 8 : i32
    %swap3A_388 = arith.index_cast %swap3A_387 : i32 to index
    %swap3A_389 = arith.constant 0 : index
    %swap3A_390 = tpu.vector_load %arg10[%swap3A_388, %swap3A_389] {strides = array<i32>} : memref<16x128xf32, #tpu.memory_space<vmem>>, vector<1x16xf32>,
    %swap3A_391 = vector.shape_cast %swap3A_390 : vector<1x16xf32> to vector<16xf32>
    %swap3A_392 = vector.shape_cast %broadcast_in_dim3A_3 : vector<16xf32> to vector<1x16xf32>
    tpu.vector_store %arg10[%swap3A_388, %swap3A_389], %swap3A_392 {strides = array<i32>} : memref<16x128xf32, #tpu.memory_space<vmem>>, vector<1x16xf32>,
    %swap3A_393 = arith.constant 8 : i32
    %swap3A_394 = arith.index_cast %swap3A_393 : i32 to index
    %swap3A_395 = arith.constant 16 : index
    %swap3A_396 = tpu.vector_load %arg10[%swap3A_394, %swap3A_395] {strides = array<i32>} : memref<16x128xf32, #tpu.memory_space<vmem>>, vector<1x16xf32>,
    %swap3A_397 = vector.shape_cast %swap3A_396 : vector<1x16xf32> to vector<16xf32>
    %swap3A_398 = vector.shape_cast %broadcast_in_dim3A_3 : vector<16xf32> to vector<1x16xf32>
    tpu.vector_store %arg10[%swap3A_394, %swap3A_395], %swap3A_398 {strides = array<i32>} : memref<16x128xf32, #tpu.memory_space<vmem>>, vector<1x16xf32>,
    %swap3A_399 = arith.constant 8 : i32
    %swap3A_400 = arith.index_cast %swap3A_399 : i32 to index
    %swap3A_401 = arith.constant 32 : index
    %swap3A_402 = tpu.vector_load %arg10[%swap3A_400, %swap3A_401] {strides = array<i32>} : memref<16x128xf32, #tpu.memory_space<vmem>>, vector<1x16xf32>,
    %swap3A_403 = vector.shape_cast %swap3A_402 : vector<1x16xf32> to vector<16xf32>
    %swap3A_404 = vector.shape_cast %broadcast_in_dim3A_3 : vector<16xf32> to vector<1x16xf32>
    tpu.vector_store %arg10[%swap3A_400, %swap3A_401], %swap3A_404 {strides = array<i32>} : memref<16x128xf32, #tpu.memory_space<vmem>>, vector<1x16xf32>,
    %swap3A_405 = arith.constant 8 : i32
    %swap3A_406 = arith.index_cast %swap3A_405 : i32 to index
    %swap3A_407 = arith.constant 48 : index
    %swap3A_408 = tpu.vector_load %arg10[%swap3A_406, %swap3A_407] {strides = array<i32>} : memref<16x128xf32, #tpu.memory_space<vmem>>, vector<1x16xf32>,
    %swap3A_409 = vector.shape_cast %swap3A_408 : vector<1x16xf32> to vector<16xf32>
    %swap3A_410 = vector.shape_cast %broadcast_in_dim3A_3 : vector<16xf32> to vector<1x16xf32>
    tpu.vector_store %arg10[%swap3A_406, %swap3A_407], %swap3A_410 {strides = array<i32>} : memref<16x128xf32, #tpu.memory_space<vmem>>, vector<1x16xf32>,
    %swap3A_411 = arith.constant 8 : i32
    %swap3A_412 = arith.index_cast %swap3A_411 : i32 to index
    %swap3A_413 = arith.constant 64 : index
    %swap3A_414 = tpu.vector_load %arg10[%swap3A_412, %swap3A_413] {strides = array<i32>} : memref<16x128xf32, #tpu.memory_space<vmem>>, vector<1x16xf32>,
    %swap3A_415 = vector.shape_cast %swap3A_414 : vector<1x16xf32> to vector<16xf32>
    %swap3A_416 = vector.shape_cast %broadcast_in_dim3A_3 : vector<16xf32> to vector<1x16xf32>
    tpu.vector_store %arg10[%swap3A_412, %swap3A_413], %swap3A_416 {strides = array<i32>} : memref<16x128xf32, #tpu.memory_space<vmem>>, vector<1x16xf32>,
    %swap3A_417 = arith.constant 8 : i32
    %swap3A_418 = arith.index_cast %swap3A_417 : i32 to index
    %swap3A_419 = arith.constant 80 : index
    %swap3A_420 = tpu.vector_load %arg10[%swap3A_418, %swap3A_419] {strides = array<i32>} : memref<16x128xf32, #tpu.memory_space<vmem>>, vector<1x16xf32>,
    %swap3A_421 = vector.shape_cast %swap3A_420 : vector<1x16xf32> to vector<16xf32>
    %swap3A_422 = vector.shape_cast %broadcast_in_dim3A_3 : vector<16xf32> to vector<1x16xf32>
    tpu.vector_store %arg10[%swap3A_418, %swap3A_419], %swap3A_422 {strides = array<i32>} : memref<16x128xf32, #tpu.memory_space<vmem>>, vector<1x16xf32>,
    %swap3A_423 = arith.constant 8 : i32
    %swap3A_424 = arith.index_cast %swap3A_423 : i32 to index
    %swap3A_425 = arith.constant 96 : index
    %swap3A_426 = tpu.vector_load %arg10[%swap3A_424, %swap3A_425] {strides = array<i32>} : memref<16x128xf32, #tpu.memory_space<vmem>>, vector<1x16xf32>,
    %swap3A_427 = vector.shape_cast %swap3A_426 : vector<1x16xf32> to vector<16xf32>
    %swap3A_428 = vector.shape_cast %broadcast_in_dim3A_3 : vector<16xf32> to vector<1x16xf32>
    tpu.vector_store %arg10[%swap3A_424, %swap3A_425], %swap3A_428 {strides = array<i32>} : memref<16x128xf32, #tpu.memory_space<vmem>>, vector<1x16xf32>,
    %swap3A_429 = arith.constant 8 : i32
    %swap3A_430 = arith.index_cast %swap3A_429 : i32 to index
    %swap3A_431 = arith.constant 112 : index
    %swap3A_432 = tpu.vector_load %arg10[%swap3A_430, %swap3A_431] {strides = array<i32>} : memref<16x128xf32, #tpu.memory_space<vmem>>, vector<1x16xf32>,
    %swap3A_433 = vector.shape_cast %swap3A_432 : vector<1x16xf32> to vector<16xf32>
    %swap3A_434 = vector.shape_cast %broadcast_in_dim3A_3 : vector<16xf32> to vector<1x16xf32>
    tpu.vector_store %arg10[%swap3A_430, %swap3A_431], %swap3A_434 {strides = array<i32>} : memref<16x128xf32, #tpu.memory_space<vmem>>, vector<1x16xf32>,
    %swap3A_435 = arith.constant 9 : i32
    %swap3A_436 = arith.index_cast %swap3A_435 : i32 to index
    %swap3A_437 = arith.constant 0 : index
    %swap3A_438 = tpu.vector_load %arg10[%swap3A_436, %swap3A_437] {strides = array<i32>} : memref<16x128xf32, #tpu.memory_space<vmem>>, vector<1x16xf32>,
    %swap3A_439 = vector.shape_cast %swap3A_438 : vector<1x16xf32> to vector<16xf32>
    %swap3A_440 = vector.shape_cast %broadcast_in_dim3A_3 : vector<16xf32> to vector<1x16xf32>
    tpu.vector_store %arg10[%swap3A_436, %swap3A_437], %swap3A_440 {strides = array<i32>} : memref<16x128xf32, #tpu.memory_space<vmem>>, vector<1x16xf32>,
    %swap3A_441 = arith.constant 9 : i32
    %swap3A_442 = arith.index_cast %swap3A_441 : i32 to index
    %swap3A_443 = arith.constant 16 : index
    %swap3A_444 = tpu.vector_load %arg10[%swap3A_442, %swap3A_443] {strides = array<i32>} : memref<16x128xf32, #tpu.memory_space<vmem>>, vector<1x16xf32>,
    %swap3A_445 = vector.shape_cast %swap3A_444 : vector<1x16xf32> to vector<16xf32>
    %swap3A_446 = vector.shape_cast %broadcast_in_dim3A_3 : vector<16xf32> to vector<1x16xf32>
    tpu.vector_store %arg10[%swap3A_442, %swap3A_443], %swap3A_446 {strides = array<i32>} : memref<16x128xf32, #tpu.memory_space<vmem>>, vector<1x16xf32>,
    %swap3A_447 = arith.constant 9 : i32
    %swap3A_448 = arith.index_cast %swap3A_447 : i32 to index
    %swap3A_449 = arith.constant 32 : index
    %swap3A_450 = tpu.vector_load %arg10[%swap3A_448, %swap3A_449] {strides = array<i32>} : memref<16x128xf32, #tpu.memory_space<vmem>>, vector<1x16xf32>,
    %swap3A_451 = vector.shape_cast %swap3A_450 : vector<1x16xf32> to vector<16xf32>
    %swap3A_452 = vector.shape_cast %broadcast_in_dim3A_3 : vector<16xf32> to vector<1x16xf32>
    tpu.vector_store %arg10[%swap3A_448, %swap3A_449], %swap3A_452 {strides = array<i32>} : memref<16x128xf32, #tpu.memory_space<vmem>>, vector<1x16xf32>,
    %swap3A_453 = arith.constant 9 : i32
    %swap3A_454 = arith.index_cast %swap3A_453 : i32 to index
    %swap3A_455 = arith.constant 48 : index
    %swap3A_456 = tpu.vector_load %arg10[%swap3A_454, %swap3A_455] {strides = array<i32>} : memref<16x128xf32, #tpu.memory_space<vmem>>, vector<1x16xf32>,
    %swap3A_457 = vector.shape_cast %swap3A_456 : vector<1x16xf32> to vector<16xf32>
    %swap3A_458 = vector.shape_cast %broadcast_in_dim3A_3 : vector<16xf32> to vector<1x16xf32>
    tpu.vector_store %arg10[%swap3A_454, %swap3A_455], %swap3A_458 {strides = array<i32>} : memref<16x128xf32, #tpu.memory_space<vmem>>, vector<1x16xf32>,
    %swap3A_459 = arith.constant 9 : i32
    %swap3A_460 = arith.index_cast %swap3A_459 : i32 to index
    %swap3A_461 = arith.constant 64 : index
    %swap3A_462 = tpu.vector_load %arg10[%swap3A_460, %swap3A_461] {strides = array<i32>} : memref<16x128xf32, #tpu.memory_space<vmem>>, vector<1x16xf32>,
    %swap3A_463 = vector.shape_cast %swap3A_462 : vector<1x16xf32> to vector<16xf32>
    %swap3A_464 = vector.shape_cast %broadcast_in_dim3A_3 : vector<16xf32> to vector<1x16xf32>
    tpu.vector_store %arg10[%swap3A_460, %swap3A_461], %swap3A_464 {strides = array<i32>} : memref<16x128xf32, #tpu.memory_space<vmem>>, vector<1x16xf32>,
    %swap3A_465 = arith.constant 9 : i32
    %swap3A_466 = arith.index_cast %swap3A_465 : i32 to index
    %swap3A_467 = arith.constant 80 : index
    %swap3A_468 = tpu.vector_load %arg10[%swap3A_466, %swap3A_467] {strides = array<i32>} : memref<16x128xf32, #tpu.memory_space<vmem>>, vector<1x16xf32>,
    %swap3A_469 = vector.shape_cast %swap3A_468 : vector<1x16xf32> to vector<16xf32>
    %swap3A_470 = vector.shape_cast %broadcast_in_dim3A_3 : vector<16xf32> to vector<1x16xf32>
    tpu.vector_store %arg10[%swap3A_466, %swap3A_467], %swap3A_470 {strides = array<i32>} : memref<16x128xf32, #tpu.memory_space<vmem>>, vector<1x16xf32>,
    %swap3A_471 = arith.constant 9 : i32
    %swap3A_472 = arith.index_cast %swap3A_471 : i32 to index
    %swap3A_473 = arith.constant 96 : index
    %swap3A_474 = tpu.vector_load %arg10[%swap3A_472, %swap3A_473] {strides = array<i32>} : memref<16x128xf32, #tpu.memory_space<vmem>>, vector<1x16xf32>,
    %swap3A_475 = vector.shape_cast %swap3A_474 : vector<1x16xf32> to vector<16xf32>
    %swap3A_476 = vector.shape_cast %broadcast_in_dim3A_3 : vector<16xf32> to vector<1x16xf32>
    tpu.vector_store %arg10[%swap3A_472, %swap3A_473], %swap3A_476 {strides = array<i32>} : memref<16x128xf32, #tpu.memory_space<vmem>>, vector<1x16xf32>,
    %swap3A_477 = arith.constant 9 : i32
    %swap3A_478 = arith.index_cast %swap3A_477 : i32 to index
    %swap3A_479 = arith.constant 112 : index
    %swap3A_480 = tpu.vector_load %arg10[%swap3A_478, %swap3A_479] {strides = array<i32>} : memref<16x128xf32, #tpu.memory_space<vmem>>, vector<1x16xf32>,
    %swap3A_481 = vector.shape_cast %swap3A_480 : vector<1x16xf32> to vector<16xf32>
    %swap3A_482 = vector.shape_cast %broadcast_in_dim3A_3 : vector<16xf32> to vector<1x16xf32>
    tpu.vector_store %arg10[%swap3A_478, %swap3A_479], %swap3A_482 {strides = array<i32>} : memref<16x128xf32, #tpu.memory_space<vmem>>, vector<1x16xf32>,
    %swap3A_483 = arith.constant 10 : i32
    %swap3A_484 = arith.index_cast %swap3A_483 : i32 to index
    %swap3A_485 = arith.constant 0 : index
    %swap3A_486 = tpu.vector_load %arg10[%swap3A_484, %swap3A_485] {strides = array<i32>} : memref<16x128xf32, #tpu.memory_space<vmem>>, vector<1x16xf32>,
    %swap3A_487 = vector.shape_cast %swap3A_486 : vector<1x16xf32> to vector<16xf32>
    %swap3A_488 = vector.shape_cast %broadcast_in_dim3A_3 : vector<16xf32> to vector<1x16xf32>
    tpu.vector_store %arg10[%swap3A_484, %swap3A_485], %swap3A_488 {strides = array<i32>} : memref<16x128xf32, #tpu.memory_space<vmem>>, vector<1x16xf32>,
    %swap3A_489 = arith.constant 10 : i32
    %swap3A_490 = arith.index_cast %swap3A_489 : i32 to index
    %swap3A_491 = arith.constant 16 : index
    %swap3A_492 = tpu.vector_load %arg10[%swap3A_490, %swap3A_491] {strides = array<i32>} : memref<16x128xf32, #tpu.memory_space<vmem>>, vector<1x16xf32>,
    %swap3A_493 = vector.shape_cast %swap3A_492 : vector<1x16xf32> to vector<16xf32>
    %swap3A_494 = vector.shape_cast %broadcast_in_dim3A_3 : vector<16xf32> to vector<1x16xf32>
    tpu.vector_store %arg10[%swap3A_490, %swap3A_491], %swap3A_494 {strides = array<i32>} : memref<16x128xf32, #tpu.memory_space<vmem>>, vector<1x16xf32>,
    %swap3A_495 = arith.constant 10 : i32
    %swap3A_496 = arith.index_cast %swap3A_495 : i32 to index
    %swap3A_497 = arith.constant 32 : index
    %swap3A_498 = tpu.vector_load %arg10[%swap3A_496, %swap3A_497] {strides = array<i32>} : memref<16x128xf32, #tpu.memory_space<vmem>>, vector<1x16xf32>,
    %swap3A_499 = vector.shape_cast %swap3A_498 : vector<1x16xf32> to vector<16xf32>
    %swap3A_500 = vector.shape_cast %broadcast_in_dim3A_3 : vector<16xf32> to vector<1x16xf32>
    tpu.vector_store %arg10[%swap3A_496, %swap3A_497], %swap3A_500 {strides = array<i32>} : memref<16x128xf32, #tpu.memory_space<vmem>>, vector<1x16xf32>,
    %swap3A_501 = arith.constant 10 : i32
    %swap3A_502 = arith.index_cast %swap3A_501 : i32 to index
    %swap3A_503 = arith.constant 48 : index
    %swap3A_504 = tpu.vector_load %arg10[%swap3A_502, %swap3A_503] {strides = array<i32>} : memref<16x128xf32, #tpu.memory_space<vmem>>, vector<1x16xf32>,
    %swap3A_505 = vector.shape_cast %swap3A_504 : vector<1x16xf32> to vector<16xf32>
    %swap3A_506 = vector.shape_cast %broadcast_in_dim3A_3 : vector<16xf32> to vector<1x16xf32>
    tpu.vector_store %arg10[%swap3A_502, %swap3A_503], %swap3A_506 {strides = array<i32>} : memref<16x128xf32, #tpu.memory_space<vmem>>, vector<1x16xf32>,
    %swap3A_507 = arith.constant 10 : i32
    %swap3A_508 = arith.index_cast %swap3A_507 : i32 to index
    %swap3A_509 = arith.constant 64 : index
    %swap3A_510 = tpu.vector_load %arg10[%swap3A_508, %swap3A_509] {strides = array<i32>} : memref<16x128xf32, #tpu.memory_space<vmem>>, vector<1x16xf32>,
    %swap3A_511 = vector.shape_cast %swap3A_510 : vector<1x16xf32> to vector<16xf32>
    %swap3A_512 = vector.shape_cast %broadcast_in_dim3A_3 : vector<16xf32> to vector<1x16xf32>
    tpu.vector_store %arg10[%swap3A_508, %swap3A_509], %swap3A_512 {strides = array<i32>} : memref<16x128xf32, #tpu.memory_space<vmem>>, vector<1x16xf32>,
    %swap3A_513 = arith.constant 10 : i32
    %swap3A_514 = arith.index_cast %swap3A_513 : i32 to index
    %swap3A_515 = arith.constant 80 : index
    %swap3A_516 = tpu.vector_load %arg10[%swap3A_514, %swap3A_515] {strides = array<i32>} : memref<16x128xf32, #tpu.memory_space<vmem>>, vector<1x16xf32>,
    %swap3A_517 = vector.shape_cast %swap3A_516 : vector<1x16xf32> to vector<16xf32>
    %swap3A_518 = vector.shape_cast %broadcast_in_dim3A_3 : vector<16xf32> to vector<1x16xf32>
    tpu.vector_store %arg10[%swap3A_514, %swap3A_515], %swap3A_518 {strides = array<i32>} : memref<16x128xf32, #tpu.memory_space<vmem>>, vector<1x16xf32>,
    %swap3A_519 = arith.constant 10 : i32
    %swap3A_520 = arith.index_cast %swap3A_519 : i32 to index
    %swap3A_521 = arith.constant 96 : index
    %swap3A_522 = tpu.vector_load %arg10[%swap3A_520, %swap3A_521] {strides = array<i32>} : memref<16x128xf32, #tpu.memory_space<vmem>>, vector<1x16xf32>,
    %swap3A_523 = vector.shape_cast %swap3A_522 : vector<1x16xf32> to vector<16xf32>
    %swap3A_524 = vector.shape_cast %broadcast_in_dim3A_3 : vector<16xf32> to vector<1x16xf32>
    tpu.vector_store %arg10[%swap3A_520, %swap3A_521], %swap3A_524 {strides = array<i32>} : memref<16x128xf32, #tpu.memory_space<vmem>>, vector<1x16xf32>,
    %swap3A_525 = arith.constant 10 : i32
    %swap3A_526 = arith.index_cast %swap3A_525 : i32 to index
    %swap3A_527 = arith.constant 112 : index
    %swap3A_528 = tpu.vector_load %arg10[%swap3A_526, %swap3A_527] {strides = array<i32>} : memref<16x128xf32, #tpu.memory_space<vmem>>, vector<1x16xf32>,
    %swap3A_529 = vector.shape_cast %swap3A_528 : vector<1x16xf32> to vector<16xf32>
    %swap3A_530 = vector.shape_cast %broadcast_in_dim3A_3 : vector<16xf32> to vector<1x16xf32>
    tpu.vector_store %arg10[%swap3A_526, %swap3A_527], %swap3A_530 {strides = array<i32>} : memref<16x128xf32, #tpu.memory_space<vmem>>, vector<1x16xf32>,
    %swap3A_531 = arith.constant 11 : i32
    %swap3A_532 = arith.index_cast %swap3A_531 : i32 to index
    %swap3A_533 = arith.constant 0 : index
    %swap3A_534 = tpu.vector_load %arg10[%swap3A_532, %swap3A_533] {strides = array<i32>} : memref<16x128xf32, #tpu.memory_space<vmem>>, vector<1x16xf32>,
    %swap3A_535 = vector.shape_cast %swap3A_534 : vector<1x16xf32> to vector<16xf32>
    %swap3A_536 = vector.shape_cast %broadcast_in_dim3A_3 : vector<16xf32> to vector<1x16xf32>
    tpu.vector_store %arg10[%swap3A_532, %swap3A_533], %swap3A_536 {strides = array<i32>} : memref<16x128xf32, #tpu.memory_space<vmem>>, vector<1x16xf32>,
    %swap3A_537 = arith.constant 11 : i32
    %swap3A_538 = arith.index_cast %swap3A_537 : i32 to index
    %swap3A_539 = arith.constant 16 : index
    %swap3A_540 = tpu.vector_load %arg10[%swap3A_538, %swap3A_539] {strides = array<i32>} : memref<16x128xf32, #tpu.memory_space<vmem>>, vector<1x16xf32>,
    %swap3A_541 = vector.shape_cast %swap3A_540 : vector<1x16xf32> to vector<16xf32>
    %swap3A_542 = vector.shape_cast %broadcast_in_dim3A_3 : vector<16xf32> to vector<1x16xf32>
    tpu.vector_store %arg10[%swap3A_538, %swap3A_539], %swap3A_542 {strides = array<i32>} : memref<16x128xf32, #tpu.memory_space<vmem>>, vector<1x16xf32>,
    %swap3A_543 = arith.constant 11 : i32
    %swap3A_544 = arith.index_cast %swap3A_543 : i32 to index
    %swap3A_545 = arith.constant 32 : index
    %swap3A_546 = tpu.vector_load %arg10[%swap3A_544, %swap3A_545] {strides = array<i32>} : memref<16x128xf32, #tpu.memory_space<vmem>>, vector<1x16xf32>,
    %swap3A_547 = vector.shape_cast %swap3A_546 : vector<1x16xf32> to vector<16xf32>
    %swap3A_548 = vector.shape_cast %broadcast_in_dim3A_3 : vector<16xf32> to vector<1x16xf32>
    tpu.vector_store %arg10[%swap3A_544, %swap3A_545], %swap3A_548 {strides = array<i32>} : memref<16x128xf32, #tpu.memory_space<vmem>>, vector<1x16xf32>,
    %swap3A_549 = arith.constant 11 : i32
    %swap3A_550 = arith.index_cast %swap3A_549 : i32 to index
    %swap3A_551 = arith.constant 48 : index
    %swap3A_552 = tpu.vector_load %arg10[%swap3A_550, %swap3A_551] {strides = array<i32>} : memref<16x128xf32, #tpu.memory_space<vmem>>, vector<1x16xf32>,
    %swap3A_553 = vector.shape_cast %swap3A_552 : vector<1x16xf32> to vector<16xf32>
    %swap3A_554 = vector.shape_cast %broadcast_in_dim3A_3 : vector<16xf32> to vector<1x16xf32>
    tpu.vector_store %arg10[%swap3A_550, %swap3A_551], %swap3A_554 {strides = array<i32>} : memref<16x128xf32, #tpu.memory_space<vmem>>, vector<1x16xf32>,
    %swap3A_555 = arith.constant 11 : i32
    %swap3A_556 = arith.index_cast %swap3A_555 : i32 to index
    %swap3A_557 = arith.constant 64 : index
    %swap3A_558 = tpu.vector_load %arg10[%swap3A_556, %swap3A_557] {strides = array<i32>} : memref<16x128xf32, #tpu.memory_space<vmem>>, vector<1x16xf32>,
    %swap3A_559 = vector.shape_cast %swap3A_558 : vector<1x16xf32> to vector<16xf32>
    %swap3A_560 = vector.shape_cast %broadcast_in_dim3A_3 : vector<16xf32> to vector<1x16xf32>
    tpu.vector_store %arg10[%swap3A_556, %swap3A_557], %swap3A_560 {strides = array<i32>} : memref<16x128xf32, #tpu.memory_space<vmem>>, vector<1x16xf32>,
    %swap3A_561 = arith.constant 11 : i32
    %swap3A_562 = arith.index_cast %swap3A_561 : i32 to index
    %swap3A_563 = arith.constant 80 : index
    %swap3A_564 = tpu.vector_load %arg10[%swap3A_562, %swap3A_563] {strides = array<i32>} : memref<16x128xf32, #tpu.memory_space<vmem>>, vector<1x16xf32>,
    %swap3A_565 = vector.shape_cast %swap3A_564 : vector<1x16xf32> to vector<16xf32>
    %swap3A_566 = vector.shape_cast %broadcast_in_dim3A_3 : vector<16xf32> to vector<1x16xf32>
    tpu.vector_store %arg10[%swap3A_562, %swap3A_563], %swap3A_566 {strides = array<i32>} : memref<16x128xf32, #tpu.memory_space<vmem>>, vector<1x16xf32>,
    %swap3A_567 = arith.constant 11 : i32
    %swap3A_568 = arith.index_cast %swap3A_567 : i32 to index
    %swap3A_569 = arith.constant 96 : index
    %swap3A_570 = tpu.vector_load %arg10[%swap3A_568, %swap3A_569] {strides = array<i32>} : memref<16x128xf32, #tpu.memory_space<vmem>>, vector<1x16xf32>,
    %swap3A_571 = vector.shape_cast %swap3A_570 : vector<1x16xf32> to vector<16xf32>
    %swap3A_572 = vector.shape_cast %broadcast_in_dim3A_3 : vector<16xf32> to vector<1x16xf32>
    tpu.vector_store %arg10[%swap3A_568, %swap3A_569], %swap3A_572 {strides = array<i32>} : memref<16x128xf32, #tpu.memory_space<vmem>>, vector<1x16xf32>,
    %swap3A_573 = arith.constant 11 : i32
    %swap3A_574 = arith.index_cast %swap3A_573 : i32 to index
    %swap3A_575 = arith.constant 112 : index
    %swap3A_576 = tpu.vector_load %arg10[%swap3A_574, %swap3A_575] {strides = array<i32>} : memref<16x128xf32, #tpu.memory_space<vmem>>, vector<1x16xf32>,
    %swap3A_577 = vector.shape_cast %swap3A_576 : vector<1x16xf32> to vector<16xf32>
    %swap3A_578 = vector.shape_cast %broadcast_in_dim3A_3 : vector<16xf32> to vector<1x16xf32>
    tpu.vector_store %arg10[%swap3A_574, %swap3A_575], %swap3A_578 {strides = array<i32>} : memref<16x128xf32, #tpu.memory_space<vmem>>, vector<1x16xf32>,
    %swap3A_579 = arith.constant 12 : i32
    %swap3A_580 = arith.index_cast %swap3A_579 : i32 to index
    %swap3A_581 = arith.constant 0 : index
    %swap3A_582 = tpu.vector_load %arg10[%swap3A_580, %swap3A_581] {strides = array<i32>} : memref<16x128xf32, #tpu.memory_space<vmem>>, vector<1x16xf32>,
    %swap3A_583 = vector.shape_cast %swap3A_582 : vector<1x16xf32> to vector<16xf32>
    %swap3A_584 = vector.shape_cast %broadcast_in_dim3A_3 : vector<16xf32> to vector<1x16xf32>
    tpu.vector_store %arg10[%swap3A_580, %swap3A_581], %swap3A_584 {strides = array<i32>} : memref<16x128xf32, #tpu.memory_space<vmem>>, vector<1x16xf32>,
    %swap3A_585 = arith.constant 12 : i32
    %swap3A_586 = arith.index_cast %swap3A_585 : i32 to index
    %swap3A_587 = arith.constant 16 : index
    %swap3A_588 = tpu.vector_load %arg10[%swap3A_586, %swap3A_587] {strides = array<i32>} : memref<16x128xf32, #tpu.memory_space<vmem>>, vector<1x16xf32>,
    %swap3A_589 = vector.shape_cast %swap3A_588 : vector<1x16xf32> to vector<16xf32>
    %swap3A_590 = vector.shape_cast %broadcast_in_dim3A_3 : vector<16xf32> to vector<1x16xf32>
    tpu.vector_store %arg10[%swap3A_586, %swap3A_587], %swap3A_590 {strides = array<i32>} : memref<16x128xf32, #tpu.memory_space<vmem>>, vector<1x16xf32>,
    %swap3A_591 = arith.constant 12 : i32
    %swap3A_592 = arith.index_cast %swap3A_591 : i32 to index
    %swap3A_593 = arith.constant 32 : index
    %swap3A_594 = tpu.vector_load %arg10[%swap3A_592, %swap3A_593] {strides = array<i32>} : memref<16x128xf32, #tpu.memory_space<vmem>>, vector<1x16xf32>,
    %swap3A_595 = vector.shape_cast %swap3A_594 : vector<1x16xf32> to vector<16xf32>
    %swap3A_596 = vector.shape_cast %broadcast_in_dim3A_3 : vector<16xf32> to vector<1x16xf32>
    tpu.vector_store %arg10[%swap3A_592, %swap3A_593], %swap3A_596 {strides = array<i32>} : memref<16x128xf32, #tpu.memory_space<vmem>>, vector<1x16xf32>,
    %swap3A_597 = arith.constant 12 : i32
    %swap3A_598 = arith.index_cast %swap3A_597 : i32 to index
    %swap3A_599 = arith.constant 48 : index
    %swap3A_600 = tpu.vector_load %arg10[%swap3A_598, %swap3A_599] {strides = array<i32>} : memref<16x128xf32, #tpu.memory_space<vmem>>, vector<1x16xf32>,
    %swap3A_601 = vector.shape_cast %swap3A_600 : vector<1x16xf32> to vector<16xf32>
    %swap3A_602 = vector.shape_cast %broadcast_in_dim3A_3 : vector<16xf32> to vector<1x16xf32>
    tpu.vector_store %arg10[%swap3A_598, %swap3A_599], %swap3A_602 {strides = array<i32>} : memref<16x128xf32, #tpu.memory_space<vmem>>, vector<1x16xf32>,
    %swap3A_603 = arith.constant 12 : i32
    %swap3A_604 = arith.index_cast %swap3A_603 : i32 to index
    %swap3A_605 = arith.constant 64 : index
    %swap3A_606 = tpu.vector_load %arg10[%swap3A_604, %swap3A_605] {strides = array<i32>} : memref<16x128xf32, #tpu.memory_space<vmem>>, vector<1x16xf32>,
    %swap3A_607 = vector.shape_cast %swap3A_606 : vector<1x16xf32> to vector<16xf32>
    %swap3A_608 = vector.shape_cast %broadcast_in_dim3A_3 : vector<16xf32> to vector<1x16xf32>
    tpu.vector_store %arg10[%swap3A_604, %swap3A_605], %swap3A_608 {strides = array<i32>} : memref<16x128xf32, #tpu.memory_space<vmem>>, vector<1x16xf32>,
    %swap3A_609 = arith.constant 12 : i32
    %swap3A_610 = arith.index_cast %swap3A_609 : i32 to index
    %swap3A_611 = arith.constant 80 : index
    %swap3A_612 = tpu.vector_load %arg10[%swap3A_610, %swap3A_611] {strides = array<i32>} : memref<16x128xf32, #tpu.memory_space<vmem>>, vector<1x16xf32>,
    %swap3A_613 = vector.shape_cast %swap3A_612 : vector<1x16xf32> to vector<16xf32>
    %swap3A_614 = vector.shape_cast %broadcast_in_dim3A_3 : vector<16xf32> to vector<1x16xf32>
    tpu.vector_store %arg10[%swap3A_610, %swap3A_611], %swap3A_614 {strides = array<i32>} : memref<16x128xf32, #tpu.memory_space<vmem>>, vector<1x16xf32>,
    %swap3A_615 = arith.constant 12 : i32
    %swap3A_616 = arith.index_cast %swap3A_615 : i32 to index
    %swap3A_617 = arith.constant 96 : index
    %swap3A_618 = tpu.vector_load %arg10[%swap3A_616, %swap3A_617] {strides = array<i32>} : memref<16x128xf32, #tpu.memory_space<vmem>>, vector<1x16xf32>,
    %swap3A_619 = vector.shape_cast %swap3A_618 : vector<1x16xf32> to vector<16xf32>
    %swap3A_620 = vector.shape_cast %broadcast_in_dim3A_3 : vector<16xf32> to vector<1x16xf32>
    tpu.vector_store %arg10[%swap3A_616, %swap3A_617], %swap3A_620 {strides = array<i32>} : memref<16x128xf32, #tpu.memory_space<vmem>>, vector<1x16xf32>,
    %swap3A_621 = arith.constant 12 : i32
    %swap3A_622 = arith.index_cast %swap3A_621 : i32 to index
    %swap3A_623 = arith.constant 112 : index
    %swap3A_624 = tpu.vector_load %arg10[%swap3A_622, %swap3A_623] {strides = array<i32>} : memref<16x128xf32, #tpu.memory_space<vmem>>, vector<1x16xf32>,
    %swap3A_625 = vector.shape_cast %swap3A_624 : vector<1x16xf32> to vector<16xf32>
    %swap3A_626 = vector.shape_cast %broadcast_in_dim3A_3 : vector<16xf32> to vector<1x16xf32>
    tpu.vector_store %arg10[%swap3A_622, %swap3A_623], %swap3A_626 {strides = array<i32>} : memref<16x128xf32, #tpu.memory_space<vmem>>, vector<1x16xf32>,
    %swap3A_627 = arith.constant 13 : i32
    %swap3A_628 = arith.index_cast %swap3A_627 : i32 to index
    %swap3A_629 = arith.constant 0 : index
    %swap3A_630 = tpu.vector_load %arg10[%swap3A_628, %swap3A_629] {strides = array<i32>} : memref<16x128xf32, #tpu.memory_space<vmem>>, vector<1x16xf32>,
    %swap3A_631 = vector.shape_cast %swap3A_630 : vector<1x16xf32> to vector<16xf32>
    %swap3A_632 = vector.shape_cast %broadcast_in_dim3A_3 : vector<16xf32> to vector<1x16xf32>
    tpu.vector_store %arg10[%swap3A_628, %swap3A_629], %swap3A_632 {strides = array<i32>} : memref<16x128xf32, #tpu.memory_space<vmem>>, vector<1x16xf32>,
    %swap3A_633 = arith.constant 13 : i32
    %swap3A_634 = arith.index_cast %swap3A_633 : i32 to index
    %swap3A_635 = arith.constant 16 : index
    %swap3A_636 = tpu.vector_load %arg10[%swap3A_634, %swap3A_635] {strides = array<i32>} : memref<16x128xf32, #tpu.memory_space<vmem>>, vector<1x16xf32>,
    %swap3A_637 = vector.shape_cast %swap3A_636 : vector<1x16xf32> to vector<16xf32>
    %swap3A_638 = vector.shape_cast %broadcast_in_dim3A_3 : vector<16xf32> to vector<1x16xf32>
    tpu.vector_store %arg10[%swap3A_634, %swap3A_635], %swap3A_638 {strides = array<i32>} : memref<16x128xf32, #tpu.memory_space<vmem>>, vector<1x16xf32>,
    %swap3A_639 = arith.constant 13 : i32
    %swap3A_640 = arith.index_cast %swap3A_639 : i32 to index
    %swap3A_641 = arith.constant 32 : index
    %swap3A_642 = tpu.vector_load %arg10[%swap3A_640, %swap3A_641] {strides = array<i32>} : memref<16x128xf32, #tpu.memory_space<vmem>>, vector<1x16xf32>,
    %swap3A_643 = vector.shape_cast %swap3A_642 : vector<1x16xf32> to vector<16xf32>
    %swap3A_644 = vector.shape_cast %broadcast_in_dim3A_3 : vector<16xf32> to vector<1x16xf32>
    tpu.vector_store %arg10[%swap3A_640, %swap3A_641], %swap3A_644 {strides = array<i32>} : memref<16x128xf32, #tpu.memory_space<vmem>>, vector<1x16xf32>,
    %swap3A_645 = arith.constant 13 : i32
    %swap3A_646 = arith.index_cast %swap3A_645 : i32 to index
    %swap3A_647 = arith.constant 48 : index
    %swap3A_648 = tpu.vector_load %arg10[%swap3A_646, %swap3A_647] {strides = array<i32>} : memref<16x128xf32, #tpu.memory_space<vmem>>, vector<1x16xf32>,
    %swap3A_649 = vector.shape_cast %swap3A_648 : vector<1x16xf32> to vector<16xf32>
    %swap3A_650 = vector.shape_cast %broadcast_in_dim3A_3 : vector<16xf32> to vector<1x16xf32>
    tpu.vector_store %arg10[%swap3A_646, %swap3A_647], %swap3A_650 {strides = array<i32>} : memref<16x128xf32, #tpu.memory_space<vmem>>, vector<1x16xf32>,
    %swap3A_651 = arith.constant 13 : i32
    %swap3A_652 = arith.index_cast %swap3A_651 : i32 to index
    %swap3A_653 = arith.constant 64 : index
    %swap3A_654 = tpu.vector_load %arg10[%swap3A_652, %swap3A_653] {strides = array<i32>} : memref<16x128xf32, #tpu.memory_space<vmem>>, vector<1x16xf32>,
    %swap3A_655 = vector.shape_cast %swap3A_654 : vector<1x16xf32> to vector<16xf32>
    %swap3A_656 = vector.shape_cast %broadcast_in_dim3A_3 : vector<16xf32> to vector<1x16xf32>
    tpu.vector_store %arg10[%swap3A_652, %swap3A_653], %swap3A_656 {strides = array<i32>} : memref<16x128xf32, #tpu.memory_space<vmem>>, vector<1x16xf32>,
    %swap3A_657 = arith.constant 13 : i32
    %swap3A_658 = arith.index_cast %swap3A_657 : i32 to index
    %swap3A_659 = arith.constant 80 : index
    %swap3A_660 = tpu.vector_load %arg10[%swap3A_658, %swap3A_659] {strides = array<i32>} : memref<16x128xf32, #tpu.memory_space<vmem>>, vector<1x16xf32>,
    %swap3A_661 = vector.shape_cast %swap3A_660 : vector<1x16xf32> to vector<16xf32>
    %swap3A_662 = vector.shape_cast %broadcast_in_dim3A_3 : vector<16xf32> to vector<1x16xf32>
    tpu.vector_store %arg10[%swap3A_658, %swap3A_659], %swap3A_662 {strides = array<i32>} : memref<16x128xf32, #tpu.memory_space<vmem>>, vector<1x16xf32>,
    %swap3A_663 = arith.constant 13 : i32
    %swap3A_664 = arith.index_cast %swap3A_663 : i32 to index
    %swap3A_665 = arith.constant 96 : index
    %swap3A_666 = tpu.vector_load %arg10[%swap3A_664, %swap3A_665] {strides = array<i32>} : memref<16x128xf32, #tpu.memory_space<vmem>>, vector<1x16xf32>,
    %swap3A_667 = vector.shape_cast %swap3A_666 : vector<1x16xf32> to vector<16xf32>
    %swap3A_668 = vector.shape_cast %broadcast_in_dim3A_3 : vector<16xf32> to vector<1x16xf32>
    tpu.vector_store %arg10[%swap3A_664, %swap3A_665], %swap3A_668 {strides = array<i32>} : memref<16x128xf32, #tpu.memory_space<vmem>>, vector<1x16xf32>,
    %swap3A_669 = arith.constant 13 : i32
    %swap3A_670 = arith.index_cast %swap3A_669 : i32 to index
    %swap3A_671 = arith.constant 112 : index
    %swap3A_672 = tpu.vector_load %arg10[%swap3A_670, %swap3A_671] {strides = array<i32>} : memref<16x128xf32, #tpu.memory_space<vmem>>, vector<1x16xf32>,
    %swap3A_673 = vector.shape_cast %swap3A_672 : vector<1x16xf32> to vector<16xf32>
    %swap3A_674 = vector.shape_cast %broadcast_in_dim3A_3 : vector<16xf32> to vector<1x16xf32>
    tpu.vector_store %arg10[%swap3A_670, %swap3A_671], %swap3A_674 {strides = array<i32>} : memref<16x128xf32, #tpu.memory_space<vmem>>, vector<1x16xf32>,
    %swap3A_675 = arith.constant 14 : i32
    %swap3A_676 = arith.index_cast %swap3A_675 : i32 to index
    %swap3A_677 = arith.constant 0 : index
    %swap3A_678 = tpu.vector_load %arg10[%swap3A_676, %swap3A_677] {strides = array<i32>} : memref<16x128xf32, #tpu.memory_space<vmem>>, vector<1x16xf32>,
    %swap3A_679 = vector.shape_cast %swap3A_678 : vector<1x16xf32> to vector<16xf32>
    %swap3A_680 = vector.shape_cast %broadcast_in_dim3A_3 : vector<16xf32> to vector<1x16xf32>
    tpu.vector_store %arg10[%swap3A_676, %swap3A_677], %swap3A_680 {strides = array<i32>} : memref<16x128xf32, #tpu.memory_space<vmem>>, vector<1x16xf32>,
    %swap3A_681 = arith.constant 14 : i32
    %swap3A_682 = arith.index_cast %swap3A_681 : i32 to index
    %swap3A_683 = arith.constant 16 : index
    %swap3A_684 = tpu.vector_load %arg10[%swap3A_682, %swap3A_683] {strides = array<i32>} : memref<16x128xf32, #tpu.memory_space<vmem>>, vector<1x16xf32>,
    %swap3A_685 = vector.shape_cast %swap3A_684 : vector<1x16xf32> to vector<16xf32>
    %swap3A_686 = vector.shape_cast %broadcast_in_dim3A_3 : vector<16xf32> to vector<1x16xf32>
    tpu.vector_store %arg10[%swap3A_682, %swap3A_683], %swap3A_686 {strides = array<i32>} : memref<16x128xf32, #tpu.memory_space<vmem>>, vector<1x16xf32>,
    %swap3A_687 = arith.constant 14 : i32
    %swap3A_688 = arith.index_cast %swap3A_687 : i32 to index
    %swap3A_689 = arith.constant 32 : index
    %swap3A_690 = tpu.vector_load %arg10[%swap3A_688, %swap3A_689] {strides = array<i32>} : memref<16x128xf32, #tpu.memory_space<vmem>>, vector<1x16xf32>,
    %swap3A_691 = vector.shape_cast %swap3A_690 : vector<1x16xf32> to vector<16xf32>
    %swap3A_692 = vector.shape_cast %broadcast_in_dim3A_3 : vector<16xf32> to vector<1x16xf32>
    tpu.vector_store %arg10[%swap3A_688, %swap3A_689], %swap3A_692 {strides = array<i32>} : memref<16x128xf32, #tpu.memory_space<vmem>>, vector<1x16xf32>,
    %swap3A_693 = arith.constant 14 : i32
    %swap3A_694 = arith.index_cast %swap3A_693 : i32 to index
    %swap3A_695 = arith.constant 48 : index
    %swap3A_696 = tpu.vector_load %arg10[%swap3A_694, %swap3A_695] {strides = array<i32>} : memref<16x128xf32, #tpu.memory_space<vmem>>, vector<1x16xf32>,
    %swap3A_697 = vector.shape_cast %swap3A_696 : vector<1x16xf32> to vector<16xf32>
    %swap3A_698 = vector.shape_cast %broadcast_in_dim3A_3 : vector<16xf32> to vector<1x16xf32>
    tpu.vector_store %arg10[%swap3A_694, %swap3A_695], %swap3A_698 {strides = array<i32>} : memref<16x128xf32, #tpu.memory_space<vmem>>, vector<1x16xf32>,
    %swap3A_699 = arith.constant 14 : i32
    %swap3A_700 = arith.index_cast %swap3A_699 : i32 to index
    %swap3A_701 = arith.constant 64 : index
    %swap3A_702 = tpu.vector_load %arg10[%swap3A_700, %swap3A_701] {strides = array<i32>} : memref<16x128xf32, #tpu.memory_space<vmem>>, vector<1x16xf32>,
    %swap3A_703 = vector.shape_cast %swap3A_702 : vector<1x16xf32> to vector<16xf32>
    %swap3A_704 = vector.shape_cast %broadcast_in_dim3A_3 : vector<16xf32> to vector<1x16xf32>
    tpu.vector_store %arg10[%swap3A_700, %swap3A_701], %swap3A_704 {strides = array<i32>} : memref<16x128xf32, #tpu.memory_space<vmem>>, vector<1x16xf32>,
    %swap3A_705 = arith.constant 14 : i32
    %swap3A_706 = arith.index_cast %swap3A_705 : i32 to index
    %swap3A_707 = arith.constant 80 : index
    %swap3A_708 = tpu.vector_load %arg10[%swap3A_706, %swap3A_707] {strides = array<i32>} : memref<16x128xf32, #tpu.memory_space<vmem>>, vector<1x16xf32>,
    %swap3A_709 = vector.shape_cast %swap3A_708 : vector<1x16xf32> to vector<16xf32>
    %swap3A_710 = vector.shape_cast %broadcast_in_dim3A_3 : vector<16xf32> to vector<1x16xf32>
    tpu.vector_store %arg10[%swap3A_706, %swap3A_707], %swap3A_710 {strides = array<i32>} : memref<16x128xf32, #tpu.memory_space<vmem>>, vector<1x16xf32>,
    %swap3A_711 = arith.constant 14 : i32
    %swap3A_712 = arith.index_cast %swap3A_711 : i32 to index
    %swap3A_713 = arith.constant 96 : index
    %swap3A_714 = tpu.vector_load %arg10[%swap3A_712, %swap3A_713] {strides = array<i32>} : memref<16x128xf32, #tpu.memory_space<vmem>>, vector<1x16xf32>,
    %swap3A_715 = vector.shape_cast %swap3A_714 : vector<1x16xf32> to vector<16xf32>
    %swap3A_716 = vector.shape_cast %broadcast_in_dim3A_3 : vector<16xf32> to vector<1x16xf32>
    tpu.vector_store %arg10[%swap3A_712, %swap3A_713], %swap3A_716 {strides = array<i32>} : memref<16x128xf32, #tpu.memory_space<vmem>>, vector<1x16xf32>,
    %swap3A_717 = arith.constant 14 : i32
    %swap3A_718 = arith.index_cast %swap3A_717 : i32 to index
    %swap3A_719 = arith.constant 112 : index
    %swap3A_720 = tpu.vector_load %arg10[%swap3A_718, %swap3A_719] {strides = array<i32>} : memref<16x128xf32, #tpu.memory_space<vmem>>, vector<1x16xf32>,
    %swap3A_721 = vector.shape_cast %swap3A_720 : vector<1x16xf32> to vector<16xf32>
    %swap3A_722 = vector.shape_cast %broadcast_in_dim3A_3 : vector<16xf32> to vector<1x16xf32>
    tpu.vector_store %arg10[%swap3A_718, %swap3A_719], %swap3A_722 {strides = array<i32>} : memref<16x128xf32, #tpu.memory_space<vmem>>, vector<1x16xf32>,
    %swap3A_723 = arith.constant 15 : i32
    %swap3A_724 = arith.index_cast %swap3A_723 : i32 to index
    %swap3A_725 = arith.constant 0 : index
    %swap3A_726 = tpu.vector_load %arg10[%swap3A_724, %swap3A_725] {strides = array<i32>} : memref<16x128xf32, #tpu.memory_space<vmem>>, vector<1x16xf32>,
    %swap3A_727 = vector.shape_cast %swap3A_726 : vector<1x16xf32> to vector<16xf32>
    %swap3A_728 = vector.shape_cast %broadcast_in_dim3A_3 : vector<16xf32> to vector<1x16xf32>
    tpu.vector_store %arg10[%swap3A_724, %swap3A_725], %swap3A_728 {strides = array<i32>} : memref<16x128xf32, #tpu.memory_space<vmem>>, vector<1x16xf32>,
    %swap3A_729 = arith.constant 15 : i32
    %swap3A_730 = arith.index_cast %swap3A_729 : i32 to index
    %swap3A_731 = arith.constant 16 : index
    %swap3A_732 = tpu.vector_load %arg10[%swap3A_730, %swap3A_731] {strides = array<i32>} : memref<16x128xf32, #tpu.memory_space<vmem>>, vector<1x16xf32>,
    %swap3A_733 = vector.shape_cast %swap3A_732 : vector<1x16xf32> to vector<16xf32>
    %swap3A_734 = vector.shape_cast %broadcast_in_dim3A_3 : vector<16xf32> to vector<1x16xf32>
    tpu.vector_store %arg10[%swap3A_730, %swap3A_731], %swap3A_734 {strides = array<i32>} : memref<16x128xf32, #tpu.memory_space<vmem>>, vector<1x16xf32>,
    %swap3A_735 = arith.constant 15 : i32
    %swap3A_736 = arith.index_cast %swap3A_735 : i32 to index
    %swap3A_737 = arith.constant 32 : index
    %swap3A_738 = tpu.vector_load %arg10[%swap3A_736, %swap3A_737] {strides = array<i32>} : memref<16x128xf32, #tpu.memory_space<vmem>>, vector<1x16xf32>,
    %swap3A_739 = vector.shape_cast %swap3A_738 : vector<1x16xf32> to vector<16xf32>
    %swap3A_740 = vector.shape_cast %broadcast_in_dim3A_3 : vector<16xf32> to vector<1x16xf32>
    tpu.vector_store %arg10[%swap3A_736, %swap3A_737], %swap3A_740 {strides = array<i32>} : memref<16x128xf32, #tpu.memory_space<vmem>>, vector<1x16xf32>,
    %swap3A_741 = arith.constant 15 : i32
    %swap3A_742 = arith.index_cast %swap3A_741 : i32 to index
    %swap3A_743 = arith.constant 48 : index
    %swap3A_744 = tpu.vector_load %arg10[%swap3A_742, %swap3A_743] {strides = array<i32>} : memref<16x128xf32, #tpu.memory_space<vmem>>, vector<1x16xf32>,
    %swap3A_745 = vector.shape_cast %swap3A_744 : vector<1x16xf32> to vector<16xf32>
    %swap3A_746 = vector.shape_cast %broadcast_in_dim3A_3 : vector<16xf32> to vector<1x16xf32>
    tpu.vector_store %arg10[%swap3A_742, %swap3A_743], %swap3A_746 {strides = array<i32>} : memref<16x128xf32, #tpu.memory_space<vmem>>, vector<1x16xf32>,
    %swap3A_747 = arith.constant 15 : i32
    %swap3A_748 = arith.index_cast %swap3A_747 : i32 to index
    %swap3A_749 = arith.constant 64 : index
    %swap3A_750 = tpu.vector_load %arg10[%swap3A_748, %swap3A_749] {strides = array<i32>} : memref<16x128xf32, #tpu.memory_space<vmem>>, vector<1x16xf32>,
    %swap3A_751 = vector.shape_cast %swap3A_750 : vector<1x16xf32> to vector<16xf32>
    %swap3A_752 = vector.shape_cast %broadcast_in_dim3A_3 : vector<16xf32> to vector<1x16xf32>
    tpu.vector_store %arg10[%swap3A_748, %swap3A_749], %swap3A_752 {strides = array<i32>} : memref<16x128xf32, #tpu.memory_space<vmem>>, vector<1x16xf32>,
    %swap3A_753 = arith.constant 15 : i32
    %swap3A_754 = arith.index_cast %swap3A_753 : i32 to index
    %swap3A_755 = arith.constant 80 : index
    %swap3A_756 = tpu.vector_load %arg10[%swap3A_754, %swap3A_755] {strides = array<i32>} : memref<16x128xf32, #tpu.memory_space<vmem>>, vector<1x16xf32>,
    %swap3A_757 = vector.shape_cast %swap3A_756 : vector<1x16xf32> to vector<16xf32>
    %swap3A_758 = vector.shape_cast %broadcast_in_dim3A_3 : vector<16xf32> to vector<1x16xf32>
    tpu.vector_store %arg10[%swap3A_754, %swap3A_755], %swap3A_758 {strides = array<i32>} : memref<16x128xf32, #tpu.memory_space<vmem>>, vector<1x16xf32>,
    %swap3A_759 = arith.constant 15 : i32
    %swap3A_760 = arith.index_cast %swap3A_759 : i32 to index
    %swap3A_761 = arith.constant 96 : index
    %swap3A_762 = tpu.vector_load %arg10[%swap3A_760, %swap3A_761] {strides = array<i32>} : memref<16x128xf32, #tpu.memory_space<vmem>>, vector<1x16xf32>,
    %swap3A_763 = vector.shape_cast %swap3A_762 : vector<1x16xf32> to vector<16xf32>
    %swap3A_764 = vector.shape_cast %broadcast_in_dim3A_3 : vector<16xf32> to vector<1x16xf32>
    tpu.vector_store %arg10[%swap3A_760, %swap3A_761], %swap3A_764 {strides = array<i32>} : memref<16x128xf32, #tpu.memory_space<vmem>>, vector<1x16xf32>,
    %swap3A_765 = arith.constant 15 : i32
    %swap3A_766 = arith.index_cast %swap3A_765 : i32 to index
    %swap3A_767 = arith.constant 112 : index
    %swap3A_768 = tpu.vector_load %arg10[%swap3A_766, %swap3A_767] {strides = array<i32>} : memref<16x128xf32, #tpu.memory_space<vmem>>, vector<1x16xf32>,
    %swap3A_769 = vector.shape_cast %swap3A_768 : vector<1x16xf32> to vector<16xf32>
    %swap3A_770 = vector.shape_cast %broadcast_in_dim3A_3 : vector<16xf32> to vector<1x16xf32>
    tpu.vector_store %arg10[%swap3A_766, %swap3A_767], %swap3A_770 {strides = array<i32>} : memref<16x128xf32, #tpu.memory_space<vmem>>, vector<1x16xf32>,
    %scan3A = arith.constant 0 : i32
    %scan3A_771 = arith.constant 0 : i32
    %scan3A_772 = arith.constant 40 : i32
    %scan3A_773 = arith.addi %scan3A_771, %scan3A_772 : i32
    %scan3A_774 = arith.constant 1 : i32
    scf.for %scan3A_846 = %scan3A_771 to %scan3A_773 step %scan3A_774  : i32 {
      %mul3A_847 = arith.constant 16 : i32
      %mul3A_848 = arith.muli %scan3A_846, %mul3A_847 : i32
      %add3A_849 = arith.addi %mul3A_2, %mul3A_848 : i32
      "tpu.region"() ({
        %run_scoped3A_850 = tpu.sem_alloc : memref<!tpu.dma_semaphore, #tpu.memory_space<semaphore_mem>>
        %dma_start3A_851 = arith.constant 0 : i32
        %dma_start3A_852 = tpu.memref_slice %arg11[%add3A_849, %dma_start3A_851] : memref<10240x128xf32, #tpu.memory_space<vmem_shared>> -> memref<16x128xf32, #tpu.memory_space<vmem_shared>>
        %dma_start3A_853 = arith.constant 0 : i32
        %dma_start3A_854 = tpu.memref_slice %arg11[%add3A_849, %dma_start3A_853] : memref<10240x128xf32, #tpu.memory_space<vmem_shared>> -> memref<16x128xf32, #tpu.memory_space<vmem_shared>>
        tpu.enqueue_dma source(%arg10 : memref<16x128xf32, #tpu.memory_space<vmem>>) target(%dma_start3A_854 : memref<16x128xf32, #tpu.memory_space<vmem_shared>>) target_semaphore(%run_scoped3A_850 : memref<!tpu.dma_semaphore, #tpu.memory_space<semaphore_mem>>)
        %dma_wait3A_855 = arith.constant 0 : i32
        %dma_wait3A_856 = tpu.memref_slice %arg11[%add3A_849, %dma_wait3A_855] : memref<10240x128xf32, #tpu.memory_space<vmem_shared>> -> memref<16x128xf32, #tpu.memory_space<vmem_shared>>
        %dma_wait3A_857 = arith.constant 0 : i32
        %dma_wait3A_858 = tpu.memref_slice %arg11[%add3A_849, %dma_wait3A_857] : memref<10240x128xf32, #tpu.memory_space<vmem_shared>> -> memref<16x128xf32, #tpu.memory_space<vmem_shared>>
        tpu.wait_dma2 semaphore(%run_scoped3A_850 : memref<!tpu.dma_semaphore, #tpu.memory_space<semaphore_mem>>) src(%arg10 : memref<16x128xf32, #tpu.memory_space<vmem>>) dst(%dma_wait3A_858 : memref<16x128xf32, #tpu.memory_space<vmem_shared>>)
        tpu.yield
      }) : () -> ()
    }
    %scan3A_775 = arith.constant 40 : i32
    %barrier3A = arith.constant 0 : index
    tpu.barrier barrier_id(%barrier3A)
    "tpu.region"() ({
      %run_scoped3A_846 = tpu.sem_alloc : memref<!tpu.dma_semaphore, #tpu.memory_space<semaphore_mem>>
      %dma_start3A_847 = arith.constant 0 : i32
      %dma_start3A_848 = arith.constant 0 : i32
      %dma_start3A_849 = tpu.memref_slice %arg3[%add3A, %dma_start3A_847, %dma_start3A_848] : memref<32x80x128xi32, #tpu.memory_space<hbm>> -> memref<1x40x128xi32, #tpu.memory_space<hbm>>
      %dma_start3A_850 = tpu.memref_squeeze %dma_start3A_849 : memref<1x40x128xi32, #tpu.memory_space<hbm>> -> memref<40x128xi32, #tpu.memory_space<hbm>>
      %dma_start3A_851 = arith.constant 0 : i32
      %dma_start3A_852 = arith.constant 0 : i32
      %dma_start3A_853 = tpu.memref_slice %arg3[%add3A, %dma_start3A_851, %dma_start3A_852] : memref<32x80x128xi32, #tpu.memory_space<hbm>> -> memref<1x40x128xi32, #tpu.memory_space<hbm>>
      %dma_start3A_854 = tpu.memref_squeeze %dma_start3A_853 : memref<1x40x128xi32, #tpu.memory_space<hbm>> -> memref<40x128xi32, #tpu.memory_space<hbm>>
      tpu.enqueue_dma source(%dma_start3A_854 : memref<40x128xi32, #tpu.memory_space<hbm>>) target(%arg6 : memref<40x128xi32, #tpu.memory_space<vmem>>) target_semaphore(%run_scoped3A_846 : memref<!tpu.dma_semaphore, #tpu.memory_space<semaphore_mem>>)
      %dma_wait3A_855 = arith.constant 0 : i32
      %dma_wait3A_856 = arith.constant 0 : i32
      %dma_wait3A_857 = tpu.memref_slice %arg3[%add3A, %dma_wait3A_855, %dma_wait3A_856] : memref<32x80x128xi32, #tpu.memory_space<hbm>> -> memref<1x40x128xi32, #tpu.memory_space<hbm>>
      %dma_wait3A_858 = tpu.memref_squeeze %dma_wait3A_857 : memref<1x40x128xi32, #tpu.memory_space<hbm>> -> memref<40x128xi32, #tpu.memory_space<hbm>>
      %dma_wait3A_859 = arith.constant 0 : i32
      %dma_wait3A_860 = arith.constant 0 : i32
      %dma_wait3A_861 = tpu.memref_slice %arg3[%add3A, %dma_wait3A_859, %dma_wait3A_860] : memref<32x80x128xi32, #tpu.memory_space<hbm>> -> memref<1x40x128xi32, #tpu.memory_space<hbm>>
      %dma_wait3A_862 = tpu.memref_squeeze %dma_wait3A_861 : memref<1x40x128xi32, #tpu.memory_space<hbm>> -> memref<40x128xi32, #tpu.memory_space<hbm>>
      tpu.wait_dma2 semaphore(%run_scoped3A_846 : memref<!tpu.dma_semaphore, #tpu.memory_space<semaphore_mem>>) src(%dma_wait3A_862 : memref<40x128xi32, #tpu.memory_space<hbm>>) dst(%arg6 : memref<40x128xi32, #tpu.memory_space<vmem>>)
      tpu.yield
    }) : () -> ()
    "tpu.region"() ({
      %run_scoped3A_846 = tpu.sem_alloc : memref<!tpu.dma_semaphore, #tpu.memory_space<semaphore_mem>>
      %dma_start3A_847 = arith.constant 0 : i32
      %dma_start3A_848 = arith.constant 0 : i32
      %dma_start3A_849 = tpu.memref_slice %arg4[%add3A, %dma_start3A_847, %dma_start3A_848] : memref<32x80x128xi32, #tpu.memory_space<hbm>> -> memref<1x40x128xi32, #tpu.memory_space<hbm>>
      %dma_start3A_850 = tpu.memref_squeeze %dma_start3A_849 : memref<1x40x128xi32, #tpu.memory_space<hbm>> -> memref<40x128xi32, #tpu.memory_space<hbm>>
      %dma_start3A_851 = arith.constant 0 : i32
      %dma_start3A_852 = arith.constant 0 : i32
      %dma_start3A_853 = tpu.memref_slice %arg4[%add3A, %dma_start3A_851, %dma_start3A_852] : memref<32x80x128xi32, #tpu.memory_space<hbm>> -> memref<1x40x128xi32, #tpu.memory_space<hbm>>
      %dma_start3A_854 = tpu.memref_squeeze %dma_start3A_853 : memref<1x40x128xi32, #tpu.memory_space<hbm>> -> memref<40x128xi32, #tpu.memory_space<hbm>>
      tpu.enqueue_dma source(%dma_start3A_854 : memref<40x128xi32, #tpu.memory_space<hbm>>) target(%arg7 : memref<40x128xi32, #tpu.memory_space<vmem>>) target_semaphore(%run_scoped3A_846 : memref<!tpu.dma_semaphore, #tpu.memory_space<semaphore_mem>>)
      %dma_wait3A_855 = arith.constant 0 : i32
      %dma_wait3A_856 = arith.constant 0 : i32
      %dma_wait3A_857 = tpu.memref_slice %arg4[%add3A, %dma_wait3A_855, %dma_wait3A_856] : memref<32x80x128xi32, #tpu.memory_space<hbm>> -> memref<1x40x128xi32, #tpu.memory_space<hbm>>
      %dma_wait3A_858 = tpu.memref_squeeze %dma_wait3A_857 : memref<1x40x128xi32, #tpu.memory_space<hbm>> -> memref<40x128xi32, #tpu.memory_space<hbm>>
      %dma_wait3A_859 = arith.constant 0 : i32
      %dma_wait3A_860 = arith.constant 0 : i32
      %dma_wait3A_861 = tpu.memref_slice %arg4[%add3A, %dma_wait3A_859, %dma_wait3A_860] : memref<32x80x128xi32, #tpu.memory_space<hbm>> -> memref<1x40x128xi32, #tpu.memory_space<hbm>>
      %dma_wait3A_862 = tpu.memref_squeeze %dma_wait3A_861 : memref<1x40x128xi32, #tpu.memory_space<hbm>> -> memref<40x128xi32, #tpu.memory_space<hbm>>
      tpu.wait_dma2 semaphore(%run_scoped3A_846 : memref<!tpu.dma_semaphore, #tpu.memory_space<semaphore_mem>>) src(%dma_wait3A_862 : memref<40x128xi32, #tpu.memory_space<hbm>>) dst(%arg7 : memref<40x128xi32, #tpu.memory_space<vmem>>)
      tpu.yield
    }) : () -> ()
    %dma_start3A = arith.constant 0 : i32
    %dma_start3A_776 = arith.constant 0 : i32
    %dma_start3A_777 = tpu.memref_slice %arg6[%dma_start3A, %dma_start3A_776] : memref<40x128xi32, #tpu.memory_space<vmem>> -> memref<1x128xi32, #tpu.memory_space<vmem>>
    %dma_start3A_778 = tpu.memref_squeeze %dma_start3A_777 : memref<1x128xi32, #tpu.memory_space<vmem>> -> memref<128xi32, #tpu.memory_space<vmem>>
    %dma_start3A_779 = arith.constant 0 : i32
    %dma_start3A_780 = arith.constant 0 : i32
    %dma_start3A_781 = tpu.memref_slice %arg2[%dma_start3A_779, %dma_start3A_780] : memref<10000x128xf32, #tpu.memory_space<hbm>> -> memref<10000x128xf32, #tpu.memory_space<hbm>>
    tpu.enqueue_indirect_dma source(%dma_start3A_781 : memref<10000x128xf32, #tpu.memory_space<hbm>>) target(%arg8 : memref<128x128xf32, #tpu.memory_space<vmem>>) offsets(%dma_start3A_778 : memref<128xi32, #tpu.memory_space<vmem>>) semaphore(%arg12 : memref<!tpu.dma_semaphore, #tpu.memory_space<semaphore_mem>>)
    %scan3A_782 = arith.constant 0 : i32
    %scan3A_783 = arith.constant 0 : i32
    %scan3A_784 = arith.constant 19 : i32
    %scan3A_785 = arith.addi %scan3A_783, %scan3A_784 : i32
    %scan3A_786 = arith.constant 1 : i32
    scf.for %scan3A_846 = %scan3A_783 to %scan3A_785 step %scan3A_786  : i32 {
      %mul3A_847 = arith.constant 2 : i32
      %mul3A_848 = arith.muli %mul3A_847, %scan3A_846 : i32
      %add3A_849 = arith.constant 1 : i32
      %add3A_850 = arith.addi %mul3A_848, %add3A_849 : i32
      %dma_start3A_851 = arith.constant 0 : i32
      %dma_start3A_852 = tpu.memref_slice %arg6[%add3A_850, %dma_start3A_851] : memref<40x128xi32, #tpu.memory_space<vmem>> -> memref<1x128xi32, #tpu.memory_space<vmem>>
      %dma_start3A_853 = tpu.memref_squeeze %dma_start3A_852 : memref<1x128xi32, #tpu.memory_space<vmem>> -> memref<128xi32, #tpu.memory_space<vmem>>
      %dma_start3A_854 = arith.constant 0 : i32
      %dma_start3A_855 = arith.constant 0 : i32
      %dma_start3A_856 = tpu.memref_slice %arg2[%dma_start3A_854, %dma_start3A_855] : memref<10000x128xf32, #tpu.memory_space<hbm>> -> memref<10000x128xf32, #tpu.memory_space<hbm>>
      tpu.enqueue_indirect_dma source(%dma_start3A_856 : memref<10000x128xf32, #tpu.memory_space<hbm>>) target(%arg9 : memref<128x128xf32, #tpu.memory_space<vmem>>) offsets(%dma_start3A_853 : memref<128xi32, #tpu.memory_space<vmem>>) semaphore(%arg13 : memref<!tpu.dma_semaphore, #tpu.memory_space<semaphore_mem>>)
      %dma_wait3A_857 = arith.constant 0 : i32
      %dma_wait3A_858 = tpu.memref_slice %arg6[%mul3A_848, %dma_wait3A_857] : memref<40x128xi32, #tpu.memory_space<vmem>> -> memref<1x128xi32, #tpu.memory_space<vmem>>
      %dma_wait3A_859 = tpu.memref_squeeze %dma_wait3A_858 : memref<1x128xi32, #tpu.memory_space<vmem>> -> memref<128xi32, #tpu.memory_space<vmem>>
      %dma_wait3A_860 = arith.constant 0 : i32
      %dma_wait3A_861 = arith.constant 0 : i32
      %dma_wait3A_862 = tpu.memref_slice %arg2[%dma_wait3A_860, %dma_wait3A_861] : memref<10000x128xf32, #tpu.memory_space<hbm>> -> memref<10000x128xf32, #tpu.memory_space<hbm>>
      tpu.wait_indirect_dma semaphore(%arg12 : memref<!tpu.dma_semaphore, #tpu.memory_space<semaphore_mem>>) src(%dma_wait3A_862 : memref<10000x128xf32, #tpu.memory_space<hbm>>) dst(%arg8 : memref<128x128xf32, #tpu.memory_space<vmem>>)
      "tpu.region"() ({
        %run_scoped3A_881 = tpu.sem_alloc : memref<!tpu.dma_semaphore, #tpu.memory_space<semaphore_mem>>
        %dma_start3A_882 = arith.constant 0 : i32
        %dma_start3A_883 = tpu.memref_slice %arg7[%mul3A_848, %dma_start3A_882] : memref<40x128xi32, #tpu.memory_space<vmem>> -> memref<1x128xi32, #tpu.memory_space<vmem>>
        %dma_start3A_884 = tpu.memref_squeeze %dma_start3A_883 : memref<1x128xi32, #tpu.memory_space<vmem>> -> memref<128xi32, #tpu.memory_space<vmem>>
        %dma_start3A_885 = arith.constant 0 : i32
        %dma_start3A_886 = arith.constant 0 : i32
        %dma_start3A_887 = tpu.memref_slice %arg11[%dma_start3A_885, %dma_start3A_886] : memref<10240x128xf32, #tpu.memory_space<vmem_shared>> -> memref<10240x128xf32, #tpu.memory_space<vmem_shared>>
        tpu.enqueue_indirect_dma source(%arg8 : memref<128x128xf32, #tpu.memory_space<vmem>>) target(%dma_start3A_887 : memref<10240x128xf32, #tpu.memory_space<vmem_shared>>) offsets(%dma_start3A_884 : memref<128xi32, #tpu.memory_space<vmem>>) semaphore(%run_scoped3A_881 : memref<!tpu.dma_semaphore, #tpu.memory_space<semaphore_mem>>) {add = true}
        %dma_wait3A_888 = arith.constant 0 : i32
        %dma_wait3A_889 = tpu.memref_slice %arg7[%mul3A_848, %dma_wait3A_888] : memref<40x128xi32, #tpu.memory_space<vmem>> -> memref<1x128xi32, #tpu.memory_space<vmem>>
        %dma_wait3A_890 = tpu.memref_squeeze %dma_wait3A_889 : memref<1x128xi32, #tpu.memory_space<vmem>> -> memref<128xi32, #tpu.memory_space<vmem>>
        %dma_wait3A_891 = arith.constant 0 : i32
        %dma_wait3A_892 = arith.constant 0 : i32
        %dma_wait3A_893 = tpu.memref_slice %arg11[%dma_wait3A_891, %dma_wait3A_892] : memref<10240x128xf32, #tpu.memory_space<vmem_shared>> -> memref<10240x128xf32, #tpu.memory_space<vmem_shared>>
        tpu.wait_indirect_dma semaphore(%run_scoped3A_881 : memref<!tpu.dma_semaphore, #tpu.memory_space<semaphore_mem>>) src(%arg8 : memref<128x128xf32, #tpu.memory_space<vmem>>) dst(%dma_wait3A_893 : memref<10240x128xf32, #tpu.memory_space<vmem_shared>>)
        tpu.yield
      }) : () -> ()
      %add3A_863 = arith.constant 2 : i32
      %add3A_864 = arith.addi %mul3A_848, %add3A_863 : i32
      %dma_start3A_865 = arith.constant 0 : i32
      %dma_start3A_866 = tpu.memref_slice %arg6[%add3A_864, %dma_start3A_865] : memref<40x128xi32, #tpu.memory_space<vmem>> -> memref<1x128xi32, #tpu.memory_space<vmem>>
      %dma_start3A_867 = tpu.memref_squeeze %dma_start3A_866 : memref<1x128xi32, #tpu.memory_space<vmem>> -> memref<128xi32, #tpu.memory_space<vmem>>
      %dma_start3A_868 = arith.constant 0 : i32
      %dma_start3A_869 = arith.constant 0 : i32
      %dma_start3A_870 = tpu.memref_slice %arg2[%dma_start3A_868, %dma_start3A_869] : memref<10000x128xf32, #tpu.memory_space<hbm>> -> memref<10000x128xf32, #tpu.memory_space<hbm>>
      tpu.enqueue_indirect_dma source(%dma_start3A_870 : memref<10000x128xf32, #tpu.memory_space<hbm>>) target(%arg8 : memref<128x128xf32, #tpu.memory_space<vmem>>) offsets(%dma_start3A_867 : memref<128xi32, #tpu.memory_space<vmem>>) semaphore(%arg12 : memref<!tpu.dma_semaphore, #tpu.memory_space<semaphore_mem>>)
      %add3A_871 = arith.constant 1 : i32
      %add3A_872 = arith.addi %mul3A_848, %add3A_871 : i32
      %dma_wait3A_873 = arith.constant 0 : i32
      %dma_wait3A_874 = tpu.memref_slice %arg6[%add3A_872, %dma_wait3A_873] : memref<40x128xi32, #tpu.memory_space<vmem>> -> memref<1x128xi32, #tpu.memory_space<vmem>>
      %dma_wait3A_875 = tpu.memref_squeeze %dma_wait3A_874 : memref<1x128xi32, #tpu.memory_space<vmem>> -> memref<128xi32, #tpu.memory_space<vmem>>
      %dma_wait3A_876 = arith.constant 0 : i32
      %dma_wait3A_877 = arith.constant 0 : i32
      %dma_wait3A_878 = tpu.memref_slice %arg2[%dma_wait3A_876, %dma_wait3A_877] : memref<10000x128xf32, #tpu.memory_space<hbm>> -> memref<10000x128xf32, #tpu.memory_space<hbm>>
      tpu.wait_indirect_dma semaphore(%arg13 : memref<!tpu.dma_semaphore, #tpu.memory_space<semaphore_mem>>) src(%dma_wait3A_878 : memref<10000x128xf32, #tpu.memory_space<hbm>>) dst(%arg9 : memref<128x128xf32, #tpu.memory_space<vmem>>)
      %add3A_879 = arith.constant 1 : i32
      %add3A_880 = arith.addi %mul3A_848, %add3A_879 : i32
      "tpu.region"() ({
        %run_scoped3A_881 = tpu.sem_alloc : memref<!tpu.dma_semaphore, #tpu.memory_space<semaphore_mem>>
        %dma_start3A_882 = arith.constant 0 : i32
        %dma_start3A_883 = tpu.memref_slice %arg7[%add3A_880, %dma_start3A_882] : memref<40x128xi32, #tpu.memory_space<vmem>> -> memref<1x128xi32, #tpu.memory_space<vmem>>
        %dma_start3A_884 = tpu.memref_squeeze %dma_start3A_883 : memref<1x128xi32, #tpu.memory_space<vmem>> -> memref<128xi32, #tpu.memory_space<vmem>>
        %dma_start3A_885 = arith.constant 0 : i32
        %dma_start3A_886 = arith.constant 0 : i32
        %dma_start3A_887 = tpu.memref_slice %arg11[%dma_start3A_885, %dma_start3A_886] : memref<10240x128xf32, #tpu.memory_space<vmem_shared>> -> memref<10240x128xf32, #tpu.memory_space<vmem_shared>>
        tpu.enqueue_indirect_dma source(%arg9 : memref<128x128xf32, #tpu.memory_space<vmem>>) target(%dma_start3A_887 : memref<10240x128xf32, #tpu.memory_space<vmem_shared>>) offsets(%dma_start3A_884 : memref<128xi32, #tpu.memory_space<vmem>>) semaphore(%run_scoped3A_881 : memref<!tpu.dma_semaphore, #tpu.memory_space<semaphore_mem>>) {add = true}
        %dma_wait3A_888 = arith.constant 0 : i32
        %dma_wait3A_889 = tpu.memref_slice %arg7[%add3A_880, %dma_wait3A_888] : memref<40x128xi32, #tpu.memory_space<vmem>> -> memref<1x128xi32, #tpu.memory_space<vmem>>
        %dma_wait3A_890 = tpu.memref_squeeze %dma_wait3A_889 : memref<1x128xi32, #tpu.memory_space<vmem>> -> memref<128xi32, #tpu.memory_space<vmem>>
        %dma_wait3A_891 = arith.constant 0 : i32
        %dma_wait3A_892 = arith.constant 0 : i32
        %dma_wait3A_893 = tpu.memref_slice %arg11[%dma_wait3A_891, %dma_wait3A_892] : memref<10240x128xf32, #tpu.memory_space<vmem_shared>> -> memref<10240x128xf32, #tpu.memory_space<vmem_shared>>
        tpu.wait_indirect_dma semaphore(%run_scoped3A_881 : memref<!tpu.dma_semaphore, #tpu.memory_space<semaphore_mem>>) src(%arg9 : memref<128x128xf32, #tpu.memory_space<vmem>>) dst(%dma_wait3A_893 : memref<10240x128xf32, #tpu.memory_space<vmem_shared>>)
        tpu.yield
      }) : () -> ()
    }
    %scan3A_787 = arith.constant 19 : i32
    %dma_start3A_788 = arith.constant 39 : i32
    %dma_start3A_789 = arith.constant 0 : i32
    %dma_start3A_790 = tpu.memref_slice %arg6[%dma_start3A_788, %dma_start3A_789] : memref<40x128xi32, #tpu.memory_space<vmem>> -> memref<1x128xi32, #tpu.memory_space<vmem>>
    %dma_start3A_791 = tpu.memref_squeeze %dma_start3A_790 : memref<1x128xi32, #tpu.memory_space<vmem>> -> memref<128xi32, #tpu.memory_space<vmem>>
    %dma_start3A_792 = arith.constant 0 : i32
    %dma_start3A_793 = arith.constant 0 : i32
    %dma_start3A_794 = tpu.memref_slice %arg2[%dma_start3A_792, %dma_start3A_793] : memref<10000x128xf32, #tpu.memory_space<hbm>> -> memref<10000x128xf32, #tpu.memory_space<hbm>>
    tpu.enqueue_indirect_dma source(%dma_start3A_794 : memref<10000x128xf32, #tpu.memory_space<hbm>>) target(%arg9 : memref<128x128xf32, #tpu.memory_space<vmem>>) offsets(%dma_start3A_791 : memref<128xi32, #tpu.memory_space<vmem>>) semaphore(%arg13 : memref<!tpu.dma_semaphore, #tpu.memory_space<semaphore_mem>>)
    %dma_wait3A = arith.constant 38 : i32
    %dma_wait3A_795 = arith.constant 0 : i32
    %dma_wait3A_796 = tpu.memref_slice %arg6[%dma_wait3A, %dma_wait3A_795] : memref<40x128xi32, #tpu.memory_space<vmem>> -> memref<1x128xi32, #tpu.memory_space<vmem>>
    %dma_wait3A_797 = tpu.memref_squeeze %dma_wait3A_796 : memref<1x128xi32, #tpu.memory_space<vmem>> -> memref<128xi32, #tpu.memory_space<vmem>>
    %dma_wait3A_798 = arith.constant 0 : i32
    %dma_wait3A_799 = arith.constant 0 : i32
    %dma_wait3A_800 = tpu.memref_slice %arg2[%dma_wait3A_798, %dma_wait3A_799] : memref<10000x128xf32, #tpu.memory_space<hbm>> -> memref<10000x128xf32, #tpu.memory_space<hbm>>
    tpu.wait_indirect_dma semaphore(%arg12 : memref<!tpu.dma_semaphore, #tpu.memory_space<semaphore_mem>>) src(%dma_wait3A_800 : memref<10000x128xf32, #tpu.memory_space<hbm>>) dst(%arg8 : memref<128x128xf32, #tpu.memory_space<vmem>>)
    %run_scoped3A = arith.constant 38 : i32
    "tpu.region"() ({
      %run_scoped3A_846 = tpu.sem_alloc : memref<!tpu.dma_semaphore, #tpu.memory_space<semaphore_mem>>
      %dma_start3A_847 = arith.constant 0 : i32
      %dma_start3A_848 = tpu.memref_slice %arg7[%run_scoped3A, %dma_start3A_847] : memref<40x128xi32, #tpu.memory_space<vmem>> -> memref<1x128xi32, #tpu.memory_space<vmem>>
      %dma_start3A_849 = tpu.memref_squeeze %dma_start3A_848 : memref<1x128xi32, #tpu.memory_space<vmem>> -> memref<128xi32, #tpu.memory_space<vmem>>
      %dma_start3A_850 = arith.constant 0 : i32
      %dma_start3A_851 = arith.constant 0 : i32
      %dma_start3A_852 = tpu.memref_slice %arg11[%dma_start3A_850, %dma_start3A_851] : memref<10240x128xf32, #tpu.memory_space<vmem_shared>> -> memref<10240x128xf32, #tpu.memory_space<vmem_shared>>
      tpu.enqueue_indirect_dma source(%arg8 : memref<128x128xf32, #tpu.memory_space<vmem>>) target(%dma_start3A_852 : memref<10240x128xf32, #tpu.memory_space<vmem_shared>>) offsets(%dma_start3A_849 : memref<128xi32, #tpu.memory_space<vmem>>) semaphore(%run_scoped3A_846 : memref<!tpu.dma_semaphore, #tpu.memory_space<semaphore_mem>>) {add = true}
      %dma_wait3A_853 = arith.constant 0 : i32
      %dma_wait3A_854 = tpu.memref_slice %arg7[%run_scoped3A, %dma_wait3A_853] : memref<40x128xi32, #tpu.memory_space<vmem>> -> memref<1x128xi32, #tpu.memory_space<vmem>>
      %dma_wait3A_855 = tpu.memref_squeeze %dma_wait3A_854 : memref<1x128xi32, #tpu.memory_space<vmem>> -> memref<128xi32, #tpu.memory_space<vmem>>
      %dma_wait3A_856 = arith.constant 0 : i32
      %dma_wait3A_857 = arith.constant 0 : i32
      %dma_wait3A_858 = tpu.memref_slice %arg11[%dma_wait3A_856, %dma_wait3A_857] : memref<10240x128xf32, #tpu.memory_space<vmem_shared>> -> memref<10240x128xf32, #tpu.memory_space<vmem_shared>>
      tpu.wait_indirect_dma semaphore(%run_scoped3A_846 : memref<!tpu.dma_semaphore, #tpu.memory_space<semaphore_mem>>) src(%arg8 : memref<128x128xf32, #tpu.memory_space<vmem>>) dst(%dma_wait3A_858 : memref<10240x128xf32, #tpu.memory_space<vmem_shared>>)
      tpu.yield
    }) : () -> ()
    %dma_wait3A_801 = arith.constant 39 : i32
    %dma_wait3A_802 = arith.constant 0 : i32
    %dma_wait3A_803 = tpu.memref_slice %arg6[%dma_wait3A_801, %dma_wait3A_802] : memref<40x128xi32, #tpu.memory_space<vmem>> -> memref<1x128xi32, #tpu.memory_space<vmem>>
    %dma_wait3A_804 = tpu.memref_squeeze %dma_wait3A_803 : memref<1x128xi32, #tpu.memory_space<vmem>> -> memref<128xi32, #tpu.memory_space<vmem>>
    %dma_wait3A_805 = arith.constant 0 : i32
    %dma_wait3A_806 = arith.constant 0 : i32
    %dma_wait3A_807 = tpu.memref_slice %arg2[%dma_wait3A_805, %dma_wait3A_806] : memref<10000x128xf32, #tpu.memory_space<hbm>> -> memref<10000x128xf32, #tpu.memory_space<hbm>>
    tpu.wait_indirect_dma semaphore(%arg13 : memref<!tpu.dma_semaphore, #tpu.memory_space<semaphore_mem>>) src(%dma_wait3A_807 : memref<10000x128xf32, #tpu.memory_space<hbm>>) dst(%arg9 : memref<128x128xf32, #tpu.memory_space<vmem>>)
    %run_scoped3A_808 = arith.constant 39 : i32
    "tpu.region"() ({
      %run_scoped3A_846 = tpu.sem_alloc : memref<!tpu.dma_semaphore, #tpu.memory_space<semaphore_mem>>
      %dma_start3A_847 = arith.constant 0 : i32
      %dma_start3A_848 = tpu.memref_slice %arg7[%run_scoped3A_808, %dma_start3A_847] : memref<40x128xi32, #tpu.memory_space<vmem>> -> memref<1x128xi32, #tpu.memory_space<vmem>>
      %dma_start3A_849 = tpu.memref_squeeze %dma_start3A_848 : memref<1x128xi32, #tpu.memory_space<vmem>> -> memref<128xi32, #tpu.memory_space<vmem>>
      %dma_start3A_850 = arith.constant 0 : i32
      %dma_start3A_851 = arith.constant 0 : i32
      %dma_start3A_852 = tpu.memref_slice %arg11[%dma_start3A_850, %dma_start3A_851] : memref<10240x128xf32, #tpu.memory_space<vmem_shared>> -> memref<10240x128xf32, #tpu.memory_space<vmem_shared>>
      tpu.enqueue_indirect_dma source(%arg9 : memref<128x128xf32, #tpu.memory_space<vmem>>) target(%dma_start3A_852 : memref<10240x128xf32, #tpu.memory_space<vmem_shared>>) offsets(%dma_start3A_849 : memref<128xi32, #tpu.memory_space<vmem>>) semaphore(%run_scoped3A_846 : memref<!tpu.dma_semaphore, #tpu.memory_space<semaphore_mem>>) {add = true}
      %dma_wait3A_853 = arith.constant 0 : i32
      %dma_wait3A_854 = tpu.memref_slice %arg7[%run_scoped3A_808, %dma_wait3A_853] : memref<40x128xi32, #tpu.memory_space<vmem>> -> memref<1x128xi32, #tpu.memory_space<vmem>>
      %dma_wait3A_855 = tpu.memref_squeeze %dma_wait3A_854 : memref<1x128xi32, #tpu.memory_space<vmem>> -> memref<128xi32, #tpu.memory_space<vmem>>
      %dma_wait3A_856 = arith.constant 0 : i32
      %dma_wait3A_857 = arith.constant 0 : i32
      %dma_wait3A_858 = tpu.memref_slice %arg11[%dma_wait3A_856, %dma_wait3A_857] : memref<10240x128xf32, #tpu.memory_space<vmem_shared>> -> memref<10240x128xf32, #tpu.memory_space<vmem_shared>>
      tpu.wait_indirect_dma semaphore(%run_scoped3A_846 : memref<!tpu.dma_semaphore, #tpu.memory_space<semaphore_mem>>) src(%arg9 : memref<128x128xf32, #tpu.memory_space<vmem>>) dst(%dma_wait3A_858 : memref<10240x128xf32, #tpu.memory_space<vmem_shared>>)
      tpu.yield
    }) : () -> ()
    "tpu.region"() ({
      %run_scoped3A_846 = tpu.sem_alloc : memref<!tpu.dma_semaphore, #tpu.memory_space<semaphore_mem>>
      %dma_start3A_847 = arith.constant 40 : i32
      %dma_start3A_848 = arith.constant 0 : i32
      %dma_start3A_849 = tpu.memref_slice %arg3[%add3A, %dma_start3A_847, %dma_start3A_848] : memref<32x80x128xi32, #tpu.memory_space<hbm>> -> memref<1x40x128xi32, #tpu.memory_space<hbm>>
      %dma_start3A_850 = tpu.memref_squeeze %dma_start3A_849 : memref<1x40x128xi32, #tpu.memory_space<hbm>> -> memref<40x128xi32, #tpu.memory_space<hbm>>
      %dma_start3A_851 = arith.constant 40 : i32
      %dma_start3A_852 = arith.constant 0 : i32
      %dma_start3A_853 = tpu.memref_slice %arg3[%add3A, %dma_start3A_851, %dma_start3A_852] : memref<32x80x128xi32, #tpu.memory_space<hbm>> -> memref<1x40x128xi32, #tpu.memory_space<hbm>>
      %dma_start3A_854 = tpu.memref_squeeze %dma_start3A_853 : memref<1x40x128xi32, #tpu.memory_space<hbm>> -> memref<40x128xi32, #tpu.memory_space<hbm>>
      tpu.enqueue_dma source(%dma_start3A_854 : memref<40x128xi32, #tpu.memory_space<hbm>>) target(%arg6 : memref<40x128xi32, #tpu.memory_space<vmem>>) target_semaphore(%run_scoped3A_846 : memref<!tpu.dma_semaphore, #tpu.memory_space<semaphore_mem>>)
      %dma_wait3A_855 = arith.constant 40 : i32
      %dma_wait3A_856 = arith.constant 0 : i32
      %dma_wait3A_857 = tpu.memref_slice %arg3[%add3A, %dma_wait3A_855, %dma_wait3A_856] : memref<32x80x128xi32, #tpu.memory_space<hbm>> -> memref<1x40x128xi32, #tpu.memory_space<hbm>>
      %dma_wait3A_858 = tpu.memref_squeeze %dma_wait3A_857 : memref<1x40x128xi32, #tpu.memory_space<hbm>> -> memref<40x128xi32, #tpu.memory_space<hbm>>
      %dma_wait3A_859 = arith.constant 40 : i32
      %dma_wait3A_860 = arith.constant 0 : i32
      %dma_wait3A_861 = tpu.memref_slice %arg3[%add3A, %dma_wait3A_859, %dma_wait3A_860] : memref<32x80x128xi32, #tpu.memory_space<hbm>> -> memref<1x40x128xi32, #tpu.memory_space<hbm>>
      %dma_wait3A_862 = tpu.memref_squeeze %dma_wait3A_861 : memref<1x40x128xi32, #tpu.memory_space<hbm>> -> memref<40x128xi32, #tpu.memory_space<hbm>>
      tpu.wait_dma2 semaphore(%run_scoped3A_846 : memref<!tpu.dma_semaphore, #tpu.memory_space<semaphore_mem>>) src(%dma_wait3A_862 : memref<40x128xi32, #tpu.memory_space<hbm>>) dst(%arg6 : memref<40x128xi32, #tpu.memory_space<vmem>>)
      tpu.yield
    }) : () -> ()
    "tpu.region"() ({
      %run_scoped3A_846 = tpu.sem_alloc : memref<!tpu.dma_semaphore, #tpu.memory_space<semaphore_mem>>
      %dma_start3A_847 = arith.constant 40 : i32
      %dma_start3A_848 = arith.constant 0 : i32
      %dma_start3A_849 = tpu.memref_slice %arg4[%add3A, %dma_start3A_847, %dma_start3A_848] : memref<32x80x128xi32, #tpu.memory_space<hbm>> -> memref<1x40x128xi32, #tpu.memory_space<hbm>>
      %dma_start3A_850 = tpu.memref_squeeze %dma_start3A_849 : memref<1x40x128xi32, #tpu.memory_space<hbm>> -> memref<40x128xi32, #tpu.memory_space<hbm>>
      %dma_start3A_851 = arith.constant 40 : i32
      %dma_start3A_852 = arith.constant 0 : i32
      %dma_start3A_853 = tpu.memref_slice %arg4[%add3A, %dma_start3A_851, %dma_start3A_852] : memref<32x80x128xi32, #tpu.memory_space<hbm>> -> memref<1x40x128xi32, #tpu.memory_space<hbm>>
      %dma_start3A_854 = tpu.memref_squeeze %dma_start3A_853 : memref<1x40x128xi32, #tpu.memory_space<hbm>> -> memref<40x128xi32, #tpu.memory_space<hbm>>
      tpu.enqueue_dma source(%dma_start3A_854 : memref<40x128xi32, #tpu.memory_space<hbm>>) target(%arg7 : memref<40x128xi32, #tpu.memory_space<vmem>>) target_semaphore(%run_scoped3A_846 : memref<!tpu.dma_semaphore, #tpu.memory_space<semaphore_mem>>)
      %dma_wait3A_855 = arith.constant 40 : i32
      %dma_wait3A_856 = arith.constant 0 : i32
      %dma_wait3A_857 = tpu.memref_slice %arg4[%add3A, %dma_wait3A_855, %dma_wait3A_856] : memref<32x80x128xi32, #tpu.memory_space<hbm>> -> memref<1x40x128xi32, #tpu.memory_space<hbm>>
      %dma_wait3A_858 = tpu.memref_squeeze %dma_wait3A_857 : memref<1x40x128xi32, #tpu.memory_space<hbm>> -> memref<40x128xi32, #tpu.memory_space<hbm>>
      %dma_wait3A_859 = arith.constant 40 : i32
      %dma_wait3A_860 = arith.constant 0 : i32
      %dma_wait3A_861 = tpu.memref_slice %arg4[%add3A, %dma_wait3A_859, %dma_wait3A_860] : memref<32x80x128xi32, #tpu.memory_space<hbm>> -> memref<1x40x128xi32, #tpu.memory_space<hbm>>
      %dma_wait3A_862 = tpu.memref_squeeze %dma_wait3A_861 : memref<1x40x128xi32, #tpu.memory_space<hbm>> -> memref<40x128xi32, #tpu.memory_space<hbm>>
      tpu.wait_dma2 semaphore(%run_scoped3A_846 : memref<!tpu.dma_semaphore, #tpu.memory_space<semaphore_mem>>) src(%dma_wait3A_862 : memref<40x128xi32, #tpu.memory_space<hbm>>) dst(%arg7 : memref<40x128xi32, #tpu.memory_space<vmem>>)
      tpu.yield
    }) : () -> ()
    %dma_start3A_809 = arith.constant 0 : i32
    %dma_start3A_810 = arith.constant 0 : i32
    %dma_start3A_811 = tpu.memref_slice %arg6[%dma_start3A_809, %dma_start3A_810] : memref<40x128xi32, #tpu.memory_space<vmem>> -> memref<1x128xi32, #tpu.memory_space<vmem>>
    %dma_start3A_812 = tpu.memref_squeeze %dma_start3A_811 : memref<1x128xi32, #tpu.memory_space<vmem>> -> memref<128xi32, #tpu.memory_space<vmem>>
    %dma_start3A_813 = arith.constant 0 : i32
    %dma_start3A_814 = arith.constant 0 : i32
    %dma_start3A_815 = tpu.memref_slice %arg2[%dma_start3A_813, %dma_start3A_814] : memref<10000x128xf32, #tpu.memory_space<hbm>> -> memref<10000x128xf32, #tpu.memory_space<hbm>>
    tpu.enqueue_indirect_dma source(%dma_start3A_815 : memref<10000x128xf32, #tpu.memory_space<hbm>>) target(%arg8 : memref<128x128xf32, #tpu.memory_space<vmem>>) offsets(%dma_start3A_812 : memref<128xi32, #tpu.memory_space<vmem>>) semaphore(%arg12 : memref<!tpu.dma_semaphore, #tpu.memory_space<semaphore_mem>>)
    %scan3A_816 = arith.constant 0 : i32
    %scan3A_817 = arith.constant 0 : i32
    %scan3A_818 = arith.constant 19 : i32
    %scan3A_819 = arith.addi %scan3A_817, %scan3A_818 : i32
    %scan3A_820 = arith.constant 1 : i32
    scf.for %scan3A_846 = %scan3A_817 to %scan3A_819 step %scan3A_820  : i32 {
      %mul3A_847 = arith.constant 2 : i32
      %mul3A_848 = arith.muli %mul3A_847, %scan3A_846 : i32
      %add3A_849 = arith.constant 1 : i32
      %add3A_850 = arith.addi %mul3A_848, %add3A_849 : i32
      %dma_start3A_851 = arith.constant 0 : i32
      %dma_start3A_852 = tpu.memref_slice %arg6[%add3A_850, %dma_start3A_851] : memref<40x128xi32, #tpu.memory_space<vmem>> -> memref<1x128xi32, #tpu.memory_space<vmem>>
      %dma_start3A_853 = tpu.memref_squeeze %dma_start3A_852 : memref<1x128xi32, #tpu.memory_space<vmem>> -> memref<128xi32, #tpu.memory_space<vmem>>
      %dma_start3A_854 = arith.constant 0 : i32
      %dma_start3A_855 = arith.constant 0 : i32
      %dma_start3A_856 = tpu.memref_slice %arg2[%dma_start3A_854, %dma_start3A_855] : memref<10000x128xf32, #tpu.memory_space<hbm>> -> memref<10000x128xf32, #tpu.memory_space<hbm>>
      tpu.enqueue_indirect_dma source(%dma_start3A_856 : memref<10000x128xf32, #tpu.memory_space<hbm>>) target(%arg9 : memref<128x128xf32, #tpu.memory_space<vmem>>) offsets(%dma_start3A_853 : memref<128xi32, #tpu.memory_space<vmem>>) semaphore(%arg13 : memref<!tpu.dma_semaphore, #tpu.memory_space<semaphore_mem>>)
      %dma_wait3A_857 = arith.constant 0 : i32
      %dma_wait3A_858 = tpu.memref_slice %arg6[%mul3A_848, %dma_wait3A_857] : memref<40x128xi32, #tpu.memory_space<vmem>> -> memref<1x128xi32, #tpu.memory_space<vmem>>
      %dma_wait3A_859 = tpu.memref_squeeze %dma_wait3A_858 : memref<1x128xi32, #tpu.memory_space<vmem>> -> memref<128xi32, #tpu.memory_space<vmem>>
      %dma_wait3A_860 = arith.constant 0 : i32
      %dma_wait3A_861 = arith.constant 0 : i32
      %dma_wait3A_862 = tpu.memref_slice %arg2[%dma_wait3A_860, %dma_wait3A_861] : memref<10000x128xf32, #tpu.memory_space<hbm>> -> memref<10000x128xf32, #tpu.memory_space<hbm>>
      tpu.wait_indirect_dma semaphore(%arg12 : memref<!tpu.dma_semaphore, #tpu.memory_space<semaphore_mem>>) src(%dma_wait3A_862 : memref<10000x128xf32, #tpu.memory_space<hbm>>) dst(%arg8 : memref<128x128xf32, #tpu.memory_space<vmem>>)
      "tpu.region"() ({
        %run_scoped3A_881 = tpu.sem_alloc : memref<!tpu.dma_semaphore, #tpu.memory_space<semaphore_mem>>
        %dma_start3A_882 = arith.constant 0 : i32
        %dma_start3A_883 = tpu.memref_slice %arg7[%mul3A_848, %dma_start3A_882] : memref<40x128xi32, #tpu.memory_space<vmem>> -> memref<1x128xi32, #tpu.memory_space<vmem>>
        %dma_start3A_884 = tpu.memref_squeeze %dma_start3A_883 : memref<1x128xi32, #tpu.memory_space<vmem>> -> memref<128xi32, #tpu.memory_space<vmem>>
        %dma_start3A_885 = arith.constant 0 : i32
        %dma_start3A_886 = arith.constant 0 : i32
        %dma_start3A_887 = tpu.memref_slice %arg11[%dma_start3A_885, %dma_start3A_886] : memref<10240x128xf32, #tpu.memory_space<vmem_shared>> -> memref<10240x128xf32, #tpu.memory_space<vmem_shared>>
        tpu.enqueue_indirect_dma source(%arg8 : memref<128x128xf32, #tpu.memory_space<vmem>>) target(%dma_start3A_887 : memref<10240x128xf32, #tpu.memory_space<vmem_shared>>) offsets(%dma_start3A_884 : memref<128xi32, #tpu.memory_space<vmem>>) semaphore(%run_scoped3A_881 : memref<!tpu.dma_semaphore, #tpu.memory_space<semaphore_mem>>) {add = true}
        %dma_wait3A_888 = arith.constant 0 : i32
        %dma_wait3A_889 = tpu.memref_slice %arg7[%mul3A_848, %dma_wait3A_888] : memref<40x128xi32, #tpu.memory_space<vmem>> -> memref<1x128xi32, #tpu.memory_space<vmem>>
        %dma_wait3A_890 = tpu.memref_squeeze %dma_wait3A_889 : memref<1x128xi32, #tpu.memory_space<vmem>> -> memref<128xi32, #tpu.memory_space<vmem>>
        %dma_wait3A_891 = arith.constant 0 : i32
        %dma_wait3A_892 = arith.constant 0 : i32
        %dma_wait3A_893 = tpu.memref_slice %arg11[%dma_wait3A_891, %dma_wait3A_892] : memref<10240x128xf32, #tpu.memory_space<vmem_shared>> -> memref<10240x128xf32, #tpu.memory_space<vmem_shared>>
        tpu.wait_indirect_dma semaphore(%run_scoped3A_881 : memref<!tpu.dma_semaphore, #tpu.memory_space<semaphore_mem>>) src(%arg8 : memref<128x128xf32, #tpu.memory_space<vmem>>) dst(%dma_wait3A_893 : memref<10240x128xf32, #tpu.memory_space<vmem_shared>>)
        tpu.yield
      }) : () -> ()
      %add3A_863 = arith.constant 2 : i32
      %add3A_864 = arith.addi %mul3A_848, %add3A_863 : i32
      %dma_start3A_865 = arith.constant 0 : i32
      %dma_start3A_866 = tpu.memref_slice %arg6[%add3A_864, %dma_start3A_865] : memref<40x128xi32, #tpu.memory_space<vmem>> -> memref<1x128xi32, #tpu.memory_space<vmem>>
      %dma_start3A_867 = tpu.memref_squeeze %dma_start3A_866 : memref<1x128xi32, #tpu.memory_space<vmem>> -> memref<128xi32, #tpu.memory_space<vmem>>
      %dma_start3A_868 = arith.constant 0 : i32
      %dma_start3A_869 = arith.constant 0 : i32
      %dma_start3A_870 = tpu.memref_slice %arg2[%dma_start3A_868, %dma_start3A_869] : memref<10000x128xf32, #tpu.memory_space<hbm>> -> memref<10000x128xf32, #tpu.memory_space<hbm>>
      tpu.enqueue_indirect_dma source(%dma_start3A_870 : memref<10000x128xf32, #tpu.memory_space<hbm>>) target(%arg8 : memref<128x128xf32, #tpu.memory_space<vmem>>) offsets(%dma_start3A_867 : memref<128xi32, #tpu.memory_space<vmem>>) semaphore(%arg12 : memref<!tpu.dma_semaphore, #tpu.memory_space<semaphore_mem>>)
      %add3A_871 = arith.constant 1 : i32
      %add3A_872 = arith.addi %mul3A_848, %add3A_871 : i32
      %dma_wait3A_873 = arith.constant 0 : i32
      %dma_wait3A_874 = tpu.memref_slice %arg6[%add3A_872, %dma_wait3A_873] : memref<40x128xi32, #tpu.memory_space<vmem>> -> memref<1x128xi32, #tpu.memory_space<vmem>>
      %dma_wait3A_875 = tpu.memref_squeeze %dma_wait3A_874 : memref<1x128xi32, #tpu.memory_space<vmem>> -> memref<128xi32, #tpu.memory_space<vmem>>
      %dma_wait3A_876 = arith.constant 0 : i32
      %dma_wait3A_877 = arith.constant 0 : i32
      %dma_wait3A_878 = tpu.memref_slice %arg2[%dma_wait3A_876, %dma_wait3A_877] : memref<10000x128xf32, #tpu.memory_space<hbm>> -> memref<10000x128xf32, #tpu.memory_space<hbm>>
      tpu.wait_indirect_dma semaphore(%arg13 : memref<!tpu.dma_semaphore, #tpu.memory_space<semaphore_mem>>) src(%dma_wait3A_878 : memref<10000x128xf32, #tpu.memory_space<hbm>>) dst(%arg9 : memref<128x128xf32, #tpu.memory_space<vmem>>)
      %add3A_879 = arith.constant 1 : i32
      %add3A_880 = arith.addi %mul3A_848, %add3A_879 : i32
      "tpu.region"() ({
        %run_scoped3A_881 = tpu.sem_alloc : memref<!tpu.dma_semaphore, #tpu.memory_space<semaphore_mem>>
        %dma_start3A_882 = arith.constant 0 : i32
        %dma_start3A_883 = tpu.memref_slice %arg7[%add3A_880, %dma_start3A_882] : memref<40x128xi32, #tpu.memory_space<vmem>> -> memref<1x128xi32, #tpu.memory_space<vmem>>
        %dma_start3A_884 = tpu.memref_squeeze %dma_start3A_883 : memref<1x128xi32, #tpu.memory_space<vmem>> -> memref<128xi32, #tpu.memory_space<vmem>>
        %dma_start3A_885 = arith.constant 0 : i32
        %dma_start3A_886 = arith.constant 0 : i32
        %dma_start3A_887 = tpu.memref_slice %arg11[%dma_start3A_885, %dma_start3A_886] : memref<10240x128xf32, #tpu.memory_space<vmem_shared>> -> memref<10240x128xf32, #tpu.memory_space<vmem_shared>>
        tpu.enqueue_indirect_dma source(%arg9 : memref<128x128xf32, #tpu.memory_space<vmem>>) target(%dma_start3A_887 : memref<10240x128xf32, #tpu.memory_space<vmem_shared>>) offsets(%dma_start3A_884 : memref<128xi32, #tpu.memory_space<vmem>>) semaphore(%run_scoped3A_881 : memref<!tpu.dma_semaphore, #tpu.memory_space<semaphore_mem>>) {add = true}
        %dma_wait3A_888 = arith.constant 0 : i32
        %dma_wait3A_889 = tpu.memref_slice %arg7[%add3A_880, %dma_wait3A_888] : memref<40x128xi32, #tpu.memory_space<vmem>> -> memref<1x128xi32, #tpu.memory_space<vmem>>
        %dma_wait3A_890 = tpu.memref_squeeze %dma_wait3A_889 : memref<1x128xi32, #tpu.memory_space<vmem>> -> memref<128xi32, #tpu.memory_space<vmem>>
        %dma_wait3A_891 = arith.constant 0 : i32
        %dma_wait3A_892 = arith.constant 0 : i32
        %dma_wait3A_893 = tpu.memref_slice %arg11[%dma_wait3A_891, %dma_wait3A_892] : memref<10240x128xf32, #tpu.memory_space<vmem_shared>> -> memref<10240x128xf32, #tpu.memory_space<vmem_shared>>
        tpu.wait_indirect_dma semaphore(%run_scoped3A_881 : memref<!tpu.dma_semaphore, #tpu.memory_space<semaphore_mem>>) src(%arg9 : memref<128x128xf32, #tpu.memory_space<vmem>>) dst(%dma_wait3A_893 : memref<10240x128xf32, #tpu.memory_space<vmem_shared>>)
        tpu.yield
      }) : () -> ()
    }
    %scan3A_821 = arith.constant 19 : i32
    %dma_start3A_822 = arith.constant 39 : i32
    %dma_start3A_823 = arith.constant 0 : i32
    %dma_start3A_824 = tpu.memref_slice %arg6[%dma_start3A_822, %dma_start3A_823] : memref<40x128xi32, #tpu.memory_space<vmem>> -> memref<1x128xi32, #tpu.memory_space<vmem>>
    %dma_start3A_825 = tpu.memref_squeeze %dma_start3A_824 : memref<1x128xi32, #tpu.memory_space<vmem>> -> memref<128xi32, #tpu.memory_space<vmem>>
    %dma_start3A_826 = arith.constant 0 : i32
    %dma_start3A_827 = arith.constant 0 : i32
    %dma_start3A_828 = tpu.memref_slice %arg2[%dma_start3A_826, %dma_start3A_827] : memref<10000x128xf32, #tpu.memory_space<hbm>> -> memref<10000x128xf32, #tpu.memory_space<hbm>>
    tpu.enqueue_indirect_dma source(%dma_start3A_828 : memref<10000x128xf32, #tpu.memory_space<hbm>>) target(%arg9 : memref<128x128xf32, #tpu.memory_space<vmem>>) offsets(%dma_start3A_825 : memref<128xi32, #tpu.memory_space<vmem>>) semaphore(%arg13 : memref<!tpu.dma_semaphore, #tpu.memory_space<semaphore_mem>>)
    %dma_wait3A_829 = arith.constant 38 : i32
    %dma_wait3A_830 = arith.constant 0 : i32
    %dma_wait3A_831 = tpu.memref_slice %arg6[%dma_wait3A_829, %dma_wait3A_830] : memref<40x128xi32, #tpu.memory_space<vmem>> -> memref<1x128xi32, #tpu.memory_space<vmem>>
    %dma_wait3A_832 = tpu.memref_squeeze %dma_wait3A_831 : memref<1x128xi32, #tpu.memory_space<vmem>> -> memref<128xi32, #tpu.memory_space<vmem>>
    %dma_wait3A_833 = arith.constant 0 : i32
    %dma_wait3A_834 = arith.constant 0 : i32
    %dma_wait3A_835 = tpu.memref_slice %arg2[%dma_wait3A_833, %dma_wait3A_834] : memref<10000x128xf32, #tpu.memory_space<hbm>> -> memref<10000x128xf32, #tpu.memory_space<hbm>>
    tpu.wait_indirect_dma semaphore(%arg12 : memref<!tpu.dma_semaphore, #tpu.memory_space<semaphore_mem>>) src(%dma_wait3A_835 : memref<10000x128xf32, #tpu.memory_space<hbm>>) dst(%arg8 : memref<128x128xf32, #tpu.memory_space<vmem>>)
    %run_scoped3A_836 = arith.constant 38 : i32
    "tpu.region"() ({
      %run_scoped3A_846 = tpu.sem_alloc : memref<!tpu.dma_semaphore, #tpu.memory_space<semaphore_mem>>
      %dma_start3A_847 = arith.constant 0 : i32
      %dma_start3A_848 = tpu.memref_slice %arg7[%run_scoped3A_836, %dma_start3A_847] : memref<40x128xi32, #tpu.memory_space<vmem>> -> memref<1x128xi32, #tpu.memory_space<vmem>>
      %dma_start3A_849 = tpu.memref_squeeze %dma_start3A_848 : memref<1x128xi32, #tpu.memory_space<vmem>> -> memref<128xi32, #tpu.memory_space<vmem>>
      %dma_start3A_850 = arith.constant 0 : i32
      %dma_start3A_851 = arith.constant 0 : i32
      %dma_start3A_852 = tpu.memref_slice %arg11[%dma_start3A_850, %dma_start3A_851] : memref<10240x128xf32, #tpu.memory_space<vmem_shared>> -> memref<10240x128xf32, #tpu.memory_space<vmem_shared>>
      tpu.enqueue_indirect_dma source(%arg8 : memref<128x128xf32, #tpu.memory_space<vmem>>) target(%dma_start3A_852 : memref<10240x128xf32, #tpu.memory_space<vmem_shared>>) offsets(%dma_start3A_849 : memref<128xi32, #tpu.memory_space<vmem>>) semaphore(%run_scoped3A_846 : memref<!tpu.dma_semaphore, #tpu.memory_space<semaphore_mem>>) {add = true}
      %dma_wait3A_853 = arith.constant 0 : i32
      %dma_wait3A_854 = tpu.memref_slice %arg7[%run_scoped3A_836, %dma_wait3A_853] : memref<40x128xi32, #tpu.memory_space<vmem>> -> memref<1x128xi32, #tpu.memory_space<vmem>>
      %dma_wait3A_855 = tpu.memref_squeeze %dma_wait3A_854 : memref<1x128xi32, #tpu.memory_space<vmem>> -> memref<128xi32, #tpu.memory_space<vmem>>
      %dma_wait3A_856 = arith.constant 0 : i32
      %dma_wait3A_857 = arith.constant 0 : i32
      %dma_wait3A_858 = tpu.memref_slice %arg11[%dma_wait3A_856, %dma_wait3A_857] : memref<10240x128xf32, #tpu.memory_space<vmem_shared>> -> memref<10240x128xf32, #tpu.memory_space<vmem_shared>>
      tpu.wait_indirect_dma semaphore(%run_scoped3A_846 : memref<!tpu.dma_semaphore, #tpu.memory_space<semaphore_mem>>) src(%arg8 : memref<128x128xf32, #tpu.memory_space<vmem>>) dst(%dma_wait3A_858 : memref<10240x128xf32, #tpu.memory_space<vmem_shared>>)
      tpu.yield
    }) : () -> ()
    %dma_wait3A_837 = arith.constant 39 : i32
    %dma_wait3A_838 = arith.constant 0 : i32
    %dma_wait3A_839 = tpu.memref_slice %arg6[%dma_wait3A_837, %dma_wait3A_838] : memref<40x128xi32, #tpu.memory_space<vmem>> -> memref<1x128xi32, #tpu.memory_space<vmem>>
    %dma_wait3A_840 = tpu.memref_squeeze %dma_wait3A_839 : memref<1x128xi32, #tpu.memory_space<vmem>> -> memref<128xi32, #tpu.memory_space<vmem>>
    %dma_wait3A_841 = arith.constant 0 : i32
    %dma_wait3A_842 = arith.constant 0 : i32
    %dma_wait3A_843 = tpu.memref_slice %arg2[%dma_wait3A_841, %dma_wait3A_842] : memref<10000x128xf32, #tpu.memory_space<hbm>> -> memref<10000x128xf32, #tpu.memory_space<hbm>>
    tpu.wait_indirect_dma semaphore(%arg13 : memref<!tpu.dma_semaphore, #tpu.memory_space<semaphore_mem>>) src(%dma_wait3A_843 : memref<10000x128xf32, #tpu.memory_space<hbm>>) dst(%arg9 : memref<128x128xf32, #tpu.memory_space<vmem>>)
    %run_scoped3A_844 = arith.constant 39 : i32
    "tpu.region"() ({
      %run_scoped3A_846 = tpu.sem_alloc : memref<!tpu.dma_semaphore, #tpu.memory_space<semaphore_mem>>
      %dma_start3A_847 = arith.constant 0 : i32
      %dma_start3A_848 = tpu.memref_slice %arg7[%run_scoped3A_844, %dma_start3A_847] : memref<40x128xi32, #tpu.memory_space<vmem>> -> memref<1x128xi32, #tpu.memory_space<vmem>>
      %dma_start3A_849 = tpu.memref_squeeze %dma_start3A_848 : memref<1x128xi32, #tpu.memory_space<vmem>> -> memref<128xi32, #tpu.memory_space<vmem>>
      %dma_start3A_850 = arith.constant 0 : i32
      %dma_start3A_851 = arith.constant 0 : i32
      %dma_start3A_852 = tpu.memref_slice %arg11[%dma_start3A_850, %dma_start3A_851] : memref<10240x128xf32, #tpu.memory_space<vmem_shared>> -> memref<10240x128xf32, #tpu.memory_space<vmem_shared>>
      tpu.enqueue_indirect_dma source(%arg9 : memref<128x128xf32, #tpu.memory_space<vmem>>) target(%dma_start3A_852 : memref<10240x128xf32, #tpu.memory_space<vmem_shared>>) offsets(%dma_start3A_849 : memref<128xi32, #tpu.memory_space<vmem>>) semaphore(%run_scoped3A_846 : memref<!tpu.dma_semaphore, #tpu.memory_space<semaphore_mem>>) {add = true}
      %dma_wait3A_853 = arith.constant 0 : i32
      %dma_wait3A_854 = tpu.memref_slice %arg7[%run_scoped3A_844, %dma_wait3A_853] : memref<40x128xi32, #tpu.memory_space<vmem>> -> memref<1x128xi32, #tpu.memory_space<vmem>>
      %dma_wait3A_855 = tpu.memref_squeeze %dma_wait3A_854 : memref<1x128xi32, #tpu.memory_space<vmem>> -> memref<128xi32, #tpu.memory_space<vmem>>
      %dma_wait3A_856 = arith.constant 0 : i32
      %dma_wait3A_857 = arith.constant 0 : i32
      %dma_wait3A_858 = tpu.memref_slice %arg11[%dma_wait3A_856, %dma_wait3A_857] : memref<10240x128xf32, #tpu.memory_space<vmem_shared>> -> memref<10240x128xf32, #tpu.memory_space<vmem_shared>>
      tpu.wait_indirect_dma semaphore(%run_scoped3A_846 : memref<!tpu.dma_semaphore, #tpu.memory_space<semaphore_mem>>) src(%arg9 : memref<128x128xf32, #tpu.memory_space<vmem>>) dst(%dma_wait3A_858 : memref<10240x128xf32, #tpu.memory_space<vmem_shared>>)
      tpu.yield
    }) : () -> ()
    %barrier3A_845 = arith.constant 0 : index
    tpu.barrier barrier_id(%barrier3A_845)
    "tpu.region"() ({
      %run_scoped3A_846 = tpu.sem_alloc : memref<!tpu.dma_semaphore, #tpu.memory_space<semaphore_mem>>
      %dma_start3A_847 = arith.constant 0 : i32
      %dma_start3A_848 = tpu.memref_slice %arg5[%arg0, %mul3A_2, %dma_start3A_847] : memref<2x10240x128xf32, #tpu.memory_space<hbm>> -> memref<1x640x128xf32, #tpu.memory_space<hbm>>
      %dma_start3A_849 = tpu.memref_squeeze %dma_start3A_848 : memref<1x640x128xf32, #tpu.memory_space<hbm>> -> memref<640x128xf32, #tpu.memory_space<hbm>>
      %dma_start3A_850 = arith.constant 0 : i32
      %dma_start3A_851 = tpu.memref_slice %arg11[%mul3A_2, %dma_start3A_850] : memref<10240x128xf32, #tpu.memory_space<vmem_shared>> -> memref<640x128xf32, #tpu.memory_space<vmem_shared>>
      tpu.enqueue_dma source(%dma_start3A_851 : memref<640x128xf32, #tpu.memory_space<vmem_shared>>) target(%dma_start3A_849 : memref<640x128xf32, #tpu.memory_space<hbm>>) target_semaphore(%run_scoped3A_846 : memref<!tpu.dma_semaphore, #tpu.memory_space<semaphore_mem>>)
      %dma_wait3A_852 = arith.constant 0 : i32
      %dma_wait3A_853 = tpu.memref_slice %arg5[%arg0, %mul3A_2, %dma_wait3A_852] : memref<2x10240x128xf32, #tpu.memory_space<hbm>> -> memref<1x640x128xf32, #tpu.memory_space<hbm>>
      %dma_wait3A_854 = tpu.memref_squeeze %dma_wait3A_853 : memref<1x640x128xf32, #tpu.memory_space<hbm>> -> memref<640x128xf32, #tpu.memory_space<hbm>>
      %dma_wait3A_855 = arith.constant 0 : i32
      %dma_wait3A_856 = tpu.memref_slice %arg11[%mul3A_2, %dma_wait3A_855] : memref<10240x128xf32, #tpu.memory_space<vmem_shared>> -> memref<640x128xf32, #tpu.memory_space<vmem_shared>>
      tpu.wait_dma2 semaphore(%run_scoped3A_846 : memref<!tpu.dma_semaphore, #tpu.memory_space<semaphore_mem>>) src(%dma_wait3A_856 : memref<640x128xf32, #tpu.memory_space<vmem_shared>>) dst(%dma_wait3A_854 : memref<640x128xf32, #tpu.memory_space<hbm>>)
      tpu.yield
    }) : () -> ()
    return
  }
}

module attributes {stable_mosaic.version = 14 : i64} {
  func.func @_pre_body(%arg0: i32, %arg1: memref<1000x128xf32, #tpu.memory_space<vmem>>, %arg2: memref<128x128xf32, #tpu.memory_space<vmem>>, %arg3: memref<128x128xf32, #tpu.memory_space<vmem>>, %arg4: memref<1x128xf32, #tpu.memory_space<vmem>>, %arg5: memref<1000x128xf32, #tpu.memory_space<vmem>>, %arg6: memref<1000x128xf32, #tpu.memory_space<vmem>>) attributes {dimension_semantics = [#tpu.dimension_semantics<arbitrary>], iteration_bounds = array<i64: 10>, scalar_prefetch = 0 : i64, scratch_operands = 0 : i64, tpu.core_type = #tpu.core_type<tc>, window_params = [{transform_indices = @transform_0, window_bounds = array<i64: 1000, 128>}, {pipeline_mode = #tpu.pipeline_mode<synchronous>, transform_indices = @transform_1, window_bounds = array<i64: 128, 128>}, {pipeline_mode = #tpu.pipeline_mode<synchronous>, transform_indices = @transform_2, window_bounds = array<i64: 128, 128>}, {pipeline_mode = #tpu.pipeline_mode<synchronous>, transform_indices = @transform_3, window_bounds = array<i64: 1, 128>}, {transform_indices = @transform_4, window_bounds = array<i64: 1000, 128>}, {transform_indices = @transform_5, window_bounds = array<i64: 1000, 128>}]} {
    %get3A = arith.constant 0 : index
    %get3A_0 = arith.constant 0 : index
    %get3A_1 = vector.load %arg1[%get3A, %get3A_0] : memref<1000x128xf32, #tpu.memory_space<vmem>>, vector<1000x128xf32>
    %get3A_2 = arith.constant 0 : index
    %get3A_3 = arith.constant 0 : index
    %get3A_4 = vector.load %arg2[%get3A_2, %get3A_3] : memref<128x128xf32, #tpu.memory_space<vmem>>, vector<128x128xf32>
    %dot_general3A = arith.constant dense<0.000000e+00> : vector<1000x128xf32>
    %dot_general3A_5 = tpu.matmul %get3A_1, %get3A_4, %dot_general3A {dimension_numbers = #tpu.dot_dimension_numbers<[1], [0], [0], [1], [0, 0, 1, 1], [], []>, transpose_lhs_hint = false} : vector<1000x128xf32>, vector<128x128xf32>, vector<1000x128xf32> -> vector<1000x128xf32>
    %swap3A = arith.constant 0 : index
    %swap3A_6 = arith.constant 0 : index
    %swap3A_7 = vector.load %arg5[%swap3A, %swap3A_6] : memref<1000x128xf32, #tpu.memory_space<vmem>>, vector<1000x128xf32>
    tpu.vector_store %arg5[%swap3A, %swap3A_6], %dot_general3A_5 {strides = array<i32>} : memref<1000x128xf32, #tpu.memory_space<vmem>>, vector<1000x128xf32>,
    %get3A_8 = arith.constant 0 : index
    %get3A_9 = arith.constant 0 : index
    %get3A_10 = vector.load %arg3[%get3A_8, %get3A_9] : memref<128x128xf32, #tpu.memory_space<vmem>>, vector<128x128xf32>
    %dot_general3A_11 = arith.constant dense<0.000000e+00> : vector<1000x128xf32>
    %dot_general3A_12 = tpu.matmul %get3A_1, %get3A_10, %dot_general3A_11 {dimension_numbers = #tpu.dot_dimension_numbers<[1], [0], [0], [1], [0, 0, 1, 1], [], []>, transpose_lhs_hint = false} : vector<1000x128xf32>, vector<128x128xf32>, vector<1000x128xf32> -> vector<1000x128xf32>
    %get3A_13 = arith.constant 0 : index
    %get3A_14 = arith.constant 0 : index
    %get3A_15 = vector.load %arg4[%get3A_13, %get3A_14] : memref<1x128xf32, #tpu.memory_space<vmem>>, vector<1x128xf32>
    %add3A = vector.broadcast %get3A_15 : vector<1x128xf32> to vector<1000x128xf32>
    %add3A_16 = arith.addf %dot_general3A_12, %add3A : vector<1000x128xf32>
    %swap3A_17 = arith.constant 0 : index
    %swap3A_18 = arith.constant 0 : index
    %swap3A_19 = vector.load %arg6[%swap3A_17, %swap3A_18] : memref<1000x128xf32, #tpu.memory_space<vmem>>, vector<1000x128xf32>
    tpu.vector_store %arg6[%swap3A_17, %swap3A_18], %add3A_16 {strides = array<i32>} : memref<1000x128xf32, #tpu.memory_space<vmem>>, vector<1000x128xf32>,
    return
  }
  func.func @transform_0(%arg0: i32) -> (i32, i32) {
    %c0_i32 = arith.constant 0 : i32
    %c0_i32_0 = arith.constant 0 : i32
    return %arg0, %c0_i32 : i32, i32
  }
  func.func @transform_1(%arg0: i32) -> (i32, i32) {
    %c0_i32 = arith.constant 0 : i32
    %c0_i32_0 = arith.constant 0 : i32
    %c0_i32_1 = arith.constant 0 : i32
    return %c0_i32, %c0_i32_0 : i32, i32
  }
  func.func @transform_2(%arg0: i32) -> (i32, i32) {
    %c0_i32 = arith.constant 0 : i32
    %c0_i32_0 = arith.constant 0 : i32
    %c0_i32_1 = arith.constant 0 : i32
    return %c0_i32, %c0_i32_0 : i32, i32
  }
  func.func @transform_3(%arg0: i32) -> (i32, i32) {
    %c0_i32 = arith.constant 0 : i32
    %c0_i32_0 = arith.constant 0 : i32
    %c0_i32_1 = arith.constant 0 : i32
    return %c0_i32, %c0_i32_0 : i32, i32
  }
  func.func @transform_4(%arg0: i32) -> (i32, i32) {
    %c0_i32 = arith.constant 0 : i32
    %c0_i32_0 = arith.constant 0 : i32
    return %arg0, %c0_i32 : i32, i32
  }
  func.func @transform_5(%arg0: i32) -> (i32, i32) {
    %c0_i32 = arith.constant 0 : i32
    %c0_i32_0 = arith.constant 0 : i32
    return %arg0, %c0_i32 : i32, i32
  }
}

module attributes {stable_mosaic.version = 14 : i64} {
  func.func @_post_body(%arg0: i32, %arg1: memref<2x1000x128xf32, #tpu.memory_space<vmem>>, %arg2: memref<2x1000x1xf32, #tpu.memory_space<vmem>>, %arg3: memref<1000x128xf32, #tpu.memory_space<vmem>>, %arg4: memref<1000x128xf32, #tpu.memory_space<vmem>>) attributes {dimension_semantics = [#tpu.dimension_semantics<arbitrary>], iteration_bounds = array<i64: 10>, scalar_prefetch = 0 : i64, scratch_operands = 0 : i64, tpu.core_type = #tpu.core_type<tc>, window_params = [{transform_indices = @transform_0, window_bounds = array<i64: 2, 1000, 128>}, {transform_indices = @transform_1, window_bounds = array<i64: 2, 1000, 1>}, {transform_indices = @transform_2, window_bounds = array<i64: 1000, 128>}, {transform_indices = @transform_3, window_bounds = array<i64: 1000, 128>}]} {
    %get3A = arith.constant 0 : index
    %get3A_0 = arith.constant 0 : index
    %get3A_1 = arith.constant 0 : index
    %get3A_2 = vector.load %arg1[%get3A, %get3A_0, %get3A_1] : memref<2x1000x128xf32, #tpu.memory_space<vmem>>, vector<1x1000x128xf32>
    %get3A_3 = vector.shape_cast %get3A_2 : vector<1x1000x128xf32> to vector<1000x128xf32>
    %get3A_4 = arith.constant 1 : index
    %get3A_5 = arith.constant 0 : index
    %get3A_6 = arith.constant 0 : index
    %get3A_7 = vector.load %arg1[%get3A_4, %get3A_5, %get3A_6] : memref<2x1000x128xf32, #tpu.memory_space<vmem>>, vector<1x1000x128xf32>
    %get3A_8 = vector.shape_cast %get3A_7 : vector<1x1000x128xf32> to vector<1000x128xf32>
    %add3A = arith.addf %get3A_3, %get3A_8 : vector<1000x128xf32>
    %get3A_9 = arith.constant 0 : index
    %get3A_10 = arith.constant 0 : index
    %get3A_11 = arith.constant 0 : index
    %get3A_12 = vector.load %arg2[%get3A_9, %get3A_10, %get3A_11] : memref<2x1000x1xf32, #tpu.memory_space<vmem>>, vector<1x1000x1xf32>
    %get3A_13 = vector.shape_cast %get3A_12 : vector<1x1000x1xf32> to vector<1000x1xf32>
    %get3A_14 = arith.constant 1 : index
    %get3A_15 = arith.constant 0 : index
    %get3A_16 = arith.constant 0 : index
    %get3A_17 = vector.load %arg2[%get3A_14, %get3A_15, %get3A_16] : memref<2x1000x1xf32, #tpu.memory_space<vmem>>, vector<1x1000x1xf32>
    %get3A_18 = vector.shape_cast %get3A_17 : vector<1x1000x1xf32> to vector<1000x1xf32>
    %add3A_19 = arith.addf %get3A_13, %get3A_18 : vector<1000x1xf32>
    %max3A = arith.constant 1.000000e+00 : f32
    %max3A_20 = vector.broadcast %max3A : f32 to vector<1000x1xf32>
    %max3A_21 = arith.maximumf %add3A_19, %max3A_20 : vector<1000x1xf32>
    %div3A = vector.broadcast %max3A_21 : vector<1000x1xf32> to vector<1000x128xf32>
    %div3A_22 = arith.divf %add3A, %div3A : vector<1000x128xf32>
    %get3A_23 = arith.constant 0 : index
    %get3A_24 = arith.constant 0 : index
    %get3A_25 = vector.load %arg3[%get3A_23, %get3A_24] : memref<1000x128xf32, #tpu.memory_space<vmem>>, vector<1000x128xf32>
    %add3A_26 = arith.addf %div3A_22, %get3A_25 : vector<1000x128xf32>
    %swap3A = arith.constant 0 : index
    %swap3A_27 = arith.constant 0 : index
    %swap3A_28 = vector.load %arg4[%swap3A, %swap3A_27] : memref<1000x128xf32, #tpu.memory_space<vmem>>, vector<1000x128xf32>
    tpu.vector_store %arg4[%swap3A, %swap3A_27], %add3A_26 {strides = array<i32>} : memref<1000x128xf32, #tpu.memory_space<vmem>>, vector<1000x128xf32>,
    return
  }
  func.func @transform_0(%arg0: i32) -> (i32, i32, i32) {
    %c0_i32 = arith.constant 0 : i32
    %c0_i32_0 = arith.constant 0 : i32
    %c0_i32_1 = arith.constant 0 : i32
    return %c0_i32, %arg0, %c0_i32_0 : i32, i32, i32
  }
  func.func @transform_1(%arg0: i32) -> (i32, i32, i32) {
    %c0_i32 = arith.constant 0 : i32
    %c0_i32_0 = arith.constant 0 : i32
    %c0_i32_1 = arith.constant 0 : i32
    return %c0_i32, %arg0, %c0_i32_0 : i32, i32, i32
  }
  func.func @transform_2(%arg0: i32) -> (i32, i32) {
    %c0_i32 = arith.constant 0 : i32
    %c0_i32_0 = arith.constant 0 : i32
    return %arg0, %c0_i32 : i32, i32
  }
  func.func @transform_3(%arg0: i32) -> (i32, i32) {
    %c0_i32 = arith.constant 0 : i32
    %c0_i32_0 = arith.constant 0 : i32
    return %arg0, %c0_i32 : i32, i32
  }
}

module attributes {stable_mosaic.version = 14 : i64} {
  func.func @_mid_body(%arg0: i32, %arg1: memref<2x1000x128xf32, #tpu.memory_space<vmem>>, %arg2: memref<2x1000x1xf32, #tpu.memory_space<vmem>>, %arg3: memref<1000x128xf32, #tpu.memory_space<vmem>>, %arg4: memref<128x128xf32, #tpu.memory_space<vmem>>, %arg5: memref<128x128xf32, #tpu.memory_space<vmem>>, %arg6: memref<1x128xf32, #tpu.memory_space<vmem>>, %arg7: memref<1000x128xf32, #tpu.memory_space<vmem>>, %arg8: memref<1000x128xf32, #tpu.memory_space<vmem>>) attributes {dimension_semantics = [#tpu.dimension_semantics<arbitrary>], iteration_bounds = array<i64: 10>, scalar_prefetch = 0 : i64, scratch_operands = 0 : i64, tpu.core_type = #tpu.core_type<tc>, window_params = [{transform_indices = @transform_0, window_bounds = array<i64: 2, 1000, 128>}, {transform_indices = @transform_1, window_bounds = array<i64: 2, 1000, 1>}, {transform_indices = @transform_2, window_bounds = array<i64: 1000, 128>}, {pipeline_mode = #tpu.pipeline_mode<synchronous>, transform_indices = @transform_3, window_bounds = array<i64: 128, 128>}, {pipeline_mode = #tpu.pipeline_mode<synchronous>, transform_indices = @transform_4, window_bounds = array<i64: 128, 128>}, {pipeline_mode = #tpu.pipeline_mode<synchronous>, transform_indices = @transform_5, window_bounds = array<i64: 1, 128>}, {transform_indices = @transform_6, window_bounds = array<i64: 1000, 128>}, {transform_indices = @transform_7, window_bounds = array<i64: 1000, 128>}]} {
    %get3A = arith.constant 0 : index
    %get3A_0 = arith.constant 0 : index
    %get3A_1 = arith.constant 0 : index
    %get3A_2 = vector.load %arg1[%get3A, %get3A_0, %get3A_1] : memref<2x1000x128xf32, #tpu.memory_space<vmem>>, vector<1x1000x128xf32>
    %get3A_3 = vector.shape_cast %get3A_2 : vector<1x1000x128xf32> to vector<1000x128xf32>
    %get3A_4 = arith.constant 1 : index
    %get3A_5 = arith.constant 0 : index
    %get3A_6 = arith.constant 0 : index
    %get3A_7 = vector.load %arg1[%get3A_4, %get3A_5, %get3A_6] : memref<2x1000x128xf32, #tpu.memory_space<vmem>>, vector<1x1000x128xf32>
    %get3A_8 = vector.shape_cast %get3A_7 : vector<1x1000x128xf32> to vector<1000x128xf32>
    %add3A = arith.addf %get3A_3, %get3A_8 : vector<1000x128xf32>
    %get3A_9 = arith.constant 0 : index
    %get3A_10 = arith.constant 0 : index
    %get3A_11 = arith.constant 0 : index
    %get3A_12 = vector.load %arg2[%get3A_9, %get3A_10, %get3A_11] : memref<2x1000x1xf32, #tpu.memory_space<vmem>>, vector<1x1000x1xf32>
    %get3A_13 = vector.shape_cast %get3A_12 : vector<1x1000x1xf32> to vector<1000x1xf32>
    %get3A_14 = arith.constant 1 : index
    %get3A_15 = arith.constant 0 : index
    %get3A_16 = arith.constant 0 : index
    %get3A_17 = vector.load %arg2[%get3A_14, %get3A_15, %get3A_16] : memref<2x1000x1xf32, #tpu.memory_space<vmem>>, vector<1x1000x1xf32>
    %get3A_18 = vector.shape_cast %get3A_17 : vector<1x1000x1xf32> to vector<1000x1xf32>
    %add3A_19 = arith.addf %get3A_13, %get3A_18 : vector<1000x1xf32>
    %max3A = arith.constant 1.000000e+00 : f32
    %max3A_20 = vector.broadcast %max3A : f32 to vector<1000x1xf32>
    %max3A_21 = arith.maximumf %add3A_19, %max3A_20 : vector<1000x1xf32>
    %div3A = vector.broadcast %max3A_21 : vector<1000x1xf32> to vector<1000x128xf32>
    %div3A_22 = arith.divf %add3A, %div3A : vector<1000x128xf32>
    %get3A_23 = arith.constant 0 : index
    %get3A_24 = arith.constant 0 : index
    %get3A_25 = vector.load %arg3[%get3A_23, %get3A_24] : memref<1000x128xf32, #tpu.memory_space<vmem>>, vector<1000x128xf32>
    %add3A_26 = arith.addf %div3A_22, %get3A_25 : vector<1000x128xf32>
    %max3A_27 = arith.constant 0.000000e+00 : f32
    %max3A_28 = vector.broadcast %max3A_27 : f32 to vector<1000x128xf32>
    %max3A_29 = arith.maximumf %add3A_26, %max3A_28 : vector<1000x128xf32>
    %get3A_30 = arith.constant 0 : index
    %get3A_31 = arith.constant 0 : index
    %get3A_32 = vector.load %arg4[%get3A_30, %get3A_31] : memref<128x128xf32, #tpu.memory_space<vmem>>, vector<128x128xf32>
    %dot_general3A = arith.constant dense<0.000000e+00> : vector<1000x128xf32>
    %dot_general3A_33 = tpu.matmul %max3A_29, %get3A_32, %dot_general3A {dimension_numbers = #tpu.dot_dimension_numbers<[1], [0], [0], [1], [0, 0, 1, 1], [], []>, transpose_lhs_hint = false} : vector<1000x128xf32>, vector<128x128xf32>, vector<1000x128xf32> -> vector<1000x128xf32>
    %swap3A = arith.constant 0 : index
    %swap3A_34 = arith.constant 0 : index
    %swap3A_35 = vector.load %arg7[%swap3A, %swap3A_34] : memref<1000x128xf32, #tpu.memory_space<vmem>>, vector<1000x128xf32>
    tpu.vector_store %arg7[%swap3A, %swap3A_34], %dot_general3A_33 {strides = array<i32>} : memref<1000x128xf32, #tpu.memory_space<vmem>>, vector<1000x128xf32>,
    %get3A_36 = arith.constant 0 : index
    %get3A_37 = arith.constant 0 : index
    %get3A_38 = vector.load %arg5[%get3A_36, %get3A_37] : memref<128x128xf32, #tpu.memory_space<vmem>>, vector<128x128xf32>
    %dot_general3A_39 = arith.constant dense<0.000000e+00> : vector<1000x128xf32>
    %dot_general3A_40 = tpu.matmul %max3A_29, %get3A_38, %dot_general3A_39 {dimension_numbers = #tpu.dot_dimension_numbers<[1], [0], [0], [1], [0, 0, 1, 1], [], []>, transpose_lhs_hint = false} : vector<1000x128xf32>, vector<128x128xf32>, vector<1000x128xf32> -> vector<1000x128xf32>
    %get3A_41 = arith.constant 0 : index
    %get3A_42 = arith.constant 0 : index
    %get3A_43 = vector.load %arg6[%get3A_41, %get3A_42] : memref<1x128xf32, #tpu.memory_space<vmem>>, vector<1x128xf32>
    %add3A_44 = vector.broadcast %get3A_43 : vector<1x128xf32> to vector<1000x128xf32>
    %add3A_45 = arith.addf %dot_general3A_40, %add3A_44 : vector<1000x128xf32>
    %swap3A_46 = arith.constant 0 : index
    %swap3A_47 = arith.constant 0 : index
    %swap3A_48 = vector.load %arg8[%swap3A_46, %swap3A_47] : memref<1000x128xf32, #tpu.memory_space<vmem>>, vector<1000x128xf32>
    tpu.vector_store %arg8[%swap3A_46, %swap3A_47], %add3A_45 {strides = array<i32>} : memref<1000x128xf32, #tpu.memory_space<vmem>>, vector<1000x128xf32>,
    return
  }
  func.func @transform_0(%arg0: i32) -> (i32, i32, i32) {
    %c0_i32 = arith.constant 0 : i32
    %c0_i32_0 = arith.constant 0 : i32
    %c0_i32_1 = arith.constant 0 : i32
    return %c0_i32, %arg0, %c0_i32_0 : i32, i32, i32
  }
  func.func @transform_1(%arg0: i32) -> (i32, i32, i32) {
    %c0_i32 = arith.constant 0 : i32
    %c0_i32_0 = arith.constant 0 : i32
    %c0_i32_1 = arith.constant 0 : i32
    return %c0_i32, %arg0, %c0_i32_0 : i32, i32, i32
  }
  func.func @transform_2(%arg0: i32) -> (i32, i32) {
    %c0_i32 = arith.constant 0 : i32
    %c0_i32_0 = arith.constant 0 : i32
    return %arg0, %c0_i32 : i32, i32
  }
  func.func @transform_3(%arg0: i32) -> (i32, i32) {
    %c0_i32 = arith.constant 0 : i32
    %c0_i32_0 = arith.constant 0 : i32
    %c0_i32_1 = arith.constant 0 : i32
    return %c0_i32, %c0_i32_0 : i32, i32
  }
  func.func @transform_4(%arg0: i32) -> (i32, i32) {
    %c0_i32 = arith.constant 0 : i32
    %c0_i32_0 = arith.constant 0 : i32
    %c0_i32_1 = arith.constant 0 : i32
    return %c0_i32, %c0_i32_0 : i32, i32
  }
  func.func @transform_5(%arg0: i32) -> (i32, i32) {
    %c0_i32 = arith.constant 0 : i32
    %c0_i32_0 = arith.constant 0 : i32
    %c0_i32_1 = arith.constant 0 : i32
    return %c0_i32, %c0_i32_0 : i32, i32
  }
  func.func @transform_6(%arg0: i32) -> (i32, i32) {
    %c0_i32 = arith.constant 0 : i32
    %c0_i32_0 = arith.constant 0 : i32
    return %arg0, %c0_i32 : i32, i32
  }
  func.func @transform_7(%arg0: i32) -> (i32, i32) {
    %c0_i32 = arith.constant 0 : i32
    %c0_i32_0 = arith.constant 0 : i32
    return %arg0, %c0_i32 : i32, i32
  }
}

</mosaic_0001>

<sc_bundles>
// kernel: kernel.10.cloned.1.call-start
scs
__scs_entry_jumppad:
0x0: {  	(pc) =	sbr.rel $0x88, $3  }
0x1: {  	(tag) =	ssettag $0x0;
	lr =	simm.s32 $0x1  }
0x2: {  	[smem:$0x3F99] =	sst lr;
	_ =	strace $0xD0000000  }
0x3: {  	_ = 	snop  }
0x4: {  	_ = 	snop  }
0x5: {  	_ = 	snop  }
0x6: {  	_ = 	snop  }
0x7: {  	_ = 	snop  }
__scs_overlays_trampoline_lowered:
0x8: {  	[smem:$0x3FA8] =	sst s0  }
0x9: {  	[smem:$0x3FA9] =	sst s1  }
0xa: {  	[smem:$0x3FAA] =	sst s2  }
0xb: {  	[smem:$0x3FAB] =	sst s3  }
0xc: {  	[smem:$0x3FAC] =	sst s4  }
0xd: {  	[smem:$0x3FAD] =	sst s5  }
0xe: {  	[smem:$0x3FAE] =	sst s6  }
0xf: {  	[smem:$0x3FAF] =	sst s7  }
0x10: {  	[smem:$0x3FB0] =	sst s8  }
0x11: {  	[smem:$0x3FB1] =	sst s9;
	s0 =	simm.s32 @!p0 $0x0  }
0x12: {  	s1 =	sld [smem:$0x3F97];
	s0 =	simm.s32 @p0 $0x1  }
0x13: {  	[smem:$0x3FB2] =	sst s0;
	s0 =	simm.s32 @!p1 $0x0  }
0x14: {  	s2 =	sld [smem:$0x3F96];
	s0 =	simm.s32 @p1 $0x1  }
0x15: {  	[smem:$0x3FB3] =	sst s0;
	s0 =	simm.s32 @!p2 $0x0  }
0x16: {  	s3 =	sld [smem:$0x3FDB];
	s0 =	simm.s32 @p2 $0x1  }
0x17: {  	s4 =	simm.s32 $0x1BF5;
	[smem:$0x3FB5] =	sst s0  }
0x18: {  	s0 =	sld [smem:$0x3F98];
	_ =	swait.ge [sflag:s4], $0x0  }
0x19: {  	s7 =	sld [smem:$0x3F99]  }
0x1a: {  	s8 =	sadd.s32 $0xFFFFE003, lr  }
0x1b: {  	s9 =	sadd.s32 $0xFFFFFEF7, lr;
	s5 =	simm.s32 $0xFFFFFFFF;
	p2 =	slt.u32 s8, $0xFFFFF086  }
0x1c: {  	p1 =	slt.u32 s9, $0xF7A;
	s5 =	simm.s32 @!p2 $0x0  }
0x1d: {  	s5 =	simm.s32 @p1 $0x1;
	p0 =	seq.s32 s7, s2  }
0x1e: {  	s7 =	smul.u32 @!p0 $0xF7A, s2;
	p2 =	seq.s32 @!p0 s5, $0x0  }
0x1f: {  	s9 =	smul.u32 $0xF7A, s1;
	s8 =	simm.s32 @!p0 $0x1BF5;
	p2 =	por !p2, p0  }
0x20: {  	[sflag:s8] =	ssyncset.s32 @!p0 $0xFFFFF086;
	s6 =	sadd.s32 @!p0 s3, s7;
	s7 =	simm.s32 @!p0 $0x108  }
0x21: {  	s3 =	sadd.s32 s3, s9;
	s6 =	sadd.s32 @!p0 $0x88, s6;
	s7 =	simm.s32 @p2 $0x1082  }
0x22: {  	[simem:s7], [sflag:s8] =	dma.local @!p0 [hbm:s6], $0xF7A  }
0x23: {  	s9 =	sor.u32 $0xD0000000, s2;
	s6 =	simm.s32 $0x108;
	_ =	swait.ge @!p0 [sflag:s8], $0x0  }
0x24: {  	s3 =	sadd.s32 $0x88, s3;
	s6 =	simm.s32 @!p1 $0x1082;
	[sflag:s4] =	ssyncset.s32 $0xFFFFF086  }
0x25: {  	[simem:s6], [sflag:s4] =	dma.local [hbm:s3], $0xF7A  }
0x26: {  	[smem:$0x3F99] =	sst s1;
	(tag) =	ssettag s2;
	_ =	strace s9  }
0x27: {  	s1 =	sld [smem:$0x3FA9]  }
0x28: {  	s2 =	sld [smem:$0x3FAA]  }
0x29: {  	s4 =	sld [smem:$0x3FAC]  }
0x2a: {  	p0 =	seq.s32 s5, $0x0;
	s5 =	sld [smem:$0x3FAD]  }
0x2b: {  	s6 =	sld [smem:$0x3FAE]  }
0x2c: {  	s7 =	sld [smem:$0x3FAF]  }
0x2d: {  	s3 =	simm.s32 $0x108;
	s8 =	sld [smem:$0x3FB0]  }
0x2e: {  	s3 =	simm.s32 @!p0 $0x1082;
	s9 =	sld [smem:$0x3FB1]  }
0x2f: {  	lr =	sadd.s32 s0, s3;
	s0 =	sld [smem:$0x3FA8]  }
0x30: {  	s3 =	sld [smem:$0x3FAB]  }
0x31: {  	[smem:$0x3FB4] =	sst s10  }
0x32: {  	s10 =	sld [smem:$0x3FB2];
	_ =	sdelay $0x3  }
0x33: {  	p0 =	seq.s32 s10, $0x1;
	s10 =	sld [smem:$0x3FB4];
	_ =	sdelay $0x3  }
0x34: {  	[smem:$0x3FB4] =	sst s10  }
0x35: {  	s10 =	sld [smem:$0x3FB3];
	_ =	sdelay $0x3  }
0x36: {  	p1 =	seq.s32 s10, $0x1;
	s10 =	sld [smem:$0x3FB4];
	_ =	sdelay $0x3  }
0x37: {  	[smem:$0x3FB4] =	sst s10  }
0x38: {  	s10 =	sld [smem:$0x3FB5]  }
0x39: {  	_ = 	snop;
	(pc) =	sbr.ind lr, $3  }
0x3a: {  	_ = 	snop  }
0x3b: {  	_ = 	snop  }
0x3c: {  	p2 =	seq.s32 s10, $0x1;
	s10 =	sld [smem:$0x3FB4]  }
0x3d: {  	_ =	shalt  }
0x3e: {  	_ =	shalt  }
0x3f: {  	_ =	shalt  }
0x40: {  	_ =	shalt  }
0x41: {  	_ =	shalt  }
0x42: {  	_ =	shalt  }
0x43: {  	_ =	shalt  }
0x44: {  	_ =	shalt  }
0x45: {  	_ =	shalt  }
0x46: {  	_ =	shalt  }
0x47: {  	_ =	shalt  }
0x48: {  	_ =	shalt  }
0x49: {  	_ =	shalt  }
0x4a: {  	_ =	shalt  }
0x4b: {  	_ =	shalt  }
0x4c: {  	_ =	shalt  }
0x4d: {  	_ =	shalt  }
0x4e: {  	_ =	shalt  }
0x4f: {  	_ =	shalt  }
0x50: {  	_ =	shalt  }
0x51: {  	_ =	shalt  }
0x52: {  	_ =	shalt  }
0x53: {  	_ =	shalt  }
0x54: {  	_ =	shalt  }
0x55: {  	_ =	shalt  }
0x56: {  	_ =	shalt  }
0x57: {  	_ =	shalt  }
0x58: {  	_ =	shalt  }
0x59: {  	_ =	shalt  }
0x5a: {  	_ =	shalt  }
0x5b: {  	_ =	shalt  }
0x5c: {  	_ =	shalt  }
0x5d: {  	_ =	shalt  }
0x5e: {  	_ =	shalt  }
0x5f: {  	_ =	shalt  }
0x60: {  	_ =	shalt  }
0x61: {  	_ =	shalt  }
0x62: {  	_ =	shalt  }
0x63: {  	_ =	shalt  }
0x64: {  	_ =	shalt  }
0x65: {  	_ =	shalt  }
0x66: {  	_ =	shalt  }
0x67: {  	_ =	shalt  }
0x68: {  	_ =	shalt  }
0x69: {  	_ =	shalt  }
0x6a: {  	_ =	shalt  }
0x6b: {  	_ =	shalt  }
0x6c: {  	_ =	shalt  }
0x6d: {  	_ =	shalt  }
0x6e: {  	_ =	shalt  }
0x6f: {  	_ =	shalt  }
0x70: {  	_ =	shalt  }
0x71: {  	_ =	shalt  }
0x72: {  	_ =	shalt  }
0x73: {  	_ =	shalt  }
0x74: {  	_ =	shalt  }
0x75: {  	_ =	shalt  }
0x76: {  	_ =	shalt  }
0x77: {  	_ =	shalt  }
0x78: {  	_ =	shalt  }
0x79: {  	_ =	shalt  }
0x7a: {  	_ =	shalt  }
0x7b: {  	_ =	shalt  }
0x7c: {  	_ =	shalt  }
0x7d: {  	_ =	shalt  }
0x7e: {  	_ =	shalt  }
0x7f: {  	_ =	shalt  }
0x80: {  	_ =	shalt  }
0x81: {  	_ =	shalt  }
0x82: {  	_ =	shalt  }
0x83: {  	_ =	shalt  }
0x84: {  	_ =	shalt  }
0x85: {  	_ =	shalt  }
0x86: {  	_ =	shalt  }
0x87: {  	_ =	shalt  }
.Lfunc_end0:
.L_simem_size_0:
called_computation.1_lowered:
.L_overlay_start_0:
0x88: {  	s2 =	sld [smem:$0x3FD9]  }
0x89: {  	s3 =	sld [smem:$0x3FFE];
	_ =	sdelay $0x1  }
0x8a: {  	s1 =	srdreg.scid  }
0x8b: {  	s0 =	sand.u32 $0x1, s1  }
0x8c: {  	s17 =	sshll.u32 s0, $0xA;
	s2 =	sadd.s32 s3, s2  }
0x8d: {  	s2 =	sadd.s32 s2, s17  }
0x8e: {  	[smem:$0x3FC0] =	sst s2  }
0x8f: {  	_ = 	snop  }
0x90: {  	s2 =	sld [smem:$0x3FD0];
	(tm) =	ssettm $0x1  }
0x91: {  	s18 =	sld [smem:$0x3FFB];
	_ =	sdelay $0x3  }
0x92: {  	_ =	strace s18  }
0x93: {  	s3 =	sld [smem:$0x3FFC];
	_ =	sdelay $0x3  }
0x94: {  	_ =	strace s3  }
0x95: {  	s3 =	sld [smem:$0x3FFD];
	_ =	sdelay $0x3  }
0x96: {  	_ =	strace s3  }
0x97: {  	_ =	strace $0x8FFFFFFF  }
0x98: {  	s19 =	sld [smem:$0x3FDB];
	_ =	sdelay $0x1  }
0x99: {  	s4 =	simm.s32 $_scs_section_size  }
0x9a: {  	s5 =	simm.s32 $_size__tile_overlayer_lowered;
	s6 =	simm.s32 $_tile_overlayer_lowered  }
0x9b: {  	s22 =	simm.s32 $0x1BFF;
	s21 =	sshll.u32 s6, $0x1;
	s3 =	sadd.s32 s4, s19  }
0x9c: {  	s7 =	simm.s32 $0x0;
	s20 =	sshll.u32 s5, $0x1;
	s5 =	sadd.s32 s21, s3  }
0x9d: {  	[timem:s7], [sflag:s22] =	dma.local [hbm:s5], s20  }
0x9e: {  	_ =	swait.ge [sflag:s22], s20  }
0x9f: {  	s4 =	ssub.s32 $0x0, s20;
	[sflag:s22] =	ssyncset.done $0x0  }
0xa0: {  	[sflag:s22] =	ssyncadd.s32 s4;
	_ =	sdelay $0x1  }
0xa1: {  	s23 =	simm.s32 $0x1B8B  }
0xa2: {  	_ =	swait.ge [sflag:s23], $0x1  }
0xa3: {  	[sflag:s23] =	ssyncset.done $0x0  }
0xa4: {  	s25 =	simm.s32 $0x1B8E;
	s24 =	sld [smem:$0x3FFE];
	[sflag:s23] =	ssyncadd.s32 $0xFFFFFFFF  }
0xa5: {  	s26 =	simm.s32 $execute0_lowered;
	[smem:$0x3FD2] =	sst s25  }
0xa6: {  	s5 =	sshll.u32 s26, $0x1;
	_ =	strace $0x80000049;
	[dreg:$0x1] =	wrdreg $0xFFFFFFFF  }
0xa7: {  	s28 =	simm.s32 $_size_execute0_lowered;
	s3 =	sadd.s32 s3, s5;
	[dreg:$0x0] =	wrdreg $0x0  }
0xa8: {  	s5 =	sshll.u32 s28, $0x1;
	[dreg:$0x2] =	wrdreg s3  }
0xa9: {  	[dreg:$0x3] =	wrdreg s5  }
0xaa: {  	[dreg:$0x4] =	wrdreg $0xC0  }
0xab: {  	_ =	task [dreg:s7], $0x5FFFF  }
0xac: {  	[dreg:$0x1] =	wrdreg $0xFFFFFFFF  }
0xad: {  	[dreg:$0x0] =	wrdreg $0x60  }
0xae: {  	[dreg:$0x2] =	wrdreg s2  }
0xaf: {  	[dreg:$0x3] =	wrdreg s24  }
0xb0: {  	[dreg:$0x4] =	wrdreg $0xB0000  }
0xb1: {  	[dreg:$0x5] =	wrdreg $0x9  }
0xb2: {  	_ =	task.clear_ibuf [dreg:s7], $0x6FFFF;
	_ =	strace $0x90000049  }
0xb3: {  	s29 =	simm.s32 $0x9;
	_ =	strace $0x8000004B  }
0xb4: {  	_ =	swait.ge [sflag:s29], $0x1  }
0xb5: {  	[sflag:s29] =	ssyncadd.s32 $0xFFFFFFFF  }
0xb6: {  	_ =	strace $0x9000004B  }
0xb7: {  	_ =	sfence  }
0xb8: {  	s30 =	sld [smem:$0x0];
	_ =	sdelay $0x2  }
0xb9: {  	s31 =	sshll.u32 s1, $0xD;
	s1 =	sshrl.u32 s1, $0x2  }
0xba: {  	s3 =	sand.u32 $0x4000, s31;
	s1 =	sadd.s32 s1, s30  }
0xbb: {  	s0 =	sor.u32 s3, s0;
	s1 =	sshll.u32 s1, $0x11  }
0xbc: {  	s0 =	sor.u32 s1, s0  }
0xbd: {  	s0 =	sadd.s32 $0x8F2B, s0  }
0xbe: {  	[sflag:s0] =	ssyncadd.remote.s32 $0x1  }
0xbf: {  	_ =	sfence.sel $0xFFFF  }
0xc0: {  	[dreg:$0x0] =	wrdreg $0xFFFFFFFF;
	(pc) =	sbr.abs _section_cstart, $3  }
0xc1: {  	[dreg:$0x1] =	wrdreg $0xFFFFFFFF  }
0xc2: {  	_ =	task.clear_ibuf [dreg:s7], $0x2FFFF;
	_ =	strace $0x9FFFFFFF  }
0xc3: {  	(tm) =	ssettm $0x7FFFFFFF  }
tec
execute0_lowered:
.L_overlay_start_1:
0x0: {  	(tag) =	ssettag $0x1  }
0x1: {  	s1 =	rddreg [dreg:$0x0]  }
0x2: {  	s5 =	rddreg [dreg:$0x1]  }
0x3: {  	s2 =	rddreg [dreg:$0x2]  }
0x4: {  	s0 =	rddreg [dreg:$0x3];
	s4 =	simm.s32 $0x0;
	s3 =	srdreg.scid  }
0x5: {  	s14 =	simm.s32 $0x1400;
	s15 =	simm.s32 $0x80;
	s16 =	simm.s32 $0x2800  }
0x6: {  	s17 =	simm.s32 $0x6800;
	s18 =	simm.s32 $0x1;
	s19 =	simm.s32 $0x2  }
0x7: {  	s20 =	simm.s32 $0x1380;
	s21 =	simm.s32 $0x2700;
	s22 =	simm.s32 $0x2780  }
0x8: {  	[smem:$0x7FF] =	sst s4;
	s6 =	sand.u32 $0x1, s3;
	s3 =	stileid.u32  }
0x9: {  	s9 =	sadd.s32 $0xBC00, s5;
	s10 =	sadd.s32 $0x1C00, s5;
	s7 =	smul.u32 $0x140000, s6  }
0xa: {  	_ =	strace $0x8000004A;
	s8 =	smul.u32 $0x14000, s3;
	s11 =	sshll.u32 s3, $0x1  }
0xb: {  	s28 =	smul.u32 $0x50000, s3;
	s26 =	sor.u32 s6, s11;
	s6 =	ssub.s32 $0x2, s6  }
0xc: {  	s7 =	sadd.s32 s8, s7;
	s8 =	smul.u32 $0x2800, s26;
	s29 =	sshrl.u32 s6, $0x1  }
0xd: {  	s30 =	sshrl.u32 s28, $0x2;
	s7 =	sshrl.u32 s7, $0x3;
	s31 =	ssub.s32 s6, s29  }
0xe: {  	s12 =	sadd.s32 s7, s5;
	s5 =	sadd.s32 s30, s2;
	s8 =	sshrl.u32 s8, $0x3  }
0xf: {  	s11 =	smax.u32 s31, $0x1;
	s6 =	sadd.s32 s9, s8;
	s13 =	sadd.s32 $0x280, s8  }
0x10: {  	s7 =	sadd.s32 s10, s8;
	s8 =	sadd.s32 s9, s13;
	s9 =	sadd.s32 s10, s13  }
0x11: {  	v0 =	vimm.f32 $0.0e+00;
	s10 =	sadd.s32 $0x15C00, s12;
	s12 =	simm.s32 $0xA800;
	s13 =	simm.s32 $0x3  }
.LBB2_1:
0x12: {  	[tilespmem:$0xA800] =	vst v0  }
0x13: {  	[tilespmem:$0xA810] =	vst v0  }
0x14: {  	[tilespmem:$0xA820] =	vst v0  }
0x15: {  	[tilespmem:$0xA830] =	vst v0  }
0x16: {  	[tilespmem:$0xA840] =	vst v0  }
0x17: {  	[tilespmem:$0xA850] =	vst v0  }
0x18: {  	[tilespmem:$0xA860] =	vst v0  }
0x19: {  	[tilespmem:$0xA870] =	vst v0  }
0x1a: {  	[tilespmem:$0xA880] =	vst v0  }
0x1b: {  	[tilespmem:$0xA890] =	vst v0  }
0x1c: {  	[tilespmem:$0xA8A0] =	vst v0  }
0x1d: {  	[tilespmem:$0xA8B0] =	vst v0  }
0x1e: {  	[tilespmem:$0xA8C0] =	vst v0  }
0x1f: {  	[tilespmem:$0xA8D0] =	vst v0  }
0x20: {  	[tilespmem:$0xA8E0] =	vst v0  }
0x21: {  	[tilespmem:$0xA8F0] =	vst v0  }
0x22: {  	[tilespmem:$0xA900] =	vst v0  }
0x23: {  	[tilespmem:$0xA910] =	vst v0  }
0x24: {  	[tilespmem:$0xA920] =	vst v0  }
0x25: {  	[tilespmem:$0xA930] =	vst v0  }
0x26: {  	[tilespmem:$0xA940] =	vst v0  }
0x27: {  	[tilespmem:$0xA950] =	vst v0  }
0x28: {  	[tilespmem:$0xA960] =	vst v0  }
0x29: {  	[tilespmem:$0xA970] =	vst v0  }
0x2a: {  	[tilespmem:$0xA980] =	vst v0  }
0x2b: {  	[tilespmem:$0xA990] =	vst v0  }
0x2c: {  	[tilespmem:$0xA9A0] =	vst v0  }
0x2d: {  	[tilespmem:$0xA9B0] =	vst v0  }
0x2e: {  	[tilespmem:$0xA9C0] =	vst v0  }
0x2f: {  	[tilespmem:$0xA9D0] =	vst v0  }
0x30: {  	[tilespmem:$0xA9E0] =	vst v0  }
0x31: {  	[tilespmem:$0xA9F0] =	vst v0  }
0x32: {  	[tilespmem:$0xAA00] =	vst v0  }
0x33: {  	[tilespmem:$0xAA10] =	vst v0  }
0x34: {  	[tilespmem:$0xAA20] =	vst v0  }
0x35: {  	[tilespmem:$0xAA30] =	vst v0  }
0x36: {  	[tilespmem:$0xAA40] =	vst v0  }
0x37: {  	[tilespmem:$0xAA50] =	vst v0  }
0x38: {  	[tilespmem:$0xAA60] =	vst v0  }
0x39: {  	[tilespmem:$0xAA70] =	vst v0  }
0x3a: {  	[tilespmem:$0xAA80] =	vst v0  }
0x3b: {  	[tilespmem:$0xAA90] =	vst v0  }
0x3c: {  	[tilespmem:$0xAAA0] =	vst v0  }
0x3d: {  	[tilespmem:$0xAAB0] =	vst v0  }
0x3e: {  	[tilespmem:$0xAAC0] =	vst v0  }
0x3f: {  	[tilespmem:$0xAAD0] =	vst v0  }
0x40: {  	[tilespmem:$0xAAE0] =	vst v0  }
0x41: {  	[tilespmem:$0xAAF0] =	vst v0  }
0x42: {  	[tilespmem:$0xAB00] =	vst v0  }
0x43: {  	[tilespmem:$0xAB10] =	vst v0  }
0x44: {  	[tilespmem:$0xAB20] =	vst v0  }
0x45: {  	[tilespmem:$0xAB30] =	vst v0  }
0x46: {  	[tilespmem:$0xAB40] =	vst v0  }
0x47: {  	[tilespmem:$0xAB50] =	vst v0  }
0x48: {  	[tilespmem:$0xAB60] =	vst v0  }
0x49: {  	[tilespmem:$0xAB70] =	vst v0  }
0x4a: {  	[tilespmem:$0xAB80] =	vst v0  }
0x4b: {  	[tilespmem:$0xAB90] =	vst v0  }
0x4c: {  	[tilespmem:$0xABA0] =	vst v0  }
0x4d: {  	[tilespmem:$0xABB0] =	vst v0  }
0x4e: {  	[tilespmem:$0xABC0] =	vst v0  }
0x4f: {  	[tilespmem:$0xABD0] =	vst v0  }
0x50: {  	[tilespmem:$0xABE0] =	vst v0  }
0x51: {  	[tilespmem:$0xABF0] =	vst v0  }
0x52: {  	[tilespmem:$0xAC00] =	vst v0  }
0x53: {  	[tilespmem:$0xAC10] =	vst v0  }
0x54: {  	[tilespmem:$0xAC20] =	vst v0  }
0x55: {  	[tilespmem:$0xAC30] =	vst v0  }
0x56: {  	[tilespmem:$0xAC40] =	vst v0  }
0x57: {  	[tilespmem:$0xAC50] =	vst v0  }
0x58: {  	[tilespmem:$0xAC60] =	vst v0  }
0x59: {  	[tilespmem:$0xAC70] =	vst v0  }
0x5a: {  	[tilespmem:$0xAC80] =	vst v0  }
0x5b: {  	[tilespmem:$0xAC90] =	vst v0  }
0x5c: {  	[tilespmem:$0xACA0] =	vst v0  }
0x5d: {  	[tilespmem:$0xACB0] =	vst v0  }
0x5e: {  	[tilespmem:$0xACC0] =	vst v0  }
0x5f: {  	[tilespmem:$0xACD0] =	vst v0  }
0x60: {  	[tilespmem:$0xACE0] =	vst v0  }
0x61: {  	[tilespmem:$0xACF0] =	vst v0  }
0x62: {  	[tilespmem:$0xAD00] =	vst v0  }
0x63: {  	[tilespmem:$0xAD10] =	vst v0  }
0x64: {  	[tilespmem:$0xAD20] =	vst v0  }
0x65: {  	[tilespmem:$0xAD30] =	vst v0  }
0x66: {  	[tilespmem:$0xAD40] =	vst v0  }
0x67: {  	[tilespmem:$0xAD50] =	vst v0  }
0x68: {  	[tilespmem:$0xAD60] =	vst v0  }
0x69: {  	[tilespmem:$0xAD70] =	vst v0  }
0x6a: {  	[tilespmem:$0xAD80] =	vst v0  }
0x6b: {  	[tilespmem:$0xAD90] =	vst v0  }
0x6c: {  	[tilespmem:$0xADA0] =	vst v0  }
0x6d: {  	[tilespmem:$0xADB0] =	vst v0  }
0x6e: {  	[tilespmem:$0xADC0] =	vst v0  }
0x6f: {  	[tilespmem:$0xADD0] =	vst v0  }
0x70: {  	[tilespmem:$0xADE0] =	vst v0  }
0x71: {  	[tilespmem:$0xADF0] =	vst v0  }
0x72: {  	[tilespmem:$0xAE00] =	vst v0  }
0x73: {  	[tilespmem:$0xAE10] =	vst v0  }
0x74: {  	[tilespmem:$0xAE20] =	vst v0  }
0x75: {  	[tilespmem:$0xAE30] =	vst v0  }
0x76: {  	[tilespmem:$0xAE40] =	vst v0  }
0x77: {  	[tilespmem:$0xAE50] =	vst v0  }
0x78: {  	[tilespmem:$0xAE60] =	vst v0  }
0x79: {  	[tilespmem:$0xAE70] =	vst v0  }
0x7a: {  	[tilespmem:$0xAE80] =	vst v0  }
0x7b: {  	[tilespmem:$0xAE90] =	vst v0  }
0x7c: {  	[tilespmem:$0xAEA0] =	vst v0  }
0x7d: {  	[tilespmem:$0xAEB0] =	vst v0  }
0x7e: {  	[tilespmem:$0xAEC0] =	vst v0  }
0x7f: {  	[tilespmem:$0xAED0] =	vst v0  }
0x80: {  	[tilespmem:$0xAEE0] =	vst v0  }
0x81: {  	[tilespmem:$0xAEF0] =	vst v0  }
0x82: {  	[tilespmem:$0xAF00] =	vst v0  }
0x83: {  	[tilespmem:$0xAF10] =	vst v0  }
0x84: {  	[tilespmem:$0xAF20] =	vst v0  }
0x85: {  	[tilespmem:$0xAF30] =	vst v0  }
0x86: {  	[tilespmem:$0xAF40] =	vst v0  }
0x87: {  	[tilespmem:$0xAF50] =	vst v0  }
0x88: {  	[tilespmem:$0xAF60] =	vst v0  }
0x89: {  	[tilespmem:$0xAF70] =	vst v0  }
0x8a: {  	[tilespmem:$0xAF80] =	vst v0  }
0x8b: {  	[tilespmem:$0xAF90] =	vst v0  }
0x8c: {  	[tilespmem:$0xAFA0] =	vst v0  }
0x8d: {  	[tilespmem:$0xAFB0] =	vst v0  }
0x8e: {  	[tilespmem:$0xAFC0] =	vst v0  }
0x8f: {  	[tilespmem:$0xAFD0] =	vst v0  }
0x90: {  	[tilespmem:$0xAFE0] =	vst v0  }
0x91: {  	[tilespmem:$0xAFF0] =	vst v0;
	s23 =	sadd.s32 $0x0, s5  }
0x92: {  	[spmem:s23] =	stream.linear.scatter [tilespmem:s12], [sflag:$0x3], $0x800, $0x38;
	[tilespmem:$0x1F000] =	vst v63  }
0x93: {  	s23 =	simm.s32 $0x2000;
	_ =	swait.ge [sflag:s13], $0x800  }
.LBB2_2:
0x94: {  	s24 =	sshra.s32 s23, $0x2;
	[sflag:s13] =	ssyncset.done $0x0;
	p0 =	sne.s32 s23, $0x4E000  }
.Ltmp0:
0x95: {  	s24 =	sadd.s32 s24, s5;
	[sflag:s13] =	ssyncadd.s32 $0xFFFFF800;
	(pc) =	sbr.rel @p0 .LBB2_2-.Ltmp0, $3  }
0x96: {  	[spmem:s24] =	stream.linear.scatter [tilespmem:s12], [sflag:$0x3], $0x800, $0x38;
	[tilespmem:$0x1F000] =	vst v63  }
0x97: {  	s23 =	sadd.s32 $0x2000, s23;
	_ =	sdelay $0x1  }
0x98: {  	_ =	swait.ge [sflag:s13], $0x800  }
0x99: {  	[sflag:s13] =	ssyncset.done $0x0  }
0x9a: {  	[sflag:s13] =	ssyncadd.s32 $0xFFFFF800  }
0x9b: {  	s23 =	simm.s32 $0x0;
	[bflag:$0x0] =	sbarrier.arrive $0xFFFF  }
0x9c: {  	[tilespmem:s23], [sflag:$0x3] =	stream.linear.gather [hbm4b:s6+s23], $0x1400, $0x38;
	[tilespmem:$0x1F000] =	vst v63  }
0x9d: {  	_ =	swait.ge [sflag:s13], $0x1400  }
0x9e: {  	[sflag:s13] =	ssyncset.done $0x0  }
0x9f: {  	[sflag:s13] =	ssyncadd.s32 $0xFFFFEC00  }
0xa0: {  	[tilespmem:s14], [sflag:$0x3] =	stream.linear.gather [hbm4b:s7+s23], $0x1400, $0x38;
	[tilespmem:$0x1F000] =	vst v63  }
0xa1: {  	_ =	swait.ge [sflag:s13], $0x1400  }
0xa2: {  	[sflag:s13] =	ssyncset.done $0x0  }
0xa3: {  	[sflag:s13] =	ssyncadd.s32 $0xFFFFEC00  }
0xa4: {  	[tilespmem:s16], [sflag:$0x1] =	stream.indirect.gather [hbm4b:s1+s15], $0x80, s23, s15, $0xb8;
	[tilespmem:$0x1F000] =	vst v63  }
0xa5: {  	s28 =	simm.s32 $0x80  }
0xa6: {  	[tilespmem:s17], [sflag:$0x2] =	stream.indirect.gather [hbm4b:s1+s15], $0x80, s28, s15, $0xb8;
	[tilespmem:$0x1F000] =	vst v63  }
0xa7: {  	_ =	swait.ge [sflag:s18], $0x4000  }
0xa8: {  	[sflag:s18] =	ssyncset.done $0x0  }
0xa9: {  	s29 =	simm.s32 $0x1400;
	[sflag:s18] =	ssyncadd.s32 $0xFFFFC000  }
0xaa: {  	[spmem:s2] =	stream.indirect.scatter.add.f32 [tilespmem:s16], [sflag:$0x3], $0x80, s29, s15, $0xb8;
	[tilespmem:$0x1F000] =	vst v63  }
0xab: {  	_ =	swait.ge [sflag:s13], $0x4000  }
0xac: {  	[sflag:s13] =	ssyncset.done $0x0  }
0xad: {  	s30 =	simm.s32 $0x100;
	[sflag:s13] =	ssyncadd.s32 $0xFFFFC000  }
0xae: {  	[tilespmem:s16], [sflag:$0x1] =	stream.indirect.gather [hbm4b:s1+s15], $0x80, s30, s15, $0xb8;
	[tilespmem:$0x1F000] =	vst v63  }
0xaf: {  	_ =	swait.ge [sflag:s19], $0x4000  }
0xb0: {  	[sflag:s19] =	ssyncset.done $0x0  }
0xb1: {  	s31 =	simm.s32 $0x1480;
	[sflag:s19] =	ssyncadd.s32 $0xFFFFC000  }
0xb2: {  	[spmem:s2] =	stream.indirect.scatter.add.f32 [tilespmem:s17], [sflag:$0x3], $0x80, s31, s15, $0xb8;
	[tilespmem:$0x1F000] =	vst v63  }
0xb3: {  	_ =	swait.ge [sflag:s13], $0x4000  }
0xb4: {  	s24 =	simm.s32 $0x800;
	s23 =	simm.s32 $0x100;
	[sflag:s13] =	ssyncset.done $0x0  }
.LBB2_4:
0xb5: {  	s25 =	sadd.s32 $0x80, s23  }
0xb6: {  	[sflag:s13] =	ssyncadd.s32 $0xFFFFC000;
	s26 =	smov.u32 s24;
	s28 =	sadd.s32 $0x400, s24  }
0xb7: {  	[tilespmem:s17], [sflag:$0x2] =	stream.indirect.gather [hbm4b:s1+s15], $0x80, s25, s15, $0xb8;
	[tilespmem:$0x1F000] =	vst v63  }
0xb8: {  	p0 =	sne.s32 s24, $0x4800;
	_ =	swait.ge [sflag:s18], $0x4000  }
0xb9: {  	[sflag:s18] =	ssyncset.done $0x0  }
0xba: {  	s24 =	sadd.s32 $0x1400, s23;
	[sflag:s18] =	ssyncadd.s32 $0xFFFFC000  }
0xbb: {  	[spmem:s2] =	stream.indirect.scatter.add.f32 [tilespmem:s16], [sflag:$0x3], $0x80, s24, s15, $0xb8;
	[tilespmem:$0x1F000] =	vst v63  }
0xbc: {  	_ =	swait.ge [sflag:s13], $0x4000  }
0xbd: {  	[sflag:s13] =	ssyncset.done $0x0  }
0xbe: {  	s24 =	sadd.s32 $0x100, s23;
	[sflag:s13] =	ssyncadd.s32 $0xFFFFC000  }
0xbf: {  	[tilespmem:s16], [sflag:$0x1] =	stream.indirect.gather [hbm4b:s1+s15], $0x80, s24, s15, $0xb8;
	[tilespmem:$0x1F000] =	vst v63  }
0xc0: {  	_ =	swait.ge [sflag:s19], $0x4000  }
.Ltmp1:
0xc1: {  	[sflag:s19] =	ssyncset.done $0x0;
	(pc) =	sbr.rel @p0 .LBB2_4-.Ltmp1, $4  }
0xc2: {  	s23 =	sadd.s32 $0x1480, s23;
	[sflag:s19] =	ssyncadd.s32 $0xFFFFC000  }
0xc3: {  	[spmem:s2] =	stream.indirect.scatter.add.f32 [tilespmem:s17], [sflag:$0x3], $0x80, s23, s15, $0xb8;
	[tilespmem:$0x1F000] =	vst v63  }
0xc4: {  	_ =	swait.ge [sflag:s13], $0x4000  }
0xc5: {  	s24 =	smov.u32 s28;
	s23 =	sshra.s32 s26, $0x2;
	[sflag:s13] =	ssyncset.done $0x0  }
0xc6: {  	s24 =	sadd.s32 $0x80, s23;
	[sflag:s13] =	ssyncadd.s32 $0xFFFFC000  }
0xc7: {  	[tilespmem:s17], [sflag:$0x2] =	stream.indirect.gather [hbm4b:s1+s15], $0x80, s24, s15, $0xb8;
	[tilespmem:$0x1F000] =	vst v63  }
0xc8: {  	_ =	swait.ge [sflag:s18], $0x4000  }
0xc9: {  	[sflag:s18] =	ssyncset.done $0x0  }
0xca: {  	s30 =	sadd.s32 $0x1400, s23;
	[sflag:s18] =	ssyncadd.s32 $0xFFFFC000  }
0xcb: {  	[spmem:s2] =	stream.indirect.scatter.add.f32 [tilespmem:s16], [sflag:$0x3], $0x80, s30, s15, $0xb8;
	[tilespmem:$0x1F000] =	vst v63  }
0xcc: {  	_ =	swait.ge [sflag:s13], $0x4000  }
0xcd: {  	[sflag:s13] =	ssyncset.done $0x0  }
0xce: {  	s31 =	sadd.s32 $0x100, s23;
	[sflag:s13] =	ssyncadd.s32 $0xFFFFC000  }
0xcf: {  	[tilespmem:s16], [sflag:$0x1] =	stream.indirect.gather [hbm4b:s1+s15], $0x80, s31, s15, $0xb8;
	[tilespmem:$0x1F000] =	vst v63  }
0xd0: {  	_ =	swait.ge [sflag:s19], $0x4000  }
0xd1: {  	[sflag:s19] =	ssyncset.done $0x0  }
0xd2: {  	s25 =	sadd.s32 $0x1480, s23;
	[sflag:s19] =	ssyncadd.s32 $0xFFFFC000  }
0xd3: {  	[spmem:s2] =	stream.indirect.scatter.add.f32 [tilespmem:s17], [sflag:$0x3], $0x80, s25, s15, $0xb8;
	[tilespmem:$0x1F000] =	vst v63  }
0xd4: {  	_ =	swait.ge [sflag:s13], $0x4000  }
0xd5: {  	[sflag:s13] =	ssyncset.done $0x0  }
0xd6: {  	[sflag:s13] =	ssyncadd.s32 $0xFFFFC000  }
0xd7: {  	[tilespmem:s17], [sflag:$0x2] =	stream.indirect.gather [hbm4b:s1+s15], $0x80, s20, s15, $0xb8;
	[tilespmem:$0x1F000] =	vst v63  }
0xd8: {  	_ =	swait.ge [sflag:s18], $0x4000  }
0xd9: {  	[sflag:s18] =	ssyncset.done $0x0  }
0xda: {  	[sflag:s18] =	ssyncadd.s32 $0xFFFFC000  }
0xdb: {  	[spmem:s2] =	stream.indirect.scatter.add.f32 [tilespmem:s16], [sflag:$0x3], $0x80, s21, s15, $0xb8;
	[tilespmem:$0x1F000] =	vst v63  }
0xdc: {  	_ =	swait.ge [sflag:s13], $0x4000  }
0xdd: {  	[sflag:s13] =	ssyncset.done $0x0  }
0xde: {  	[sflag:s13] =	ssyncadd.s32 $0xFFFFC000  }
0xdf: {  	_ =	swait.ge [sflag:s19], $0x4000  }
0xe0: {  	[sflag:s19] =	ssyncset.done $0x0  }
0xe1: {  	[sflag:s19] =	ssyncadd.s32 $0xFFFFC000  }
0xe2: {  	[spmem:s2] =	stream.indirect.scatter.add.f32 [tilespmem:s17], [sflag:$0x3], $0x80, s22, s15, $0xb8;
	[tilespmem:$0x1F000] =	vst v63  }
0xe3: {  	_ =	swait.ge [sflag:s13], $0x4000  }
0xe4: {  	[sflag:s13] =	ssyncset.done $0x0  }
0xe5: {  	s26 =	simm.s32 $0x0;
	[sflag:s13] =	ssyncadd.s32 $0xFFFFC000  }
0xe6: {  	[tilespmem:s26], [sflag:$0x3] =	stream.linear.gather [hbm4b:s8+s26], $0x1400, $0x38;
	[tilespmem:$0x1F000] =	vst v63  }
0xe7: {  	_ =	swait.ge [sflag:s13], $0x1400  }
0xe8: {  	[sflag:s13] =	ssyncset.done $0x0  }
0xe9: {  	[sflag:s13] =	ssyncadd.s32 $0xFFFFEC00  }
0xea: {  	[tilespmem:s14], [sflag:$0x3] =	stream.linear.gather [hbm4b:s9+s26], $0x1400, $0x38;
	[tilespmem:$0x1F000] =	vst v63  }
0xeb: {  	_ =	swait.ge [sflag:s13], $0x1400  }
0xec: {  	[sflag:s13] =	ssyncset.done $0x0  }
0xed: {  	[sflag:s13] =	ssyncadd.s32 $0xFFFFEC00  }
0xee: {  	[tilespmem:s16], [sflag:$0x1] =	stream.indirect.gather [hbm4b:s1+s15], $0x80, s26, s15, $0xb8;
	[tilespmem:$0x1F000] =	vst v63  }
0xef: {  	s28 =	simm.s32 $0x80  }
0xf0: {  	[tilespmem:s17], [sflag:$0x2] =	stream.indirect.gather [hbm4b:s1+s15], $0x80, s28, s15, $0xb8;
	[tilespmem:$0x1F000] =	vst v63  }
0xf1: {  	_ =	swait.ge [sflag:s18], $0x4000  }
0xf2: {  	[sflag:s18] =	ssyncset.done $0x0  }
0xf3: {  	s29 =	simm.s32 $0x1400;
	[sflag:s18] =	ssyncadd.s32 $0xFFFFC000  }
0xf4: {  	[spmem:s2] =	stream.indirect.scatter.add.f32 [tilespmem:s16], [sflag:$0x3], $0x80, s29, s15, $0xb8;
	[tilespmem:$0x1F000] =	vst v63  }
0xf5: {  	_ =	swait.ge [sflag:s13], $0x4000  }
0xf6: {  	[sflag:s13] =	ssyncset.done $0x0  }
0xf7: {  	s30 =	simm.s32 $0x100;
	[sflag:s13] =	ssyncadd.s32 $0xFFFFC000  }
0xf8: {  	[tilespmem:s16], [sflag:$0x1] =	stream.indirect.gather [hbm4b:s1+s15], $0x80, s30, s15, $0xb8;
	[tilespmem:$0x1F000] =	vst v63  }
0xf9: {  	_ =	swait.ge [sflag:s19], $0x4000  }
0xfa: {  	[sflag:s19] =	ssyncset.done $0x0  }
0xfb: {  	s31 =	simm.s32 $0x1480;
	[sflag:s19] =	ssyncadd.s32 $0xFFFFC000  }
0xfc: {  	[spmem:s2] =	stream.indirect.scatter.add.f32 [tilespmem:s17], [sflag:$0x3], $0x80, s31, s15, $0xb8;
	[tilespmem:$0x1F000] =	vst v63  }
0xfd: {  	_ =	swait.ge [sflag:s13], $0x4000  }
0xfe: {  	s23 =	simm.s32 $0x100;
	s24 =	simm.s32 $0x800;
	[sflag:s13] =	ssyncset.done $0x0  }
.LBB2_6:
0xff: {  	s25 =	sadd.s32 $0x80, s23  }
0x100: {  	[sflag:s13] =	ssyncadd.s32 $0xFFFFC000;
	s26 =	smov.u32 s24;
	s28 =	sadd.s32 $0x400, s24  }
0x101: {  	[tilespmem:s17], [sflag:$0x2] =	stream.indirect.gather [hbm4b:s1+s15], $0x80, s25, s15, $0xb8;
	[tilespmem:$0x1F000] =	vst v63  }
0x102: {  	p0 =	sne.s32 s24, $0x4800;
	_ =	swait.ge [sflag:s18], $0x4000  }
0x103: {  	[sflag:s18] =	ssyncset.done $0x0  }
0x104: {  	s24 =	sadd.s32 $0x1400, s23;
	[sflag:s18] =	ssyncadd.s32 $0xFFFFC000  }
0x105: {  	[spmem:s2] =	stream.indirect.scatter.add.f32 [tilespmem:s16], [sflag:$0x3], $0x80, s24, s15, $0xb8;
	[tilespmem:$0x1F000] =	vst v63  }
0x106: {  	_ =	swait.ge [sflag:s13], $0x4000  }
0x107: {  	[sflag:s13] =	ssyncset.done $0x0  }
0x108: {  	s24 =	sadd.s32 $0x100, s23;
	[sflag:s13] =	ssyncadd.s32 $0xFFFFC000  }
0x109: {  	[tilespmem:s16], [sflag:$0x1] =	stream.indirect.gather [hbm4b:s1+s15], $0x80, s24, s15, $0xb8;
	[tilespmem:$0x1F000] =	vst v63  }
0x10a: {  	_ =	swait.ge [sflag:s19], $0x4000  }
.Ltmp2:
0x10b: {  	[sflag:s19] =	ssyncset.done $0x0;
	(pc) =	sbr.rel @p0 .LBB2_6-.Ltmp2, $4  }
0x10c: {  	s23 =	sadd.s32 $0x1480, s23;
	[sflag:s19] =	ssyncadd.s32 $0xFFFFC000  }
0x10d: {  	[spmem:s2] =	stream.indirect.scatter.add.f32 [tilespmem:s17], [sflag:$0x3], $0x80, s23, s15, $0xb8;
	[tilespmem:$0x1F000] =	vst v63  }
0x10e: {  	_ =	swait.ge [sflag:s13], $0x4000  }
0x10f: {  	s24 =	smov.u32 s28;
	s23 =	sshra.s32 s26, $0x2;
	[sflag:s13] =	ssyncset.done $0x0  }
0x110: {  	s24 =	sadd.s32 $0x80, s23;
	[sflag:s13] =	ssyncadd.s32 $0xFFFFC000  }
0x111: {  	[tilespmem:s17], [sflag:$0x2] =	stream.indirect.gather [hbm4b:s1+s15], $0x80, s24, s15, $0xb8;
	[tilespmem:$0x1F000] =	vst v63  }
0x112: {  	_ =	swait.ge [sflag:s18], $0x4000  }
0x113: {  	[sflag:s18] =	ssyncset.done $0x0  }
0x114: {  	s26 =	sadd.s32 $0x1400, s23;
	[sflag:s18] =	ssyncadd.s32 $0xFFFFC000  }
0x115: {  	[spmem:s2] =	stream.indirect.scatter.add.f32 [tilespmem:s16], [sflag:$0x3], $0x80, s26, s15, $0xb8;
	[tilespmem:$0x1F000] =	vst v63  }
0x116: {  	_ =	swait.ge [sflag:s13], $0x4000  }
0x117: {  	[sflag:s13] =	ssyncset.done $0x0  }
0x118: {  	s28 =	sadd.s32 $0x100, s23;
	[sflag:s13] =	ssyncadd.s32 $0xFFFFC000  }
0x119: {  	[tilespmem:s16], [sflag:$0x1] =	stream.indirect.gather [hbm4b:s1+s15], $0x80, s28, s15, $0xb8;
	[tilespmem:$0x1F000] =	vst v63  }
0x11a: {  	_ =	swait.ge [sflag:s19], $0x4000  }
0x11b: {  	[sflag:s19] =	ssyncset.done $0x0  }
0x11c: {  	s29 =	sadd.s32 $0x1480, s23;
	[sflag:s19] =	ssyncadd.s32 $0xFFFFC000  }
0x11d: {  	[spmem:s2] =	stream.indirect.scatter.add.f32 [tilespmem:s17], [sflag:$0x3], $0x80, s29, s15, $0xb8;
	[tilespmem:$0x1F000] =	vst v63  }
0x11e: {  	_ =	swait.ge [sflag:s13], $0x4000  }
0x11f: {  	[sflag:s13] =	ssyncset.done $0x0  }
0x120: {  	[sflag:s13] =	ssyncadd.s32 $0xFFFFC000  }
0x121: {  	[tilespmem:s17], [sflag:$0x2] =	stream.indirect.gather [hbm4b:s1+s15], $0x80, s20, s15, $0xb8;
	[tilespmem:$0x1F000] =	vst v63  }
0x122: {  	_ =	swait.ge [sflag:s18], $0x4000  }
0x123: {  	[sflag:s18] =	ssyncset.done $0x0  }
0x124: {  	[sflag:s18] =	ssyncadd.s32 $0xFFFFC000  }
0x125: {  	[spmem:s2] =	stream.indirect.scatter.add.f32 [tilespmem:s16], [sflag:$0x3], $0x80, s21, s15, $0xb8;
	[tilespmem:$0x1F000] =	vst v63  }
0x126: {  	_ =	swait.ge [sflag:s13], $0x4000  }
0x127: {  	[sflag:s13] =	ssyncset.done $0x0  }
0x128: {  	[sflag:s13] =	ssyncadd.s32 $0xFFFFC000  }
0x129: {  	_ =	swait.ge [sflag:s19], $0x4000  }
0x12a: {  	[sflag:s19] =	ssyncset.done $0x0  }
0x12b: {  	[sflag:s19] =	ssyncadd.s32 $0xFFFFC000  }
0x12c: {  	[spmem:s2] =	stream.indirect.scatter.add.f32 [tilespmem:s17], [sflag:$0x3], $0x80, s22, s15, $0xb8;
	[tilespmem:$0x1F000] =	vst v63  }
0x12d: {  	_ =	swait.ge [sflag:s13], $0x4000  }
0x12e: {  	s30 =	sshll.u32 s3, $0x6;
	s4 =	sadd.s32 $0x1, s4;
	[sflag:s13] =	ssyncset.done $0x0  }
0x12f: {  	s31 =	sshrl.u32 s5, $0x3;
	p0 =	sne.s32 s4, s11;
	[sflag:s13] =	ssyncadd.s32 $0xFFFFC000  }
.Ltmp3:
0x130: {  	s23 =	sor.u32 $0x1C03, s30;
	[bflag:$0x0] =	sbarrier.arrive $0xFFFF;
	(pc) =	sbr.rel @p0 .LBB2_1-.Ltmp3, $4  }
0x131: {  	[hbm:s10], [sflag:s23] =	dma.local [spmem:s31], $0x2800  }
0x132: {  	_ =	swait.ge [sflag:s13], $0x2800  }
0x133: {  	[sflag:s13] =	ssyncset.done $0x0  }
0x134: {  	[sflag:s13] =	ssyncadd.s32 $0xFFFFD800  }
0x135: {  	_ =	sfence.sel $0x180000  }
0x136: {  	[bflag:$0x0] =	sbarrier.arrive $0xFFFF  }
0x137: {  	p0 =	sne.s32 s3, $0x0;
	_ =	strace $0x9000004A  }
0x138: {  	s0 =	sadd.s32 @!p0 $0x100000, s0;
	[bflag:$0x2] =	sbarrier.arrive $0xFFFF  }
0x139: {  	[sflag:s0] =	ssyncadd.tile.s32 @!p0 $0x1;
	_ =	shalt  }
.Lfunc_end2:
_tile_overlayer_lowered:
.L_overlay_start_2:
0x13a: {  	(tag) =	ssettag $0x2  }
0x13b: {  	s0 =	rddreg [dreg:$0x0];
	s2 =	stileid.u32  }
0x13c: {  	s1 =	rddreg [dreg:$0x1];
	p0 =	sne.s32 s2, $0x0  }
0x13d: {  	s3 =	rddreg [dreg:$0x2];
	[bflag:$0x3] =	sbarrier.arrive $0xFFFF;
	s2 =	simm.s32 @!p0 $0x1C03  }
0x13e: {  	[timem:s3], [sflag:s2] =	dma.local @!p0 [hbm:s0], s1  }
0x13f: {  	s0 =	simm.s32 @!p0 $0x3  }
0x140: {  	_ =	swait.ge @!p0 [sflag:s0], s1  }
0x141: {  	s1 =	ssub.s32 @!p0 $0x0, s1;
	[sflag:s0] =	ssyncset.done @!p0 $0x0  }
0x142: {  	[sflag:s0] =	ssyncadd.s32 @!p0 s1  }
0x143: {  	[bflag:$0x3] =	sbarrier.arrive $0xFFFF  }
0x144: {  	_ =	shalt  }

// kernel: kernel.7.cloned.1.call-start
scs
__scs_entry_jumppad:
0x0: {  	(pc) =	sbr.rel $0x88, $3  }
0x1: {  	(tag) =	ssettag $0x0;
	lr =	simm.s32 $0x1  }
0x2: {  	[smem:$0x3F99] =	sst lr;
	_ =	strace $0xD0000000  }
0x3: {  	_ = 	snop  }
0x4: {  	_ = 	snop  }
0x5: {  	_ = 	snop  }
0x6: {  	_ = 	snop  }
0x7: {  	_ = 	snop  }
__scs_overlays_trampoline_lowered:
0x8: {  	[smem:$0x3FA8] =	sst s0  }
0x9: {  	[smem:$0x3FA9] =	sst s1  }
0xa: {  	[smem:$0x3FAA] =	sst s2  }
0xb: {  	[smem:$0x3FAB] =	sst s3  }
0xc: {  	[smem:$0x3FAC] =	sst s4  }
0xd: {  	[smem:$0x3FAD] =	sst s5  }
0xe: {  	[smem:$0x3FAE] =	sst s6  }
0xf: {  	[smem:$0x3FAF] =	sst s7  }
0x10: {  	[smem:$0x3FB0] =	sst s8  }
0x11: {  	[smem:$0x3FB1] =	sst s9;
	s0 =	simm.s32 @!p0 $0x0  }
0x12: {  	s1 =	sld [smem:$0x3F97];
	s0 =	simm.s32 @p0 $0x1  }
0x13: {  	[smem:$0x3FB2] =	sst s0;
	s0 =	simm.s32 @!p1 $0x0  }
0x14: {  	s2 =	sld [smem:$0x3F96];
	s0 =	simm.s32 @p1 $0x1  }
0x15: {  	[smem:$0x3FB3] =	sst s0;
	s0 =	simm.s32 @!p2 $0x0  }
0x16: {  	s3 =	sld [smem:$0x3FDB];
	s0 =	simm.s32 @p2 $0x1  }
0x17: {  	s4 =	simm.s32 $0x1BF5;
	[smem:$0x3FB5] =	sst s0  }
0x18: {  	s0 =	sld [smem:$0x3F98];
	_ =	swait.ge [sflag:s4], $0x0  }
0x19: {  	s7 =	sld [smem:$0x3F99]  }
0x1a: {  	s8 =	sadd.s32 $0xFFFFE003, lr  }
0x1b: {  	s9 =	sadd.s32 $0xFFFFFEF7, lr;
	s5 =	simm.s32 $0xFFFFFFFF;
	p2 =	slt.u32 s8, $0xFFFFF086  }
0x1c: {  	p1 =	slt.u32 s9, $0xF7A;
	s5 =	simm.s32 @!p2 $0x0  }
0x1d: {  	s5 =	simm.s32 @p1 $0x1;
	p0 =	seq.s32 s7, s2  }
0x1e: {  	s7 =	smul.u32 @!p0 $0xF7A, s2;
	p2 =	seq.s32 @!p0 s5, $0x0  }
0x1f: {  	s9 =	smul.u32 $0xF7A, s1;
	s8 =	simm.s32 @!p0 $0x1BF5;
	p2 =	por !p2, p0  }
0x20: {  	[sflag:s8] =	ssyncset.s32 @!p0 $0xFFFFF086;
	s6 =	sadd.s32 @!p0 s3, s7;
	s7 =	simm.s32 @!p0 $0x108  }
0x21: {  	s3 =	sadd.s32 s3, s9;
	s6 =	sadd.s32 @!p0 $0x88, s6;
	s7 =	simm.s32 @p2 $0x1082  }
0x22: {  	[simem:s7], [sflag:s8] =	dma.local @!p0 [hbm:s6], $0xF7A  }
0x23: {  	s9 =	sor.u32 $0xD0000000, s2;
	s6 =	simm.s32 $0x108;
	_ =	swait.ge @!p0 [sflag:s8], $0x0  }
0x24: {  	s3 =	sadd.s32 $0x88, s3;
	s6 =	simm.s32 @!p1 $0x1082;
	[sflag:s4] =	ssyncset.s32 $0xFFFFF086  }
0x25: {  	[simem:s6], [sflag:s4] =	dma.local [hbm:s3], $0xF7A  }
0x26: {  	[smem:$0x3F99] =	sst s1;
	(tag) =	ssettag s2;
	_ =	strace s9  }
0x27: {  	s1 =	sld [smem:$0x3FA9]  }
0x28: {  	s2 =	sld [smem:$0x3FAA]  }
0x29: {  	s4 =	sld [smem:$0x3FAC]  }
0x2a: {  	p0 =	seq.s32 s5, $0x0;
	s5 =	sld [smem:$0x3FAD]  }
0x2b: {  	s6 =	sld [smem:$0x3FAE]  }
0x2c: {  	s7 =	sld [smem:$0x3FAF]  }
0x2d: {  	s3 =	simm.s32 $0x108;
	s8 =	sld [smem:$0x3FB0]  }
0x2e: {  	s3 =	simm.s32 @!p0 $0x1082;
	s9 =	sld [smem:$0x3FB1]  }
0x2f: {  	lr =	sadd.s32 s0, s3;
	s0 =	sld [smem:$0x3FA8]  }
0x30: {  	s3 =	sld [smem:$0x3FAB]  }
0x31: {  	[smem:$0x3FB4] =	sst s10  }
0x32: {  	s10 =	sld [smem:$0x3FB2];
	_ =	sdelay $0x3  }
0x33: {  	p0 =	seq.s32 s10, $0x1;
	s10 =	sld [smem:$0x3FB4];
	_ =	sdelay $0x3  }
0x34: {  	[smem:$0x3FB4] =	sst s10  }
0x35: {  	s10 =	sld [smem:$0x3FB3];
	_ =	sdelay $0x3  }
0x36: {  	p1 =	seq.s32 s10, $0x1;
	s10 =	sld [smem:$0x3FB4];
	_ =	sdelay $0x3  }
0x37: {  	[smem:$0x3FB4] =	sst s10  }
0x38: {  	s10 =	sld [smem:$0x3FB5]  }
0x39: {  	_ = 	snop;
	(pc) =	sbr.ind lr, $3  }
0x3a: {  	_ = 	snop  }
0x3b: {  	_ = 	snop  }
0x3c: {  	p2 =	seq.s32 s10, $0x1;
	s10 =	sld [smem:$0x3FB4]  }
0x3d: {  	_ =	shalt  }
0x3e: {  	_ =	shalt  }
0x3f: {  	_ =	shalt  }
0x40: {  	_ =	shalt  }
0x41: {  	_ =	shalt  }
0x42: {  	_ =	shalt  }
0x43: {  	_ =	shalt  }
0x44: {  	_ =	shalt  }
0x45: {  	_ =	shalt  }
0x46: {  	_ =	shalt  }
0x47: {  	_ =	shalt  }
0x48: {  	_ =	shalt  }
0x49: {  	_ =	shalt  }
0x4a: {  	_ =	shalt  }
0x4b: {  	_ =	shalt  }
0x4c: {  	_ =	shalt  }
0x4d: {  	_ =	shalt  }
0x4e: {  	_ =	shalt  }
0x4f: {  	_ =	shalt  }
0x50: {  	_ =	shalt  }
0x51: {  	_ =	shalt  }
0x52: {  	_ =	shalt  }
0x53: {  	_ =	shalt  }
0x54: {  	_ =	shalt  }
0x55: {  	_ =	shalt  }
0x56: {  	_ =	shalt  }
0x57: {  	_ =	shalt  }
0x58: {  	_ =	shalt  }
0x59: {  	_ =	shalt  }
0x5a: {  	_ =	shalt  }
0x5b: {  	_ =	shalt  }
0x5c: {  	_ =	shalt  }
0x5d: {  	_ =	shalt  }
0x5e: {  	_ =	shalt  }
0x5f: {  	_ =	shalt  }
0x60: {  	_ =	shalt  }
0x61: {  	_ =	shalt  }
0x62: {  	_ =	shalt  }
0x63: {  	_ =	shalt  }
0x64: {  	_ =	shalt  }
0x65: {  	_ =	shalt  }
0x66: {  	_ =	shalt  }
0x67: {  	_ =	shalt  }
0x68: {  	_ =	shalt  }
0x69: {  	_ =	shalt  }
0x6a: {  	_ =	shalt  }
0x6b: {  	_ =	shalt  }
0x6c: {  	_ =	shalt  }
0x6d: {  	_ =	shalt  }
0x6e: {  	_ =	shalt  }
0x6f: {  	_ =	shalt  }
0x70: {  	_ =	shalt  }
0x71: {  	_ =	shalt  }
0x72: {  	_ =	shalt  }
0x73: {  	_ =	shalt  }
0x74: {  	_ =	shalt  }
0x75: {  	_ =	shalt  }
0x76: {  	_ =	shalt  }
0x77: {  	_ =	shalt  }
0x78: {  	_ =	shalt  }
0x79: {  	_ =	shalt  }
0x7a: {  	_ =	shalt  }
0x7b: {  	_ =	shalt  }
0x7c: {  	_ =	shalt  }
0x7d: {  	_ =	shalt  }
0x7e: {  	_ =	shalt  }
0x7f: {  	_ =	shalt  }
0x80: {  	_ =	shalt  }
0x81: {  	_ =	shalt  }
0x82: {  	_ =	shalt  }
0x83: {  	_ =	shalt  }
0x84: {  	_ =	shalt  }
0x85: {  	_ =	shalt  }
0x86: {  	_ =	shalt  }
0x87: {  	_ =	shalt  }
.Lfunc_end0:
.L_simem_size_0:
called_computation_lowered:
.L_overlay_start_0:
0x88: {  	s2 =	sld [smem:$0x3FD9]  }
0x89: {  	s3 =	sld [smem:$0x3FFE];
	_ =	sdelay $0x1  }
0x8a: {  	s1 =	srdreg.scid  }
0x8b: {  	s0 =	sand.u32 $0x1, s1  }
0x8c: {  	s17 =	sshll.u32 s0, $0xA;
	s2 =	sadd.s32 s3, s2  }
0x8d: {  	s2 =	sadd.s32 s2, s17  }
0x8e: {  	[smem:$0x3FC0] =	sst s2  }
0x8f: {  	_ = 	snop  }
0x90: {  	s2 =	sld [smem:$0x3FD0];
	(tm) =	ssettm $0x1  }
0x91: {  	s18 =	sld [smem:$0x3FFB];
	_ =	sdelay $0x3  }
0x92: {  	_ =	strace s18  }
0x93: {  	s3 =	sld [smem:$0x3FFC];
	_ =	sdelay $0x3  }
0x94: {  	_ =	strace s3  }
0x95: {  	s3 =	sld [smem:$0x3FFD];
	_ =	sdelay $0x3  }
0x96: {  	_ =	strace s3  }
0x97: {  	_ =	strace $0x8FFFFFFF  }
0x98: {  	s19 =	sld [smem:$0x3FDB];
	_ =	sdelay $0x1  }
0x99: {  	s4 =	simm.s32 $_scs_section_size  }
0x9a: {  	s5 =	simm.s32 $_size__tile_overlayer_lowered;
	s6 =	simm.s32 $_tile_overlayer_lowered  }
0x9b: {  	s22 =	simm.s32 $0x1BFF;
	s21 =	sshll.u32 s6, $0x1;
	s3 =	sadd.s32 s4, s19  }
0x9c: {  	s7 =	simm.s32 $0x0;
	s20 =	sshll.u32 s5, $0x1;
	s5 =	sadd.s32 s21, s3  }
0x9d: {  	[timem:s7], [sflag:s22] =	dma.local [hbm:s5], s20  }
0x9e: {  	_ =	swait.ge [sflag:s22], s20  }
0x9f: {  	s4 =	ssub.s32 $0x0, s20;
	[sflag:s22] =	ssyncset.done $0x0  }
0xa0: {  	[sflag:s22] =	ssyncadd.s32 s4;
	_ =	sdelay $0x1  }
0xa1: {  	s23 =	simm.s32 $0x1B8B  }
0xa2: {  	_ =	swait.ge [sflag:s23], $0x1  }
0xa3: {  	[sflag:s23] =	ssyncset.done $0x0  }
0xa4: {  	s25 =	simm.s32 $0x1B8E;
	s24 =	sld [smem:$0x3FFE];
	[sflag:s23] =	ssyncadd.s32 $0xFFFFFFFF  }
0xa5: {  	s26 =	simm.s32 $execute0_lowered;
	[smem:$0x3FD2] =	sst s25  }
0xa6: {  	s5 =	sshll.u32 s26, $0x1;
	_ =	strace $0x80000046;
	[dreg:$0x1] =	wrdreg $0xFFFFFFFF  }
0xa7: {  	s28 =	simm.s32 $_size_execute0_lowered;
	s3 =	sadd.s32 s3, s5;
	[dreg:$0x0] =	wrdreg $0x0  }
0xa8: {  	s5 =	sshll.u32 s28, $0x1;
	[dreg:$0x2] =	wrdreg s3  }
0xa9: {  	[dreg:$0x3] =	wrdreg s5  }
0xaa: {  	[dreg:$0x4] =	wrdreg $0xC0  }
0xab: {  	_ =	task [dreg:s7], $0x5FFFF  }
0xac: {  	[dreg:$0x1] =	wrdreg $0xFFFFFFFF  }
0xad: {  	[dreg:$0x0] =	wrdreg $0x60  }
0xae: {  	[dreg:$0x2] =	wrdreg s2  }
0xaf: {  	[dreg:$0x3] =	wrdreg s24  }
0xb0: {  	[dreg:$0x4] =	wrdreg $0xB0000  }
0xb1: {  	[dreg:$0x5] =	wrdreg $0x1F3000  }
0xb2: {  	[dreg:$0x6] =	wrdreg $0x9  }
0xb3: {  	_ =	task.clear_ibuf [dreg:s7], $0x7FFFF;
	_ =	strace $0x90000046  }
0xb4: {  	s29 =	simm.s32 $0x9;
	_ =	strace $0x80000048  }
0xb5: {  	_ =	swait.ge [sflag:s29], $0x1  }
0xb6: {  	[sflag:s29] =	ssyncadd.s32 $0xFFFFFFFF  }
0xb7: {  	_ =	strace $0x90000048  }
0xb8: {  	_ =	sfence  }
0xb9: {  	s30 =	sld [smem:$0x0];
	_ =	sdelay $0x2  }
0xba: {  	s31 =	sshll.u32 s1, $0xD;
	s1 =	sshrl.u32 s1, $0x2  }
0xbb: {  	s3 =	sand.u32 $0x4000, s31;
	s1 =	sadd.s32 s1, s30  }
0xbc: {  	s0 =	sor.u32 s3, s0;
	s1 =	sshll.u32 s1, $0x11  }
0xbd: {  	s0 =	sor.u32 s1, s0  }
0xbe: {  	s0 =	sadd.s32 $0x8F2B, s0  }
0xbf: {  	[sflag:s0] =	ssyncadd.remote.s32 $0x1  }
0xc0: {  	_ =	sfence.sel $0xFFFF  }
0xc1: {  	[dreg:$0x0] =	wrdreg $0xFFFFFFFF;
	(pc) =	sbr.abs _section_cstart, $3  }
0xc2: {  	[dreg:$0x1] =	wrdreg $0xFFFFFFFF  }
0xc3: {  	_ =	task.clear_ibuf [dreg:s7], $0x2FFFF;
	_ =	strace $0x9FFFFFFF  }
0xc4: {  	(tm) =	ssettm $0x7FFFFFFF  }
0xc5: {  	_ =	shalt  }
tec
execute0_lowered:
.L_overlay_start_1:
0x0: {  	(tag) =	ssettag $0x1  }
0x1: {  	s0 =	rddreg [dreg:$0x0]  }
0x2: {  	s1 =	rddreg [dreg:$0x1]  }
0x3: {  	s3 =	rddreg [dreg:$0x2];
	s2 =	srdreg.scid  }
0x4: {  	s4 =	rddreg [dreg:$0x3];
	s5 =	simm.s32 $0x0;
	s16 =	simm.s32 $0x3  }
0x5: {  	s18 =	simm.s32 $0x1400;
	s19 =	simm.s32 $0x80;
	s20 =	simm.s32 $0x2800  }
0x6: {  	s21 =	simm.s32 $0x6800;
	s6 =	sand.u32 $0x1, s2;
	s2 =	stileid.u32  }
0x7: {  	s28 =	simm.s32 $0x2780;
	[smem:$0x7FF] =	sst s5;
	s7 =	smul.u32 $0x140000, s6  }
0x8: {  	s10 =	sadd.s32 $0xBC00, s1;
	s11 =	sadd.s32 $0x1C00, s1;
	s8 =	smul.u32 $0x14000, s2  }
0x9: {  	_ =	strace $0x80000047;
	s22 =	smul.u32 $0x500, s2;
	s23 =	sshll.u32 s6, $0x7  }
0xa: {  	s24 =	sshll.u32 s2, $0x1;
	s9 =	smul.u32 $0x50000, s2;
	s13 =	ssub.s32 $0x2, s6  }
0xb: {  	s25 =	smul.u32 $0xA00, s2;
	s6 =	sor.u32 s6, s24;
	s14 =	sshrl.u32 s13, $0x1  }
0xc: {  	s24 =	simm.s32 $0x2;
	s7 =	sadd.s32 s8, s7;
	s15 =	smul.u32 $0x2800, s6  }
0xd: {  	s14 =	ssub.s32 s13, s14;
	s26 =	sshrl.u32 s9, $0x2;
	s29 =	sshrl.u32 s25, $0x2  }
0xe: {  	s25 =	simm.s32 $0x1380;
	s7 =	sshrl.u32 s7, $0x3;
	s6 =	sadd.s32 s26, s3  }
0xf: {  	s14 =	smax.u32 s14, $0x1;
	s26 =	simm.s32 $0x2700;
	s12 =	sadd.s32 s7, s1  }
0x10: {  	s7 =	sor.u32 s23, s22;
	s30 =	sshrl.u32 s15, $0x3;
	s15 =	simm.s32 $0xA800  }
0x11: {  	s22 =	simm.s32 $0x1;
	s23 =	simm.s32 $0x1F280;
	s7 =	sshrl.u32 s7, $0x3  }
0x12: {  	s8 =	sadd.s32 s10, s30;
	s31 =	sadd.s32 $0x280, s30;
	s9 =	sadd.s32 s11, s30  }
0x13: {  	s12 =	sadd.s32 $0x16600, s12;
	s1 =	sadd.s32 s7, s1;
	s7 =	sadd.s32 s29, s4  }
0x14: {  	v0 =	vimm.f32 $0.0e+00;
	v1 =	vimm.f32 $1.000000000e+00;
	s10 =	sadd.s32 s10, s31;
	s11 =	sadd.s32 s11, s31;
	s13 =	sadd.s32 $0x15C00, s1  }
.LBB2_1:
0x15: {  	[tilespmem:$0xA800] =	vst v0  }
0x16: {  	[tilespmem:$0xA810] =	vst v0  }
0x17: {  	[tilespmem:$0xA820] =	vst v0  }
0x18: {  	[tilespmem:$0xA830] =	vst v0  }
0x19: {  	[tilespmem:$0xA840] =	vst v0  }
0x1a: {  	[tilespmem:$0xA850] =	vst v0  }
0x1b: {  	[tilespmem:$0xA860] =	vst v0  }
0x1c: {  	[tilespmem:$0xA870] =	vst v0  }
0x1d: {  	[tilespmem:$0xA880] =	vst v0  }
0x1e: {  	[tilespmem:$0xA890] =	vst v0  }
0x1f: {  	[tilespmem:$0xA8A0] =	vst v0  }
0x20: {  	[tilespmem:$0xA8B0] =	vst v0  }
0x21: {  	[tilespmem:$0xA8C0] =	vst v0  }
0x22: {  	[tilespmem:$0xA8D0] =	vst v0  }
0x23: {  	[tilespmem:$0xA8E0] =	vst v0  }
0x24: {  	[tilespmem:$0xA8F0] =	vst v0  }
0x25: {  	[tilespmem:$0xA900] =	vst v0  }
0x26: {  	[tilespmem:$0xA910] =	vst v0  }
0x27: {  	[tilespmem:$0xA920] =	vst v0  }
0x28: {  	[tilespmem:$0xA930] =	vst v0  }
0x29: {  	[tilespmem:$0xA940] =	vst v0  }
0x2a: {  	[tilespmem:$0xA950] =	vst v0  }
0x2b: {  	[tilespmem:$0xA960] =	vst v0  }
0x2c: {  	[tilespmem:$0xA970] =	vst v0  }
0x2d: {  	[tilespmem:$0xA980] =	vst v0  }
0x2e: {  	[tilespmem:$0xA990] =	vst v0  }
0x2f: {  	[tilespmem:$0xA9A0] =	vst v0  }
0x30: {  	[tilespmem:$0xA9B0] =	vst v0  }
0x31: {  	[tilespmem:$0xA9C0] =	vst v0  }
0x32: {  	[tilespmem:$0xA9D0] =	vst v0  }
0x33: {  	[tilespmem:$0xA9E0] =	vst v0  }
0x34: {  	[tilespmem:$0xA9F0] =	vst v0  }
0x35: {  	[tilespmem:$0xAA00] =	vst v0  }
0x36: {  	[tilespmem:$0xAA10] =	vst v0  }
0x37: {  	[tilespmem:$0xAA20] =	vst v0  }
0x38: {  	[tilespmem:$0xAA30] =	vst v0  }
0x39: {  	[tilespmem:$0xAA40] =	vst v0  }
0x3a: {  	[tilespmem:$0xAA50] =	vst v0  }
0x3b: {  	[tilespmem:$0xAA60] =	vst v0  }
0x3c: {  	[tilespmem:$0xAA70] =	vst v0  }
0x3d: {  	[tilespmem:$0xAA80] =	vst v0  }
0x3e: {  	[tilespmem:$0xAA90] =	vst v0  }
0x3f: {  	[tilespmem:$0xAAA0] =	vst v0  }
0x40: {  	[tilespmem:$0xAAB0] =	vst v0  }
0x41: {  	[tilespmem:$0xAAC0] =	vst v0  }
0x42: {  	[tilespmem:$0xAAD0] =	vst v0  }
0x43: {  	[tilespmem:$0xAAE0] =	vst v0  }
0x44: {  	[tilespmem:$0xAAF0] =	vst v0  }
0x45: {  	[tilespmem:$0xAB00] =	vst v0  }
0x46: {  	[tilespmem:$0xAB10] =	vst v0  }
0x47: {  	[tilespmem:$0xAB20] =	vst v0  }
0x48: {  	[tilespmem:$0xAB30] =	vst v0  }
0x49: {  	[tilespmem:$0xAB40] =	vst v0  }
0x4a: {  	[tilespmem:$0xAB50] =	vst v0  }
0x4b: {  	[tilespmem:$0xAB60] =	vst v0  }
0x4c: {  	[tilespmem:$0xAB70] =	vst v0  }
0x4d: {  	[tilespmem:$0xAB80] =	vst v0  }
0x4e: {  	[tilespmem:$0xAB90] =	vst v0  }
0x4f: {  	[tilespmem:$0xABA0] =	vst v0  }
0x50: {  	[tilespmem:$0xABB0] =	vst v0  }
0x51: {  	[tilespmem:$0xABC0] =	vst v0  }
0x52: {  	[tilespmem:$0xABD0] =	vst v0  }
0x53: {  	[tilespmem:$0xABE0] =	vst v0  }
0x54: {  	[tilespmem:$0xABF0] =	vst v0  }
0x55: {  	[tilespmem:$0xAC00] =	vst v0  }
0x56: {  	[tilespmem:$0xAC10] =	vst v0  }
0x57: {  	[tilespmem:$0xAC20] =	vst v0  }
0x58: {  	[tilespmem:$0xAC30] =	vst v0  }
0x59: {  	[tilespmem:$0xAC40] =	vst v0  }
0x5a: {  	[tilespmem:$0xAC50] =	vst v0  }
0x5b: {  	[tilespmem:$0xAC60] =	vst v0  }
0x5c: {  	[tilespmem:$0xAC70] =	vst v0  }
0x5d: {  	[tilespmem:$0xAC80] =	vst v0  }
0x5e: {  	[tilespmem:$0xAC90] =	vst v0  }
0x5f: {  	[tilespmem:$0xACA0] =	vst v0  }
0x60: {  	[tilespmem:$0xACB0] =	vst v0  }
0x61: {  	[tilespmem:$0xACC0] =	vst v0  }
0x62: {  	[tilespmem:$0xACD0] =	vst v0  }
0x63: {  	[tilespmem:$0xACE0] =	vst v0  }
0x64: {  	[tilespmem:$0xACF0] =	vst v0  }
0x65: {  	[tilespmem:$0xAD00] =	vst v0  }
0x66: {  	[tilespmem:$0xAD10] =	vst v0  }
0x67: {  	[tilespmem:$0xAD20] =	vst v0  }
0x68: {  	[tilespmem:$0xAD30] =	vst v0  }
0x69: {  	[tilespmem:$0xAD40] =	vst v0  }
0x6a: {  	[tilespmem:$0xAD50] =	vst v0  }
0x6b: {  	[tilespmem:$0xAD60] =	vst v0  }
0x6c: {  	[tilespmem:$0xAD70] =	vst v0  }
0x6d: {  	[tilespmem:$0xAD80] =	vst v0  }
0x6e: {  	[tilespmem:$0xAD90] =	vst v0  }
0x6f: {  	[tilespmem:$0xADA0] =	vst v0  }
0x70: {  	[tilespmem:$0xADB0] =	vst v0  }
0x71: {  	[tilespmem:$0xADC0] =	vst v0  }
0x72: {  	[tilespmem:$0xADD0] =	vst v0  }
0x73: {  	[tilespmem:$0xADE0] =	vst v0  }
0x74: {  	[tilespmem:$0xADF0] =	vst v0  }
0x75: {  	[tilespmem:$0xAE00] =	vst v0  }
0x76: {  	[tilespmem:$0xAE10] =	vst v0  }
0x77: {  	[tilespmem:$0xAE20] =	vst v0  }
0x78: {  	[tilespmem:$0xAE30] =	vst v0  }
0x79: {  	[tilespmem:$0xAE40] =	vst v0  }
0x7a: {  	[tilespmem:$0xAE50] =	vst v0  }
0x7b: {  	[tilespmem:$0xAE60] =	vst v0  }
0x7c: {  	[tilespmem:$0xAE70] =	vst v0  }
0x7d: {  	[tilespmem:$0xAE80] =	vst v0  }
0x7e: {  	[tilespmem:$0xAE90] =	vst v0  }
0x7f: {  	[tilespmem:$0xAEA0] =	vst v0  }
0x80: {  	[tilespmem:$0xAEB0] =	vst v0  }
0x81: {  	[tilespmem:$0xAEC0] =	vst v0  }
0x82: {  	[tilespmem:$0xAED0] =	vst v0  }
0x83: {  	[tilespmem:$0xAEE0] =	vst v0  }
0x84: {  	[tilespmem:$0xAEF0] =	vst v0  }
0x85: {  	[tilespmem:$0xAF00] =	vst v0  }
0x86: {  	[tilespmem:$0xAF10] =	vst v0  }
0x87: {  	[tilespmem:$0xAF20] =	vst v0  }
0x88: {  	[tilespmem:$0xAF30] =	vst v0  }
0x89: {  	[tilespmem:$0xAF40] =	vst v0  }
0x8a: {  	[tilespmem:$0xAF50] =	vst v0  }
0x8b: {  	[tilespmem:$0xAF60] =	vst v0  }
0x8c: {  	[tilespmem:$0xAF70] =	vst v0  }
0x8d: {  	[tilespmem:$0xAF80] =	vst v0  }
0x8e: {  	[tilespmem:$0xAF90] =	vst v0  }
0x8f: {  	[tilespmem:$0xAFA0] =	vst v0  }
0x90: {  	[tilespmem:$0xAFB0] =	vst v0  }
0x91: {  	[tilespmem:$0xAFC0] =	vst v0  }
0x92: {  	[tilespmem:$0xAFD0] =	vst v0  }
0x93: {  	[tilespmem:$0xAFE0] =	vst v0  }
0x94: {  	[tilespmem:$0xAFF0] =	vst v0  }
0x95: {  	[tilespmem:$0x1F280] =	vst v1  }
0x96: {  	[tilespmem:$0x1F290] =	vst v1  }
0x97: {  	[tilespmem:$0x1F2A0] =	vst v1  }
0x98: {  	[tilespmem:$0x1F2B0] =	vst v1  }
0x99: {  	[tilespmem:$0x1F2C0] =	vst v1  }
0x9a: {  	[tilespmem:$0x1F2D0] =	vst v1  }
0x9b: {  	[tilespmem:$0x1F2E0] =	vst v1  }
0x9c: {  	[tilespmem:$0x1F2F0] =	vst v1  }
0x9d: {  	[tilespmem:$0x1F000] =	vst v0  }
0x9e: {  	[tilespmem:$0x1F010] =	vst v0  }
0x9f: {  	[tilespmem:$0x1F020] =	vst v0  }
0xa0: {  	[tilespmem:$0x1F030] =	vst v0  }
0xa1: {  	[tilespmem:$0x1F040] =	vst v0  }
0xa2: {  	[tilespmem:$0x1F050] =	vst v0  }
0xa3: {  	[tilespmem:$0x1F060] =	vst v0  }
0xa4: {  	[tilespmem:$0x1F070] =	vst v0  }
0xa5: {  	[tilespmem:$0x1F080] =	vst v0  }
0xa6: {  	[tilespmem:$0x1F090] =	vst v0  }
0xa7: {  	[tilespmem:$0x1F0A0] =	vst v0  }
0xa8: {  	[tilespmem:$0x1F0B0] =	vst v0  }
0xa9: {  	[tilespmem:$0x1F0C0] =	vst v0  }
0xaa: {  	[tilespmem:$0x1F0D0] =	vst v0  }
0xab: {  	[tilespmem:$0x1F0E0] =	vst v0  }
0xac: {  	[tilespmem:$0x1F0F0] =	vst v0  }
0xad: {  	[tilespmem:$0x1F100] =	vst v0  }
0xae: {  	[tilespmem:$0x1F110] =	vst v0  }
0xaf: {  	[tilespmem:$0x1F120] =	vst v0  }
0xb0: {  	[tilespmem:$0x1F130] =	vst v0  }
0xb1: {  	[tilespmem:$0x1F140] =	vst v0  }
0xb2: {  	[tilespmem:$0x1F150] =	vst v0  }
0xb3: {  	[tilespmem:$0x1F160] =	vst v0  }
0xb4: {  	[tilespmem:$0x1F170] =	vst v0  }
0xb5: {  	[tilespmem:$0x1F180] =	vst v0  }
0xb6: {  	[tilespmem:$0x1F190] =	vst v0  }
0xb7: {  	[tilespmem:$0x1F1A0] =	vst v0  }
0xb8: {  	[tilespmem:$0x1F1B0] =	vst v0  }
0xb9: {  	[tilespmem:$0x1F1C0] =	vst v0  }
0xba: {  	[tilespmem:$0x1F1D0] =	vst v0  }
0xbb: {  	[tilespmem:$0x1F1E0] =	vst v0  }
0xbc: {  	[tilespmem:$0x1F1F0] =	vst v0  }
0xbd: {  	[tilespmem:$0x1F200] =	vst v0  }
0xbe: {  	[tilespmem:$0x1F210] =	vst v0  }
0xbf: {  	[tilespmem:$0x1F220] =	vst v0  }
0xc0: {  	[tilespmem:$0x1F230] =	vst v0  }
0xc1: {  	[tilespmem:$0x1F240] =	vst v0  }
0xc2: {  	[tilespmem:$0x1F250] =	vst v0  }
0xc3: {  	[tilespmem:$0x1F260] =	vst v0  }
0xc4: {  	[tilespmem:$0x1F270] =	vst v0;
	s1 =	sadd.s32 $0x0, s6  }
0xc5: {  	[spmem:s1] =	stream.linear.scatter [tilespmem:s15], [sflag:$0x3], $0x800, $0x38;
	[tilespmem:$0x1F580] =	vst v63  }
0xc6: {  	s31 =	simm.s32 $0x2000;
	_ =	swait.ge [sflag:s16], $0x800  }
.LBB2_2:
0xc7: {  	s1 =	sshra.s32 s31, $0x2;
	[sflag:s16] =	ssyncset.done $0x0;
	p0 =	sne.s32 s31, $0x4E000  }
.Ltmp0:
0xc8: {  	s1 =	sadd.s32 s1, s6;
	[sflag:s16] =	ssyncadd.s32 $0xFFFFF800;
	(pc) =	sbr.rel @p0 .LBB2_2-.Ltmp0, $3  }
0xc9: {  	[spmem:s1] =	stream.linear.scatter [tilespmem:s15], [sflag:$0x3], $0x800, $0x38;
	[tilespmem:$0x1F580] =	vst v63  }
0xca: {  	s31 =	sadd.s32 $0x2000, s31;
	_ =	sdelay $0x1  }
0xcb: {  	_ =	swait.ge [sflag:s16], $0x800  }
0xcc: {  	[sflag:s16] =	ssyncset.done $0x0  }
0xcd: {  	s1 =	simm.s32 $0x1F000;
	[sflag:s16] =	ssyncadd.s32 $0xFFFFF800  }
0xce: {  	[spmem:s7] =	stream.linear.scatter [tilespmem:s1], [sflag:$0x3], $0x280, $0x38;
	[tilespmem:$0x1F580] =	vst v63  }
0xcf: {  	_ =	swait.ge [sflag:s16], $0x280  }
0xd0: {  	[sflag:s16] =	ssyncset.done $0x0  }
0xd1: {  	[sflag:s16] =	ssyncadd.s32 $0xFFFFFD80  }
0xd2: {  	s29 =	simm.s32 $0x0;
	[bflag:$0x0] =	sbarrier.arrive $0xFFFF  }
0xd3: {  	[tilespmem:s29], [sflag:$0x3] =	stream.linear.gather [hbm4b:s8+s29], $0x1400, $0x38;
	[tilespmem:$0x1F580] =	vst v63  }
0xd4: {  	_ =	swait.ge [sflag:s16], $0x1400  }
0xd5: {  	[sflag:s16] =	ssyncset.done $0x0  }
0xd6: {  	[sflag:s16] =	ssyncadd.s32 $0xFFFFEC00  }
0xd7: {  	[tilespmem:s18], [sflag:$0x3] =	stream.linear.gather [hbm4b:s9+s29], $0x1400, $0x38;
	[tilespmem:$0x1F580] =	vst v63  }
0xd8: {  	_ =	swait.ge [sflag:s16], $0x1400  }
0xd9: {  	[sflag:s16] =	ssyncset.done $0x0  }
0xda: {  	[sflag:s16] =	ssyncadd.s32 $0xFFFFEC00  }
0xdb: {  	[tilespmem:s20], [sflag:$0x1] =	stream.indirect.gather [hbm4b:s0+s19], $0x80, s29, s19, $0xb8;
	[tilespmem:$0x1F580] =	vst v63  }
0xdc: {  	s30 =	simm.s32 $0x80  }
0xdd: {  	[tilespmem:s21], [sflag:$0x2] =	stream.indirect.gather [hbm4b:s0+s19], $0x80, s30, s19, $0xb8;
	[tilespmem:$0x1F580] =	vst v63  }
0xde: {  	_ =	swait.ge [sflag:s22], $0x4000  }
0xdf: {  	[sflag:s22] =	ssyncset.done $0x0  }
0xe0: {  	s17 =	simm.s32 $0x1400;
	[sflag:s22] =	ssyncadd.s32 $0xFFFFC000  }
0xe1: {  	[spmem:s3] =	stream.indirect.scatter.add.f32 [tilespmem:s20], [sflag:$0x3], $0x80, s17, s19, $0xb8;
	[tilespmem:$0x1F580] =	vst v63  }
0xe2: {  	_ =	swait.ge [sflag:s16], $0x4000  }
0xe3: {  	[sflag:s16] =	ssyncset.done $0x0  }
0xe4: {  	[sflag:s16] =	ssyncadd.s32 $0xFFFFC000  }
0xe5: {  	[spmem:s4] =	stream.indirect.scatter.add.f32 [tilespmem:s23], [sflag:$0x3], $0x1, s17, s19, $0xb8;
	[tilespmem:$0x1F580] =	vst v63  }
0xe6: {  	_ =	swait.ge [sflag:s16], $0x80  }
0xe7: {  	[sflag:s16] =	ssyncset.done $0x0  }
0xe8: {  	s29 =	simm.s32 $0x100;
	[sflag:s16] =	ssyncadd.s32 $0xFFFFFF80  }
0xe9: {  	[tilespmem:s20], [sflag:$0x1] =	stream.indirect.gather [hbm4b:s0+s19], $0x80, s29, s19, $0xb8;
	[tilespmem:$0x1F580] =	vst v63  }
0xea: {  	_ =	swait.ge [sflag:s24], $0x4000  }
0xeb: {  	[sflag:s24] =	ssyncset.done $0x0  }
0xec: {  	s30 =	simm.s32 $0x1480;
	[sflag:s24] =	ssyncadd.s32 $0xFFFFC000  }
0xed: {  	[spmem:s3] =	stream.indirect.scatter.add.f32 [tilespmem:s21], [sflag:$0x3], $0x80, s30, s19, $0xb8;
	[tilespmem:$0x1F580] =	vst v63  }
0xee: {  	_ =	swait.ge [sflag:s16], $0x4000  }
0xef: {  	[sflag:s16] =	ssyncset.done $0x0  }
0xf0: {  	[sflag:s16] =	ssyncadd.s32 $0xFFFFC000  }
0xf1: {  	[spmem:s4] =	stream.indirect.scatter.add.f32 [tilespmem:s23], [sflag:$0x3], $0x1, s30, s19, $0xb8;
	[tilespmem:$0x1F580] =	vst v63  }
0xf2: {  	_ =	swait.ge [sflag:s16], $0x80  }
0xf3: {  	s31 =	simm.s32 $0x100;
	s1 =	simm.s32 $0x800;
	[sflag:s16] =	ssyncset.done $0x0  }
.LBB2_4:
0xf4: {  	s17 =	sadd.s32 $0x80, s31  }
0xf5: {  	[sflag:s16] =	ssyncadd.s32 $0xFFFFFF80;
	s29 =	smov.u32 s1;
	s30 =	sadd.s32 $0x400, s1  }
0xf6: {  	[tilespmem:s21], [sflag:$0x2] =	stream.indirect.gather [hbm4b:s0+s19], $0x80, s17, s19, $0xb8;
	[tilespmem:$0x1F580] =	vst v63  }
0xf7: {  	p0 =	sne.s32 s1, $0x4800;
	_ =	swait.ge [sflag:s22], $0x4000  }
0xf8: {  	[sflag:s22] =	ssyncset.done $0x0  }
0xf9: {  	s1 =	sadd.s32 $0x1400, s31;
	[sflag:s22] =	ssyncadd.s32 $0xFFFFC000  }
0xfa: {  	[spmem:s3] =	stream.indirect.scatter.add.f32 [tilespmem:s20], [sflag:$0x3], $0x80, s1, s19, $0xb8;
	[tilespmem:$0x1F580] =	vst v63  }
0xfb: {  	_ =	swait.ge [sflag:s16], $0x4000  }
0xfc: {  	[sflag:s16] =	ssyncset.done $0x0  }
0xfd: {  	[sflag:s16] =	ssyncadd.s32 $0xFFFFC000  }
0xfe: {  	[spmem:s4] =	stream.indirect.scatter.add.f32 [tilespmem:s23], [sflag:$0x3], $0x1, s1, s19, $0xb8;
	[tilespmem:$0x1F580] =	vst v63  }
0xff: {  	_ =	swait.ge [sflag:s16], $0x80  }
0x100: {  	[sflag:s16] =	ssyncset.done $0x0  }
0x101: {  	s1 =	sadd.s32 $0x100, s31;
	[sflag:s16] =	ssyncadd.s32 $0xFFFFFF80  }
0x102: {  	[tilespmem:s20], [sflag:$0x1] =	stream.indirect.gather [hbm4b:s0+s19], $0x80, s1, s19, $0xb8;
	[tilespmem:$0x1F580] =	vst v63  }
0x103: {  	_ =	swait.ge [sflag:s24], $0x4000  }
0x104: {  	[sflag:s24] =	ssyncset.done $0x0  }
0x105: {  	s1 =	sadd.s32 $0x1480, s31;
	[sflag:s24] =	ssyncadd.s32 $0xFFFFC000  }
0x106: {  	[spmem:s3] =	stream.indirect.scatter.add.f32 [tilespmem:s21], [sflag:$0x3], $0x80, s1, s19, $0xb8;
	[tilespmem:$0x1F580] =	vst v63  }
0x107: {  	_ =	swait.ge [sflag:s16], $0x4000  }
.Ltmp1:
0x108: {  	[sflag:s16] =	ssyncset.done $0x0;
	(pc) =	sbr.rel @p0 .LBB2_4-.Ltmp1, $4  }
0x109: {  	[sflag:s16] =	ssyncadd.s32 $0xFFFFC000  }
0x10a: {  	[spmem:s4] =	stream.indirect.scatter.add.f32 [tilespmem:s23], [sflag:$0x3], $0x1, s1, s19, $0xb8;
	[tilespmem:$0x1F580] =	vst v63  }
0x10b: {  	_ =	swait.ge [sflag:s16], $0x80  }
0x10c: {  	s31 =	sshra.s32 s29, $0x2;
	s1 =	smov.u32 s30;
	[sflag:s16] =	ssyncset.done $0x0  }
0x10d: {  	s1 =	sadd.s32 $0x80, s31;
	[sflag:s16] =	ssyncadd.s32 $0xFFFFFF80  }
0x10e: {  	[tilespmem:s21], [sflag:$0x2] =	stream.indirect.gather [hbm4b:s0+s19], $0x80, s1, s19, $0xb8;
	[tilespmem:$0x1F580] =	vst v63  }
0x10f: {  	_ =	swait.ge [sflag:s22], $0x4000  }
0x110: {  	[sflag:s22] =	ssyncset.done $0x0  }
0x111: {  	s29 =	sadd.s32 $0x1400, s31;
	[sflag:s22] =	ssyncadd.s32 $0xFFFFC000  }
0x112: {  	[spmem:s3] =	stream.indirect.scatter.add.f32 [tilespmem:s20], [sflag:$0x3], $0x80, s29, s19, $0xb8;
	[tilespmem:$0x1F580] =	vst v63  }
0x113: {  	_ =	swait.ge [sflag:s16], $0x4000  }
0x114: {  	[sflag:s16] =	ssyncset.done $0x0  }
0x115: {  	[sflag:s16] =	ssyncadd.s32 $0xFFFFC000  }
0x116: {  	[spmem:s4] =	stream.indirect.scatter.add.f32 [tilespmem:s23], [sflag:$0x3], $0x1, s29, s19, $0xb8;
	[tilespmem:$0x1F580] =	vst v63  }
0x117: {  	_ =	swait.ge [sflag:s16], $0x80  }
0x118: {  	[sflag:s16] =	ssyncset.done $0x0  }
0x119: {  	s30 =	sadd.s32 $0x100, s31;
	[sflag:s16] =	ssyncadd.s32 $0xFFFFFF80  }
0x11a: {  	[tilespmem:s20], [sflag:$0x1] =	stream.indirect.gather [hbm4b:s0+s19], $0x80, s30, s19, $0xb8;
	[tilespmem:$0x1F580] =	vst v63  }
0x11b: {  	_ =	swait.ge [sflag:s24], $0x4000  }
0x11c: {  	[sflag:s24] =	ssyncset.done $0x0  }
0x11d: {  	s17 =	sadd.s32 $0x1480, s31;
	[sflag:s24] =	ssyncadd.s32 $0xFFFFC000  }
0x11e: {  	[spmem:s3] =	stream.indirect.scatter.add.f32 [tilespmem:s21], [sflag:$0x3], $0x80, s17, s19, $0xb8;
	[tilespmem:$0x1F580] =	vst v63  }
0x11f: {  	_ =	swait.ge [sflag:s16], $0x4000  }
0x120: {  	[sflag:s16] =	ssyncset.done $0x0  }
0x121: {  	[sflag:s16] =	ssyncadd.s32 $0xFFFFC000  }
0x122: {  	[spmem:s4] =	stream.indirect.scatter.add.f32 [tilespmem:s23], [sflag:$0x3], $0x1, s17, s19, $0xb8;
	[tilespmem:$0x1F580] =	vst v63  }
0x123: {  	_ =	swait.ge [sflag:s16], $0x80  }
0x124: {  	[sflag:s16] =	ssyncset.done $0x0  }
0x125: {  	[sflag:s16] =	ssyncadd.s32 $0xFFFFFF80  }
0x126: {  	[tilespmem:s21], [sflag:$0x2] =	stream.indirect.gather [hbm4b:s0+s19], $0x80, s25, s19, $0xb8;
	[tilespmem:$0x1F580] =	vst v63  }
0x127: {  	_ =	swait.ge [sflag:s22], $0x4000  }
0x128: {  	[sflag:s22] =	ssyncset.done $0x0  }
0x129: {  	[sflag:s22] =	ssyncadd.s32 $0xFFFFC000  }
0x12a: {  	[spmem:s3] =	stream.indirect.scatter.add.f32 [tilespmem:s20], [sflag:$0x3], $0x80, s26, s19, $0xb8;
	[tilespmem:$0x1F580] =	vst v63  }
0x12b: {  	_ =	swait.ge [sflag:s16], $0x4000  }
0x12c: {  	[sflag:s16] =	ssyncset.done $0x0  }
0x12d: {  	[sflag:s16] =	ssyncadd.s32 $0xFFFFC000  }
0x12e: {  	[spmem:s4] =	stream.indirect.scatter.add.f32 [tilespmem:s23], [sflag:$0x3], $0x1, s26, s19, $0xb8;
	[tilespmem:$0x1F580] =	vst v63  }
0x12f: {  	_ =	swait.ge [sflag:s16], $0x80  }
0x130: {  	[sflag:s16] =	ssyncset.done $0x0  }
0x131: {  	[sflag:s16] =	ssyncadd.s32 $0xFFFFFF80  }
0x132: {  	_ =	swait.ge [sflag:s24], $0x4000  }
0x133: {  	[sflag:s24] =	ssyncset.done $0x0  }
0x134: {  	[sflag:s24] =	ssyncadd.s32 $0xFFFFC000  }
0x135: {  	[spmem:s3] =	stream.indirect.scatter.add.f32 [tilespmem:s21], [sflag:$0x3], $0x80, s28, s19, $0xb8;
	[tilespmem:$0x1F580] =	vst v63  }
0x136: {  	_ =	swait.ge [sflag:s16], $0x4000  }
0x137: {  	[sflag:s16] =	ssyncset.done $0x0  }
0x138: {  	[sflag:s16] =	ssyncadd.s32 $0xFFFFC000  }
0x139: {  	[spmem:s4] =	stream.indirect.scatter.add.f32 [tilespmem:s23], [sflag:$0x3], $0x1, s28, s19, $0xb8;
	[tilespmem:$0x1F580] =	vst v63  }
0x13a: {  	_ =	swait.ge [sflag:s16], $0x80  }
0x13b: {  	[sflag:s16] =	ssyncset.done $0x0  }
0x13c: {  	s29 =	simm.s32 $0x0;
	[sflag:s16] =	ssyncadd.s32 $0xFFFFFF80  }
0x13d: {  	[tilespmem:s29], [sflag:$0x3] =	stream.linear.gather [hbm4b:s10+s29], $0x1400, $0x38;
	[tilespmem:$0x1F580] =	vst v63  }
0x13e: {  	_ =	swait.ge [sflag:s16], $0x1400  }
0x13f: {  	[sflag:s16] =	ssyncset.done $0x0  }
0x140: {  	[sflag:s16] =	ssyncadd.s32 $0xFFFFEC00  }
0x141: {  	[tilespmem:s18], [sflag:$0x3] =	stream.linear.gather [hbm4b:s11+s29], $0x1400, $0x38;
	[tilespmem:$0x1F580] =	vst v63  }
0x142: {  	_ =	swait.ge [sflag:s16], $0x1400  }
0x143: {  	[sflag:s16] =	ssyncset.done $0x0  }
0x144: {  	[sflag:s16] =	ssyncadd.s32 $0xFFFFEC00  }
0x145: {  	[tilespmem:s20], [sflag:$0x1] =	stream.indirect.gather [hbm4b:s0+s19], $0x80, s29, s19, $0xb8;
	[tilespmem:$0x1F580] =	vst v63  }
0x146: {  	s30 =	simm.s32 $0x80  }
0x147: {  	[tilespmem:s21], [sflag:$0x2] =	stream.indirect.gather [hbm4b:s0+s19], $0x80, s30, s19, $0xb8;
	[tilespmem:$0x1F580] =	vst v63  }
0x148: {  	_ =	swait.ge [sflag:s22], $0x4000  }
0x149: {  	[sflag:s22] =	ssyncset.done $0x0  }
0x14a: {  	s17 =	simm.s32 $0x1400;
	[sflag:s22] =	ssyncadd.s32 $0xFFFFC000  }
0x14b: {  	[spmem:s3] =	stream.indirect.scatter.add.f32 [tilespmem:s20], [sflag:$0x3], $0x80, s17, s19, $0xb8;
	[tilespmem:$0x1F580] =	vst v63  }
0x14c: {  	_ =	swait.ge [sflag:s16], $0x4000  }
0x14d: {  	[sflag:s16] =	ssyncset.done $0x0  }
0x14e: {  	[sflag:s16] =	ssyncadd.s32 $0xFFFFC000  }
0x14f: {  	[spmem:s4] =	stream.indirect.scatter.add.f32 [tilespmem:s23], [sflag:$0x3], $0x1, s17, s19, $0xb8;
	[tilespmem:$0x1F580] =	vst v63  }
0x150: {  	_ =	swait.ge [sflag:s16], $0x80  }
0x151: {  	[sflag:s16] =	ssyncset.done $0x0  }
0x152: {  	s29 =	simm.s32 $0x100;
	[sflag:s16] =	ssyncadd.s32 $0xFFFFFF80  }
0x153: {  	[tilespmem:s20], [sflag:$0x1] =	stream.indirect.gather [hbm4b:s0+s19], $0x80, s29, s19, $0xb8;
	[tilespmem:$0x1F580] =	vst v63  }
0x154: {  	_ =	swait.ge [sflag:s24], $0x4000  }
0x155: {  	[sflag:s24] =	ssyncset.done $0x0  }
0x156: {  	s30 =	simm.s32 $0x1480;
	[sflag:s24] =	ssyncadd.s32 $0xFFFFC000  }
0x157: {  	[spmem:s3] =	stream.indirect.scatter.add.f32 [tilespmem:s21], [sflag:$0x3], $0x80, s30, s19, $0xb8;
	[tilespmem:$0x1F580] =	vst v63  }
0x158: {  	_ =	swait.ge [sflag:s16], $0x4000  }
0x159: {  	[sflag:s16] =	ssyncset.done $0x0  }
0x15a: {  	[sflag:s16] =	ssyncadd.s32 $0xFFFFC000  }
0x15b: {  	[spmem:s4] =	stream.indirect.scatter.add.f32 [tilespmem:s23], [sflag:$0x3], $0x1, s30, s19, $0xb8;
	[tilespmem:$0x1F580] =	vst v63  }
0x15c: {  	_ =	swait.ge [sflag:s16], $0x80  }
0x15d: {  	s31 =	simm.s32 $0x100;
	s1 =	simm.s32 $0x800;
	[sflag:s16] =	ssyncset.done $0x0  }
.LBB2_6:
0x15e: {  	s17 =	sadd.s32 $0x80, s31  }
0x15f: {  	[sflag:s16] =	ssyncadd.s32 $0xFFFFFF80;
	s29 =	smov.u32 s1;
	s30 =	sadd.s32 $0x400, s1  }
0x160: {  	[tilespmem:s21], [sflag:$0x2] =	stream.indirect.gather [hbm4b:s0+s19], $0x80, s17, s19, $0xb8;
	[tilespmem:$0x1F580] =	vst v63  }
0x161: {  	p0 =	sne.s32 s1, $0x4800;
	_ =	swait.ge [sflag:s22], $0x4000  }
0x162: {  	[sflag:s22] =	ssyncset.done $0x0  }
0x163: {  	s1 =	sadd.s32 $0x1400, s31;
	[sflag:s22] =	ssyncadd.s32 $0xFFFFC000  }
0x164: {  	[spmem:s3] =	stream.indirect.scatter.add.f32 [tilespmem:s20], [sflag:$0x3], $0x80, s1, s19, $0xb8;
	[tilespmem:$0x1F580] =	vst v63  }
0x165: {  	_ =	swait.ge [sflag:s16], $0x4000  }
0x166: {  	[sflag:s16] =	ssyncset.done $0x0  }
0x167: {  	[sflag:s16] =	ssyncadd.s32 $0xFFFFC000  }
0x168: {  	[spmem:s4] =	stream.indirect.scatter.add.f32 [tilespmem:s23], [sflag:$0x3], $0x1, s1, s19, $0xb8;
	[tilespmem:$0x1F580] =	vst v63  }
0x169: {  	_ =	swait.ge [sflag:s16], $0x80  }
0x16a: {  	[sflag:s16] =	ssyncset.done $0x0  }
0x16b: {  	s1 =	sadd.s32 $0x100, s31;
	[sflag:s16] =	ssyncadd.s32 $0xFFFFFF80  }
0x16c: {  	[tilespmem:s20], [sflag:$0x1] =	stream.indirect.gather [hbm4b:s0+s19], $0x80, s1, s19, $0xb8;
	[tilespmem:$0x1F580] =	vst v63  }
0x16d: {  	_ =	swait.ge [sflag:s24], $0x4000  }
0x16e: {  	[sflag:s24] =	ssyncset.done $0x0  }
0x16f: {  	s1 =	sadd.s32 $0x1480, s31;
	[sflag:s24] =	ssyncadd.s32 $0xFFFFC000  }
0x170: {  	[spmem:s3] =	stream.indirect.scatter.add.f32 [tilespmem:s21], [sflag:$0x3], $0x80, s1, s19, $0xb8;
	[tilespmem:$0x1F580] =	vst v63  }
0x171: {  	_ =	swait.ge [sflag:s16], $0x4000  }
.Ltmp2:
0x172: {  	[sflag:s16] =	ssyncset.done $0x0;
	(pc) =	sbr.rel @p0 .LBB2_6-.Ltmp2, $4  }
0x173: {  	[sflag:s16] =	ssyncadd.s32 $0xFFFFC000  }
0x174: {  	[spmem:s4] =	stream.indirect.scatter.add.f32 [tilespmem:s23], [sflag:$0x3], $0x1, s1, s19, $0xb8;
	[tilespmem:$0x1F580] =	vst v63  }
0x175: {  	_ =	swait.ge [sflag:s16], $0x80  }
0x176: {  	s31 =	sshra.s32 s29, $0x2;
	s1 =	smov.u32 s30;
	[sflag:s16] =	ssyncset.done $0x0  }
0x177: {  	s1 =	sadd.s32 $0x80, s31;
	[sflag:s16] =	ssyncadd.s32 $0xFFFFFF80  }
0x178: {  	[tilespmem:s21], [sflag:$0x2] =	stream.indirect.gather [hbm4b:s0+s19], $0x80, s1, s19, $0xb8;
	[tilespmem:$0x1F580] =	vst v63  }
0x179: {  	_ =	swait.ge [sflag:s22], $0x4000  }
0x17a: {  	[sflag:s22] =	ssyncset.done $0x0  }
0x17b: {  	s30 =	sadd.s32 $0x1400, s31;
	[sflag:s22] =	ssyncadd.s32 $0xFFFFC000  }
0x17c: {  	[spmem:s3] =	stream.indirect.scatter.add.f32 [tilespmem:s20], [sflag:$0x3], $0x80, s30, s19, $0xb8;
	[tilespmem:$0x1F580] =	vst v63  }
0x17d: {  	_ =	swait.ge [sflag:s16], $0x4000  }
0x17e: {  	[sflag:s16] =	ssyncset.done $0x0  }
0x17f: {  	[sflag:s16] =	ssyncadd.s32 $0xFFFFC000  }
0x180: {  	[spmem:s4] =	stream.indirect.scatter.add.f32 [tilespmem:s23], [sflag:$0x3], $0x1, s30, s19, $0xb8;
	[tilespmem:$0x1F580] =	vst v63  }
0x181: {  	_ =	swait.ge [sflag:s16], $0x80  }
0x182: {  	[sflag:s16] =	ssyncset.done $0x0  }
0x183: {  	s17 =	sadd.s32 $0x100, s31;
	[sflag:s16] =	ssyncadd.s32 $0xFFFFFF80  }
0x184: {  	[tilespmem:s20], [sflag:$0x1] =	stream.indirect.gather [hbm4b:s0+s19], $0x80, s17, s19, $0xb8;
	[tilespmem:$0x1F580] =	vst v63  }
0x185: {  	_ =	swait.ge [sflag:s24], $0x4000  }
0x186: {  	[sflag:s24] =	ssyncset.done $0x0  }
0x187: {  	s29 =	sadd.s32 $0x1480, s31;
	[sflag:s24] =	ssyncadd.s32 $0xFFFFC000  }
0x188: {  	[spmem:s3] =	stream.indirect.scatter.add.f32 [tilespmem:s21], [sflag:$0x3], $0x80, s29, s19, $0xb8;
	[tilespmem:$0x1F580] =	vst v63  }
0x189: {  	_ =	swait.ge [sflag:s16], $0x4000  }
0x18a: {  	[sflag:s16] =	ssyncset.done $0x0  }
0x18b: {  	[sflag:s16] =	ssyncadd.s32 $0xFFFFC000  }
0x18c: {  	[spmem:s4] =	stream.indirect.scatter.add.f32 [tilespmem:s23], [sflag:$0x3], $0x1, s29, s19, $0xb8;
	[tilespmem:$0x1F580] =	vst v63  }
0x18d: {  	_ =	swait.ge [sflag:s16], $0x80  }
0x18e: {  	[sflag:s16] =	ssyncset.done $0x0  }
0x18f: {  	[sflag:s16] =	ssyncadd.s32 $0xFFFFFF80  }
0x190: {  	[tilespmem:s21], [sflag:$0x2] =	stream.indirect.gather [hbm4b:s0+s19], $0x80, s25, s19, $0xb8;
	[tilespmem:$0x1F580] =	vst v63  }
0x191: {  	_ =	swait.ge [sflag:s22], $0x4000  }
0x192: {  	[sflag:s22] =	ssyncset.done $0x0  }
0x193: {  	[sflag:s22] =	ssyncadd.s32 $0xFFFFC000  }
0x194: {  	[spmem:s3] =	stream.indirect.scatter.add.f32 [tilespmem:s20], [sflag:$0x3], $0x80, s26, s19, $0xb8;
	[tilespmem:$0x1F580] =	vst v63  }
0x195: {  	_ =	swait.ge [sflag:s16], $0x4000  }
0x196: {  	[sflag:s16] =	ssyncset.done $0x0  }
0x197: {  	[sflag:s16] =	ssyncadd.s32 $0xFFFFC000  }
0x198: {  	[spmem:s4] =	stream.indirect.scatter.add.f32 [tilespmem:s23], [sflag:$0x3], $0x1, s26, s19, $0xb8;
	[tilespmem:$0x1F580] =	vst v63  }
0x199: {  	_ =	swait.ge [sflag:s16], $0x80  }
0x19a: {  	[sflag:s16] =	ssyncset.done $0x0  }
0x19b: {  	[sflag:s16] =	ssyncadd.s32 $0xFFFFFF80  }
0x19c: {  	_ =	swait.ge [sflag:s24], $0x4000  }
0x19d: {  	[sflag:s24] =	ssyncset.done $0x0  }
0x19e: {  	[sflag:s24] =	ssyncadd.s32 $0xFFFFC000  }
0x19f: {  	[spmem:s3] =	stream.indirect.scatter.add.f32 [tilespmem:s21], [sflag:$0x3], $0x80, s28, s19, $0xb8;
	[tilespmem:$0x1F580] =	vst v63  }
0x1a0: {  	_ =	swait.ge [sflag:s16], $0x4000  }
0x1a1: {  	[sflag:s16] =	ssyncset.done $0x0  }
0x1a2: {  	[sflag:s16] =	ssyncadd.s32 $0xFFFFC000  }
0x1a3: {  	[spmem:s4] =	stream.indirect.scatter.add.f32 [tilespmem:s23], [sflag:$0x3], $0x1, s28, s19, $0xb8;
	[tilespmem:$0x1F580] =	vst v63  }
0x1a4: {  	_ =	swait.ge [sflag:s16], $0x80  }
0x1a5: {  	[sflag:s16] =	ssyncset.done $0x0  }
0x1a6: {  	s30 =	sshll.u32 s2, $0x6;
	[sflag:s16] =	ssyncadd.s32 $0xFFFFFF80  }
0x1a7: {  	s1 =	sor.u32 $0x1C03, s30;
	s17 =	sshrl.u32 s6, $0x3;
	[bflag:$0x0] =	sbarrier.arrive $0xFFFF  }
0x1a8: {  	[hbm:s12], [sflag:s1] =	dma.local [spmem:s17], $0x2800  }
0x1a9: {  	s31 =	sshrl.u32 s7, $0x3;
	s5 =	sadd.s32 $0x1, s5;
	_ =	swait.ge [sflag:s16], $0x2800  }
0x1aa: {  	p0 =	sne.s32 s5, s14;
	s30 =	simm.s32 $0x10;
	[sflag:s16] =	ssyncset.done $0x0  }
.Ltmp3:
0x1ab: {  	s29 =	simm.s32 $0x20;
	[sflag:s16] =	ssyncadd.s32 $0xFFFFD800;
	(pc) =	sbr.rel @p0 .LBB2_1-.Ltmp3, $4  }
0x1ac: {  	[hbm:s13@s29], [sflag:s1] =	dma.strided [spmem:s31@s30], $0x50, s22, $0x10   }
0x1ad: {  	_ =	swait.ge [sflag:s16], $0x50  }
0x1ae: {  	[sflag:s16] =	ssyncset.done $0x0  }
0x1af: {  	[sflag:s16] =	ssyncadd.s32 $0xFFFFFFB0  }
0x1b0: {  	_ =	sfence.sel $0x180000  }
0x1b1: {  	[bflag:$0x0] =	sbarrier.arrive $0xFFFF  }
0x1b2: {  	_ =	strace $0x90000047  }
0x1b3: {  	[bflag:$0x2] =	sbarrier.arrive $0xFFFF  }
0x1b4: {  	p0 =	sne.s32 s2, $0x0;
	s0 =	rddreg [dreg:$0x4]  }
0x1b5: {  	s0 =	sadd.s32 @!p0 $0x100000, s0  }
0x1b6: {  	[sflag:s0] =	ssyncadd.tile.s32 @!p0 $0x1;
	_ =	shalt  }
.Lfunc_end2:
_tile_overlayer_lowered:
.L_overlay_start_2:
0x1b7: {  	(tag) =	ssettag $0x2  }
0x1b8: {  	s0 =	rddreg [dreg:$0x0];
	s2 =	stileid.u32  }
0x1b9: {  	s1 =	rddreg [dreg:$0x1];
	p0 =	sne.s32 s2, $0x0  }
0x1ba: {  	s3 =	rddreg [dreg:$0x2];
	[bflag:$0x3] =	sbarrier.arrive $0xFFFF;
	s2 =	simm.s32 @!p0 $0x1C03  }
0x1bb: {  	[timem:s3], [sflag:s2] =	dma.local @!p0 [hbm:s0], s1  }
0x1bc: {  	s0 =	simm.s32 @!p0 $0x3  }
0x1bd: {  	_ =	swait.ge @!p0 [sflag:s0], s1  }
0x1be: {  	s1 =	ssub.s32 @!p0 $0x0, s1;
	[sflag:s0] =	ssyncset.done @!p0 $0x0  }
0x1bf: {  	[sflag:s0] =	ssyncadd.s32 @!p0 s1  }
0x1c0: {  	[bflag:$0x3] =	sbarrier.arrive $0xFFFF  }
0x1c1: {  	_ =	shalt  }

</sc_bundles>
